<compile_context>
chip_gen: v7x
topology: tpu7x:2x2x1
jax: 0.10.2.dev20260603
libtpu: 0.0.44.dev20260713+nightly
codegen_flags: <defaults>
</compile_context>

<pallas_src>
import functools

import jax
import jax.numpy as jnp
from jax import lax
from jax.experimental import pallas as pl
from jax.experimental.pallas import tpu as pltpu
from jax.experimental.pallas import tpu_sc as plsc

NC = 2
NS = 16
LANES = 16
NSLOT = 8
LOOK = 6
ROWW = 80


def _tc_h_and_coeffs(x, W, Ms16, Md16):
    n, cin = x.shape
    ho = W.shape[1]
    half = ho // 2
    r = 1000 if n % 1000 == 0 else n

    def body(x_ref, w_ref, ms_ref, md_ref, hs_ref, ad_ref):
        h = jnp.dot(x_ref[...], w_ref[...], preferred_element_type=jnp.float32)
        asf = jnp.dot(h, ms_ref[...], preferred_element_type=jnp.float32)
        adf = jnp.dot(h, md_ref[...], preferred_element_type=jnp.float32)
        hs_ref[0] = jnp.concatenate([asf[:, :16], h[:, :half]], axis=1)
        hs_ref[1] = jnp.concatenate([asf[:, 16:], h[:, half:]], axis=1)
        ad_ref[0] = adf[:, :16]
        ad_ref[1] = adf[:, 16:]

    return pl.pallas_call(
        body,
        grid=(n // r,),
        in_specs=[
            pl.BlockSpec((r, cin), lambda i: (i, 0)),
            pl.BlockSpec((cin, ho), lambda i: (0, 0)),
            pl.BlockSpec((cin, 32), lambda i: (0, 0)),
            pl.BlockSpec((cin, 32), lambda i: (0, 0)),
        ],
        out_specs=[
            pl.BlockSpec((2, r, ROWW), lambda i: (0, i, 0)),
            pl.BlockSpec((2, r, 16), lambda i: (0, i, 0)),
        ],
        out_shape=[
            jax.ShapeDtypeStruct((2, n, ROWW), jnp.float32),
            jax.ShapeDtypeStruct((2, n, 16), jnp.float32),
        ],
    )(x, W, Ms16, Md16)


def _make_sc_edge_kernel(n, e, heads, out_dim):
    half = heads * out_dim // 2
    hpc = heads // 2
    ept = e // NS
    c = 8
    for cand in range(80, 7, -8):
        if ept % cand == 0:
            c = cand
            break
    rd = 80
    assert n % rd == 0
    n_rchunks = n // rd
    rchunks_per_tile = -(-n_rchunks // NS)

    mesh = plsc.VectorSubcoreMesh(
        core_axis_name="c", subcore_axis_name="s", num_cores=NC, num_subcores=NS)

    @functools.partial(
        pl.kernel,
        out_type=jax.ShapeDtypeStruct((NC * n, half), jnp.float32),
        mesh=mesh,
        compiler_params=pltpu.CompilerParams(use_tc_tiling_on_sc=False),
        scratch_types=[
            pltpu.VMEM_SHARED((n, ROWW), jnp.float32),
            pltpu.VMEM((NSLOT, c), jnp.int32),
            pltpu.VMEM((NSLOT, c), jnp.int32),
            pltpu.VMEM((NSLOT, c), jnp.int32),
            pltpu.VMEM((NSLOT, c, 16), jnp.float32),
            pltpu.VMEM((NSLOT, c, ROWW), jnp.float32),
            pltpu.VMEM((rd, ROWW), jnp.float32),
            pltpu.VMEM((rd, half), jnp.float32),
            pltpu.VMEM((half,), jnp.float32),
            pltpu.SemaphoreType.DMA((NSLOT,)),
            pltpu.SemaphoreType.DMA((NSLOT,)),
        ],
    )
    def edge_kernel(hs, adstp, srcv, dstv, biash, z80,
                    out, acc, dstbuf, hsrcbuf, hdstbuf, bg,
                    hsbuf, divbuf, outbuf, biasv, gsem, ssem):
        cid = lax.axis_index("c")
        sid = lax.axis_index("s")

        def zero_chunk(i, carry):
            idx = sid + NS * i

            @pl.when(idx < n_rchunks)
            def _():
                pltpu.sync_copy(z80, acc.at[pl.ds(idx * rd, rd)])

            return carry

        lax.fori_loop(0, rchunks_per_tile, zero_chunk, 0)
        pltpu.sync_copy(biash.at[pl.ds(cid * half, half)], biasv)

        ebase = sid * ept
        rowoff = cid * n
        nchunks = ept // c

        def fire_gathers(q, chunk):
            base = ebase + chunk * c
            pltpu.sync_copy(srcv.at[pl.ds(base, c)], hsrcbuf.at[q])
            pltpu.sync_copy(dstv.at[pl.ds(base, c)], dstbuf.at[q])
            for j in range(c // LANES):
                sl16 = pl.ds(j * LANES, LANES)
                hsrcbuf[q, sl16] = hsrcbuf[q, sl16] + rowoff
                hdstbuf[q, sl16] = dstbuf[q, sl16] + rowoff
            pltpu.async_copy(adstp.at[hdstbuf.at[q]], bg.at[q], gsem.at[q])
            pltpu.async_copy(hs.at[hsrcbuf.at[q]], hsbuf.at[q], gsem.at[q])

        def wait_gathers(q):
            pltpu.make_async_copy(adstp.at[hdstbuf.at[q]], bg.at[q], gsem.at[q]).wait()
            pltpu.make_async_copy(hs.at[hsrcbuf.at[q]], hsbuf.at[q], gsem.at[q]).wait()

        def fire_scatters(q):
            pltpu.async_copy(hsbuf.at[q], acc.at[dstbuf.at[q]], ssem.at[q], add=True)

        def wait_scatters(q):
            pltpu.make_async_copy(hsbuf.at[q], acc.at[dstbuf.at[q]], ssem.at[q]).wait()

        def compute(q):
            def edge_body(r, carry2):
                ev = hsbuf[q, r, pl.ds(0, 16)] + bg[q, r]
                ev = jnp.where(ev > 0.0, ev, 0.2 * ev)
                p = jnp.exp(ev)
                hsbuf[q, r, pl.ds(0, 16)] = p
                for k in range(hpc):
                    sl = pl.ds(16 + k * out_dim, out_dim)
                    hsbuf[q, r, sl] = hsbuf[q, r, sl] * p[k]
                return carry2

            lax.fori_loop(0, c, edge_body, 0, unroll=8)

        plsc.subcore_barrier()
        for pq in range(LOOK):
            fire_gathers(pq, pq)

        def chunk_body(i, carry):
            q = lax.rem(i, NSLOT)
            qf = lax.rem(i + LOOK, NSLOT)

            @pl.when(i + LOOK < nchunks)
            def _():
                @pl.when(i + LOOK >= NSLOT)
                def _():
                    wait_scatters(qf)

                fire_gathers(qf, i + LOOK)

            wait_gathers(q)
            compute(q)
            fire_scatters(q)
            return carry

        lax.fori_loop(0, nchunks, chunk_body, 0)
        for qq in range(NSLOT):
            wait_scatters((nchunks - 1 - qq) % NSLOT)
        plsc.subcore_barrier()

        def div_chunk(i, carry):
            idx = sid + NS * i

            @pl.when(idx < n_rchunks)
            def _():
                rr = idx * rd
                pltpu.sync_copy(acc.at[pl.ds(rr, rd)], divbuf)

                def row_body(r, carry2):
                    svr = divbuf[r, pl.ds(0, 16)]
                    for k in range(hpc):
                        sv = svr[k] + 1e-16
                        slo = pl.ds(k * out_dim, out_dim)
                        sli = pl.ds(16 + k * out_dim, out_dim)
                        outbuf[r, slo] = divbuf[r, sli] / sv + biasv[slo]
                    return carry2

                lax.fori_loop(0, rd, row_body, 0)
                pltpu.sync_copy(outbuf, out.at[pl.ds(rowoff + rr, rd)])

            return carry

        lax.fori_loop(0, rchunks_per_tile, div_chunk, 0)

    return edge_kernel


def kernel(x, edge_index, W, att_src, att_dst, bias):
    n, cin = x.shape
    heads, out_dim = att_src.shape
    ho = heads * out_dim
    e = edge_index.shape[1]

    hpc = heads // NC
    j = jnp.arange(ho)
    hd = j // out_dim
    col = (hd // hpc) * 16 + hd % hpc
    ms32 = jnp.zeros((ho, 32), jnp.float32).at[j, col].set(att_src.reshape(-1))
    md32 = jnp.zeros((ho, 32), jnp.float32).at[j, col].set(att_dst.reshape(-1))

    hsp, adp = _tc_h_and_coeffs(x, W, ms32, md32)
    hsflat = hsp.reshape(NC * n, ROWW)
    adstp = adp.reshape(NC * n, 16)

    src = edge_index[0]
    dst = edge_index[1]
    z80 = jnp.zeros((80, ROWW), jnp.float32)

    edge_kernel = _make_sc_edge_kernel(n, e, heads, out_dim)
    oc = edge_kernel(hsflat, adstp, src, dst, bias, z80)
    return jnp.concatenate([oc[:n], oc[n:]], axis=1)

# --- scband reference (transcript-rebuilt; emitter-appended) ---
"""Pipeline reference for scband-gatsingle-layer-9818295239349 (READ-ONLY COPY).

The authoritative reference and input builder live on the scoring server;
editing this copy changes nothing except your own understanding.
"""

import jax, jax.numpy as jnp
import numpy as np

N = 10000
E = 320000
IN = 128
HEADS = 8
OUT = 16

def setup_inputs(seed: int = 0) -> dict:
    key = jax.random.key(seed)
    k1, k2, k3, k4, k5 = jax.random.split(key, 5)
    x = jax.random.normal(k1, (N, IN), dtype=jnp.float32)
    edge_index = jax.random.randint(k2, (2, E), 0, N, dtype=jnp.int32)
    W = jax.random.normal(k3, (IN, HEADS * OUT), dtype=jnp.float32) * (1.0 / np.sqrt(IN))
    att_src = jax.random.normal(k4, (HEADS, OUT), dtype=jnp.float32) * 0.1
    att_dst = jax.random.normal(k5, (HEADS, OUT), dtype=jnp.float32) * 0.1
    bias = jnp.zeros((HEADS * OUT,), dtype=jnp.float32)
    return {"x": x, "edge_index": edge_index, "W": W, "att_src": att_src, "att_dst": att_dst, "bias": bias}

def reference(x, edge_index, W, att_src, att_dst, bias):
    # GATConv (PyG semantics), heads=8, add_self_loops=False, negative_slope=0.2
    h = (x @ W).reshape(N, HEADS, OUT)                      # [N, H, O]
    a_src = jnp.einsum('nho,ho->nh', h, att_src)            # [N, H]
    a_dst = jnp.einsum('nho,ho->nh', h, att_dst)            # [N, H]
    src = edge_index[0]
    dst = edge_index[1]
    e = a_src[src] + a_dst[dst]                             # gather -> [E, H]
    e = jax.nn.leaky_relu(e, 0.2)
    # segment softmax over incoming edges of each dst node
    m = jax.ops.segment_max(e, dst, num_segments=N)         # [N, H]
    m = jnp.where(jnp.isfinite(m), m, 0.0)
    e = jnp.exp(e - m[dst])
    s = jax.ops.segment_sum(e, dst, num_segments=N)         # [N, H]
    alpha = e / (s[dst] + 1e-16)                            # [E, H]
    # weighted scatter-add of source features to dst
    out = jax.ops.segment_sum(h[src] * alpha[:, :, None], dst, num_segments=N)  # [N, H, O]
    return out.reshape(N, HEADS * OUT) + bias

if __name__ == "__main__":
    import jax
    _d = setup_inputs()
    print(jax.jit(kernel)(*tuple(_d.values())))

</pallas_src>

<mosaic_0001>
#map = affine_map<(d0, d1) -> (0, 0)>
#map1 = affine_map<(d0, d1) -> (0)>
module attributes {stable_mosaic.version = 14 : i64} {
  func.func @edge_kernel(%arg0: i32, %arg1: i32, %arg2: memref<20000x80xf32, #tpu.memory_space<hbm>>, %arg3: memref<20000x16xf32, #tpu.memory_space<hbm>>, %arg4: memref<320000xi32, #tpu.memory_space<hbm>>, %arg5: memref<320000xi32, #tpu.memory_space<hbm>>, %arg6: memref<128xf32, #tpu.memory_space<hbm>>, %arg7: memref<80x80xf32, #tpu.memory_space<hbm>>, %arg8: memref<20000x64xf32, #tpu.memory_space<hbm>>, %arg9: memref<10000x80xf32, #tpu.memory_space<vmem_shared>>, %arg10: memref<8x80xi32, #tpu.memory_space<vmem>>, %arg11: memref<8x80xi32, #tpu.memory_space<vmem>>, %arg12: memref<8x80xi32, #tpu.memory_space<vmem>>, %arg13: memref<8x80x16xf32, #tpu.memory_space<vmem>>, %arg14: memref<8x80x80xf32, #tpu.memory_space<vmem>>, %arg15: memref<80x80xf32, #tpu.memory_space<vmem>>, %arg16: memref<80x64xf32, #tpu.memory_space<vmem>>, %arg17: memref<64xf32, #tpu.memory_space<vmem>>, %arg18: memref<8x!tpu.dma_semaphore, #tpu.memory_space<semaphore_mem>>, %arg19: memref<8x!tpu.dma_semaphore, #tpu.memory_space<semaphore_mem>>) attributes {dimension_semantics = [#tpu.dimension_semantics<core_parallel>, #tpu.dimension_semantics<subcore_parallel>], iteration_bounds = array<i64: 2, 16>, scalar_prefetch = 0 : i64, scratch_operands = 11 : i64, tpu.core_type = #tpu.core_type<sc_vector_subcore>, window_params = [{transform_indices = #map}, {transform_indices = #map}, {transform_indices = #map1}, {transform_indices = #map1}, {transform_indices = #map1}, {transform_indices = #map}, {transform_indices = #map}]} {
    %scan3A = arith.constant 0 : i32
    %scan3A_0 = arith.constant 0 : i32
    %scan3A_1 = arith.constant 8 : i32
    %scan3A_2 = arith.addi %scan3A_0, %scan3A_1 : i32
    %scan3A_3 = arith.constant 1 : i32
    scf.for %scan3A_1121 = %scan3A_0 to %scan3A_2 step %scan3A_3  : i32 {
      %mul3A_1122 = arith.constant 16 : i32
      %mul3A_1123 = arith.muli %mul3A_1122, %scan3A_1121 : i32
      %add3A_1124 = arith.addi %arg1, %mul3A_1123 : i32
      %lt3A = arith.constant 125 : i32
      %lt3A_1125 = arith.cmpi slt, %add3A_1124, %lt3A : i32
      %convert_element_type3A = arith.extui %lt3A_1125 : i1 to i32
      %cond3A = arith.constant 0 : i32
      %cond3A_1126 = arith.cmpi ne, %convert_element_type3A, %cond3A : i32
      scf.if %cond3A_1126 {
        %mul3A_1127 = arith.constant 80 : i32
        %mul3A_1128 = arith.muli %add3A_1124, %mul3A_1127 : i32
        "tpu.region"() ({
          %run_scoped3A_1129 = tpu.sem_alloc : memref<!tpu.dma_semaphore, #tpu.memory_space<semaphore_mem>>
          %dma_start3A_1130 = arith.constant 0 : i32
          %dma_start3A_1131 = tpu.memref_slice %arg9[%mul3A_1128, %dma_start3A_1130] : memref<10000x80xf32, #tpu.memory_space<vmem_shared>> -> memref<80x80xf32, #tpu.memory_space<vmem_shared>>
          tpu.enqueue_dma source(%arg7 : memref<80x80xf32, #tpu.memory_space<hbm>>) target(%dma_start3A_1131 : memref<80x80xf32, #tpu.memory_space<vmem_shared>>) target_semaphore(%run_scoped3A_1129 : memref<!tpu.dma_semaphore, #tpu.memory_space<semaphore_mem>>)
          %dma_wait3A_1132 = arith.constant 0 : i32
          %dma_wait3A_1133 = tpu.memref_slice %arg9[%mul3A_1128, %dma_wait3A_1132] : memref<10000x80xf32, #tpu.memory_space<vmem_shared>> -> memref<80x80xf32, #tpu.memory_space<vmem_shared>>
          tpu.wait_dma2 semaphore(%run_scoped3A_1129 : memref<!tpu.dma_semaphore, #tpu.memory_space<semaphore_mem>>) src(%arg7 : memref<80x80xf32, #tpu.memory_space<hbm>>) dst(%dma_wait3A_1133 : memref<80x80xf32, #tpu.memory_space<vmem_shared>>)
          tpu.yield
        }) : () -> ()
      } else {
      }
    }
    %scan3A_4 = arith.constant 8 : i32
    %mul3A = arith.constant 64 : i32
    %mul3A_5 = arith.muli %arg0, %mul3A : i32
    "tpu.region"() ({
      %run_scoped3A_1121 = tpu.sem_alloc : memref<!tpu.dma_semaphore, #tpu.memory_space<semaphore_mem>>
      %dma_start3A_1122 = tpu.memref_slice %arg6[%mul3A_5] : memref<128xf32, #tpu.memory_space<hbm>> -> memref<64xf32, #tpu.memory_space<hbm>>
      %dma_start3A_1123 = tpu.memref_slice %arg6[%mul3A_5] : memref<128xf32, #tpu.memory_space<hbm>> -> memref<64xf32, #tpu.memory_space<hbm>>
      tpu.enqueue_dma source(%dma_start3A_1123 : memref<64xf32, #tpu.memory_space<hbm>>) target(%arg17 : memref<64xf32, #tpu.memory_space<vmem>>) target_semaphore(%run_scoped3A_1121 : memref<!tpu.dma_semaphore, #tpu.memory_space<semaphore_mem>>)
      %dma_wait3A_1124 = tpu.memref_slice %arg6[%mul3A_5] : memref<128xf32, #tpu.memory_space<hbm>> -> memref<64xf32, #tpu.memory_space<hbm>>
      %dma_wait3A_1125 = tpu.memref_slice %arg6[%mul3A_5] : memref<128xf32, #tpu.memory_space<hbm>> -> memref<64xf32, #tpu.memory_space<hbm>>
      tpu.wait_dma2 semaphore(%run_scoped3A_1121 : memref<!tpu.dma_semaphore, #tpu.memory_space<semaphore_mem>>) src(%dma_wait3A_1125 : memref<64xf32, #tpu.memory_space<hbm>>) dst(%arg17 : memref<64xf32, #tpu.memory_space<vmem>>)
      tpu.yield
    }) : () -> ()
    %mul3A_6 = arith.constant 20000 : i32
    %mul3A_7 = arith.muli %arg1, %mul3A_6 : i32
    %mul3A_8 = arith.constant 10000 : i32
    %mul3A_9 = arith.muli %arg0, %mul3A_8 : i32
    %barrier3A = arith.constant 0 : index
    tpu.barrier barrier_id(%barrier3A)
    %add3A = arith.constant 0 : i32
    %add3A_10 = arith.addi %mul3A_7, %add3A : i32
    %run_scoped3A = arith.constant 0 : i32
    "tpu.region"() ({
      %run_scoped3A_1121 = tpu.sem_alloc : memref<!tpu.dma_semaphore, #tpu.memory_space<semaphore_mem>>
      %dma_start3A_1122 = arith.constant 0 : i32
      %dma_start3A_1123 = tpu.memref_slice %arg11[%run_scoped3A, %dma_start3A_1122] : memref<8x80xi32, #tpu.memory_space<vmem>> -> memref<1x80xi32, #tpu.memory_space<vmem>>
      %dma_start3A_1124 = tpu.memref_squeeze %dma_start3A_1123 : memref<1x80xi32, #tpu.memory_space<vmem>> -> memref<80xi32, #tpu.memory_space<vmem>>
      %dma_start3A_1125 = tpu.memref_slice %arg4[%add3A_10] : memref<320000xi32, #tpu.memory_space<hbm>> -> memref<80xi32, #tpu.memory_space<hbm>>
      %dma_start3A_1126 = arith.constant 0 : i32
      %dma_start3A_1127 = tpu.memref_slice %arg11[%run_scoped3A, %dma_start3A_1126] : memref<8x80xi32, #tpu.memory_space<vmem>> -> memref<1x80xi32, #tpu.memory_space<vmem>>
      %dma_start3A_1128 = tpu.memref_squeeze %dma_start3A_1127 : memref<1x80xi32, #tpu.memory_space<vmem>> -> memref<80xi32, #tpu.memory_space<vmem>>
      %dma_start3A_1129 = tpu.memref_slice %arg4[%add3A_10] : memref<320000xi32, #tpu.memory_space<hbm>> -> memref<80xi32, #tpu.memory_space<hbm>>
      tpu.enqueue_dma source(%dma_start3A_1129 : memref<80xi32, #tpu.memory_space<hbm>>) target(%dma_start3A_1128 : memref<80xi32, #tpu.memory_space<vmem>>) target_semaphore(%run_scoped3A_1121 : memref<!tpu.dma_semaphore, #tpu.memory_space<semaphore_mem>>)
      %dma_wait3A_1130 = arith.constant 0 : i32
      %dma_wait3A_1131 = tpu.memref_slice %arg11[%run_scoped3A, %dma_wait3A_1130] : memref<8x80xi32, #tpu.memory_space<vmem>> -> memref<1x80xi32, #tpu.memory_space<vmem>>
      %dma_wait3A_1132 = tpu.memref_squeeze %dma_wait3A_1131 : memref<1x80xi32, #tpu.memory_space<vmem>> -> memref<80xi32, #tpu.memory_space<vmem>>
      %dma_wait3A_1133 = tpu.memref_slice %arg4[%add3A_10] : memref<320000xi32, #tpu.memory_space<hbm>> -> memref<80xi32, #tpu.memory_space<hbm>>
      %dma_wait3A_1134 = arith.constant 0 : i32
      %dma_wait3A_1135 = tpu.memref_slice %arg11[%run_scoped3A, %dma_wait3A_1134] : memref<8x80xi32, #tpu.memory_space<vmem>> -> memref<1x80xi32, #tpu.memory_space<vmem>>
      %dma_wait3A_1136 = tpu.memref_squeeze %dma_wait3A_1135 : memref<1x80xi32, #tpu.memory_space<vmem>> -> memref<80xi32, #tpu.memory_space<vmem>>
      %dma_wait3A_1137 = tpu.memref_slice %arg4[%add3A_10] : memref<320000xi32, #tpu.memory_space<hbm>> -> memref<80xi32, #tpu.memory_space<hbm>>
      tpu.wait_dma2 semaphore(%run_scoped3A_1121 : memref<!tpu.dma_semaphore, #tpu.memory_space<semaphore_mem>>) src(%dma_wait3A_1137 : memref<80xi32, #tpu.memory_space<hbm>>) dst(%dma_wait3A_1136 : memref<80xi32, #tpu.memory_space<vmem>>)
      tpu.yield
    }) : () -> ()
    %run_scoped3A_11 = arith.constant 0 : i32
    "tpu.region"() ({
      %run_scoped3A_1121 = tpu.sem_alloc : memref<!tpu.dma_semaphore, #tpu.memory_space<semaphore_mem>>
      %dma_start3A_1122 = arith.constant 0 : i32
      %dma_start3A_1123 = tpu.memref_slice %arg10[%run_scoped3A_11, %dma_start3A_1122] : memref<8x80xi32, #tpu.memory_space<vmem>> -> memref<1x80xi32, #tpu.memory_space<vmem>>
      %dma_start3A_1124 = tpu.memref_squeeze %dma_start3A_1123 : memref<1x80xi32, #tpu.memory_space<vmem>> -> memref<80xi32, #tpu.memory_space<vmem>>
      %dma_start3A_1125 = tpu.memref_slice %arg5[%add3A_10] : memref<320000xi32, #tpu.memory_space<hbm>> -> memref<80xi32, #tpu.memory_space<hbm>>
      %dma_start3A_1126 = arith.constant 0 : i32
      %dma_start3A_1127 = tpu.memref_slice %arg10[%run_scoped3A_11, %dma_start3A_1126] : memref<8x80xi32, #tpu.memory_space<vmem>> -> memref<1x80xi32, #tpu.memory_space<vmem>>
      %dma_start3A_1128 = tpu.memref_squeeze %dma_start3A_1127 : memref<1x80xi32, #tpu.memory_space<vmem>> -> memref<80xi32, #tpu.memory_space<vmem>>
      %dma_start3A_1129 = tpu.memref_slice %arg5[%add3A_10] : memref<320000xi32, #tpu.memory_space<hbm>> -> memref<80xi32, #tpu.memory_space<hbm>>
      tpu.enqueue_dma source(%dma_start3A_1129 : memref<80xi32, #tpu.memory_space<hbm>>) target(%dma_start3A_1128 : memref<80xi32, #tpu.memory_space<vmem>>) target_semaphore(%run_scoped3A_1121 : memref<!tpu.dma_semaphore, #tpu.memory_space<semaphore_mem>>)
      %dma_wait3A_1130 = arith.constant 0 : i32
      %dma_wait3A_1131 = tpu.memref_slice %arg10[%run_scoped3A_11, %dma_wait3A_1130] : memref<8x80xi32, #tpu.memory_space<vmem>> -> memref<1x80xi32, #tpu.memory_space<vmem>>
      %dma_wait3A_1132 = tpu.memref_squeeze %dma_wait3A_1131 : memref<1x80xi32, #tpu.memory_space<vmem>> -> memref<80xi32, #tpu.memory_space<vmem>>
      %dma_wait3A_1133 = tpu.memref_slice %arg5[%add3A_10] : memref<320000xi32, #tpu.memory_space<hbm>> -> memref<80xi32, #tpu.memory_space<hbm>>
      %dma_wait3A_1134 = arith.constant 0 : i32
      %dma_wait3A_1135 = tpu.memref_slice %arg10[%run_scoped3A_11, %dma_wait3A_1134] : memref<8x80xi32, #tpu.memory_space<vmem>> -> memref<1x80xi32, #tpu.memory_space<vmem>>
      %dma_wait3A_1136 = tpu.memref_squeeze %dma_wait3A_1135 : memref<1x80xi32, #tpu.memory_space<vmem>> -> memref<80xi32, #tpu.memory_space<vmem>>
      %dma_wait3A_1137 = tpu.memref_slice %arg5[%add3A_10] : memref<320000xi32, #tpu.memory_space<hbm>> -> memref<80xi32, #tpu.memory_space<hbm>>
      tpu.wait_dma2 semaphore(%run_scoped3A_1121 : memref<!tpu.dma_semaphore, #tpu.memory_space<semaphore_mem>>) src(%dma_wait3A_1137 : memref<80xi32, #tpu.memory_space<hbm>>) dst(%dma_wait3A_1136 : memref<80xi32, #tpu.memory_space<vmem>>)
      tpu.yield
    }) : () -> ()
    %get3A = arith.constant 0 : i32
    %get3A_12 = arith.index_cast %get3A : i32 to index
    %get3A_13 = arith.constant 0 : index
    %get3A_14 = tpu.vector_load %arg11[%get3A_12, %get3A_13] {strides = array<i32>} : memref<8x80xi32, #tpu.memory_space<vmem>>, vector<1x16xi32>,
    %get3A_15 = vector.shape_cast %get3A_14 : vector<1x16xi32> to vector<16xi32>
    %add3A_16 = vector.broadcast %mul3A_9 : i32 to vector<16xi32>
    %add3A_17 = arith.addi %get3A_15, %add3A_16 : vector<16xi32>
    %swap3A = arith.constant 0 : i32
    %swap3A_18 = arith.index_cast %swap3A : i32 to index
    %swap3A_19 = arith.constant 0 : index
    %swap3A_20 = tpu.vector_load %arg11[%swap3A_18, %swap3A_19] {strides = array<i32>} : memref<8x80xi32, #tpu.memory_space<vmem>>, vector<1x16xi32>,
    %swap3A_21 = vector.shape_cast %swap3A_20 : vector<1x16xi32> to vector<16xi32>
    %swap3A_22 = vector.shape_cast %add3A_17 : vector<16xi32> to vector<1x16xi32>
    tpu.vector_store %arg11[%swap3A_18, %swap3A_19], %swap3A_22 {strides = array<i32>} : memref<8x80xi32, #tpu.memory_space<vmem>>, vector<1x16xi32>,
    %get3A_23 = arith.constant 0 : i32
    %get3A_24 = arith.index_cast %get3A_23 : i32 to index
    %get3A_25 = arith.constant 0 : index
    %get3A_26 = tpu.vector_load %arg10[%get3A_24, %get3A_25] {strides = array<i32>} : memref<8x80xi32, #tpu.memory_space<vmem>>, vector<1x16xi32>,
    %get3A_27 = vector.shape_cast %get3A_26 : vector<1x16xi32> to vector<16xi32>
    %add3A_28 = vector.broadcast %mul3A_9 : i32 to vector<16xi32>
    %add3A_29 = arith.addi %get3A_27, %add3A_28 : vector<16xi32>
    %swap3A_30 = arith.constant 0 : i32
    %swap3A_31 = arith.index_cast %swap3A_30 : i32 to index
    %swap3A_32 = arith.constant 0 : index
    %swap3A_33 = tpu.vector_load %arg12[%swap3A_31, %swap3A_32] {strides = array<i32>} : memref<8x80xi32, #tpu.memory_space<vmem>>, vector<1x16xi32>,
    %swap3A_34 = vector.shape_cast %swap3A_33 : vector<1x16xi32> to vector<16xi32>
    %swap3A_35 = vector.shape_cast %add3A_29 : vector<16xi32> to vector<1x16xi32>
    tpu.vector_store %arg12[%swap3A_31, %swap3A_32], %swap3A_35 {strides = array<i32>} : memref<8x80xi32, #tpu.memory_space<vmem>>, vector<1x16xi32>,
    %get3A_36 = arith.constant 0 : i32
    %get3A_37 = arith.index_cast %get3A_36 : i32 to index
    %get3A_38 = arith.constant 16 : index
    %get3A_39 = tpu.vector_load %arg11[%get3A_37, %get3A_38] {strides = array<i32>} : memref<8x80xi32, #tpu.memory_space<vmem>>, vector<1x16xi32>,
    %get3A_40 = vector.shape_cast %get3A_39 : vector<1x16xi32> to vector<16xi32>
    %add3A_41 = vector.broadcast %mul3A_9 : i32 to vector<16xi32>
    %add3A_42 = arith.addi %get3A_40, %add3A_41 : vector<16xi32>
    %swap3A_43 = arith.constant 0 : i32
    %swap3A_44 = arith.index_cast %swap3A_43 : i32 to index
    %swap3A_45 = arith.constant 16 : index
    %swap3A_46 = tpu.vector_load %arg11[%swap3A_44, %swap3A_45] {strides = array<i32>} : memref<8x80xi32, #tpu.memory_space<vmem>>, vector<1x16xi32>,
    %swap3A_47 = vector.shape_cast %swap3A_46 : vector<1x16xi32> to vector<16xi32>
    %swap3A_48 = vector.shape_cast %add3A_42 : vector<16xi32> to vector<1x16xi32>
    tpu.vector_store %arg11[%swap3A_44, %swap3A_45], %swap3A_48 {strides = array<i32>} : memref<8x80xi32, #tpu.memory_space<vmem>>, vector<1x16xi32>,
    %get3A_49 = arith.constant 0 : i32
    %get3A_50 = arith.index_cast %get3A_49 : i32 to index
    %get3A_51 = arith.constant 16 : index
    %get3A_52 = tpu.vector_load %arg10[%get3A_50, %get3A_51] {strides = array<i32>} : memref<8x80xi32, #tpu.memory_space<vmem>>, vector<1x16xi32>,
    %get3A_53 = vector.shape_cast %get3A_52 : vector<1x16xi32> to vector<16xi32>
    %add3A_54 = vector.broadcast %mul3A_9 : i32 to vector<16xi32>
    %add3A_55 = arith.addi %get3A_53, %add3A_54 : vector<16xi32>
    %swap3A_56 = arith.constant 0 : i32
    %swap3A_57 = arith.index_cast %swap3A_56 : i32 to index
    %swap3A_58 = arith.constant 16 : index
    %swap3A_59 = tpu.vector_load %arg12[%swap3A_57, %swap3A_58] {strides = array<i32>} : memref<8x80xi32, #tpu.memory_space<vmem>>, vector<1x16xi32>,
    %swap3A_60 = vector.shape_cast %swap3A_59 : vector<1x16xi32> to vector<16xi32>
    %swap3A_61 = vector.shape_cast %add3A_55 : vector<16xi32> to vector<1x16xi32>
    tpu.vector_store %arg12[%swap3A_57, %swap3A_58], %swap3A_61 {strides = array<i32>} : memref<8x80xi32, #tpu.memory_space<vmem>>, vector<1x16xi32>,
    %get3A_62 = arith.constant 0 : i32
    %get3A_63 = arith.index_cast %get3A_62 : i32 to index
    %get3A_64 = arith.constant 32 : index
    %get3A_65 = tpu.vector_load %arg11[%get3A_63, %get3A_64] {strides = array<i32>} : memref<8x80xi32, #tpu.memory_space<vmem>>, vector<1x16xi32>,
    %get3A_66 = vector.shape_cast %get3A_65 : vector<1x16xi32> to vector<16xi32>
    %add3A_67 = vector.broadcast %mul3A_9 : i32 to vector<16xi32>
    %add3A_68 = arith.addi %get3A_66, %add3A_67 : vector<16xi32>
    %swap3A_69 = arith.constant 0 : i32
    %swap3A_70 = arith.index_cast %swap3A_69 : i32 to index
    %swap3A_71 = arith.constant 32 : index
    %swap3A_72 = tpu.vector_load %arg11[%swap3A_70, %swap3A_71] {strides = array<i32>} : memref<8x80xi32, #tpu.memory_space<vmem>>, vector<1x16xi32>,
    %swap3A_73 = vector.shape_cast %swap3A_72 : vector<1x16xi32> to vector<16xi32>
    %swap3A_74 = vector.shape_cast %add3A_68 : vector<16xi32> to vector<1x16xi32>
    tpu.vector_store %arg11[%swap3A_70, %swap3A_71], %swap3A_74 {strides = array<i32>} : memref<8x80xi32, #tpu.memory_space<vmem>>, vector<1x16xi32>,
    %get3A_75 = arith.constant 0 : i32
    %get3A_76 = arith.index_cast %get3A_75 : i32 to index
    %get3A_77 = arith.constant 32 : index
    %get3A_78 = tpu.vector_load %arg10[%get3A_76, %get3A_77] {strides = array<i32>} : memref<8x80xi32, #tpu.memory_space<vmem>>, vector<1x16xi32>,
    %get3A_79 = vector.shape_cast %get3A_78 : vector<1x16xi32> to vector<16xi32>
    %add3A_80 = vector.broadcast %mul3A_9 : i32 to vector<16xi32>
    %add3A_81 = arith.addi %get3A_79, %add3A_80 : vector<16xi32>
    %swap3A_82 = arith.constant 0 : i32
    %swap3A_83 = arith.index_cast %swap3A_82 : i32 to index
    %swap3A_84 = arith.constant 32 : index
    %swap3A_85 = tpu.vector_load %arg12[%swap3A_83, %swap3A_84] {strides = array<i32>} : memref<8x80xi32, #tpu.memory_space<vmem>>, vector<1x16xi32>,
    %swap3A_86 = vector.shape_cast %swap3A_85 : vector<1x16xi32> to vector<16xi32>
    %swap3A_87 = vector.shape_cast %add3A_81 : vector<16xi32> to vector<1x16xi32>
    tpu.vector_store %arg12[%swap3A_83, %swap3A_84], %swap3A_87 {strides = array<i32>} : memref<8x80xi32, #tpu.memory_space<vmem>>, vector<1x16xi32>,
    %get3A_88 = arith.constant 0 : i32
    %get3A_89 = arith.index_cast %get3A_88 : i32 to index
    %get3A_90 = arith.constant 48 : index
    %get3A_91 = tpu.vector_load %arg11[%get3A_89, %get3A_90] {strides = array<i32>} : memref<8x80xi32, #tpu.memory_space<vmem>>, vector<1x16xi32>,
    %get3A_92 = vector.shape_cast %get3A_91 : vector<1x16xi32> to vector<16xi32>
    %add3A_93 = vector.broadcast %mul3A_9 : i32 to vector<16xi32>
    %add3A_94 = arith.addi %get3A_92, %add3A_93 : vector<16xi32>
    %swap3A_95 = arith.constant 0 : i32
    %swap3A_96 = arith.index_cast %swap3A_95 : i32 to index
    %swap3A_97 = arith.constant 48 : index
    %swap3A_98 = tpu.vector_load %arg11[%swap3A_96, %swap3A_97] {strides = array<i32>} : memref<8x80xi32, #tpu.memory_space<vmem>>, vector<1x16xi32>,
    %swap3A_99 = vector.shape_cast %swap3A_98 : vector<1x16xi32> to vector<16xi32>
    %swap3A_100 = vector.shape_cast %add3A_94 : vector<16xi32> to vector<1x16xi32>
    tpu.vector_store %arg11[%swap3A_96, %swap3A_97], %swap3A_100 {strides = array<i32>} : memref<8x80xi32, #tpu.memory_space<vmem>>, vector<1x16xi32>,
    %get3A_101 = arith.constant 0 : i32
    %get3A_102 = arith.index_cast %get3A_101 : i32 to index
    %get3A_103 = arith.constant 48 : index
    %get3A_104 = tpu.vector_load %arg10[%get3A_102, %get3A_103] {strides = array<i32>} : memref<8x80xi32, #tpu.memory_space<vmem>>, vector<1x16xi32>,
    %get3A_105 = vector.shape_cast %get3A_104 : vector<1x16xi32> to vector<16xi32>
    %add3A_106 = vector.broadcast %mul3A_9 : i32 to vector<16xi32>
    %add3A_107 = arith.addi %get3A_105, %add3A_106 : vector<16xi32>
    %swap3A_108 = arith.constant 0 : i32
    %swap3A_109 = arith.index_cast %swap3A_108 : i32 to index
    %swap3A_110 = arith.constant 48 : index
    %swap3A_111 = tpu.vector_load %arg12[%swap3A_109, %swap3A_110] {strides = array<i32>} : memref<8x80xi32, #tpu.memory_space<vmem>>, vector<1x16xi32>,
    %swap3A_112 = vector.shape_cast %swap3A_111 : vector<1x16xi32> to vector<16xi32>
    %swap3A_113 = vector.shape_cast %add3A_107 : vector<16xi32> to vector<1x16xi32>
    tpu.vector_store %arg12[%swap3A_109, %swap3A_110], %swap3A_113 {strides = array<i32>} : memref<8x80xi32, #tpu.memory_space<vmem>>, vector<1x16xi32>,
    %get3A_114 = arith.constant 0 : i32
    %get3A_115 = arith.index_cast %get3A_114 : i32 to index
    %get3A_116 = arith.constant 64 : index
    %get3A_117 = tpu.vector_load %arg11[%get3A_115, %get3A_116] {strides = array<i32>} : memref<8x80xi32, #tpu.memory_space<vmem>>, vector<1x16xi32>,
    %get3A_118 = vector.shape_cast %get3A_117 : vector<1x16xi32> to vector<16xi32>
    %add3A_119 = vector.broadcast %mul3A_9 : i32 to vector<16xi32>
    %add3A_120 = arith.addi %get3A_118, %add3A_119 : vector<16xi32>
    %swap3A_121 = arith.constant 0 : i32
    %swap3A_122 = arith.index_cast %swap3A_121 : i32 to index
    %swap3A_123 = arith.constant 64 : index
    %swap3A_124 = tpu.vector_load %arg11[%swap3A_122, %swap3A_123] {strides = array<i32>} : memref<8x80xi32, #tpu.memory_space<vmem>>, vector<1x16xi32>,
    %swap3A_125 = vector.shape_cast %swap3A_124 : vector<1x16xi32> to vector<16xi32>
    %swap3A_126 = vector.shape_cast %add3A_120 : vector<16xi32> to vector<1x16xi32>
    tpu.vector_store %arg11[%swap3A_122, %swap3A_123], %swap3A_126 {strides = array<i32>} : memref<8x80xi32, #tpu.memory_space<vmem>>, vector<1x16xi32>,
    %get3A_127 = arith.constant 0 : i32
    %get3A_128 = arith.index_cast %get3A_127 : i32 to index
    %get3A_129 = arith.constant 64 : index
    %get3A_130 = tpu.vector_load %arg10[%get3A_128, %get3A_129] {strides = array<i32>} : memref<8x80xi32, #tpu.memory_space<vmem>>, vector<1x16xi32>,
    %get3A_131 = vector.shape_cast %get3A_130 : vector<1x16xi32> to vector<16xi32>
    %add3A_132 = vector.broadcast %mul3A_9 : i32 to vector<16xi32>
    %add3A_133 = arith.addi %get3A_131, %add3A_132 : vector<16xi32>
    %swap3A_134 = arith.constant 0 : i32
    %swap3A_135 = arith.index_cast %swap3A_134 : i32 to index
    %swap3A_136 = arith.constant 64 : index
    %swap3A_137 = tpu.vector_load %arg12[%swap3A_135, %swap3A_136] {strides = array<i32>} : memref<8x80xi32, #tpu.memory_space<vmem>>, vector<1x16xi32>,
    %swap3A_138 = vector.shape_cast %swap3A_137 : vector<1x16xi32> to vector<16xi32>
    %swap3A_139 = vector.shape_cast %add3A_133 : vector<16xi32> to vector<1x16xi32>
    tpu.vector_store %arg12[%swap3A_135, %swap3A_136], %swap3A_139 {strides = array<i32>} : memref<8x80xi32, #tpu.memory_space<vmem>>, vector<1x16xi32>,
    %dma_start3A = arith.constant 0 : i32
    %dma_start3A_140 = arith.constant 0 : i32
    %dma_start3A_141 = arith.constant 0 : i32
    %dma_start3A_142 = arith.constant 0 : i32
    %dma_start3A_143 = arith.constant 0 : i32
    %dma_start3A_144 = tpu.memref_slice %arg13[%dma_start3A_140, %dma_start3A_142, %dma_start3A_143] : memref<8x80x16xf32, #tpu.memory_space<vmem>> -> memref<1x80x16xf32, #tpu.memory_space<vmem>>
    %dma_start3A_145 = tpu.memref_squeeze %dma_start3A_144 : memref<1x80x16xf32, #tpu.memory_space<vmem>> -> memref<80x16xf32, #tpu.memory_space<vmem>>
    %dma_start3A_146 = arith.constant 0 : i32
    %dma_start3A_147 = tpu.memref_slice %arg12[%dma_start3A, %dma_start3A_146] : memref<8x80xi32, #tpu.memory_space<vmem>> -> memref<1x80xi32, #tpu.memory_space<vmem>>
    %dma_start3A_148 = tpu.memref_squeeze %dma_start3A_147 : memref<1x80xi32, #tpu.memory_space<vmem>> -> memref<80xi32, #tpu.memory_space<vmem>>
    %dma_start3A_149 = arith.constant 0 : i32
    %dma_start3A_150 = arith.constant 0 : i32
    %dma_start3A_151 = tpu.memref_slice %arg3[%dma_start3A_149, %dma_start3A_150] : memref<20000x16xf32, #tpu.memory_space<hbm>> -> memref<20000x16xf32, #tpu.memory_space<hbm>>
    %dma_start3A_152 = tpu.memref_slice %arg18[%dma_start3A_141] : memref<8x!tpu.dma_semaphore, #tpu.memory_space<semaphore_mem>> -> memref<1x!tpu.dma_semaphore, #tpu.memory_space<semaphore_mem>>
    %dma_start3A_153 = tpu.memref_squeeze %dma_start3A_152 : memref<1x!tpu.dma_semaphore, #tpu.memory_space<semaphore_mem>> -> memref<!tpu.dma_semaphore, #tpu.memory_space<semaphore_mem>>
    tpu.enqueue_indirect_dma source(%dma_start3A_151 : memref<20000x16xf32, #tpu.memory_space<hbm>>) target(%dma_start3A_145 : memref<80x16xf32, #tpu.memory_space<vmem>>) offsets(%dma_start3A_148 : memref<80xi32, #tpu.memory_space<vmem>>) semaphore(%dma_start3A_153 : memref<!tpu.dma_semaphore, #tpu.memory_space<semaphore_mem>>)
    %dma_start3A_154 = arith.constant 0 : i32
    %dma_start3A_155 = arith.constant 0 : i32
    %dma_start3A_156 = arith.constant 0 : i32
    %dma_start3A_157 = arith.constant 0 : i32
    %dma_start3A_158 = arith.constant 0 : i32
    %dma_start3A_159 = tpu.memref_slice %arg14[%dma_start3A_155, %dma_start3A_157, %dma_start3A_158] : memref<8x80x80xf32, #tpu.memory_space<vmem>> -> memref<1x80x80xf32, #tpu.memory_space<vmem>>
    %dma_start3A_160 = tpu.memref_squeeze %dma_start3A_159 : memref<1x80x80xf32, #tpu.memory_space<vmem>> -> memref<80x80xf32, #tpu.memory_space<vmem>>
    %dma_start3A_161 = arith.constant 0 : i32
    %dma_start3A_162 = tpu.memref_slice %arg11[%dma_start3A_154, %dma_start3A_161] : memref<8x80xi32, #tpu.memory_space<vmem>> -> memref<1x80xi32, #tpu.memory_space<vmem>>
    %dma_start3A_163 = tpu.memref_squeeze %dma_start3A_162 : memref<1x80xi32, #tpu.memory_space<vmem>> -> memref<80xi32, #tpu.memory_space<vmem>>
    %dma_start3A_164 = arith.constant 0 : i32
    %dma_start3A_165 = arith.constant 0 : i32
    %dma_start3A_166 = tpu.memref_slice %arg2[%dma_start3A_164, %dma_start3A_165] : memref<20000x80xf32, #tpu.memory_space<hbm>> -> memref<20000x80xf32, #tpu.memory_space<hbm>>
    %dma_start3A_167 = tpu.memref_slice %arg18[%dma_start3A_156] : memref<8x!tpu.dma_semaphore, #tpu.memory_space<semaphore_mem>> -> memref<1x!tpu.dma_semaphore, #tpu.memory_space<semaphore_mem>>
    %dma_start3A_168 = tpu.memref_squeeze %dma_start3A_167 : memref<1x!tpu.dma_semaphore, #tpu.memory_space<semaphore_mem>> -> memref<!tpu.dma_semaphore, #tpu.memory_space<semaphore_mem>>
    tpu.enqueue_indirect_dma source(%dma_start3A_166 : memref<20000x80xf32, #tpu.memory_space<hbm>>) target(%dma_start3A_160 : memref<80x80xf32, #tpu.memory_space<vmem>>) offsets(%dma_start3A_163 : memref<80xi32, #tpu.memory_space<vmem>>) semaphore(%dma_start3A_168 : memref<!tpu.dma_semaphore, #tpu.memory_space<semaphore_mem>>)
    %add3A_169 = arith.constant 80 : i32
    %add3A_170 = arith.addi %mul3A_7, %add3A_169 : i32
    %run_scoped3A_171 = arith.constant 1 : i32
    "tpu.region"() ({
      %run_scoped3A_1121 = tpu.sem_alloc : memref<!tpu.dma_semaphore, #tpu.memory_space<semaphore_mem>>
      %dma_start3A_1122 = arith.constant 0 : i32
      %dma_start3A_1123 = tpu.memref_slice %arg11[%run_scoped3A_171, %dma_start3A_1122] : memref<8x80xi32, #tpu.memory_space<vmem>> -> memref<1x80xi32, #tpu.memory_space<vmem>>
      %dma_start3A_1124 = tpu.memref_squeeze %dma_start3A_1123 : memref<1x80xi32, #tpu.memory_space<vmem>> -> memref<80xi32, #tpu.memory_space<vmem>>
      %dma_start3A_1125 = tpu.memref_slice %arg4[%add3A_170] : memref<320000xi32, #tpu.memory_space<hbm>> -> memref<80xi32, #tpu.memory_space<hbm>>
      %dma_start3A_1126 = arith.constant 0 : i32
      %dma_start3A_1127 = tpu.memref_slice %arg11[%run_scoped3A_171, %dma_start3A_1126] : memref<8x80xi32, #tpu.memory_space<vmem>> -> memref<1x80xi32, #tpu.memory_space<vmem>>
      %dma_start3A_1128 = tpu.memref_squeeze %dma_start3A_1127 : memref<1x80xi32, #tpu.memory_space<vmem>> -> memref<80xi32, #tpu.memory_space<vmem>>
      %dma_start3A_1129 = tpu.memref_slice %arg4[%add3A_170] : memref<320000xi32, #tpu.memory_space<hbm>> -> memref<80xi32, #tpu.memory_space<hbm>>
      tpu.enqueue_dma source(%dma_start3A_1129 : memref<80xi32, #tpu.memory_space<hbm>>) target(%dma_start3A_1128 : memref<80xi32, #tpu.memory_space<vmem>>) target_semaphore(%run_scoped3A_1121 : memref<!tpu.dma_semaphore, #tpu.memory_space<semaphore_mem>>)
      %dma_wait3A_1130 = arith.constant 0 : i32
      %dma_wait3A_1131 = tpu.memref_slice %arg11[%run_scoped3A_171, %dma_wait3A_1130] : memref<8x80xi32, #tpu.memory_space<vmem>> -> memref<1x80xi32, #tpu.memory_space<vmem>>
      %dma_wait3A_1132 = tpu.memref_squeeze %dma_wait3A_1131 : memref<1x80xi32, #tpu.memory_space<vmem>> -> memref<80xi32, #tpu.memory_space<vmem>>
      %dma_wait3A_1133 = tpu.memref_slice %arg4[%add3A_170] : memref<320000xi32, #tpu.memory_space<hbm>> -> memref<80xi32, #tpu.memory_space<hbm>>
      %dma_wait3A_1134 = arith.constant 0 : i32
      %dma_wait3A_1135 = tpu.memref_slice %arg11[%run_scoped3A_171, %dma_wait3A_1134] : memref<8x80xi32, #tpu.memory_space<vmem>> -> memref<1x80xi32, #tpu.memory_space<vmem>>
      %dma_wait3A_1136 = tpu.memref_squeeze %dma_wait3A_1135 : memref<1x80xi32, #tpu.memory_space<vmem>> -> memref<80xi32, #tpu.memory_space<vmem>>
      %dma_wait3A_1137 = tpu.memref_slice %arg4[%add3A_170] : memref<320000xi32, #tpu.memory_space<hbm>> -> memref<80xi32, #tpu.memory_space<hbm>>
      tpu.wait_dma2 semaphore(%run_scoped3A_1121 : memref<!tpu.dma_semaphore, #tpu.memory_space<semaphore_mem>>) src(%dma_wait3A_1137 : memref<80xi32, #tpu.memory_space<hbm>>) dst(%dma_wait3A_1136 : memref<80xi32, #tpu.memory_space<vmem>>)
      tpu.yield
    }) : () -> ()
    %run_scoped3A_172 = arith.constant 1 : i32
    "tpu.region"() ({
      %run_scoped3A_1121 = tpu.sem_alloc : memref<!tpu.dma_semaphore, #tpu.memory_space<semaphore_mem>>
      %dma_start3A_1122 = arith.constant 0 : i32
      %dma_start3A_1123 = tpu.memref_slice %arg10[%run_scoped3A_172, %dma_start3A_1122] : memref<8x80xi32, #tpu.memory_space<vmem>> -> memref<1x80xi32, #tpu.memory_space<vmem>>
      %dma_start3A_1124 = tpu.memref_squeeze %dma_start3A_1123 : memref<1x80xi32, #tpu.memory_space<vmem>> -> memref<80xi32, #tpu.memory_space<vmem>>
      %dma_start3A_1125 = tpu.memref_slice %arg5[%add3A_170] : memref<320000xi32, #tpu.memory_space<hbm>> -> memref<80xi32, #tpu.memory_space<hbm>>
      %dma_start3A_1126 = arith.constant 0 : i32
      %dma_start3A_1127 = tpu.memref_slice %arg10[%run_scoped3A_172, %dma_start3A_1126] : memref<8x80xi32, #tpu.memory_space<vmem>> -> memref<1x80xi32, #tpu.memory_space<vmem>>
      %dma_start3A_1128 = tpu.memref_squeeze %dma_start3A_1127 : memref<1x80xi32, #tpu.memory_space<vmem>> -> memref<80xi32, #tpu.memory_space<vmem>>
      %dma_start3A_1129 = tpu.memref_slice %arg5[%add3A_170] : memref<320000xi32, #tpu.memory_space<hbm>> -> memref<80xi32, #tpu.memory_space<hbm>>
      tpu.enqueue_dma source(%dma_start3A_1129 : memref<80xi32, #tpu.memory_space<hbm>>) target(%dma_start3A_1128 : memref<80xi32, #tpu.memory_space<vmem>>) target_semaphore(%run_scoped3A_1121 : memref<!tpu.dma_semaphore, #tpu.memory_space<semaphore_mem>>)
      %dma_wait3A_1130 = arith.constant 0 : i32
      %dma_wait3A_1131 = tpu.memref_slice %arg10[%run_scoped3A_172, %dma_wait3A_1130] : memref<8x80xi32, #tpu.memory_space<vmem>> -> memref<1x80xi32, #tpu.memory_space<vmem>>
      %dma_wait3A_1132 = tpu.memref_squeeze %dma_wait3A_1131 : memref<1x80xi32, #tpu.memory_space<vmem>> -> memref<80xi32, #tpu.memory_space<vmem>>
      %dma_wait3A_1133 = tpu.memref_slice %arg5[%add3A_170] : memref<320000xi32, #tpu.memory_space<hbm>> -> memref<80xi32, #tpu.memory_space<hbm>>
      %dma_wait3A_1134 = arith.constant 0 : i32
      %dma_wait3A_1135 = tpu.memref_slice %arg10[%run_scoped3A_172, %dma_wait3A_1134] : memref<8x80xi32, #tpu.memory_space<vmem>> -> memref<1x80xi32, #tpu.memory_space<vmem>>
      %dma_wait3A_1136 = tpu.memref_squeeze %dma_wait3A_1135 : memref<1x80xi32, #tpu.memory_space<vmem>> -> memref<80xi32, #tpu.memory_space<vmem>>
      %dma_wait3A_1137 = tpu.memref_slice %arg5[%add3A_170] : memref<320000xi32, #tpu.memory_space<hbm>> -> memref<80xi32, #tpu.memory_space<hbm>>
      tpu.wait_dma2 semaphore(%run_scoped3A_1121 : memref<!tpu.dma_semaphore, #tpu.memory_space<semaphore_mem>>) src(%dma_wait3A_1137 : memref<80xi32, #tpu.memory_space<hbm>>) dst(%dma_wait3A_1136 : memref<80xi32, #tpu.memory_space<vmem>>)
      tpu.yield
    }) : () -> ()
    %get3A_173 = arith.constant 1 : i32
    %get3A_174 = arith.index_cast %get3A_173 : i32 to index
    %get3A_175 = arith.constant 0 : index
    %get3A_176 = tpu.vector_load %arg11[%get3A_174, %get3A_175] {strides = array<i32>} : memref<8x80xi32, #tpu.memory_space<vmem>>, vector<1x16xi32>,
    %get3A_177 = vector.shape_cast %get3A_176 : vector<1x16xi32> to vector<16xi32>
    %add3A_178 = vector.broadcast %mul3A_9 : i32 to vector<16xi32>
    %add3A_179 = arith.addi %get3A_177, %add3A_178 : vector<16xi32>
    %swap3A_180 = arith.constant 1 : i32
    %swap3A_181 = arith.index_cast %swap3A_180 : i32 to index
    %swap3A_182 = arith.constant 0 : index
    %swap3A_183 = tpu.vector_load %arg11[%swap3A_181, %swap3A_182] {strides = array<i32>} : memref<8x80xi32, #tpu.memory_space<vmem>>, vector<1x16xi32>,
    %swap3A_184 = vector.shape_cast %swap3A_183 : vector<1x16xi32> to vector<16xi32>
    %swap3A_185 = vector.shape_cast %add3A_179 : vector<16xi32> to vector<1x16xi32>
    tpu.vector_store %arg11[%swap3A_181, %swap3A_182], %swap3A_185 {strides = array<i32>} : memref<8x80xi32, #tpu.memory_space<vmem>>, vector<1x16xi32>,
    %get3A_186 = arith.constant 1 : i32
    %get3A_187 = arith.index_cast %get3A_186 : i32 to index
    %get3A_188 = arith.constant 0 : index
    %get3A_189 = tpu.vector_load %arg10[%get3A_187, %get3A_188] {strides = array<i32>} : memref<8x80xi32, #tpu.memory_space<vmem>>, vector<1x16xi32>,
    %get3A_190 = vector.shape_cast %get3A_189 : vector<1x16xi32> to vector<16xi32>
    %add3A_191 = vector.broadcast %mul3A_9 : i32 to vector<16xi32>
    %add3A_192 = arith.addi %get3A_190, %add3A_191 : vector<16xi32>
    %swap3A_193 = arith.constant 1 : i32
    %swap3A_194 = arith.index_cast %swap3A_193 : i32 to index
    %swap3A_195 = arith.constant 0 : index
    %swap3A_196 = tpu.vector_load %arg12[%swap3A_194, %swap3A_195] {strides = array<i32>} : memref<8x80xi32, #tpu.memory_space<vmem>>, vector<1x16xi32>,
    %swap3A_197 = vector.shape_cast %swap3A_196 : vector<1x16xi32> to vector<16xi32>
    %swap3A_198 = vector.shape_cast %add3A_192 : vector<16xi32> to vector<1x16xi32>
    tpu.vector_store %arg12[%swap3A_194, %swap3A_195], %swap3A_198 {strides = array<i32>} : memref<8x80xi32, #tpu.memory_space<vmem>>, vector<1x16xi32>,
    %get3A_199 = arith.constant 1 : i32
    %get3A_200 = arith.index_cast %get3A_199 : i32 to index
    %get3A_201 = arith.constant 16 : index
    %get3A_202 = tpu.vector_load %arg11[%get3A_200, %get3A_201] {strides = array<i32>} : memref<8x80xi32, #tpu.memory_space<vmem>>, vector<1x16xi32>,
    %get3A_203 = vector.shape_cast %get3A_202 : vector<1x16xi32> to vector<16xi32>
    %add3A_204 = vector.broadcast %mul3A_9 : i32 to vector<16xi32>
    %add3A_205 = arith.addi %get3A_203, %add3A_204 : vector<16xi32>
    %swap3A_206 = arith.constant 1 : i32
    %swap3A_207 = arith.index_cast %swap3A_206 : i32 to index
    %swap3A_208 = arith.constant 16 : index
    %swap3A_209 = tpu.vector_load %arg11[%swap3A_207, %swap3A_208] {strides = array<i32>} : memref<8x80xi32, #tpu.memory_space<vmem>>, vector<1x16xi32>,
    %swap3A_210 = vector.shape_cast %swap3A_209 : vector<1x16xi32> to vector<16xi32>
    %swap3A_211 = vector.shape_cast %add3A_205 : vector<16xi32> to vector<1x16xi32>
    tpu.vector_store %arg11[%swap3A_207, %swap3A_208], %swap3A_211 {strides = array<i32>} : memref<8x80xi32, #tpu.memory_space<vmem>>, vector<1x16xi32>,
    %get3A_212 = arith.constant 1 : i32
    %get3A_213 = arith.index_cast %get3A_212 : i32 to index
    %get3A_214 = arith.constant 16 : index
    %get3A_215 = tpu.vector_load %arg10[%get3A_213, %get3A_214] {strides = array<i32>} : memref<8x80xi32, #tpu.memory_space<vmem>>, vector<1x16xi32>,
    %get3A_216 = vector.shape_cast %get3A_215 : vector<1x16xi32> to vector<16xi32>
    %add3A_217 = vector.broadcast %mul3A_9 : i32 to vector<16xi32>
    %add3A_218 = arith.addi %get3A_216, %add3A_217 : vector<16xi32>
    %swap3A_219 = arith.constant 1 : i32
    %swap3A_220 = arith.index_cast %swap3A_219 : i32 to index
    %swap3A_221 = arith.constant 16 : index
    %swap3A_222 = tpu.vector_load %arg12[%swap3A_220, %swap3A_221] {strides = array<i32>} : memref<8x80xi32, #tpu.memory_space<vmem>>, vector<1x16xi32>,
    %swap3A_223 = vector.shape_cast %swap3A_222 : vector<1x16xi32> to vector<16xi32>
    %swap3A_224 = vector.shape_cast %add3A_218 : vector<16xi32> to vector<1x16xi32>
    tpu.vector_store %arg12[%swap3A_220, %swap3A_221], %swap3A_224 {strides = array<i32>} : memref<8x80xi32, #tpu.memory_space<vmem>>, vector<1x16xi32>,
    %get3A_225 = arith.constant 1 : i32
    %get3A_226 = arith.index_cast %get3A_225 : i32 to index
    %get3A_227 = arith.constant 32 : index
    %get3A_228 = tpu.vector_load %arg11[%get3A_226, %get3A_227] {strides = array<i32>} : memref<8x80xi32, #tpu.memory_space<vmem>>, vector<1x16xi32>,
    %get3A_229 = vector.shape_cast %get3A_228 : vector<1x16xi32> to vector<16xi32>
    %add3A_230 = vector.broadcast %mul3A_9 : i32 to vector<16xi32>
    %add3A_231 = arith.addi %get3A_229, %add3A_230 : vector<16xi32>
    %swap3A_232 = arith.constant 1 : i32
    %swap3A_233 = arith.index_cast %swap3A_232 : i32 to index
    %swap3A_234 = arith.constant 32 : index
    %swap3A_235 = tpu.vector_load %arg11[%swap3A_233, %swap3A_234] {strides = array<i32>} : memref<8x80xi32, #tpu.memory_space<vmem>>, vector<1x16xi32>,
    %swap3A_236 = vector.shape_cast %swap3A_235 : vector<1x16xi32> to vector<16xi32>
    %swap3A_237 = vector.shape_cast %add3A_231 : vector<16xi32> to vector<1x16xi32>
    tpu.vector_store %arg11[%swap3A_233, %swap3A_234], %swap3A_237 {strides = array<i32>} : memref<8x80xi32, #tpu.memory_space<vmem>>, vector<1x16xi32>,
    %get3A_238 = arith.constant 1 : i32
    %get3A_239 = arith.index_cast %get3A_238 : i32 to index
    %get3A_240 = arith.constant 32 : index
    %get3A_241 = tpu.vector_load %arg10[%get3A_239, %get3A_240] {strides = array<i32>} : memref<8x80xi32, #tpu.memory_space<vmem>>, vector<1x16xi32>,
    %get3A_242 = vector.shape_cast %get3A_241 : vector<1x16xi32> to vector<16xi32>
    %add3A_243 = vector.broadcast %mul3A_9 : i32 to vector<16xi32>
    %add3A_244 = arith.addi %get3A_242, %add3A_243 : vector<16xi32>
    %swap3A_245 = arith.constant 1 : i32
    %swap3A_246 = arith.index_cast %swap3A_245 : i32 to index
    %swap3A_247 = arith.constant 32 : index
    %swap3A_248 = tpu.vector_load %arg12[%swap3A_246, %swap3A_247] {strides = array<i32>} : memref<8x80xi32, #tpu.memory_space<vmem>>, vector<1x16xi32>,
    %swap3A_249 = vector.shape_cast %swap3A_248 : vector<1x16xi32> to vector<16xi32>
    %swap3A_250 = vector.shape_cast %add3A_244 : vector<16xi32> to vector<1x16xi32>
    tpu.vector_store %arg12[%swap3A_246, %swap3A_247], %swap3A_250 {strides = array<i32>} : memref<8x80xi32, #tpu.memory_space<vmem>>, vector<1x16xi32>,
    %get3A_251 = arith.constant 1 : i32
    %get3A_252 = arith.index_cast %get3A_251 : i32 to index
    %get3A_253 = arith.constant 48 : index
    %get3A_254 = tpu.vector_load %arg11[%get3A_252, %get3A_253] {strides = array<i32>} : memref<8x80xi32, #tpu.memory_space<vmem>>, vector<1x16xi32>,
    %get3A_255 = vector.shape_cast %get3A_254 : vector<1x16xi32> to vector<16xi32>
    %add3A_256 = vector.broadcast %mul3A_9 : i32 to vector<16xi32>
    %add3A_257 = arith.addi %get3A_255, %add3A_256 : vector<16xi32>
    %swap3A_258 = arith.constant 1 : i32
    %swap3A_259 = arith.index_cast %swap3A_258 : i32 to index
    %swap3A_260 = arith.constant 48 : index
    %swap3A_261 = tpu.vector_load %arg11[%swap3A_259, %swap3A_260] {strides = array<i32>} : memref<8x80xi32, #tpu.memory_space<vmem>>, vector<1x16xi32>,
    %swap3A_262 = vector.shape_cast %swap3A_261 : vector<1x16xi32> to vector<16xi32>
    %swap3A_263 = vector.shape_cast %add3A_257 : vector<16xi32> to vector<1x16xi32>
    tpu.vector_store %arg11[%swap3A_259, %swap3A_260], %swap3A_263 {strides = array<i32>} : memref<8x80xi32, #tpu.memory_space<vmem>>, vector<1x16xi32>,
    %get3A_264 = arith.constant 1 : i32
    %get3A_265 = arith.index_cast %get3A_264 : i32 to index
    %get3A_266 = arith.constant 48 : index
    %get3A_267 = tpu.vector_load %arg10[%get3A_265, %get3A_266] {strides = array<i32>} : memref<8x80xi32, #tpu.memory_space<vmem>>, vector<1x16xi32>,
    %get3A_268 = vector.shape_cast %get3A_267 : vector<1x16xi32> to vector<16xi32>
    %add3A_269 = vector.broadcast %mul3A_9 : i32 to vector<16xi32>
    %add3A_270 = arith.addi %get3A_268, %add3A_269 : vector<16xi32>
    %swap3A_271 = arith.constant 1 : i32
    %swap3A_272 = arith.index_cast %swap3A_271 : i32 to index
    %swap3A_273 = arith.constant 48 : index
    %swap3A_274 = tpu.vector_load %arg12[%swap3A_272, %swap3A_273] {strides = array<i32>} : memref<8x80xi32, #tpu.memory_space<vmem>>, vector<1x16xi32>,
    %swap3A_275 = vector.shape_cast %swap3A_274 : vector<1x16xi32> to vector<16xi32>
    %swap3A_276 = vector.shape_cast %add3A_270 : vector<16xi32> to vector<1x16xi32>
    tpu.vector_store %arg12[%swap3A_272, %swap3A_273], %swap3A_276 {strides = array<i32>} : memref<8x80xi32, #tpu.memory_space<vmem>>, vector<1x16xi32>,
    %get3A_277 = arith.constant 1 : i32
    %get3A_278 = arith.index_cast %get3A_277 : i32 to index
    %get3A_279 = arith.constant 64 : index
    %get3A_280 = tpu.vector_load %arg11[%get3A_278, %get3A_279] {strides = array<i32>} : memref<8x80xi32, #tpu.memory_space<vmem>>, vector<1x16xi32>,
    %get3A_281 = vector.shape_cast %get3A_280 : vector<1x16xi32> to vector<16xi32>
    %add3A_282 = vector.broadcast %mul3A_9 : i32 to vector<16xi32>
    %add3A_283 = arith.addi %get3A_281, %add3A_282 : vector<16xi32>
    %swap3A_284 = arith.constant 1 : i32
    %swap3A_285 = arith.index_cast %swap3A_284 : i32 to index
    %swap3A_286 = arith.constant 64 : index
    %swap3A_287 = tpu.vector_load %arg11[%swap3A_285, %swap3A_286] {strides = array<i32>} : memref<8x80xi32, #tpu.memory_space<vmem>>, vector<1x16xi32>,
    %swap3A_288 = vector.shape_cast %swap3A_287 : vector<1x16xi32> to vector<16xi32>
    %swap3A_289 = vector.shape_cast %add3A_283 : vector<16xi32> to vector<1x16xi32>
    tpu.vector_store %arg11[%swap3A_285, %swap3A_286], %swap3A_289 {strides = array<i32>} : memref<8x80xi32, #tpu.memory_space<vmem>>, vector<1x16xi32>,
    %get3A_290 = arith.constant 1 : i32
    %get3A_291 = arith.index_cast %get3A_290 : i32 to index
    %get3A_292 = arith.constant 64 : index
    %get3A_293 = tpu.vector_load %arg10[%get3A_291, %get3A_292] {strides = array<i32>} : memref<8x80xi32, #tpu.memory_space<vmem>>, vector<1x16xi32>,
    %get3A_294 = vector.shape_cast %get3A_293 : vector<1x16xi32> to vector<16xi32>
    %add3A_295 = vector.broadcast %mul3A_9 : i32 to vector<16xi32>
    %add3A_296 = arith.addi %get3A_294, %add3A_295 : vector<16xi32>
    %swap3A_297 = arith.constant 1 : i32
    %swap3A_298 = arith.index_cast %swap3A_297 : i32 to index
    %swap3A_299 = arith.constant 64 : index
    %swap3A_300 = tpu.vector_load %arg12[%swap3A_298, %swap3A_299] {strides = array<i32>} : memref<8x80xi32, #tpu.memory_space<vmem>>, vector<1x16xi32>,
    %swap3A_301 = vector.shape_cast %swap3A_300 : vector<1x16xi32> to vector<16xi32>
    %swap3A_302 = vector.shape_cast %add3A_296 : vector<16xi32> to vector<1x16xi32>
    tpu.vector_store %arg12[%swap3A_298, %swap3A_299], %swap3A_302 {strides = array<i32>} : memref<8x80xi32, #tpu.memory_space<vmem>>, vector<1x16xi32>,
    %dma_start3A_303 = arith.constant 1 : i32
    %dma_start3A_304 = arith.constant 1 : i32
    %dma_start3A_305 = arith.constant 1 : i32
    %dma_start3A_306 = arith.constant 0 : i32
    %dma_start3A_307 = arith.constant 0 : i32
    %dma_start3A_308 = tpu.memref_slice %arg13[%dma_start3A_304, %dma_start3A_306, %dma_start3A_307] : memref<8x80x16xf32, #tpu.memory_space<vmem>> -> memref<1x80x16xf32, #tpu.memory_space<vmem>>
    %dma_start3A_309 = tpu.memref_squeeze %dma_start3A_308 : memref<1x80x16xf32, #tpu.memory_space<vmem>> -> memref<80x16xf32, #tpu.memory_space<vmem>>
    %dma_start3A_310 = arith.constant 0 : i32
    %dma_start3A_311 = tpu.memref_slice %arg12[%dma_start3A_303, %dma_start3A_310] : memref<8x80xi32, #tpu.memory_space<vmem>> -> memref<1x80xi32, #tpu.memory_space<vmem>>
    %dma_start3A_312 = tpu.memref_squeeze %dma_start3A_311 : memref<1x80xi32, #tpu.memory_space<vmem>> -> memref<80xi32, #tpu.memory_space<vmem>>
    %dma_start3A_313 = arith.constant 0 : i32
    %dma_start3A_314 = arith.constant 0 : i32
    %dma_start3A_315 = tpu.memref_slice %arg3[%dma_start3A_313, %dma_start3A_314] : memref<20000x16xf32, #tpu.memory_space<hbm>> -> memref<20000x16xf32, #tpu.memory_space<hbm>>
    %dma_start3A_316 = tpu.memref_slice %arg18[%dma_start3A_305] : memref<8x!tpu.dma_semaphore, #tpu.memory_space<semaphore_mem>> -> memref<1x!tpu.dma_semaphore, #tpu.memory_space<semaphore_mem>>
    %dma_start3A_317 = tpu.memref_squeeze %dma_start3A_316 : memref<1x!tpu.dma_semaphore, #tpu.memory_space<semaphore_mem>> -> memref<!tpu.dma_semaphore, #tpu.memory_space<semaphore_mem>>
    tpu.enqueue_indirect_dma source(%dma_start3A_315 : memref<20000x16xf32, #tpu.memory_space<hbm>>) target(%dma_start3A_309 : memref<80x16xf32, #tpu.memory_space<vmem>>) offsets(%dma_start3A_312 : memref<80xi32, #tpu.memory_space<vmem>>) semaphore(%dma_start3A_317 : memref<!tpu.dma_semaphore, #tpu.memory_space<semaphore_mem>>)
    %dma_start3A_318 = arith.constant 1 : i32
    %dma_start3A_319 = arith.constant 1 : i32
    %dma_start3A_320 = arith.constant 1 : i32
    %dma_start3A_321 = arith.constant 0 : i32
    %dma_start3A_322 = arith.constant 0 : i32
    %dma_start3A_323 = tpu.memref_slice %arg14[%dma_start3A_319, %dma_start3A_321, %dma_start3A_322] : memref<8x80x80xf32, #tpu.memory_space<vmem>> -> memref<1x80x80xf32, #tpu.memory_space<vmem>>
    %dma_start3A_324 = tpu.memref_squeeze %dma_start3A_323 : memref<1x80x80xf32, #tpu.memory_space<vmem>> -> memref<80x80xf32, #tpu.memory_space<vmem>>
    %dma_start3A_325 = arith.constant 0 : i32
    %dma_start3A_326 = tpu.memref_slice %arg11[%dma_start3A_318, %dma_start3A_325] : memref<8x80xi32, #tpu.memory_space<vmem>> -> memref<1x80xi32, #tpu.memory_space<vmem>>
    %dma_start3A_327 = tpu.memref_squeeze %dma_start3A_326 : memref<1x80xi32, #tpu.memory_space<vmem>> -> memref<80xi32, #tpu.memory_space<vmem>>
    %dma_start3A_328 = arith.constant 0 : i32
    %dma_start3A_329 = arith.constant 0 : i32
    %dma_start3A_330 = tpu.memref_slice %arg2[%dma_start3A_328, %dma_start3A_329] : memref<20000x80xf32, #tpu.memory_space<hbm>> -> memref<20000x80xf32, #tpu.memory_space<hbm>>
    %dma_start3A_331 = tpu.memref_slice %arg18[%dma_start3A_320] : memref<8x!tpu.dma_semaphore, #tpu.memory_space<semaphore_mem>> -> memref<1x!tpu.dma_semaphore, #tpu.memory_space<semaphore_mem>>
    %dma_start3A_332 = tpu.memref_squeeze %dma_start3A_331 : memref<1x!tpu.dma_semaphore, #tpu.memory_space<semaphore_mem>> -> memref<!tpu.dma_semaphore, #tpu.memory_space<semaphore_mem>>
    tpu.enqueue_indirect_dma source(%dma_start3A_330 : memref<20000x80xf32, #tpu.memory_space<hbm>>) target(%dma_start3A_324 : memref<80x80xf32, #tpu.memory_space<vmem>>) offsets(%dma_start3A_327 : memref<80xi32, #tpu.memory_space<vmem>>) semaphore(%dma_start3A_332 : memref<!tpu.dma_semaphore, #tpu.memory_space<semaphore_mem>>)
    %add3A_333 = arith.constant 160 : i32
    %add3A_334 = arith.addi %mul3A_7, %add3A_333 : i32
    %run_scoped3A_335 = arith.constant 2 : i32
    "tpu.region"() ({
      %run_scoped3A_1121 = tpu.sem_alloc : memref<!tpu.dma_semaphore, #tpu.memory_space<semaphore_mem>>
      %dma_start3A_1122 = arith.constant 0 : i32
      %dma_start3A_1123 = tpu.memref_slice %arg11[%run_scoped3A_335, %dma_start3A_1122] : memref<8x80xi32, #tpu.memory_space<vmem>> -> memref<1x80xi32, #tpu.memory_space<vmem>>
      %dma_start3A_1124 = tpu.memref_squeeze %dma_start3A_1123 : memref<1x80xi32, #tpu.memory_space<vmem>> -> memref<80xi32, #tpu.memory_space<vmem>>
      %dma_start3A_1125 = tpu.memref_slice %arg4[%add3A_334] : memref<320000xi32, #tpu.memory_space<hbm>> -> memref<80xi32, #tpu.memory_space<hbm>>
      %dma_start3A_1126 = arith.constant 0 : i32
      %dma_start3A_1127 = tpu.memref_slice %arg11[%run_scoped3A_335, %dma_start3A_1126] : memref<8x80xi32, #tpu.memory_space<vmem>> -> memref<1x80xi32, #tpu.memory_space<vmem>>
      %dma_start3A_1128 = tpu.memref_squeeze %dma_start3A_1127 : memref<1x80xi32, #tpu.memory_space<vmem>> -> memref<80xi32, #tpu.memory_space<vmem>>
      %dma_start3A_1129 = tpu.memref_slice %arg4[%add3A_334] : memref<320000xi32, #tpu.memory_space<hbm>> -> memref<80xi32, #tpu.memory_space<hbm>>
      tpu.enqueue_dma source(%dma_start3A_1129 : memref<80xi32, #tpu.memory_space<hbm>>) target(%dma_start3A_1128 : memref<80xi32, #tpu.memory_space<vmem>>) target_semaphore(%run_scoped3A_1121 : memref<!tpu.dma_semaphore, #tpu.memory_space<semaphore_mem>>)
      %dma_wait3A_1130 = arith.constant 0 : i32
      %dma_wait3A_1131 = tpu.memref_slice %arg11[%run_scoped3A_335, %dma_wait3A_1130] : memref<8x80xi32, #tpu.memory_space<vmem>> -> memref<1x80xi32, #tpu.memory_space<vmem>>
      %dma_wait3A_1132 = tpu.memref_squeeze %dma_wait3A_1131 : memref<1x80xi32, #tpu.memory_space<vmem>> -> memref<80xi32, #tpu.memory_space<vmem>>
      %dma_wait3A_1133 = tpu.memref_slice %arg4[%add3A_334] : memref<320000xi32, #tpu.memory_space<hbm>> -> memref<80xi32, #tpu.memory_space<hbm>>
      %dma_wait3A_1134 = arith.constant 0 : i32
      %dma_wait3A_1135 = tpu.memref_slice %arg11[%run_scoped3A_335, %dma_wait3A_1134] : memref<8x80xi32, #tpu.memory_space<vmem>> -> memref<1x80xi32, #tpu.memory_space<vmem>>
      %dma_wait3A_1136 = tpu.memref_squeeze %dma_wait3A_1135 : memref<1x80xi32, #tpu.memory_space<vmem>> -> memref<80xi32, #tpu.memory_space<vmem>>
      %dma_wait3A_1137 = tpu.memref_slice %arg4[%add3A_334] : memref<320000xi32, #tpu.memory_space<hbm>> -> memref<80xi32, #tpu.memory_space<hbm>>
      tpu.wait_dma2 semaphore(%run_scoped3A_1121 : memref<!tpu.dma_semaphore, #tpu.memory_space<semaphore_mem>>) src(%dma_wait3A_1137 : memref<80xi32, #tpu.memory_space<hbm>>) dst(%dma_wait3A_1136 : memref<80xi32, #tpu.memory_space<vmem>>)
      tpu.yield
    }) : () -> ()
    %run_scoped3A_336 = arith.constant 2 : i32
    "tpu.region"() ({
      %run_scoped3A_1121 = tpu.sem_alloc : memref<!tpu.dma_semaphore, #tpu.memory_space<semaphore_mem>>
      %dma_start3A_1122 = arith.constant 0 : i32
      %dma_start3A_1123 = tpu.memref_slice %arg10[%run_scoped3A_336, %dma_start3A_1122] : memref<8x80xi32, #tpu.memory_space<vmem>> -> memref<1x80xi32, #tpu.memory_space<vmem>>
      %dma_start3A_1124 = tpu.memref_squeeze %dma_start3A_1123 : memref<1x80xi32, #tpu.memory_space<vmem>> -> memref<80xi32, #tpu.memory_space<vmem>>
      %dma_start3A_1125 = tpu.memref_slice %arg5[%add3A_334] : memref<320000xi32, #tpu.memory_space<hbm>> -> memref<80xi32, #tpu.memory_space<hbm>>
      %dma_start3A_1126 = arith.constant 0 : i32
      %dma_start3A_1127 = tpu.memref_slice %arg10[%run_scoped3A_336, %dma_start3A_1126] : memref<8x80xi32, #tpu.memory_space<vmem>> -> memref<1x80xi32, #tpu.memory_space<vmem>>
      %dma_start3A_1128 = tpu.memref_squeeze %dma_start3A_1127 : memref<1x80xi32, #tpu.memory_space<vmem>> -> memref<80xi32, #tpu.memory_space<vmem>>
      %dma_start3A_1129 = tpu.memref_slice %arg5[%add3A_334] : memref<320000xi32, #tpu.memory_space<hbm>> -> memref<80xi32, #tpu.memory_space<hbm>>
      tpu.enqueue_dma source(%dma_start3A_1129 : memref<80xi32, #tpu.memory_space<hbm>>) target(%dma_start3A_1128 : memref<80xi32, #tpu.memory_space<vmem>>) target_semaphore(%run_scoped3A_1121 : memref<!tpu.dma_semaphore, #tpu.memory_space<semaphore_mem>>)
      %dma_wait3A_1130 = arith.constant 0 : i32
      %dma_wait3A_1131 = tpu.memref_slice %arg10[%run_scoped3A_336, %dma_wait3A_1130] : memref<8x80xi32, #tpu.memory_space<vmem>> -> memref<1x80xi32, #tpu.memory_space<vmem>>
      %dma_wait3A_1132 = tpu.memref_squeeze %dma_wait3A_1131 : memref<1x80xi32, #tpu.memory_space<vmem>> -> memref<80xi32, #tpu.memory_space<vmem>>
      %dma_wait3A_1133 = tpu.memref_slice %arg5[%add3A_334] : memref<320000xi32, #tpu.memory_space<hbm>> -> memref<80xi32, #tpu.memory_space<hbm>>
      %dma_wait3A_1134 = arith.constant 0 : i32
      %dma_wait3A_1135 = tpu.memref_slice %arg10[%run_scoped3A_336, %dma_wait3A_1134] : memref<8x80xi32, #tpu.memory_space<vmem>> -> memref<1x80xi32, #tpu.memory_space<vmem>>
      %dma_wait3A_1136 = tpu.memref_squeeze %dma_wait3A_1135 : memref<1x80xi32, #tpu.memory_space<vmem>> -> memref<80xi32, #tpu.memory_space<vmem>>
      %dma_wait3A_1137 = tpu.memref_slice %arg5[%add3A_334] : memref<320000xi32, #tpu.memory_space<hbm>> -> memref<80xi32, #tpu.memory_space<hbm>>
      tpu.wait_dma2 semaphore(%run_scoped3A_1121 : memref<!tpu.dma_semaphore, #tpu.memory_space<semaphore_mem>>) src(%dma_wait3A_1137 : memref<80xi32, #tpu.memory_space<hbm>>) dst(%dma_wait3A_1136 : memref<80xi32, #tpu.memory_space<vmem>>)
      tpu.yield
    }) : () -> ()
    %get3A_337 = arith.constant 2 : i32
    %get3A_338 = arith.index_cast %get3A_337 : i32 to index
    %get3A_339 = arith.constant 0 : index
    %get3A_340 = tpu.vector_load %arg11[%get3A_338, %get3A_339] {strides = array<i32>} : memref<8x80xi32, #tpu.memory_space<vmem>>, vector<1x16xi32>,
    %get3A_341 = vector.shape_cast %get3A_340 : vector<1x16xi32> to vector<16xi32>
    %add3A_342 = vector.broadcast %mul3A_9 : i32 to vector<16xi32>
    %add3A_343 = arith.addi %get3A_341, %add3A_342 : vector<16xi32>
    %swap3A_344 = arith.constant 2 : i32
    %swap3A_345 = arith.index_cast %swap3A_344 : i32 to index
    %swap3A_346 = arith.constant 0 : index
    %swap3A_347 = tpu.vector_load %arg11[%swap3A_345, %swap3A_346] {strides = array<i32>} : memref<8x80xi32, #tpu.memory_space<vmem>>, vector<1x16xi32>,
    %swap3A_348 = vector.shape_cast %swap3A_347 : vector<1x16xi32> to vector<16xi32>
    %swap3A_349 = vector.shape_cast %add3A_343 : vector<16xi32> to vector<1x16xi32>
    tpu.vector_store %arg11[%swap3A_345, %swap3A_346], %swap3A_349 {strides = array<i32>} : memref<8x80xi32, #tpu.memory_space<vmem>>, vector<1x16xi32>,
    %get3A_350 = arith.constant 2 : i32
    %get3A_351 = arith.index_cast %get3A_350 : i32 to index
    %get3A_352 = arith.constant 0 : index
    %get3A_353 = tpu.vector_load %arg10[%get3A_351, %get3A_352] {strides = array<i32>} : memref<8x80xi32, #tpu.memory_space<vmem>>, vector<1x16xi32>,
    %get3A_354 = vector.shape_cast %get3A_353 : vector<1x16xi32> to vector<16xi32>
    %add3A_355 = vector.broadcast %mul3A_9 : i32 to vector<16xi32>
    %add3A_356 = arith.addi %get3A_354, %add3A_355 : vector<16xi32>
    %swap3A_357 = arith.constant 2 : i32
    %swap3A_358 = arith.index_cast %swap3A_357 : i32 to index
    %swap3A_359 = arith.constant 0 : index
    %swap3A_360 = tpu.vector_load %arg12[%swap3A_358, %swap3A_359] {strides = array<i32>} : memref<8x80xi32, #tpu.memory_space<vmem>>, vector<1x16xi32>,
    %swap3A_361 = vector.shape_cast %swap3A_360 : vector<1x16xi32> to vector<16xi32>
    %swap3A_362 = vector.shape_cast %add3A_356 : vector<16xi32> to vector<1x16xi32>
    tpu.vector_store %arg12[%swap3A_358, %swap3A_359], %swap3A_362 {strides = array<i32>} : memref<8x80xi32, #tpu.memory_space<vmem>>, vector<1x16xi32>,
    %get3A_363 = arith.constant 2 : i32
    %get3A_364 = arith.index_cast %get3A_363 : i32 to index
    %get3A_365 = arith.constant 16 : index
    %get3A_366 = tpu.vector_load %arg11[%get3A_364, %get3A_365] {strides = array<i32>} : memref<8x80xi32, #tpu.memory_space<vmem>>, vector<1x16xi32>,
    %get3A_367 = vector.shape_cast %get3A_366 : vector<1x16xi32> to vector<16xi32>
    %add3A_368 = vector.broadcast %mul3A_9 : i32 to vector<16xi32>
    %add3A_369 = arith.addi %get3A_367, %add3A_368 : vector<16xi32>
    %swap3A_370 = arith.constant 2 : i32
    %swap3A_371 = arith.index_cast %swap3A_370 : i32 to index
    %swap3A_372 = arith.constant 16 : index
    %swap3A_373 = tpu.vector_load %arg11[%swap3A_371, %swap3A_372] {strides = array<i32>} : memref<8x80xi32, #tpu.memory_space<vmem>>, vector<1x16xi32>,
    %swap3A_374 = vector.shape_cast %swap3A_373 : vector<1x16xi32> to vector<16xi32>
    %swap3A_375 = vector.shape_cast %add3A_369 : vector<16xi32> to vector<1x16xi32>
    tpu.vector_store %arg11[%swap3A_371, %swap3A_372], %swap3A_375 {strides = array<i32>} : memref<8x80xi32, #tpu.memory_space<vmem>>, vector<1x16xi32>,
    %get3A_376 = arith.constant 2 : i32
    %get3A_377 = arith.index_cast %get3A_376 : i32 to index
    %get3A_378 = arith.constant 16 : index
    %get3A_379 = tpu.vector_load %arg10[%get3A_377, %get3A_378] {strides = array<i32>} : memref<8x80xi32, #tpu.memory_space<vmem>>, vector<1x16xi32>,
    %get3A_380 = vector.shape_cast %get3A_379 : vector<1x16xi32> to vector<16xi32>
    %add3A_381 = vector.broadcast %mul3A_9 : i32 to vector<16xi32>
    %add3A_382 = arith.addi %get3A_380, %add3A_381 : vector<16xi32>
    %swap3A_383 = arith.constant 2 : i32
    %swap3A_384 = arith.index_cast %swap3A_383 : i32 to index
    %swap3A_385 = arith.constant 16 : index
    %swap3A_386 = tpu.vector_load %arg12[%swap3A_384, %swap3A_385] {strides = array<i32>} : memref<8x80xi32, #tpu.memory_space<vmem>>, vector<1x16xi32>,
    %swap3A_387 = vector.shape_cast %swap3A_386 : vector<1x16xi32> to vector<16xi32>
    %swap3A_388 = vector.shape_cast %add3A_382 : vector<16xi32> to vector<1x16xi32>
    tpu.vector_store %arg12[%swap3A_384, %swap3A_385], %swap3A_388 {strides = array<i32>} : memref<8x80xi32, #tpu.memory_space<vmem>>, vector<1x16xi32>,
    %get3A_389 = arith.constant 2 : i32
    %get3A_390 = arith.index_cast %get3A_389 : i32 to index
    %get3A_391 = arith.constant 32 : index
    %get3A_392 = tpu.vector_load %arg11[%get3A_390, %get3A_391] {strides = array<i32>} : memref<8x80xi32, #tpu.memory_space<vmem>>, vector<1x16xi32>,
    %get3A_393 = vector.shape_cast %get3A_392 : vector<1x16xi32> to vector<16xi32>
    %add3A_394 = vector.broadcast %mul3A_9 : i32 to vector<16xi32>
    %add3A_395 = arith.addi %get3A_393, %add3A_394 : vector<16xi32>
    %swap3A_396 = arith.constant 2 : i32
    %swap3A_397 = arith.index_cast %swap3A_396 : i32 to index
    %swap3A_398 = arith.constant 32 : index
    %swap3A_399 = tpu.vector_load %arg11[%swap3A_397, %swap3A_398] {strides = array<i32>} : memref<8x80xi32, #tpu.memory_space<vmem>>, vector<1x16xi32>,
    %swap3A_400 = vector.shape_cast %swap3A_399 : vector<1x16xi32> to vector<16xi32>
    %swap3A_401 = vector.shape_cast %add3A_395 : vector<16xi32> to vector<1x16xi32>
    tpu.vector_store %arg11[%swap3A_397, %swap3A_398], %swap3A_401 {strides = array<i32>} : memref<8x80xi32, #tpu.memory_space<vmem>>, vector<1x16xi32>,
    %get3A_402 = arith.constant 2 : i32
    %get3A_403 = arith.index_cast %get3A_402 : i32 to index
    %get3A_404 = arith.constant 32 : index
    %get3A_405 = tpu.vector_load %arg10[%get3A_403, %get3A_404] {strides = array<i32>} : memref<8x80xi32, #tpu.memory_space<vmem>>, vector<1x16xi32>,
    %get3A_406 = vector.shape_cast %get3A_405 : vector<1x16xi32> to vector<16xi32>
    %add3A_407 = vector.broadcast %mul3A_9 : i32 to vector<16xi32>
    %add3A_408 = arith.addi %get3A_406, %add3A_407 : vector<16xi32>
    %swap3A_409 = arith.constant 2 : i32
    %swap3A_410 = arith.index_cast %swap3A_409 : i32 to index
    %swap3A_411 = arith.constant 32 : index
    %swap3A_412 = tpu.vector_load %arg12[%swap3A_410, %swap3A_411] {strides = array<i32>} : memref<8x80xi32, #tpu.memory_space<vmem>>, vector<1x16xi32>,
    %swap3A_413 = vector.shape_cast %swap3A_412 : vector<1x16xi32> to vector<16xi32>
    %swap3A_414 = vector.shape_cast %add3A_408 : vector<16xi32> to vector<1x16xi32>
    tpu.vector_store %arg12[%swap3A_410, %swap3A_411], %swap3A_414 {strides = array<i32>} : memref<8x80xi32, #tpu.memory_space<vmem>>, vector<1x16xi32>,
    %get3A_415 = arith.constant 2 : i32
    %get3A_416 = arith.index_cast %get3A_415 : i32 to index
    %get3A_417 = arith.constant 48 : index
    %get3A_418 = tpu.vector_load %arg11[%get3A_416, %get3A_417] {strides = array<i32>} : memref<8x80xi32, #tpu.memory_space<vmem>>, vector<1x16xi32>,
    %get3A_419 = vector.shape_cast %get3A_418 : vector<1x16xi32> to vector<16xi32>
    %add3A_420 = vector.broadcast %mul3A_9 : i32 to vector<16xi32>
    %add3A_421 = arith.addi %get3A_419, %add3A_420 : vector<16xi32>
    %swap3A_422 = arith.constant 2 : i32
    %swap3A_423 = arith.index_cast %swap3A_422 : i32 to index
    %swap3A_424 = arith.constant 48 : index
    %swap3A_425 = tpu.vector_load %arg11[%swap3A_423, %swap3A_424] {strides = array<i32>} : memref<8x80xi32, #tpu.memory_space<vmem>>, vector<1x16xi32>,
    %swap3A_426 = vector.shape_cast %swap3A_425 : vector<1x16xi32> to vector<16xi32>
    %swap3A_427 = vector.shape_cast %add3A_421 : vector<16xi32> to vector<1x16xi32>
    tpu.vector_store %arg11[%swap3A_423, %swap3A_424], %swap3A_427 {strides = array<i32>} : memref<8x80xi32, #tpu.memory_space<vmem>>, vector<1x16xi32>,
    %get3A_428 = arith.constant 2 : i32
    %get3A_429 = arith.index_cast %get3A_428 : i32 to index
    %get3A_430 = arith.constant 48 : index
    %get3A_431 = tpu.vector_load %arg10[%get3A_429, %get3A_430] {strides = array<i32>} : memref<8x80xi32, #tpu.memory_space<vmem>>, vector<1x16xi32>,
    %get3A_432 = vector.shape_cast %get3A_431 : vector<1x16xi32> to vector<16xi32>
    %add3A_433 = vector.broadcast %mul3A_9 : i32 to vector<16xi32>
    %add3A_434 = arith.addi %get3A_432, %add3A_433 : vector<16xi32>
    %swap3A_435 = arith.constant 2 : i32
    %swap3A_436 = arith.index_cast %swap3A_435 : i32 to index
    %swap3A_437 = arith.constant 48 : index
    %swap3A_438 = tpu.vector_load %arg12[%swap3A_436, %swap3A_437] {strides = array<i32>} : memref<8x80xi32, #tpu.memory_space<vmem>>, vector<1x16xi32>,
    %swap3A_439 = vector.shape_cast %swap3A_438 : vector<1x16xi32> to vector<16xi32>
    %swap3A_440 = vector.shape_cast %add3A_434 : vector<16xi32> to vector<1x16xi32>
    tpu.vector_store %arg12[%swap3A_436, %swap3A_437], %swap3A_440 {strides = array<i32>} : memref<8x80xi32, #tpu.memory_space<vmem>>, vector<1x16xi32>,
    %get3A_441 = arith.constant 2 : i32
    %get3A_442 = arith.index_cast %get3A_441 : i32 to index
    %get3A_443 = arith.constant 64 : index
    %get3A_444 = tpu.vector_load %arg11[%get3A_442, %get3A_443] {strides = array<i32>} : memref<8x80xi32, #tpu.memory_space<vmem>>, vector<1x16xi32>,
    %get3A_445 = vector.shape_cast %get3A_444 : vector<1x16xi32> to vector<16xi32>
    %add3A_446 = vector.broadcast %mul3A_9 : i32 to vector<16xi32>
    %add3A_447 = arith.addi %get3A_445, %add3A_446 : vector<16xi32>
    %swap3A_448 = arith.constant 2 : i32
    %swap3A_449 = arith.index_cast %swap3A_448 : i32 to index
    %swap3A_450 = arith.constant 64 : index
    %swap3A_451 = tpu.vector_load %arg11[%swap3A_449, %swap3A_450] {strides = array<i32>} : memref<8x80xi32, #tpu.memory_space<vmem>>, vector<1x16xi32>,
    %swap3A_452 = vector.shape_cast %swap3A_451 : vector<1x16xi32> to vector<16xi32>
    %swap3A_453 = vector.shape_cast %add3A_447 : vector<16xi32> to vector<1x16xi32>
    tpu.vector_store %arg11[%swap3A_449, %swap3A_450], %swap3A_453 {strides = array<i32>} : memref<8x80xi32, #tpu.memory_space<vmem>>, vector<1x16xi32>,
    %get3A_454 = arith.constant 2 : i32
    %get3A_455 = arith.index_cast %get3A_454 : i32 to index
    %get3A_456 = arith.constant 64 : index
    %get3A_457 = tpu.vector_load %arg10[%get3A_455, %get3A_456] {strides = array<i32>} : memref<8x80xi32, #tpu.memory_space<vmem>>, vector<1x16xi32>,
    %get3A_458 = vector.shape_cast %get3A_457 : vector<1x16xi32> to vector<16xi32>
    %add3A_459 = vector.broadcast %mul3A_9 : i32 to vector<16xi32>
    %add3A_460 = arith.addi %get3A_458, %add3A_459 : vector<16xi32>
    %swap3A_461 = arith.constant 2 : i32
    %swap3A_462 = arith.index_cast %swap3A_461 : i32 to index
    %swap3A_463 = arith.constant 64 : index
    %swap3A_464 = tpu.vector_load %arg12[%swap3A_462, %swap3A_463] {strides = array<i32>} : memref<8x80xi32, #tpu.memory_space<vmem>>, vector<1x16xi32>,
    %swap3A_465 = vector.shape_cast %swap3A_464 : vector<1x16xi32> to vector<16xi32>
    %swap3A_466 = vector.shape_cast %add3A_460 : vector<16xi32> to vector<1x16xi32>
    tpu.vector_store %arg12[%swap3A_462, %swap3A_463], %swap3A_466 {strides = array<i32>} : memref<8x80xi32, #tpu.memory_space<vmem>>, vector<1x16xi32>,
    %dma_start3A_467 = arith.constant 2 : i32
    %dma_start3A_468 = arith.constant 2 : i32
    %dma_start3A_469 = arith.constant 2 : i32
    %dma_start3A_470 = arith.constant 0 : i32
    %dma_start3A_471 = arith.constant 0 : i32
    %dma_start3A_472 = tpu.memref_slice %arg13[%dma_start3A_468, %dma_start3A_470, %dma_start3A_471] : memref<8x80x16xf32, #tpu.memory_space<vmem>> -> memref<1x80x16xf32, #tpu.memory_space<vmem>>
    %dma_start3A_473 = tpu.memref_squeeze %dma_start3A_472 : memref<1x80x16xf32, #tpu.memory_space<vmem>> -> memref<80x16xf32, #tpu.memory_space<vmem>>
    %dma_start3A_474 = arith.constant 0 : i32
    %dma_start3A_475 = tpu.memref_slice %arg12[%dma_start3A_467, %dma_start3A_474] : memref<8x80xi32, #tpu.memory_space<vmem>> -> memref<1x80xi32, #tpu.memory_space<vmem>>
    %dma_start3A_476 = tpu.memref_squeeze %dma_start3A_475 : memref<1x80xi32, #tpu.memory_space<vmem>> -> memref<80xi32, #tpu.memory_space<vmem>>
    %dma_start3A_477 = arith.constant 0 : i32
    %dma_start3A_478 = arith.constant 0 : i32
    %dma_start3A_479 = tpu.memref_slice %arg3[%dma_start3A_477, %dma_start3A_478] : memref<20000x16xf32, #tpu.memory_space<hbm>> -> memref<20000x16xf32, #tpu.memory_space<hbm>>
    %dma_start3A_480 = tpu.memref_slice %arg18[%dma_start3A_469] : memref<8x!tpu.dma_semaphore, #tpu.memory_space<semaphore_mem>> -> memref<1x!tpu.dma_semaphore, #tpu.memory_space<semaphore_mem>>
    %dma_start3A_481 = tpu.memref_squeeze %dma_start3A_480 : memref<1x!tpu.dma_semaphore, #tpu.memory_space<semaphore_mem>> -> memref<!tpu.dma_semaphore, #tpu.memory_space<semaphore_mem>>
    tpu.enqueue_indirect_dma source(%dma_start3A_479 : memref<20000x16xf32, #tpu.memory_space<hbm>>) target(%dma_start3A_473 : memref<80x16xf32, #tpu.memory_space<vmem>>) offsets(%dma_start3A_476 : memref<80xi32, #tpu.memory_space<vmem>>) semaphore(%dma_start3A_481 : memref<!tpu.dma_semaphore, #tpu.memory_space<semaphore_mem>>)
    %dma_start3A_482 = arith.constant 2 : i32
    %dma_start3A_483 = arith.constant 2 : i32
    %dma_start3A_484 = arith.constant 2 : i32
    %dma_start3A_485 = arith.constant 0 : i32
    %dma_start3A_486 = arith.constant 0 : i32
    %dma_start3A_487 = tpu.memref_slice %arg14[%dma_start3A_483, %dma_start3A_485, %dma_start3A_486] : memref<8x80x80xf32, #tpu.memory_space<vmem>> -> memref<1x80x80xf32, #tpu.memory_space<vmem>>
    %dma_start3A_488 = tpu.memref_squeeze %dma_start3A_487 : memref<1x80x80xf32, #tpu.memory_space<vmem>> -> memref<80x80xf32, #tpu.memory_space<vmem>>
    %dma_start3A_489 = arith.constant 0 : i32
    %dma_start3A_490 = tpu.memref_slice %arg11[%dma_start3A_482, %dma_start3A_489] : memref<8x80xi32, #tpu.memory_space<vmem>> -> memref<1x80xi32, #tpu.memory_space<vmem>>
    %dma_start3A_491 = tpu.memref_squeeze %dma_start3A_490 : memref<1x80xi32, #tpu.memory_space<vmem>> -> memref<80xi32, #tpu.memory_space<vmem>>
    %dma_start3A_492 = arith.constant 0 : i32
    %dma_start3A_493 = arith.constant 0 : i32
    %dma_start3A_494 = tpu.memref_slice %arg2[%dma_start3A_492, %dma_start3A_493] : memref<20000x80xf32, #tpu.memory_space<hbm>> -> memref<20000x80xf32, #tpu.memory_space<hbm>>
    %dma_start3A_495 = tpu.memref_slice %arg18[%dma_start3A_484] : memref<8x!tpu.dma_semaphore, #tpu.memory_space<semaphore_mem>> -> memref<1x!tpu.dma_semaphore, #tpu.memory_space<semaphore_mem>>
    %dma_start3A_496 = tpu.memref_squeeze %dma_start3A_495 : memref<1x!tpu.dma_semaphore, #tpu.memory_space<semaphore_mem>> -> memref<!tpu.dma_semaphore, #tpu.memory_space<semaphore_mem>>
    tpu.enqueue_indirect_dma source(%dma_start3A_494 : memref<20000x80xf32, #tpu.memory_space<hbm>>) target(%dma_start3A_488 : memref<80x80xf32, #tpu.memory_space<vmem>>) offsets(%dma_start3A_491 : memref<80xi32, #tpu.memory_space<vmem>>) semaphore(%dma_start3A_496 : memref<!tpu.dma_semaphore, #tpu.memory_space<semaphore_mem>>)
    %add3A_497 = arith.constant 240 : i32
    %add3A_498 = arith.addi %mul3A_7, %add3A_497 : i32
    %run_scoped3A_499 = arith.constant 3 : i32
    "tpu.region"() ({
      %run_scoped3A_1121 = tpu.sem_alloc : memref<!tpu.dma_semaphore, #tpu.memory_space<semaphore_mem>>
      %dma_start3A_1122 = arith.constant 0 : i32
      %dma_start3A_1123 = tpu.memref_slice %arg11[%run_scoped3A_499, %dma_start3A_1122] : memref<8x80xi32, #tpu.memory_space<vmem>> -> memref<1x80xi32, #tpu.memory_space<vmem>>
      %dma_start3A_1124 = tpu.memref_squeeze %dma_start3A_1123 : memref<1x80xi32, #tpu.memory_space<vmem>> -> memref<80xi32, #tpu.memory_space<vmem>>
      %dma_start3A_1125 = tpu.memref_slice %arg4[%add3A_498] : memref<320000xi32, #tpu.memory_space<hbm>> -> memref<80xi32, #tpu.memory_space<hbm>>
      %dma_start3A_1126 = arith.constant 0 : i32
      %dma_start3A_1127 = tpu.memref_slice %arg11[%run_scoped3A_499, %dma_start3A_1126] : memref<8x80xi32, #tpu.memory_space<vmem>> -> memref<1x80xi32, #tpu.memory_space<vmem>>
      %dma_start3A_1128 = tpu.memref_squeeze %dma_start3A_1127 : memref<1x80xi32, #tpu.memory_space<vmem>> -> memref<80xi32, #tpu.memory_space<vmem>>
      %dma_start3A_1129 = tpu.memref_slice %arg4[%add3A_498] : memref<320000xi32, #tpu.memory_space<hbm>> -> memref<80xi32, #tpu.memory_space<hbm>>
      tpu.enqueue_dma source(%dma_start3A_1129 : memref<80xi32, #tpu.memory_space<hbm>>) target(%dma_start3A_1128 : memref<80xi32, #tpu.memory_space<vmem>>) target_semaphore(%run_scoped3A_1121 : memref<!tpu.dma_semaphore, #tpu.memory_space<semaphore_mem>>)
      %dma_wait3A_1130 = arith.constant 0 : i32
      %dma_wait3A_1131 = tpu.memref_slice %arg11[%run_scoped3A_499, %dma_wait3A_1130] : memref<8x80xi32, #tpu.memory_space<vmem>> -> memref<1x80xi32, #tpu.memory_space<vmem>>
      %dma_wait3A_1132 = tpu.memref_squeeze %dma_wait3A_1131 : memref<1x80xi32, #tpu.memory_space<vmem>> -> memref<80xi32, #tpu.memory_space<vmem>>
      %dma_wait3A_1133 = tpu.memref_slice %arg4[%add3A_498] : memref<320000xi32, #tpu.memory_space<hbm>> -> memref<80xi32, #tpu.memory_space<hbm>>
      %dma_wait3A_1134 = arith.constant 0 : i32
      %dma_wait3A_1135 = tpu.memref_slice %arg11[%run_scoped3A_499, %dma_wait3A_1134] : memref<8x80xi32, #tpu.memory_space<vmem>> -> memref<1x80xi32, #tpu.memory_space<vmem>>
      %dma_wait3A_1136 = tpu.memref_squeeze %dma_wait3A_1135 : memref<1x80xi32, #tpu.memory_space<vmem>> -> memref<80xi32, #tpu.memory_space<vmem>>
      %dma_wait3A_1137 = tpu.memref_slice %arg4[%add3A_498] : memref<320000xi32, #tpu.memory_space<hbm>> -> memref<80xi32, #tpu.memory_space<hbm>>
      tpu.wait_dma2 semaphore(%run_scoped3A_1121 : memref<!tpu.dma_semaphore, #tpu.memory_space<semaphore_mem>>) src(%dma_wait3A_1137 : memref<80xi32, #tpu.memory_space<hbm>>) dst(%dma_wait3A_1136 : memref<80xi32, #tpu.memory_space<vmem>>)
      tpu.yield
    }) : () -> ()
    %run_scoped3A_500 = arith.constant 3 : i32
    "tpu.region"() ({
      %run_scoped3A_1121 = tpu.sem_alloc : memref<!tpu.dma_semaphore, #tpu.memory_space<semaphore_mem>>
      %dma_start3A_1122 = arith.constant 0 : i32
      %dma_start3A_1123 = tpu.memref_slice %arg10[%run_scoped3A_500, %dma_start3A_1122] : memref<8x80xi32, #tpu.memory_space<vmem>> -> memref<1x80xi32, #tpu.memory_space<vmem>>
      %dma_start3A_1124 = tpu.memref_squeeze %dma_start3A_1123 : memref<1x80xi32, #tpu.memory_space<vmem>> -> memref<80xi32, #tpu.memory_space<vmem>>
      %dma_start3A_1125 = tpu.memref_slice %arg5[%add3A_498] : memref<320000xi32, #tpu.memory_space<hbm>> -> memref<80xi32, #tpu.memory_space<hbm>>
      %dma_start3A_1126 = arith.constant 0 : i32
      %dma_start3A_1127 = tpu.memref_slice %arg10[%run_scoped3A_500, %dma_start3A_1126] : memref<8x80xi32, #tpu.memory_space<vmem>> -> memref<1x80xi32, #tpu.memory_space<vmem>>
      %dma_start3A_1128 = tpu.memref_squeeze %dma_start3A_1127 : memref<1x80xi32, #tpu.memory_space<vmem>> -> memref<80xi32, #tpu.memory_space<vmem>>
      %dma_start3A_1129 = tpu.memref_slice %arg5[%add3A_498] : memref<320000xi32, #tpu.memory_space<hbm>> -> memref<80xi32, #tpu.memory_space<hbm>>
      tpu.enqueue_dma source(%dma_start3A_1129 : memref<80xi32, #tpu.memory_space<hbm>>) target(%dma_start3A_1128 : memref<80xi32, #tpu.memory_space<vmem>>) target_semaphore(%run_scoped3A_1121 : memref<!tpu.dma_semaphore, #tpu.memory_space<semaphore_mem>>)
      %dma_wait3A_1130 = arith.constant 0 : i32
      %dma_wait3A_1131 = tpu.memref_slice %arg10[%run_scoped3A_500, %dma_wait3A_1130] : memref<8x80xi32, #tpu.memory_space<vmem>> -> memref<1x80xi32, #tpu.memory_space<vmem>>
      %dma_wait3A_1132 = tpu.memref_squeeze %dma_wait3A_1131 : memref<1x80xi32, #tpu.memory_space<vmem>> -> memref<80xi32, #tpu.memory_space<vmem>>
      %dma_wait3A_1133 = tpu.memref_slice %arg5[%add3A_498] : memref<320000xi32, #tpu.memory_space<hbm>> -> memref<80xi32, #tpu.memory_space<hbm>>
      %dma_wait3A_1134 = arith.constant 0 : i32
      %dma_wait3A_1135 = tpu.memref_slice %arg10[%run_scoped3A_500, %dma_wait3A_1134] : memref<8x80xi32, #tpu.memory_space<vmem>> -> memref<1x80xi32, #tpu.memory_space<vmem>>
      %dma_wait3A_1136 = tpu.memref_squeeze %dma_wait3A_1135 : memref<1x80xi32, #tpu.memory_space<vmem>> -> memref<80xi32, #tpu.memory_space<vmem>>
      %dma_wait3A_1137 = tpu.memref_slice %arg5[%add3A_498] : memref<320000xi32, #tpu.memory_space<hbm>> -> memref<80xi32, #tpu.memory_space<hbm>>
      tpu.wait_dma2 semaphore(%run_scoped3A_1121 : memref<!tpu.dma_semaphore, #tpu.memory_space<semaphore_mem>>) src(%dma_wait3A_1137 : memref<80xi32, #tpu.memory_space<hbm>>) dst(%dma_wait3A_1136 : memref<80xi32, #tpu.memory_space<vmem>>)
      tpu.yield
    }) : () -> ()
    %get3A_501 = arith.constant 3 : i32
    %get3A_502 = arith.index_cast %get3A_501 : i32 to index
    %get3A_503 = arith.constant 0 : index
    %get3A_504 = tpu.vector_load %arg11[%get3A_502, %get3A_503] {strides = array<i32>} : memref<8x80xi32, #tpu.memory_space<vmem>>, vector<1x16xi32>,
    %get3A_505 = vector.shape_cast %get3A_504 : vector<1x16xi32> to vector<16xi32>
    %add3A_506 = vector.broadcast %mul3A_9 : i32 to vector<16xi32>
    %add3A_507 = arith.addi %get3A_505, %add3A_506 : vector<16xi32>
    %swap3A_508 = arith.constant 3 : i32
    %swap3A_509 = arith.index_cast %swap3A_508 : i32 to index
    %swap3A_510 = arith.constant 0 : index
    %swap3A_511 = tpu.vector_load %arg11[%swap3A_509, %swap3A_510] {strides = array<i32>} : memref<8x80xi32, #tpu.memory_space<vmem>>, vector<1x16xi32>,
    %swap3A_512 = vector.shape_cast %swap3A_511 : vector<1x16xi32> to vector<16xi32>
    %swap3A_513 = vector.shape_cast %add3A_507 : vector<16xi32> to vector<1x16xi32>
    tpu.vector_store %arg11[%swap3A_509, %swap3A_510], %swap3A_513 {strides = array<i32>} : memref<8x80xi32, #tpu.memory_space<vmem>>, vector<1x16xi32>,
    %get3A_514 = arith.constant 3 : i32
    %get3A_515 = arith.index_cast %get3A_514 : i32 to index
    %get3A_516 = arith.constant 0 : index
    %get3A_517 = tpu.vector_load %arg10[%get3A_515, %get3A_516] {strides = array<i32>} : memref<8x80xi32, #tpu.memory_space<vmem>>, vector<1x16xi32>,
    %get3A_518 = vector.shape_cast %get3A_517 : vector<1x16xi32> to vector<16xi32>
    %add3A_519 = vector.broadcast %mul3A_9 : i32 to vector<16xi32>
    %add3A_520 = arith.addi %get3A_518, %add3A_519 : vector<16xi32>
    %swap3A_521 = arith.constant 3 : i32
    %swap3A_522 = arith.index_cast %swap3A_521 : i32 to index
    %swap3A_523 = arith.constant 0 : index
    %swap3A_524 = tpu.vector_load %arg12[%swap3A_522, %swap3A_523] {strides = array<i32>} : memref<8x80xi32, #tpu.memory_space<vmem>>, vector<1x16xi32>,
    %swap3A_525 = vector.shape_cast %swap3A_524 : vector<1x16xi32> to vector<16xi32>
    %swap3A_526 = vector.shape_cast %add3A_520 : vector<16xi32> to vector<1x16xi32>
    tpu.vector_store %arg12[%swap3A_522, %swap3A_523], %swap3A_526 {strides = array<i32>} : memref<8x80xi32, #tpu.memory_space<vmem>>, vector<1x16xi32>,
    %get3A_527 = arith.constant 3 : i32
    %get3A_528 = arith.index_cast %get3A_527 : i32 to index
    %get3A_529 = arith.constant 16 : index
    %get3A_530 = tpu.vector_load %arg11[%get3A_528, %get3A_529] {strides = array<i32>} : memref<8x80xi32, #tpu.memory_space<vmem>>, vector<1x16xi32>,
    %get3A_531 = vector.shape_cast %get3A_530 : vector<1x16xi32> to vector<16xi32>
    %add3A_532 = vector.broadcast %mul3A_9 : i32 to vector<16xi32>
    %add3A_533 = arith.addi %get3A_531, %add3A_532 : vector<16xi32>
    %swap3A_534 = arith.constant 3 : i32
    %swap3A_535 = arith.index_cast %swap3A_534 : i32 to index
    %swap3A_536 = arith.constant 16 : index
    %swap3A_537 = tpu.vector_load %arg11[%swap3A_535, %swap3A_536] {strides = array<i32>} : memref<8x80xi32, #tpu.memory_space<vmem>>, vector<1x16xi32>,
    %swap3A_538 = vector.shape_cast %swap3A_537 : vector<1x16xi32> to vector<16xi32>
    %swap3A_539 = vector.shape_cast %add3A_533 : vector<16xi32> to vector<1x16xi32>
    tpu.vector_store %arg11[%swap3A_535, %swap3A_536], %swap3A_539 {strides = array<i32>} : memref<8x80xi32, #tpu.memory_space<vmem>>, vector<1x16xi32>,
    %get3A_540 = arith.constant 3 : i32
    %get3A_541 = arith.index_cast %get3A_540 : i32 to index
    %get3A_542 = arith.constant 16 : index
    %get3A_543 = tpu.vector_load %arg10[%get3A_541, %get3A_542] {strides = array<i32>} : memref<8x80xi32, #tpu.memory_space<vmem>>, vector<1x16xi32>,
    %get3A_544 = vector.shape_cast %get3A_543 : vector<1x16xi32> to vector<16xi32>
    %add3A_545 = vector.broadcast %mul3A_9 : i32 to vector<16xi32>
    %add3A_546 = arith.addi %get3A_544, %add3A_545 : vector<16xi32>
    %swap3A_547 = arith.constant 3 : i32
    %swap3A_548 = arith.index_cast %swap3A_547 : i32 to index
    %swap3A_549 = arith.constant 16 : index
    %swap3A_550 = tpu.vector_load %arg12[%swap3A_548, %swap3A_549] {strides = array<i32>} : memref<8x80xi32, #tpu.memory_space<vmem>>, vector<1x16xi32>,
    %swap3A_551 = vector.shape_cast %swap3A_550 : vector<1x16xi32> to vector<16xi32>
    %swap3A_552 = vector.shape_cast %add3A_546 : vector<16xi32> to vector<1x16xi32>
    tpu.vector_store %arg12[%swap3A_548, %swap3A_549], %swap3A_552 {strides = array<i32>} : memref<8x80xi32, #tpu.memory_space<vmem>>, vector<1x16xi32>,
    %get3A_553 = arith.constant 3 : i32
    %get3A_554 = arith.index_cast %get3A_553 : i32 to index
    %get3A_555 = arith.constant 32 : index
    %get3A_556 = tpu.vector_load %arg11[%get3A_554, %get3A_555] {strides = array<i32>} : memref<8x80xi32, #tpu.memory_space<vmem>>, vector<1x16xi32>,
    %get3A_557 = vector.shape_cast %get3A_556 : vector<1x16xi32> to vector<16xi32>
    %add3A_558 = vector.broadcast %mul3A_9 : i32 to vector<16xi32>
    %add3A_559 = arith.addi %get3A_557, %add3A_558 : vector<16xi32>
    %swap3A_560 = arith.constant 3 : i32
    %swap3A_561 = arith.index_cast %swap3A_560 : i32 to index
    %swap3A_562 = arith.constant 32 : index
    %swap3A_563 = tpu.vector_load %arg11[%swap3A_561, %swap3A_562] {strides = array<i32>} : memref<8x80xi32, #tpu.memory_space<vmem>>, vector<1x16xi32>,
    %swap3A_564 = vector.shape_cast %swap3A_563 : vector<1x16xi32> to vector<16xi32>
    %swap3A_565 = vector.shape_cast %add3A_559 : vector<16xi32> to vector<1x16xi32>
    tpu.vector_store %arg11[%swap3A_561, %swap3A_562], %swap3A_565 {strides = array<i32>} : memref<8x80xi32, #tpu.memory_space<vmem>>, vector<1x16xi32>,
    %get3A_566 = arith.constant 3 : i32
    %get3A_567 = arith.index_cast %get3A_566 : i32 to index
    %get3A_568 = arith.constant 32 : index
    %get3A_569 = tpu.vector_load %arg10[%get3A_567, %get3A_568] {strides = array<i32>} : memref<8x80xi32, #tpu.memory_space<vmem>>, vector<1x16xi32>,
    %get3A_570 = vector.shape_cast %get3A_569 : vector<1x16xi32> to vector<16xi32>
    %add3A_571 = vector.broadcast %mul3A_9 : i32 to vector<16xi32>
    %add3A_572 = arith.addi %get3A_570, %add3A_571 : vector<16xi32>
    %swap3A_573 = arith.constant 3 : i32
    %swap3A_574 = arith.index_cast %swap3A_573 : i32 to index
    %swap3A_575 = arith.constant 32 : index
    %swap3A_576 = tpu.vector_load %arg12[%swap3A_574, %swap3A_575] {strides = array<i32>} : memref<8x80xi32, #tpu.memory_space<vmem>>, vector<1x16xi32>,
    %swap3A_577 = vector.shape_cast %swap3A_576 : vector<1x16xi32> to vector<16xi32>
    %swap3A_578 = vector.shape_cast %add3A_572 : vector<16xi32> to vector<1x16xi32>
    tpu.vector_store %arg12[%swap3A_574, %swap3A_575], %swap3A_578 {strides = array<i32>} : memref<8x80xi32, #tpu.memory_space<vmem>>, vector<1x16xi32>,
    %get3A_579 = arith.constant 3 : i32
    %get3A_580 = arith.index_cast %get3A_579 : i32 to index
    %get3A_581 = arith.constant 48 : index
    %get3A_582 = tpu.vector_load %arg11[%get3A_580, %get3A_581] {strides = array<i32>} : memref<8x80xi32, #tpu.memory_space<vmem>>, vector<1x16xi32>,
    %get3A_583 = vector.shape_cast %get3A_582 : vector<1x16xi32> to vector<16xi32>
    %add3A_584 = vector.broadcast %mul3A_9 : i32 to vector<16xi32>
    %add3A_585 = arith.addi %get3A_583, %add3A_584 : vector<16xi32>
    %swap3A_586 = arith.constant 3 : i32
    %swap3A_587 = arith.index_cast %swap3A_586 : i32 to index
    %swap3A_588 = arith.constant 48 : index
    %swap3A_589 = tpu.vector_load %arg11[%swap3A_587, %swap3A_588] {strides = array<i32>} : memref<8x80xi32, #tpu.memory_space<vmem>>, vector<1x16xi32>,
    %swap3A_590 = vector.shape_cast %swap3A_589 : vector<1x16xi32> to vector<16xi32>
    %swap3A_591 = vector.shape_cast %add3A_585 : vector<16xi32> to vector<1x16xi32>
    tpu.vector_store %arg11[%swap3A_587, %swap3A_588], %swap3A_591 {strides = array<i32>} : memref<8x80xi32, #tpu.memory_space<vmem>>, vector<1x16xi32>,
    %get3A_592 = arith.constant 3 : i32
    %get3A_593 = arith.index_cast %get3A_592 : i32 to index
    %get3A_594 = arith.constant 48 : index
    %get3A_595 = tpu.vector_load %arg10[%get3A_593, %get3A_594] {strides = array<i32>} : memref<8x80xi32, #tpu.memory_space<vmem>>, vector<1x16xi32>,
    %get3A_596 = vector.shape_cast %get3A_595 : vector<1x16xi32> to vector<16xi32>
    %add3A_597 = vector.broadcast %mul3A_9 : i32 to vector<16xi32>
    %add3A_598 = arith.addi %get3A_596, %add3A_597 : vector<16xi32>
    %swap3A_599 = arith.constant 3 : i32
    %swap3A_600 = arith.index_cast %swap3A_599 : i32 to index
    %swap3A_601 = arith.constant 48 : index
    %swap3A_602 = tpu.vector_load %arg12[%swap3A_600, %swap3A_601] {strides = array<i32>} : memref<8x80xi32, #tpu.memory_space<vmem>>, vector<1x16xi32>,
    %swap3A_603 = vector.shape_cast %swap3A_602 : vector<1x16xi32> to vector<16xi32>
    %swap3A_604 = vector.shape_cast %add3A_598 : vector<16xi32> to vector<1x16xi32>
    tpu.vector_store %arg12[%swap3A_600, %swap3A_601], %swap3A_604 {strides = array<i32>} : memref<8x80xi32, #tpu.memory_space<vmem>>, vector<1x16xi32>,
    %get3A_605 = arith.constant 3 : i32
    %get3A_606 = arith.index_cast %get3A_605 : i32 to index
    %get3A_607 = arith.constant 64 : index
    %get3A_608 = tpu.vector_load %arg11[%get3A_606, %get3A_607] {strides = array<i32>} : memref<8x80xi32, #tpu.memory_space<vmem>>, vector<1x16xi32>,
    %get3A_609 = vector.shape_cast %get3A_608 : vector<1x16xi32> to vector<16xi32>
    %add3A_610 = vector.broadcast %mul3A_9 : i32 to vector<16xi32>
    %add3A_611 = arith.addi %get3A_609, %add3A_610 : vector<16xi32>
    %swap3A_612 = arith.constant 3 : i32
    %swap3A_613 = arith.index_cast %swap3A_612 : i32 to index
    %swap3A_614 = arith.constant 64 : index
    %swap3A_615 = tpu.vector_load %arg11[%swap3A_613, %swap3A_614] {strides = array<i32>} : memref<8x80xi32, #tpu.memory_space<vmem>>, vector<1x16xi32>,
    %swap3A_616 = vector.shape_cast %swap3A_615 : vector<1x16xi32> to vector<16xi32>
    %swap3A_617 = vector.shape_cast %add3A_611 : vector<16xi32> to vector<1x16xi32>
    tpu.vector_store %arg11[%swap3A_613, %swap3A_614], %swap3A_617 {strides = array<i32>} : memref<8x80xi32, #tpu.memory_space<vmem>>, vector<1x16xi32>,
    %get3A_618 = arith.constant 3 : i32
    %get3A_619 = arith.index_cast %get3A_618 : i32 to index
    %get3A_620 = arith.constant 64 : index
    %get3A_621 = tpu.vector_load %arg10[%get3A_619, %get3A_620] {strides = array<i32>} : memref<8x80xi32, #tpu.memory_space<vmem>>, vector<1x16xi32>,
    %get3A_622 = vector.shape_cast %get3A_621 : vector<1x16xi32> to vector<16xi32>
    %add3A_623 = vector.broadcast %mul3A_9 : i32 to vector<16xi32>
    %add3A_624 = arith.addi %get3A_622, %add3A_623 : vector<16xi32>
    %swap3A_625 = arith.constant 3 : i32
    %swap3A_626 = arith.index_cast %swap3A_625 : i32 to index
    %swap3A_627 = arith.constant 64 : index
    %swap3A_628 = tpu.vector_load %arg12[%swap3A_626, %swap3A_627] {strides = array<i32>} : memref<8x80xi32, #tpu.memory_space<vmem>>, vector<1x16xi32>,
    %swap3A_629 = vector.shape_cast %swap3A_628 : vector<1x16xi32> to vector<16xi32>
    %swap3A_630 = vector.shape_cast %add3A_624 : vector<16xi32> to vector<1x16xi32>
    tpu.vector_store %arg12[%swap3A_626, %swap3A_627], %swap3A_630 {strides = array<i32>} : memref<8x80xi32, #tpu.memory_space<vmem>>, vector<1x16xi32>,
    %dma_start3A_631 = arith.constant 3 : i32
    %dma_start3A_632 = arith.constant 3 : i32
    %dma_start3A_633 = arith.constant 3 : i32
    %dma_start3A_634 = arith.constant 0 : i32
    %dma_start3A_635 = arith.constant 0 : i32
    %dma_start3A_636 = tpu.memref_slice %arg13[%dma_start3A_632, %dma_start3A_634, %dma_start3A_635] : memref<8x80x16xf32, #tpu.memory_space<vmem>> -> memref<1x80x16xf32, #tpu.memory_space<vmem>>
    %dma_start3A_637 = tpu.memref_squeeze %dma_start3A_636 : memref<1x80x16xf32, #tpu.memory_space<vmem>> -> memref<80x16xf32, #tpu.memory_space<vmem>>
    %dma_start3A_638 = arith.constant 0 : i32
    %dma_start3A_639 = tpu.memref_slice %arg12[%dma_start3A_631, %dma_start3A_638] : memref<8x80xi32, #tpu.memory_space<vmem>> -> memref<1x80xi32, #tpu.memory_space<vmem>>
    %dma_start3A_640 = tpu.memref_squeeze %dma_start3A_639 : memref<1x80xi32, #tpu.memory_space<vmem>> -> memref<80xi32, #tpu.memory_space<vmem>>
    %dma_start3A_641 = arith.constant 0 : i32
    %dma_start3A_642 = arith.constant 0 : i32
    %dma_start3A_643 = tpu.memref_slice %arg3[%dma_start3A_641, %dma_start3A_642] : memref<20000x16xf32, #tpu.memory_space<hbm>> -> memref<20000x16xf32, #tpu.memory_space<hbm>>
    %dma_start3A_644 = tpu.memref_slice %arg18[%dma_start3A_633] : memref<8x!tpu.dma_semaphore, #tpu.memory_space<semaphore_mem>> -> memref<1x!tpu.dma_semaphore, #tpu.memory_space<semaphore_mem>>
    %dma_start3A_645 = tpu.memref_squeeze %dma_start3A_644 : memref<1x!tpu.dma_semaphore, #tpu.memory_space<semaphore_mem>> -> memref<!tpu.dma_semaphore, #tpu.memory_space<semaphore_mem>>
    tpu.enqueue_indirect_dma source(%dma_start3A_643 : memref<20000x16xf32, #tpu.memory_space<hbm>>) target(%dma_start3A_637 : memref<80x16xf32, #tpu.memory_space<vmem>>) offsets(%dma_start3A_640 : memref<80xi32, #tpu.memory_space<vmem>>) semaphore(%dma_start3A_645 : memref<!tpu.dma_semaphore, #tpu.memory_space<semaphore_mem>>)
    %dma_start3A_646 = arith.constant 3 : i32
    %dma_start3A_647 = arith.constant 3 : i32
    %dma_start3A_648 = arith.constant 3 : i32
    %dma_start3A_649 = arith.constant 0 : i32
    %dma_start3A_650 = arith.constant 0 : i32
    %dma_start3A_651 = tpu.memref_slice %arg14[%dma_start3A_647, %dma_start3A_649, %dma_start3A_650] : memref<8x80x80xf32, #tpu.memory_space<vmem>> -> memref<1x80x80xf32, #tpu.memory_space<vmem>>
    %dma_start3A_652 = tpu.memref_squeeze %dma_start3A_651 : memref<1x80x80xf32, #tpu.memory_space<vmem>> -> memref<80x80xf32, #tpu.memory_space<vmem>>
    %dma_start3A_653 = arith.constant 0 : i32
    %dma_start3A_654 = tpu.memref_slice %arg11[%dma_start3A_646, %dma_start3A_653] : memref<8x80xi32, #tpu.memory_space<vmem>> -> memref<1x80xi32, #tpu.memory_space<vmem>>
    %dma_start3A_655 = tpu.memref_squeeze %dma_start3A_654 : memref<1x80xi32, #tpu.memory_space<vmem>> -> memref<80xi32, #tpu.memory_space<vmem>>
    %dma_start3A_656 = arith.constant 0 : i32
    %dma_start3A_657 = arith.constant 0 : i32
    %dma_start3A_658 = tpu.memref_slice %arg2[%dma_start3A_656, %dma_start3A_657] : memref<20000x80xf32, #tpu.memory_space<hbm>> -> memref<20000x80xf32, #tpu.memory_space<hbm>>
    %dma_start3A_659 = tpu.memref_slice %arg18[%dma_start3A_648] : memref<8x!tpu.dma_semaphore, #tpu.memory_space<semaphore_mem>> -> memref<1x!tpu.dma_semaphore, #tpu.memory_space<semaphore_mem>>
    %dma_start3A_660 = tpu.memref_squeeze %dma_start3A_659 : memref<1x!tpu.dma_semaphore, #tpu.memory_space<semaphore_mem>> -> memref<!tpu.dma_semaphore, #tpu.memory_space<semaphore_mem>>
    tpu.enqueue_indirect_dma source(%dma_start3A_658 : memref<20000x80xf32, #tpu.memory_space<hbm>>) target(%dma_start3A_652 : memref<80x80xf32, #tpu.memory_space<vmem>>) offsets(%dma_start3A_655 : memref<80xi32, #tpu.memory_space<vmem>>) semaphore(%dma_start3A_660 : memref<!tpu.dma_semaphore, #tpu.memory_space<semaphore_mem>>)
    %add3A_661 = arith.constant 320 : i32
    %add3A_662 = arith.addi %mul3A_7, %add3A_661 : i32
    %run_scoped3A_663 = arith.constant 4 : i32
    "tpu.region"() ({
      %run_scoped3A_1121 = tpu.sem_alloc : memref<!tpu.dma_semaphore, #tpu.memory_space<semaphore_mem>>
      %dma_start3A_1122 = arith.constant 0 : i32
      %dma_start3A_1123 = tpu.memref_slice %arg11[%run_scoped3A_663, %dma_start3A_1122] : memref<8x80xi32, #tpu.memory_space<vmem>> -> memref<1x80xi32, #tpu.memory_space<vmem>>
      %dma_start3A_1124 = tpu.memref_squeeze %dma_start3A_1123 : memref<1x80xi32, #tpu.memory_space<vmem>> -> memref<80xi32, #tpu.memory_space<vmem>>
      %dma_start3A_1125 = tpu.memref_slice %arg4[%add3A_662] : memref<320000xi32, #tpu.memory_space<hbm>> -> memref<80xi32, #tpu.memory_space<hbm>>
      %dma_start3A_1126 = arith.constant 0 : i32
      %dma_start3A_1127 = tpu.memref_slice %arg11[%run_scoped3A_663, %dma_start3A_1126] : memref<8x80xi32, #tpu.memory_space<vmem>> -> memref<1x80xi32, #tpu.memory_space<vmem>>
      %dma_start3A_1128 = tpu.memref_squeeze %dma_start3A_1127 : memref<1x80xi32, #tpu.memory_space<vmem>> -> memref<80xi32, #tpu.memory_space<vmem>>
      %dma_start3A_1129 = tpu.memref_slice %arg4[%add3A_662] : memref<320000xi32, #tpu.memory_space<hbm>> -> memref<80xi32, #tpu.memory_space<hbm>>
      tpu.enqueue_dma source(%dma_start3A_1129 : memref<80xi32, #tpu.memory_space<hbm>>) target(%dma_start3A_1128 : memref<80xi32, #tpu.memory_space<vmem>>) target_semaphore(%run_scoped3A_1121 : memref<!tpu.dma_semaphore, #tpu.memory_space<semaphore_mem>>)
      %dma_wait3A_1130 = arith.constant 0 : i32
      %dma_wait3A_1131 = tpu.memref_slice %arg11[%run_scoped3A_663, %dma_wait3A_1130] : memref<8x80xi32, #tpu.memory_space<vmem>> -> memref<1x80xi32, #tpu.memory_space<vmem>>
      %dma_wait3A_1132 = tpu.memref_squeeze %dma_wait3A_1131 : memref<1x80xi32, #tpu.memory_space<vmem>> -> memref<80xi32, #tpu.memory_space<vmem>>
      %dma_wait3A_1133 = tpu.memref_slice %arg4[%add3A_662] : memref<320000xi32, #tpu.memory_space<hbm>> -> memref<80xi32, #tpu.memory_space<hbm>>
      %dma_wait3A_1134 = arith.constant 0 : i32
      %dma_wait3A_1135 = tpu.memref_slice %arg11[%run_scoped3A_663, %dma_wait3A_1134] : memref<8x80xi32, #tpu.memory_space<vmem>> -> memref<1x80xi32, #tpu.memory_space<vmem>>
      %dma_wait3A_1136 = tpu.memref_squeeze %dma_wait3A_1135 : memref<1x80xi32, #tpu.memory_space<vmem>> -> memref<80xi32, #tpu.memory_space<vmem>>
      %dma_wait3A_1137 = tpu.memref_slice %arg4[%add3A_662] : memref<320000xi32, #tpu.memory_space<hbm>> -> memref<80xi32, #tpu.memory_space<hbm>>
      tpu.wait_dma2 semaphore(%run_scoped3A_1121 : memref<!tpu.dma_semaphore, #tpu.memory_space<semaphore_mem>>) src(%dma_wait3A_1137 : memref<80xi32, #tpu.memory_space<hbm>>) dst(%dma_wait3A_1136 : memref<80xi32, #tpu.memory_space<vmem>>)
      tpu.yield
    }) : () -> ()
    %run_scoped3A_664 = arith.constant 4 : i32
    "tpu.region"() ({
      %run_scoped3A_1121 = tpu.sem_alloc : memref<!tpu.dma_semaphore, #tpu.memory_space<semaphore_mem>>
      %dma_start3A_1122 = arith.constant 0 : i32
      %dma_start3A_1123 = tpu.memref_slice %arg10[%run_scoped3A_664, %dma_start3A_1122] : memref<8x80xi32, #tpu.memory_space<vmem>> -> memref<1x80xi32, #tpu.memory_space<vmem>>
      %dma_start3A_1124 = tpu.memref_squeeze %dma_start3A_1123 : memref<1x80xi32, #tpu.memory_space<vmem>> -> memref<80xi32, #tpu.memory_space<vmem>>
      %dma_start3A_1125 = tpu.memref_slice %arg5[%add3A_662] : memref<320000xi32, #tpu.memory_space<hbm>> -> memref<80xi32, #tpu.memory_space<hbm>>
      %dma_start3A_1126 = arith.constant 0 : i32
      %dma_start3A_1127 = tpu.memref_slice %arg10[%run_scoped3A_664, %dma_start3A_1126] : memref<8x80xi32, #tpu.memory_space<vmem>> -> memref<1x80xi32, #tpu.memory_space<vmem>>
      %dma_start3A_1128 = tpu.memref_squeeze %dma_start3A_1127 : memref<1x80xi32, #tpu.memory_space<vmem>> -> memref<80xi32, #tpu.memory_space<vmem>>
      %dma_start3A_1129 = tpu.memref_slice %arg5[%add3A_662] : memref<320000xi32, #tpu.memory_space<hbm>> -> memref<80xi32, #tpu.memory_space<hbm>>
      tpu.enqueue_dma source(%dma_start3A_1129 : memref<80xi32, #tpu.memory_space<hbm>>) target(%dma_start3A_1128 : memref<80xi32, #tpu.memory_space<vmem>>) target_semaphore(%run_scoped3A_1121 : memref<!tpu.dma_semaphore, #tpu.memory_space<semaphore_mem>>)
      %dma_wait3A_1130 = arith.constant 0 : i32
      %dma_wait3A_1131 = tpu.memref_slice %arg10[%run_scoped3A_664, %dma_wait3A_1130] : memref<8x80xi32, #tpu.memory_space<vmem>> -> memref<1x80xi32, #tpu.memory_space<vmem>>
      %dma_wait3A_1132 = tpu.memref_squeeze %dma_wait3A_1131 : memref<1x80xi32, #tpu.memory_space<vmem>> -> memref<80xi32, #tpu.memory_space<vmem>>
      %dma_wait3A_1133 = tpu.memref_slice %arg5[%add3A_662] : memref<320000xi32, #tpu.memory_space<hbm>> -> memref<80xi32, #tpu.memory_space<hbm>>
      %dma_wait3A_1134 = arith.constant 0 : i32
      %dma_wait3A_1135 = tpu.memref_slice %arg10[%run_scoped3A_664, %dma_wait3A_1134] : memref<8x80xi32, #tpu.memory_space<vmem>> -> memref<1x80xi32, #tpu.memory_space<vmem>>
      %dma_wait3A_1136 = tpu.memref_squeeze %dma_wait3A_1135 : memref<1x80xi32, #tpu.memory_space<vmem>> -> memref<80xi32, #tpu.memory_space<vmem>>
      %dma_wait3A_1137 = tpu.memref_slice %arg5[%add3A_662] : memref<320000xi32, #tpu.memory_space<hbm>> -> memref<80xi32, #tpu.memory_space<hbm>>
      tpu.wait_dma2 semaphore(%run_scoped3A_1121 : memref<!tpu.dma_semaphore, #tpu.memory_space<semaphore_mem>>) src(%dma_wait3A_1137 : memref<80xi32, #tpu.memory_space<hbm>>) dst(%dma_wait3A_1136 : memref<80xi32, #tpu.memory_space<vmem>>)
      tpu.yield
    }) : () -> ()
    %get3A_665 = arith.constant 4 : i32
    %get3A_666 = arith.index_cast %get3A_665 : i32 to index
    %get3A_667 = arith.constant 0 : index
    %get3A_668 = tpu.vector_load %arg11[%get3A_666, %get3A_667] {strides = array<i32>} : memref<8x80xi32, #tpu.memory_space<vmem>>, vector<1x16xi32>,
    %get3A_669 = vector.shape_cast %get3A_668 : vector<1x16xi32> to vector<16xi32>
    %add3A_670 = vector.broadcast %mul3A_9 : i32 to vector<16xi32>
    %add3A_671 = arith.addi %get3A_669, %add3A_670 : vector<16xi32>
    %swap3A_672 = arith.constant 4 : i32
    %swap3A_673 = arith.index_cast %swap3A_672 : i32 to index
    %swap3A_674 = arith.constant 0 : index
    %swap3A_675 = tpu.vector_load %arg11[%swap3A_673, %swap3A_674] {strides = array<i32>} : memref<8x80xi32, #tpu.memory_space<vmem>>, vector<1x16xi32>,
    %swap3A_676 = vector.shape_cast %swap3A_675 : vector<1x16xi32> to vector<16xi32>
    %swap3A_677 = vector.shape_cast %add3A_671 : vector<16xi32> to vector<1x16xi32>
    tpu.vector_store %arg11[%swap3A_673, %swap3A_674], %swap3A_677 {strides = array<i32>} : memref<8x80xi32, #tpu.memory_space<vmem>>, vector<1x16xi32>,
    %get3A_678 = arith.constant 4 : i32
    %get3A_679 = arith.index_cast %get3A_678 : i32 to index
    %get3A_680 = arith.constant 0 : index
    %get3A_681 = tpu.vector_load %arg10[%get3A_679, %get3A_680] {strides = array<i32>} : memref<8x80xi32, #tpu.memory_space<vmem>>, vector<1x16xi32>,
    %get3A_682 = vector.shape_cast %get3A_681 : vector<1x16xi32> to vector<16xi32>
    %add3A_683 = vector.broadcast %mul3A_9 : i32 to vector<16xi32>
    %add3A_684 = arith.addi %get3A_682, %add3A_683 : vector<16xi32>
    %swap3A_685 = arith.constant 4 : i32
    %swap3A_686 = arith.index_cast %swap3A_685 : i32 to index
    %swap3A_687 = arith.constant 0 : index
    %swap3A_688 = tpu.vector_load %arg12[%swap3A_686, %swap3A_687] {strides = array<i32>} : memref<8x80xi32, #tpu.memory_space<vmem>>, vector<1x16xi32>,
    %swap3A_689 = vector.shape_cast %swap3A_688 : vector<1x16xi32> to vector<16xi32>
    %swap3A_690 = vector.shape_cast %add3A_684 : vector<16xi32> to vector<1x16xi32>
    tpu.vector_store %arg12[%swap3A_686, %swap3A_687], %swap3A_690 {strides = array<i32>} : memref<8x80xi32, #tpu.memory_space<vmem>>, vector<1x16xi32>,
    %get3A_691 = arith.constant 4 : i32
    %get3A_692 = arith.index_cast %get3A_691 : i32 to index
    %get3A_693 = arith.constant 16 : index
    %get3A_694 = tpu.vector_load %arg11[%get3A_692, %get3A_693] {strides = array<i32>} : memref<8x80xi32, #tpu.memory_space<vmem>>, vector<1x16xi32>,
    %get3A_695 = vector.shape_cast %get3A_694 : vector<1x16xi32> to vector<16xi32>
    %add3A_696 = vector.broadcast %mul3A_9 : i32 to vector<16xi32>
    %add3A_697 = arith.addi %get3A_695, %add3A_696 : vector<16xi32>
    %swap3A_698 = arith.constant 4 : i32
    %swap3A_699 = arith.index_cast %swap3A_698 : i32 to index
    %swap3A_700 = arith.constant 16 : index
    %swap3A_701 = tpu.vector_load %arg11[%swap3A_699, %swap3A_700] {strides = array<i32>} : memref<8x80xi32, #tpu.memory_space<vmem>>, vector<1x16xi32>,
    %swap3A_702 = vector.shape_cast %swap3A_701 : vector<1x16xi32> to vector<16xi32>
    %swap3A_703 = vector.shape_cast %add3A_697 : vector<16xi32> to vector<1x16xi32>
    tpu.vector_store %arg11[%swap3A_699, %swap3A_700], %swap3A_703 {strides = array<i32>} : memref<8x80xi32, #tpu.memory_space<vmem>>, vector<1x16xi32>,
    %get3A_704 = arith.constant 4 : i32
    %get3A_705 = arith.index_cast %get3A_704 : i32 to index
    %get3A_706 = arith.constant 16 : index
    %get3A_707 = tpu.vector_load %arg10[%get3A_705, %get3A_706] {strides = array<i32>} : memref<8x80xi32, #tpu.memory_space<vmem>>, vector<1x16xi32>,
    %get3A_708 = vector.shape_cast %get3A_707 : vector<1x16xi32> to vector<16xi32>
    %add3A_709 = vector.broadcast %mul3A_9 : i32 to vector<16xi32>
    %add3A_710 = arith.addi %get3A_708, %add3A_709 : vector<16xi32>
    %swap3A_711 = arith.constant 4 : i32
    %swap3A_712 = arith.index_cast %swap3A_711 : i32 to index
    %swap3A_713 = arith.constant 16 : index
    %swap3A_714 = tpu.vector_load %arg12[%swap3A_712, %swap3A_713] {strides = array<i32>} : memref<8x80xi32, #tpu.memory_space<vmem>>, vector<1x16xi32>,
    %swap3A_715 = vector.shape_cast %swap3A_714 : vector<1x16xi32> to vector<16xi32>
    %swap3A_716 = vector.shape_cast %add3A_710 : vector<16xi32> to vector<1x16xi32>
    tpu.vector_store %arg12[%swap3A_712, %swap3A_713], %swap3A_716 {strides = array<i32>} : memref<8x80xi32, #tpu.memory_space<vmem>>, vector<1x16xi32>,
    %get3A_717 = arith.constant 4 : i32
    %get3A_718 = arith.index_cast %get3A_717 : i32 to index
    %get3A_719 = arith.constant 32 : index
    %get3A_720 = tpu.vector_load %arg11[%get3A_718, %get3A_719] {strides = array<i32>} : memref<8x80xi32, #tpu.memory_space<vmem>>, vector<1x16xi32>,
    %get3A_721 = vector.shape_cast %get3A_720 : vector<1x16xi32> to vector<16xi32>
    %add3A_722 = vector.broadcast %mul3A_9 : i32 to vector<16xi32>
    %add3A_723 = arith.addi %get3A_721, %add3A_722 : vector<16xi32>
    %swap3A_724 = arith.constant 4 : i32
    %swap3A_725 = arith.index_cast %swap3A_724 : i32 to index
    %swap3A_726 = arith.constant 32 : index
    %swap3A_727 = tpu.vector_load %arg11[%swap3A_725, %swap3A_726] {strides = array<i32>} : memref<8x80xi32, #tpu.memory_space<vmem>>, vector<1x16xi32>,
    %swap3A_728 = vector.shape_cast %swap3A_727 : vector<1x16xi32> to vector<16xi32>
    %swap3A_729 = vector.shape_cast %add3A_723 : vector<16xi32> to vector<1x16xi32>
    tpu.vector_store %arg11[%swap3A_725, %swap3A_726], %swap3A_729 {strides = array<i32>} : memref<8x80xi32, #tpu.memory_space<vmem>>, vector<1x16xi32>,
    %get3A_730 = arith.constant 4 : i32
    %get3A_731 = arith.index_cast %get3A_730 : i32 to index
    %get3A_732 = arith.constant 32 : index
    %get3A_733 = tpu.vector_load %arg10[%get3A_731, %get3A_732] {strides = array<i32>} : memref<8x80xi32, #tpu.memory_space<vmem>>, vector<1x16xi32>,
    %get3A_734 = vector.shape_cast %get3A_733 : vector<1x16xi32> to vector<16xi32>
    %add3A_735 = vector.broadcast %mul3A_9 : i32 to vector<16xi32>
    %add3A_736 = arith.addi %get3A_734, %add3A_735 : vector<16xi32>
    %swap3A_737 = arith.constant 4 : i32
    %swap3A_738 = arith.index_cast %swap3A_737 : i32 to index
    %swap3A_739 = arith.constant 32 : index
    %swap3A_740 = tpu.vector_load %arg12[%swap3A_738, %swap3A_739] {strides = array<i32>} : memref<8x80xi32, #tpu.memory_space<vmem>>, vector<1x16xi32>,
    %swap3A_741 = vector.shape_cast %swap3A_740 : vector<1x16xi32> to vector<16xi32>
    %swap3A_742 = vector.shape_cast %add3A_736 : vector<16xi32> to vector<1x16xi32>
    tpu.vector_store %arg12[%swap3A_738, %swap3A_739], %swap3A_742 {strides = array<i32>} : memref<8x80xi32, #tpu.memory_space<vmem>>, vector<1x16xi32>,
    %get3A_743 = arith.constant 4 : i32
    %get3A_744 = arith.index_cast %get3A_743 : i32 to index
    %get3A_745 = arith.constant 48 : index
    %get3A_746 = tpu.vector_load %arg11[%get3A_744, %get3A_745] {strides = array<i32>} : memref<8x80xi32, #tpu.memory_space<vmem>>, vector<1x16xi32>,
    %get3A_747 = vector.shape_cast %get3A_746 : vector<1x16xi32> to vector<16xi32>
    %add3A_748 = vector.broadcast %mul3A_9 : i32 to vector<16xi32>
    %add3A_749 = arith.addi %get3A_747, %add3A_748 : vector<16xi32>
    %swap3A_750 = arith.constant 4 : i32
    %swap3A_751 = arith.index_cast %swap3A_750 : i32 to index
    %swap3A_752 = arith.constant 48 : index
    %swap3A_753 = tpu.vector_load %arg11[%swap3A_751, %swap3A_752] {strides = array<i32>} : memref<8x80xi32, #tpu.memory_space<vmem>>, vector<1x16xi32>,
    %swap3A_754 = vector.shape_cast %swap3A_753 : vector<1x16xi32> to vector<16xi32>
    %swap3A_755 = vector.shape_cast %add3A_749 : vector<16xi32> to vector<1x16xi32>
    tpu.vector_store %arg11[%swap3A_751, %swap3A_752], %swap3A_755 {strides = array<i32>} : memref<8x80xi32, #tpu.memory_space<vmem>>, vector<1x16xi32>,
    %get3A_756 = arith.constant 4 : i32
    %get3A_757 = arith.index_cast %get3A_756 : i32 to index
    %get3A_758 = arith.constant 48 : index
    %get3A_759 = tpu.vector_load %arg10[%get3A_757, %get3A_758] {strides = array<i32>} : memref<8x80xi32, #tpu.memory_space<vmem>>, vector<1x16xi32>,
    %get3A_760 = vector.shape_cast %get3A_759 : vector<1x16xi32> to vector<16xi32>
    %add3A_761 = vector.broadcast %mul3A_9 : i32 to vector<16xi32>
    %add3A_762 = arith.addi %get3A_760, %add3A_761 : vector<16xi32>
    %swap3A_763 = arith.constant 4 : i32
    %swap3A_764 = arith.index_cast %swap3A_763 : i32 to index
    %swap3A_765 = arith.constant 48 : index
    %swap3A_766 = tpu.vector_load %arg12[%swap3A_764, %swap3A_765] {strides = array<i32>} : memref<8x80xi32, #tpu.memory_space<vmem>>, vector<1x16xi32>,
    %swap3A_767 = vector.shape_cast %swap3A_766 : vector<1x16xi32> to vector<16xi32>
    %swap3A_768 = vector.shape_cast %add3A_762 : vector<16xi32> to vector<1x16xi32>
    tpu.vector_store %arg12[%swap3A_764, %swap3A_765], %swap3A_768 {strides = array<i32>} : memref<8x80xi32, #tpu.memory_space<vmem>>, vector<1x16xi32>,
    %get3A_769 = arith.constant 4 : i32
    %get3A_770 = arith.index_cast %get3A_769 : i32 to index
    %get3A_771 = arith.constant 64 : index
    %get3A_772 = tpu.vector_load %arg11[%get3A_770, %get3A_771] {strides = array<i32>} : memref<8x80xi32, #tpu.memory_space<vmem>>, vector<1x16xi32>,
    %get3A_773 = vector.shape_cast %get3A_772 : vector<1x16xi32> to vector<16xi32>
    %add3A_774 = vector.broadcast %mul3A_9 : i32 to vector<16xi32>
    %add3A_775 = arith.addi %get3A_773, %add3A_774 : vector<16xi32>
    %swap3A_776 = arith.constant 4 : i32
    %swap3A_777 = arith.index_cast %swap3A_776 : i32 to index
    %swap3A_778 = arith.constant 64 : index
    %swap3A_779 = tpu.vector_load %arg11[%swap3A_777, %swap3A_778] {strides = array<i32>} : memref<8x80xi32, #tpu.memory_space<vmem>>, vector<1x16xi32>,
    %swap3A_780 = vector.shape_cast %swap3A_779 : vector<1x16xi32> to vector<16xi32>
    %swap3A_781 = vector.shape_cast %add3A_775 : vector<16xi32> to vector<1x16xi32>
    tpu.vector_store %arg11[%swap3A_777, %swap3A_778], %swap3A_781 {strides = array<i32>} : memref<8x80xi32, #tpu.memory_space<vmem>>, vector<1x16xi32>,
    %get3A_782 = arith.constant 4 : i32
    %get3A_783 = arith.index_cast %get3A_782 : i32 to index
    %get3A_784 = arith.constant 64 : index
    %get3A_785 = tpu.vector_load %arg10[%get3A_783, %get3A_784] {strides = array<i32>} : memref<8x80xi32, #tpu.memory_space<vmem>>, vector<1x16xi32>,
    %get3A_786 = vector.shape_cast %get3A_785 : vector<1x16xi32> to vector<16xi32>
    %add3A_787 = vector.broadcast %mul3A_9 : i32 to vector<16xi32>
    %add3A_788 = arith.addi %get3A_786, %add3A_787 : vector<16xi32>
    %swap3A_789 = arith.constant 4 : i32
    %swap3A_790 = arith.index_cast %swap3A_789 : i32 to index
    %swap3A_791 = arith.constant 64 : index
    %swap3A_792 = tpu.vector_load %arg12[%swap3A_790, %swap3A_791] {strides = array<i32>} : memref<8x80xi32, #tpu.memory_space<vmem>>, vector<1x16xi32>,
    %swap3A_793 = vector.shape_cast %swap3A_792 : vector<1x16xi32> to vector<16xi32>
    %swap3A_794 = vector.shape_cast %add3A_788 : vector<16xi32> to vector<1x16xi32>
    tpu.vector_store %arg12[%swap3A_790, %swap3A_791], %swap3A_794 {strides = array<i32>} : memref<8x80xi32, #tpu.memory_space<vmem>>, vector<1x16xi32>,
    %dma_start3A_795 = arith.constant 4 : i32
    %dma_start3A_796 = arith.constant 4 : i32
    %dma_start3A_797 = arith.constant 4 : i32
    %dma_start3A_798 = arith.constant 0 : i32
    %dma_start3A_799 = arith.constant 0 : i32
    %dma_start3A_800 = tpu.memref_slice %arg13[%dma_start3A_796, %dma_start3A_798, %dma_start3A_799] : memref<8x80x16xf32, #tpu.memory_space<vmem>> -> memref<1x80x16xf32, #tpu.memory_space<vmem>>
    %dma_start3A_801 = tpu.memref_squeeze %dma_start3A_800 : memref<1x80x16xf32, #tpu.memory_space<vmem>> -> memref<80x16xf32, #tpu.memory_space<vmem>>
    %dma_start3A_802 = arith.constant 0 : i32
    %dma_start3A_803 = tpu.memref_slice %arg12[%dma_start3A_795, %dma_start3A_802] : memref<8x80xi32, #tpu.memory_space<vmem>> -> memref<1x80xi32, #tpu.memory_space<vmem>>
    %dma_start3A_804 = tpu.memref_squeeze %dma_start3A_803 : memref<1x80xi32, #tpu.memory_space<vmem>> -> memref<80xi32, #tpu.memory_space<vmem>>
    %dma_start3A_805 = arith.constant 0 : i32
    %dma_start3A_806 = arith.constant 0 : i32
    %dma_start3A_807 = tpu.memref_slice %arg3[%dma_start3A_805, %dma_start3A_806] : memref<20000x16xf32, #tpu.memory_space<hbm>> -> memref<20000x16xf32, #tpu.memory_space<hbm>>
    %dma_start3A_808 = tpu.memref_slice %arg18[%dma_start3A_797] : memref<8x!tpu.dma_semaphore, #tpu.memory_space<semaphore_mem>> -> memref<1x!tpu.dma_semaphore, #tpu.memory_space<semaphore_mem>>
    %dma_start3A_809 = tpu.memref_squeeze %dma_start3A_808 : memref<1x!tpu.dma_semaphore, #tpu.memory_space<semaphore_mem>> -> memref<!tpu.dma_semaphore, #tpu.memory_space<semaphore_mem>>
    tpu.enqueue_indirect_dma source(%dma_start3A_807 : memref<20000x16xf32, #tpu.memory_space<hbm>>) target(%dma_start3A_801 : memref<80x16xf32, #tpu.memory_space<vmem>>) offsets(%dma_start3A_804 : memref<80xi32, #tpu.memory_space<vmem>>) semaphore(%dma_start3A_809 : memref<!tpu.dma_semaphore, #tpu.memory_space<semaphore_mem>>)
    %dma_start3A_810 = arith.constant 4 : i32
    %dma_start3A_811 = arith.constant 4 : i32
    %dma_start3A_812 = arith.constant 4 : i32
    %dma_start3A_813 = arith.constant 0 : i32
    %dma_start3A_814 = arith.constant 0 : i32
    %dma_start3A_815 = tpu.memref_slice %arg14[%dma_start3A_811, %dma_start3A_813, %dma_start3A_814] : memref<8x80x80xf32, #tpu.memory_space<vmem>> -> memref<1x80x80xf32, #tpu.memory_space<vmem>>
    %dma_start3A_816 = tpu.memref_squeeze %dma_start3A_815 : memref<1x80x80xf32, #tpu.memory_space<vmem>> -> memref<80x80xf32, #tpu.memory_space<vmem>>
    %dma_start3A_817 = arith.constant 0 : i32
    %dma_start3A_818 = tpu.memref_slice %arg11[%dma_start3A_810, %dma_start3A_817] : memref<8x80xi32, #tpu.memory_space<vmem>> -> memref<1x80xi32, #tpu.memory_space<vmem>>
    %dma_start3A_819 = tpu.memref_squeeze %dma_start3A_818 : memref<1x80xi32, #tpu.memory_space<vmem>> -> memref<80xi32, #tpu.memory_space<vmem>>
    %dma_start3A_820 = arith.constant 0 : i32
    %dma_start3A_821 = arith.constant 0 : i32
    %dma_start3A_822 = tpu.memref_slice %arg2[%dma_start3A_820, %dma_start3A_821] : memref<20000x80xf32, #tpu.memory_space<hbm>> -> memref<20000x80xf32, #tpu.memory_space<hbm>>
    %dma_start3A_823 = tpu.memref_slice %arg18[%dma_start3A_812] : memref<8x!tpu.dma_semaphore, #tpu.memory_space<semaphore_mem>> -> memref<1x!tpu.dma_semaphore, #tpu.memory_space<semaphore_mem>>
    %dma_start3A_824 = tpu.memref_squeeze %dma_start3A_823 : memref<1x!tpu.dma_semaphore, #tpu.memory_space<semaphore_mem>> -> memref<!tpu.dma_semaphore, #tpu.memory_space<semaphore_mem>>
    tpu.enqueue_indirect_dma source(%dma_start3A_822 : memref<20000x80xf32, #tpu.memory_space<hbm>>) target(%dma_start3A_816 : memref<80x80xf32, #tpu.memory_space<vmem>>) offsets(%dma_start3A_819 : memref<80xi32, #tpu.memory_space<vmem>>) semaphore(%dma_start3A_824 : memref<!tpu.dma_semaphore, #tpu.memory_space<semaphore_mem>>)
    %add3A_825 = arith.constant 400 : i32
    %add3A_826 = arith.addi %mul3A_7, %add3A_825 : i32
    %run_scoped3A_827 = arith.constant 5 : i32
    "tpu.region"() ({
      %run_scoped3A_1121 = tpu.sem_alloc : memref<!tpu.dma_semaphore, #tpu.memory_space<semaphore_mem>>
      %dma_start3A_1122 = arith.constant 0 : i32
      %dma_start3A_1123 = tpu.memref_slice %arg11[%run_scoped3A_827, %dma_start3A_1122] : memref<8x80xi32, #tpu.memory_space<vmem>> -> memref<1x80xi32, #tpu.memory_space<vmem>>
      %dma_start3A_1124 = tpu.memref_squeeze %dma_start3A_1123 : memref<1x80xi32, #tpu.memory_space<vmem>> -> memref<80xi32, #tpu.memory_space<vmem>>
      %dma_start3A_1125 = tpu.memref_slice %arg4[%add3A_826] : memref<320000xi32, #tpu.memory_space<hbm>> -> memref<80xi32, #tpu.memory_space<hbm>>
      %dma_start3A_1126 = arith.constant 0 : i32
      %dma_start3A_1127 = tpu.memref_slice %arg11[%run_scoped3A_827, %dma_start3A_1126] : memref<8x80xi32, #tpu.memory_space<vmem>> -> memref<1x80xi32, #tpu.memory_space<vmem>>
      %dma_start3A_1128 = tpu.memref_squeeze %dma_start3A_1127 : memref<1x80xi32, #tpu.memory_space<vmem>> -> memref<80xi32, #tpu.memory_space<vmem>>
      %dma_start3A_1129 = tpu.memref_slice %arg4[%add3A_826] : memref<320000xi32, #tpu.memory_space<hbm>> -> memref<80xi32, #tpu.memory_space<hbm>>
      tpu.enqueue_dma source(%dma_start3A_1129 : memref<80xi32, #tpu.memory_space<hbm>>) target(%dma_start3A_1128 : memref<80xi32, #tpu.memory_space<vmem>>) target_semaphore(%run_scoped3A_1121 : memref<!tpu.dma_semaphore, #tpu.memory_space<semaphore_mem>>)
      %dma_wait3A_1130 = arith.constant 0 : i32
      %dma_wait3A_1131 = tpu.memref_slice %arg11[%run_scoped3A_827, %dma_wait3A_1130] : memref<8x80xi32, #tpu.memory_space<vmem>> -> memref<1x80xi32, #tpu.memory_space<vmem>>
      %dma_wait3A_1132 = tpu.memref_squeeze %dma_wait3A_1131 : memref<1x80xi32, #tpu.memory_space<vmem>> -> memref<80xi32, #tpu.memory_space<vmem>>
      %dma_wait3A_1133 = tpu.memref_slice %arg4[%add3A_826] : memref<320000xi32, #tpu.memory_space<hbm>> -> memref<80xi32, #tpu.memory_space<hbm>>
      %dma_wait3A_1134 = arith.constant 0 : i32
      %dma_wait3A_1135 = tpu.memref_slice %arg11[%run_scoped3A_827, %dma_wait3A_1134] : memref<8x80xi32, #tpu.memory_space<vmem>> -> memref<1x80xi32, #tpu.memory_space<vmem>>
      %dma_wait3A_1136 = tpu.memref_squeeze %dma_wait3A_1135 : memref<1x80xi32, #tpu.memory_space<vmem>> -> memref<80xi32, #tpu.memory_space<vmem>>
      %dma_wait3A_1137 = tpu.memref_slice %arg4[%add3A_826] : memref<320000xi32, #tpu.memory_space<hbm>> -> memref<80xi32, #tpu.memory_space<hbm>>
      tpu.wait_dma2 semaphore(%run_scoped3A_1121 : memref<!tpu.dma_semaphore, #tpu.memory_space<semaphore_mem>>) src(%dma_wait3A_1137 : memref<80xi32, #tpu.memory_space<hbm>>) dst(%dma_wait3A_1136 : memref<80xi32, #tpu.memory_space<vmem>>)
      tpu.yield
    }) : () -> ()
    %run_scoped3A_828 = arith.constant 5 : i32
    "tpu.region"() ({
      %run_scoped3A_1121 = tpu.sem_alloc : memref<!tpu.dma_semaphore, #tpu.memory_space<semaphore_mem>>
      %dma_start3A_1122 = arith.constant 0 : i32
      %dma_start3A_1123 = tpu.memref_slice %arg10[%run_scoped3A_828, %dma_start3A_1122] : memref<8x80xi32, #tpu.memory_space<vmem>> -> memref<1x80xi32, #tpu.memory_space<vmem>>
      %dma_start3A_1124 = tpu.memref_squeeze %dma_start3A_1123 : memref<1x80xi32, #tpu.memory_space<vmem>> -> memref<80xi32, #tpu.memory_space<vmem>>
      %dma_start3A_1125 = tpu.memref_slice %arg5[%add3A_826] : memref<320000xi32, #tpu.memory_space<hbm>> -> memref<80xi32, #tpu.memory_space<hbm>>
      %dma_start3A_1126 = arith.constant 0 : i32
      %dma_start3A_1127 = tpu.memref_slice %arg10[%run_scoped3A_828, %dma_start3A_1126] : memref<8x80xi32, #tpu.memory_space<vmem>> -> memref<1x80xi32, #tpu.memory_space<vmem>>
      %dma_start3A_1128 = tpu.memref_squeeze %dma_start3A_1127 : memref<1x80xi32, #tpu.memory_space<vmem>> -> memref<80xi32, #tpu.memory_space<vmem>>
      %dma_start3A_1129 = tpu.memref_slice %arg5[%add3A_826] : memref<320000xi32, #tpu.memory_space<hbm>> -> memref<80xi32, #tpu.memory_space<hbm>>
      tpu.enqueue_dma source(%dma_start3A_1129 : memref<80xi32, #tpu.memory_space<hbm>>) target(%dma_start3A_1128 : memref<80xi32, #tpu.memory_space<vmem>>) target_semaphore(%run_scoped3A_1121 : memref<!tpu.dma_semaphore, #tpu.memory_space<semaphore_mem>>)
      %dma_wait3A_1130 = arith.constant 0 : i32
      %dma_wait3A_1131 = tpu.memref_slice %arg10[%run_scoped3A_828, %dma_wait3A_1130] : memref<8x80xi32, #tpu.memory_space<vmem>> -> memref<1x80xi32, #tpu.memory_space<vmem>>
      %dma_wait3A_1132 = tpu.memref_squeeze %dma_wait3A_1131 : memref<1x80xi32, #tpu.memory_space<vmem>> -> memref<80xi32, #tpu.memory_space<vmem>>
      %dma_wait3A_1133 = tpu.memref_slice %arg5[%add3A_826] : memref<320000xi32, #tpu.memory_space<hbm>> -> memref<80xi32, #tpu.memory_space<hbm>>
      %dma_wait3A_1134 = arith.constant 0 : i32
      %dma_wait3A_1135 = tpu.memref_slice %arg10[%run_scoped3A_828, %dma_wait3A_1134] : memref<8x80xi32, #tpu.memory_space<vmem>> -> memref<1x80xi32, #tpu.memory_space<vmem>>
      %dma_wait3A_1136 = tpu.memref_squeeze %dma_wait3A_1135 : memref<1x80xi32, #tpu.memory_space<vmem>> -> memref<80xi32, #tpu.memory_space<vmem>>
      %dma_wait3A_1137 = tpu.memref_slice %arg5[%add3A_826] : memref<320000xi32, #tpu.memory_space<hbm>> -> memref<80xi32, #tpu.memory_space<hbm>>
      tpu.wait_dma2 semaphore(%run_scoped3A_1121 : memref<!tpu.dma_semaphore, #tpu.memory_space<semaphore_mem>>) src(%dma_wait3A_1137 : memref<80xi32, #tpu.memory_space<hbm>>) dst(%dma_wait3A_1136 : memref<80xi32, #tpu.memory_space<vmem>>)
      tpu.yield
    }) : () -> ()
    %get3A_829 = arith.constant 5 : i32
    %get3A_830 = arith.index_cast %get3A_829 : i32 to index
    %get3A_831 = arith.constant 0 : index
    %get3A_832 = tpu.vector_load %arg11[%get3A_830, %get3A_831] {strides = array<i32>} : memref<8x80xi32, #tpu.memory_space<vmem>>, vector<1x16xi32>,
    %get3A_833 = vector.shape_cast %get3A_832 : vector<1x16xi32> to vector<16xi32>
    %add3A_834 = vector.broadcast %mul3A_9 : i32 to vector<16xi32>
    %add3A_835 = arith.addi %get3A_833, %add3A_834 : vector<16xi32>
    %swap3A_836 = arith.constant 5 : i32
    %swap3A_837 = arith.index_cast %swap3A_836 : i32 to index
    %swap3A_838 = arith.constant 0 : index
    %swap3A_839 = tpu.vector_load %arg11[%swap3A_837, %swap3A_838] {strides = array<i32>} : memref<8x80xi32, #tpu.memory_space<vmem>>, vector<1x16xi32>,
    %swap3A_840 = vector.shape_cast %swap3A_839 : vector<1x16xi32> to vector<16xi32>
    %swap3A_841 = vector.shape_cast %add3A_835 : vector<16xi32> to vector<1x16xi32>
    tpu.vector_store %arg11[%swap3A_837, %swap3A_838], %swap3A_841 {strides = array<i32>} : memref<8x80xi32, #tpu.memory_space<vmem>>, vector<1x16xi32>,
    %get3A_842 = arith.constant 5 : i32
    %get3A_843 = arith.index_cast %get3A_842 : i32 to index
    %get3A_844 = arith.constant 0 : index
    %get3A_845 = tpu.vector_load %arg10[%get3A_843, %get3A_844] {strides = array<i32>} : memref<8x80xi32, #tpu.memory_space<vmem>>, vector<1x16xi32>,
    %get3A_846 = vector.shape_cast %get3A_845 : vector<1x16xi32> to vector<16xi32>
    %add3A_847 = vector.broadcast %mul3A_9 : i32 to vector<16xi32>
    %add3A_848 = arith.addi %get3A_846, %add3A_847 : vector<16xi32>
    %swap3A_849 = arith.constant 5 : i32
    %swap3A_850 = arith.index_cast %swap3A_849 : i32 to index
    %swap3A_851 = arith.constant 0 : index
    %swap3A_852 = tpu.vector_load %arg12[%swap3A_850, %swap3A_851] {strides = array<i32>} : memref<8x80xi32, #tpu.memory_space<vmem>>, vector<1x16xi32>,
    %swap3A_853 = vector.shape_cast %swap3A_852 : vector<1x16xi32> to vector<16xi32>
    %swap3A_854 = vector.shape_cast %add3A_848 : vector<16xi32> to vector<1x16xi32>
    tpu.vector_store %arg12[%swap3A_850, %swap3A_851], %swap3A_854 {strides = array<i32>} : memref<8x80xi32, #tpu.memory_space<vmem>>, vector<1x16xi32>,
    %get3A_855 = arith.constant 5 : i32
    %get3A_856 = arith.index_cast %get3A_855 : i32 to index
    %get3A_857 = arith.constant 16 : index
    %get3A_858 = tpu.vector_load %arg11[%get3A_856, %get3A_857] {strides = array<i32>} : memref<8x80xi32, #tpu.memory_space<vmem>>, vector<1x16xi32>,
    %get3A_859 = vector.shape_cast %get3A_858 : vector<1x16xi32> to vector<16xi32>
    %add3A_860 = vector.broadcast %mul3A_9 : i32 to vector<16xi32>
    %add3A_861 = arith.addi %get3A_859, %add3A_860 : vector<16xi32>
    %swap3A_862 = arith.constant 5 : i32
    %swap3A_863 = arith.index_cast %swap3A_862 : i32 to index
    %swap3A_864 = arith.constant 16 : index
    %swap3A_865 = tpu.vector_load %arg11[%swap3A_863, %swap3A_864] {strides = array<i32>} : memref<8x80xi32, #tpu.memory_space<vmem>>, vector<1x16xi32>,
    %swap3A_866 = vector.shape_cast %swap3A_865 : vector<1x16xi32> to vector<16xi32>
    %swap3A_867 = vector.shape_cast %add3A_861 : vector<16xi32> to vector<1x16xi32>
    tpu.vector_store %arg11[%swap3A_863, %swap3A_864], %swap3A_867 {strides = array<i32>} : memref<8x80xi32, #tpu.memory_space<vmem>>, vector<1x16xi32>,
    %get3A_868 = arith.constant 5 : i32
    %get3A_869 = arith.index_cast %get3A_868 : i32 to index
    %get3A_870 = arith.constant 16 : index
    %get3A_871 = tpu.vector_load %arg10[%get3A_869, %get3A_870] {strides = array<i32>} : memref<8x80xi32, #tpu.memory_space<vmem>>, vector<1x16xi32>,
    %get3A_872 = vector.shape_cast %get3A_871 : vector<1x16xi32> to vector<16xi32>
    %add3A_873 = vector.broadcast %mul3A_9 : i32 to vector<16xi32>
    %add3A_874 = arith.addi %get3A_872, %add3A_873 : vector<16xi32>
    %swap3A_875 = arith.constant 5 : i32
    %swap3A_876 = arith.index_cast %swap3A_875 : i32 to index
    %swap3A_877 = arith.constant 16 : index
    %swap3A_878 = tpu.vector_load %arg12[%swap3A_876, %swap3A_877] {strides = array<i32>} : memref<8x80xi32, #tpu.memory_space<vmem>>, vector<1x16xi32>,
    %swap3A_879 = vector.shape_cast %swap3A_878 : vector<1x16xi32> to vector<16xi32>
    %swap3A_880 = vector.shape_cast %add3A_874 : vector<16xi32> to vector<1x16xi32>
    tpu.vector_store %arg12[%swap3A_876, %swap3A_877], %swap3A_880 {strides = array<i32>} : memref<8x80xi32, #tpu.memory_space<vmem>>, vector<1x16xi32>,
    %get3A_881 = arith.constant 5 : i32
    %get3A_882 = arith.index_cast %get3A_881 : i32 to index
    %get3A_883 = arith.constant 32 : index
    %get3A_884 = tpu.vector_load %arg11[%get3A_882, %get3A_883] {strides = array<i32>} : memref<8x80xi32, #tpu.memory_space<vmem>>, vector<1x16xi32>,
    %get3A_885 = vector.shape_cast %get3A_884 : vector<1x16xi32> to vector<16xi32>
    %add3A_886 = vector.broadcast %mul3A_9 : i32 to vector<16xi32>
    %add3A_887 = arith.addi %get3A_885, %add3A_886 : vector<16xi32>
    %swap3A_888 = arith.constant 5 : i32
    %swap3A_889 = arith.index_cast %swap3A_888 : i32 to index
    %swap3A_890 = arith.constant 32 : index
    %swap3A_891 = tpu.vector_load %arg11[%swap3A_889, %swap3A_890] {strides = array<i32>} : memref<8x80xi32, #tpu.memory_space<vmem>>, vector<1x16xi32>,
    %swap3A_892 = vector.shape_cast %swap3A_891 : vector<1x16xi32> to vector<16xi32>
    %swap3A_893 = vector.shape_cast %add3A_887 : vector<16xi32> to vector<1x16xi32>
    tpu.vector_store %arg11[%swap3A_889, %swap3A_890], %swap3A_893 {strides = array<i32>} : memref<8x80xi32, #tpu.memory_space<vmem>>, vector<1x16xi32>,
    %get3A_894 = arith.constant 5 : i32
    %get3A_895 = arith.index_cast %get3A_894 : i32 to index
    %get3A_896 = arith.constant 32 : index
    %get3A_897 = tpu.vector_load %arg10[%get3A_895, %get3A_896] {strides = array<i32>} : memref<8x80xi32, #tpu.memory_space<vmem>>, vector<1x16xi32>,
    %get3A_898 = vector.shape_cast %get3A_897 : vector<1x16xi32> to vector<16xi32>
    %add3A_899 = vector.broadcast %mul3A_9 : i32 to vector<16xi32>
    %add3A_900 = arith.addi %get3A_898, %add3A_899 : vector<16xi32>
    %swap3A_901 = arith.constant 5 : i32
    %swap3A_902 = arith.index_cast %swap3A_901 : i32 to index
    %swap3A_903 = arith.constant 32 : index
    %swap3A_904 = tpu.vector_load %arg12[%swap3A_902, %swap3A_903] {strides = array<i32>} : memref<8x80xi32, #tpu.memory_space<vmem>>, vector<1x16xi32>,
    %swap3A_905 = vector.shape_cast %swap3A_904 : vector<1x16xi32> to vector<16xi32>
    %swap3A_906 = vector.shape_cast %add3A_900 : vector<16xi32> to vector<1x16xi32>
    tpu.vector_store %arg12[%swap3A_902, %swap3A_903], %swap3A_906 {strides = array<i32>} : memref<8x80xi32, #tpu.memory_space<vmem>>, vector<1x16xi32>,
    %get3A_907 = arith.constant 5 : i32
    %get3A_908 = arith.index_cast %get3A_907 : i32 to index
    %get3A_909 = arith.constant 48 : index
    %get3A_910 = tpu.vector_load %arg11[%get3A_908, %get3A_909] {strides = array<i32>} : memref<8x80xi32, #tpu.memory_space<vmem>>, vector<1x16xi32>,
    %get3A_911 = vector.shape_cast %get3A_910 : vector<1x16xi32> to vector<16xi32>
    %add3A_912 = vector.broadcast %mul3A_9 : i32 to vector<16xi32>
    %add3A_913 = arith.addi %get3A_911, %add3A_912 : vector<16xi32>
    %swap3A_914 = arith.constant 5 : i32
    %swap3A_915 = arith.index_cast %swap3A_914 : i32 to index
    %swap3A_916 = arith.constant 48 : index
    %swap3A_917 = tpu.vector_load %arg11[%swap3A_915, %swap3A_916] {strides = array<i32>} : memref<8x80xi32, #tpu.memory_space<vmem>>, vector<1x16xi32>,
    %swap3A_918 = vector.shape_cast %swap3A_917 : vector<1x16xi32> to vector<16xi32>
    %swap3A_919 = vector.shape_cast %add3A_913 : vector<16xi32> to vector<1x16xi32>
    tpu.vector_store %arg11[%swap3A_915, %swap3A_916], %swap3A_919 {strides = array<i32>} : memref<8x80xi32, #tpu.memory_space<vmem>>, vector<1x16xi32>,
    %get3A_920 = arith.constant 5 : i32
    %get3A_921 = arith.index_cast %get3A_920 : i32 to index
    %get3A_922 = arith.constant 48 : index
    %get3A_923 = tpu.vector_load %arg10[%get3A_921, %get3A_922] {strides = array<i32>} : memref<8x80xi32, #tpu.memory_space<vmem>>, vector<1x16xi32>,
    %get3A_924 = vector.shape_cast %get3A_923 : vector<1x16xi32> to vector<16xi32>
    %add3A_925 = vector.broadcast %mul3A_9 : i32 to vector<16xi32>
    %add3A_926 = arith.addi %get3A_924, %add3A_925 : vector<16xi32>
    %swap3A_927 = arith.constant 5 : i32
    %swap3A_928 = arith.index_cast %swap3A_927 : i32 to index
    %swap3A_929 = arith.constant 48 : index
    %swap3A_930 = tpu.vector_load %arg12[%swap3A_928, %swap3A_929] {strides = array<i32>} : memref<8x80xi32, #tpu.memory_space<vmem>>, vector<1x16xi32>,
    %swap3A_931 = vector.shape_cast %swap3A_930 : vector<1x16xi32> to vector<16xi32>
    %swap3A_932 = vector.shape_cast %add3A_926 : vector<16xi32> to vector<1x16xi32>
    tpu.vector_store %arg12[%swap3A_928, %swap3A_929], %swap3A_932 {strides = array<i32>} : memref<8x80xi32, #tpu.memory_space<vmem>>, vector<1x16xi32>,
    %get3A_933 = arith.constant 5 : i32
    %get3A_934 = arith.index_cast %get3A_933 : i32 to index
    %get3A_935 = arith.constant 64 : index
    %get3A_936 = tpu.vector_load %arg11[%get3A_934, %get3A_935] {strides = array<i32>} : memref<8x80xi32, #tpu.memory_space<vmem>>, vector<1x16xi32>,
    %get3A_937 = vector.shape_cast %get3A_936 : vector<1x16xi32> to vector<16xi32>
    %add3A_938 = vector.broadcast %mul3A_9 : i32 to vector<16xi32>
    %add3A_939 = arith.addi %get3A_937, %add3A_938 : vector<16xi32>
    %swap3A_940 = arith.constant 5 : i32
    %swap3A_941 = arith.index_cast %swap3A_940 : i32 to index
    %swap3A_942 = arith.constant 64 : index
    %swap3A_943 = tpu.vector_load %arg11[%swap3A_941, %swap3A_942] {strides = array<i32>} : memref<8x80xi32, #tpu.memory_space<vmem>>, vector<1x16xi32>,
    %swap3A_944 = vector.shape_cast %swap3A_943 : vector<1x16xi32> to vector<16xi32>
    %swap3A_945 = vector.shape_cast %add3A_939 : vector<16xi32> to vector<1x16xi32>
    tpu.vector_store %arg11[%swap3A_941, %swap3A_942], %swap3A_945 {strides = array<i32>} : memref<8x80xi32, #tpu.memory_space<vmem>>, vector<1x16xi32>,
    %get3A_946 = arith.constant 5 : i32
    %get3A_947 = arith.index_cast %get3A_946 : i32 to index
    %get3A_948 = arith.constant 64 : index
    %get3A_949 = tpu.vector_load %arg10[%get3A_947, %get3A_948] {strides = array<i32>} : memref<8x80xi32, #tpu.memory_space<vmem>>, vector<1x16xi32>,
    %get3A_950 = vector.shape_cast %get3A_949 : vector<1x16xi32> to vector<16xi32>
    %add3A_951 = vector.broadcast %mul3A_9 : i32 to vector<16xi32>
    %add3A_952 = arith.addi %get3A_950, %add3A_951 : vector<16xi32>
    %swap3A_953 = arith.constant 5 : i32
    %swap3A_954 = arith.index_cast %swap3A_953 : i32 to index
    %swap3A_955 = arith.constant 64 : index
    %swap3A_956 = tpu.vector_load %arg12[%swap3A_954, %swap3A_955] {strides = array<i32>} : memref<8x80xi32, #tpu.memory_space<vmem>>, vector<1x16xi32>,
    %swap3A_957 = vector.shape_cast %swap3A_956 : vector<1x16xi32> to vector<16xi32>
    %swap3A_958 = vector.shape_cast %add3A_952 : vector<16xi32> to vector<1x16xi32>
    tpu.vector_store %arg12[%swap3A_954, %swap3A_955], %swap3A_958 {strides = array<i32>} : memref<8x80xi32, #tpu.memory_space<vmem>>, vector<1x16xi32>,
    %dma_start3A_959 = arith.constant 5 : i32
    %dma_start3A_960 = arith.constant 5 : i32
    %dma_start3A_961 = arith.constant 5 : i32
    %dma_start3A_962 = arith.constant 0 : i32
    %dma_start3A_963 = arith.constant 0 : i32
    %dma_start3A_964 = tpu.memref_slice %arg13[%dma_start3A_960, %dma_start3A_962, %dma_start3A_963] : memref<8x80x16xf32, #tpu.memory_space<vmem>> -> memref<1x80x16xf32, #tpu.memory_space<vmem>>
    %dma_start3A_965 = tpu.memref_squeeze %dma_start3A_964 : memref<1x80x16xf32, #tpu.memory_space<vmem>> -> memref<80x16xf32, #tpu.memory_space<vmem>>
    %dma_start3A_966 = arith.constant 0 : i32
    %dma_start3A_967 = tpu.memref_slice %arg12[%dma_start3A_959, %dma_start3A_966] : memref<8x80xi32, #tpu.memory_space<vmem>> -> memref<1x80xi32, #tpu.memory_space<vmem>>
    %dma_start3A_968 = tpu.memref_squeeze %dma_start3A_967 : memref<1x80xi32, #tpu.memory_space<vmem>> -> memref<80xi32, #tpu.memory_space<vmem>>
    %dma_start3A_969 = arith.constant 0 : i32
    %dma_start3A_970 = arith.constant 0 : i32
    %dma_start3A_971 = tpu.memref_slice %arg3[%dma_start3A_969, %dma_start3A_970] : memref<20000x16xf32, #tpu.memory_space<hbm>> -> memref<20000x16xf32, #tpu.memory_space<hbm>>
    %dma_start3A_972 = tpu.memref_slice %arg18[%dma_start3A_961] : memref<8x!tpu.dma_semaphore, #tpu.memory_space<semaphore_mem>> -> memref<1x!tpu.dma_semaphore, #tpu.memory_space<semaphore_mem>>
    %dma_start3A_973 = tpu.memref_squeeze %dma_start3A_972 : memref<1x!tpu.dma_semaphore, #tpu.memory_space<semaphore_mem>> -> memref<!tpu.dma_semaphore, #tpu.memory_space<semaphore_mem>>
    tpu.enqueue_indirect_dma source(%dma_start3A_971 : memref<20000x16xf32, #tpu.memory_space<hbm>>) target(%dma_start3A_965 : memref<80x16xf32, #tpu.memory_space<vmem>>) offsets(%dma_start3A_968 : memref<80xi32, #tpu.memory_space<vmem>>) semaphore(%dma_start3A_973 : memref<!tpu.dma_semaphore, #tpu.memory_space<semaphore_mem>>)
    %dma_start3A_974 = arith.constant 5 : i32
    %dma_start3A_975 = arith.constant 5 : i32
    %dma_start3A_976 = arith.constant 5 : i32
    %dma_start3A_977 = arith.constant 0 : i32
    %dma_start3A_978 = arith.constant 0 : i32
    %dma_start3A_979 = tpu.memref_slice %arg14[%dma_start3A_975, %dma_start3A_977, %dma_start3A_978] : memref<8x80x80xf32, #tpu.memory_space<vmem>> -> memref<1x80x80xf32, #tpu.memory_space<vmem>>
    %dma_start3A_980 = tpu.memref_squeeze %dma_start3A_979 : memref<1x80x80xf32, #tpu.memory_space<vmem>> -> memref<80x80xf32, #tpu.memory_space<vmem>>
    %dma_start3A_981 = arith.constant 0 : i32
    %dma_start3A_982 = tpu.memref_slice %arg11[%dma_start3A_974, %dma_start3A_981] : memref<8x80xi32, #tpu.memory_space<vmem>> -> memref<1x80xi32, #tpu.memory_space<vmem>>
    %dma_start3A_983 = tpu.memref_squeeze %dma_start3A_982 : memref<1x80xi32, #tpu.memory_space<vmem>> -> memref<80xi32, #tpu.memory_space<vmem>>
    %dma_start3A_984 = arith.constant 0 : i32
    %dma_start3A_985 = arith.constant 0 : i32
    %dma_start3A_986 = tpu.memref_slice %arg2[%dma_start3A_984, %dma_start3A_985] : memref<20000x80xf32, #tpu.memory_space<hbm>> -> memref<20000x80xf32, #tpu.memory_space<hbm>>
    %dma_start3A_987 = tpu.memref_slice %arg18[%dma_start3A_976] : memref<8x!tpu.dma_semaphore, #tpu.memory_space<semaphore_mem>> -> memref<1x!tpu.dma_semaphore, #tpu.memory_space<semaphore_mem>>
    %dma_start3A_988 = tpu.memref_squeeze %dma_start3A_987 : memref<1x!tpu.dma_semaphore, #tpu.memory_space<semaphore_mem>> -> memref<!tpu.dma_semaphore, #tpu.memory_space<semaphore_mem>>
    tpu.enqueue_indirect_dma source(%dma_start3A_986 : memref<20000x80xf32, #tpu.memory_space<hbm>>) target(%dma_start3A_980 : memref<80x80xf32, #tpu.memory_space<vmem>>) offsets(%dma_start3A_983 : memref<80xi32, #tpu.memory_space<vmem>>) semaphore(%dma_start3A_988 : memref<!tpu.dma_semaphore, #tpu.memory_space<semaphore_mem>>)
    %scan3A_989 = arith.constant 0 : i32
    %scan3A_990 = arith.constant 0 : i32
    %scan3A_991 = arith.constant 250 : i32
    %scan3A_992 = arith.addi %scan3A_990, %scan3A_991 : i32
    %scan3A_993 = arith.constant 1 : i32
    scf.for %scan3A_1121 = %scan3A_990 to %scan3A_992 step %scan3A_993  : i32 {
      %rem3A = arith.constant 8 : i32
      %rem3A_1122 = arith.remsi %scan3A_1121, %rem3A : i32
      %add3A_1123 = arith.constant 6 : i32
      %add3A_1124 = arith.addi %scan3A_1121, %add3A_1123 : i32
      %rem3A_1125 = arith.constant 8 : i32
      %rem3A_1126 = arith.remsi %add3A_1124, %rem3A_1125 : i32
      %add3A_1127 = arith.constant 6 : i32
      %add3A_1128 = arith.addi %scan3A_1121, %add3A_1127 : i32
      %lt3A = arith.constant 250 : i32
      %lt3A_1129 = arith.cmpi slt, %add3A_1128, %lt3A : i32
      %convert_element_type3A = arith.extui %lt3A_1129 : i1 to i32
      %cond3A = arith.constant 0 : i32
      %cond3A_1130 = arith.cmpi ne, %convert_element_type3A, %cond3A : i32
      scf.if %cond3A_1130 {
        %add3A_1173 = arith.constant 6 : i32
        %add3A_1174 = arith.addi %scan3A_1121, %add3A_1173 : i32
        %ge3A = arith.constant 8 : i32
        %ge3A_1175 = arith.cmpi sge, %add3A_1174, %ge3A : i32
        %convert_element_type3A_1176 = arith.extui %ge3A_1175 : i1 to i32
        %cond3A_1177 = arith.constant 0 : i32
        %cond3A_1178 = arith.cmpi ne, %convert_element_type3A_1176, %cond3A_1177 : i32
        scf.if %cond3A_1178 {
          %dma_wait3A_1318 = arith.constant 0 : i32
          %dma_wait3A_1319 = arith.constant 0 : i32
          %dma_wait3A_1320 = tpu.memref_slice %arg14[%rem3A_1126, %dma_wait3A_1318, %dma_wait3A_1319] : memref<8x80x80xf32, #tpu.memory_space<vmem>> -> memref<1x80x80xf32, #tpu.memory_space<vmem>>
          %dma_wait3A_1321 = tpu.memref_squeeze %dma_wait3A_1320 : memref<1x80x80xf32, #tpu.memory_space<vmem>> -> memref<80x80xf32, #tpu.memory_space<vmem>>
          %dma_wait3A_1322 = arith.constant 0 : i32
          %dma_wait3A_1323 = tpu.memref_slice %arg10[%rem3A_1126, %dma_wait3A_1322] : memref<8x80xi32, #tpu.memory_space<vmem>> -> memref<1x80xi32, #tpu.memory_space<vmem>>
          %dma_wait3A_1324 = tpu.memref_squeeze %dma_wait3A_1323 : memref<1x80xi32, #tpu.memory_space<vmem>> -> memref<80xi32, #tpu.memory_space<vmem>>
          %dma_wait3A_1325 = arith.constant 0 : i32
          %dma_wait3A_1326 = arith.constant 0 : i32
          %dma_wait3A_1327 = tpu.memref_slice %arg9[%dma_wait3A_1325, %dma_wait3A_1326] : memref<10000x80xf32, #tpu.memory_space<vmem_shared>> -> memref<10000x80xf32, #tpu.memory_space<vmem_shared>>
          %dma_wait3A_1328 = tpu.memref_slice %arg19[%rem3A_1126] : memref<8x!tpu.dma_semaphore, #tpu.memory_space<semaphore_mem>> -> memref<1x!tpu.dma_semaphore, #tpu.memory_space<semaphore_mem>>
          %dma_wait3A_1329 = tpu.memref_squeeze %dma_wait3A_1328 : memref<1x!tpu.dma_semaphore, #tpu.memory_space<semaphore_mem>> -> memref<!tpu.dma_semaphore, #tpu.memory_space<semaphore_mem>>
          tpu.wait_indirect_dma semaphore(%dma_wait3A_1329 : memref<!tpu.dma_semaphore, #tpu.memory_space<semaphore_mem>>) src(%dma_wait3A_1321 : memref<80x80xf32, #tpu.memory_space<vmem>>) dst(%dma_wait3A_1327 : memref<10000x80xf32, #tpu.memory_space<vmem_shared>>)
        } else {
        }
        %add3A_1179 = arith.constant 6 : i32
        %add3A_1180 = arith.addi %scan3A_1121, %add3A_1179 : i32
        %mul3A_1181 = arith.constant 80 : i32
        %mul3A_1182 = arith.muli %add3A_1180, %mul3A_1181 : i32
        %add3A_1183 = arith.addi %mul3A_7, %mul3A_1182 : i32
        "tpu.region"() ({
          %run_scoped3A_1318 = tpu.sem_alloc : memref<!tpu.dma_semaphore, #tpu.memory_space<semaphore_mem>>
          %dma_start3A_1319 = arith.constant 0 : i32
          %dma_start3A_1320 = tpu.memref_slice %arg11[%rem3A_1126, %dma_start3A_1319] : memref<8x80xi32, #tpu.memory_space<vmem>> -> memref<1x80xi32, #tpu.memory_space<vmem>>
          %dma_start3A_1321 = tpu.memref_squeeze %dma_start3A_1320 : memref<1x80xi32, #tpu.memory_space<vmem>> -> memref<80xi32, #tpu.memory_space<vmem>>
          %dma_start3A_1322 = tpu.memref_slice %arg4[%add3A_1183] : memref<320000xi32, #tpu.memory_space<hbm>> -> memref<80xi32, #tpu.memory_space<hbm>>
          %dma_start3A_1323 = arith.constant 0 : i32
          %dma_start3A_1324 = tpu.memref_slice %arg11[%rem3A_1126, %dma_start3A_1323] : memref<8x80xi32, #tpu.memory_space<vmem>> -> memref<1x80xi32, #tpu.memory_space<vmem>>
          %dma_start3A_1325 = tpu.memref_squeeze %dma_start3A_1324 : memref<1x80xi32, #tpu.memory_space<vmem>> -> memref<80xi32, #tpu.memory_space<vmem>>
          %dma_start3A_1326 = tpu.memref_slice %arg4[%add3A_1183] : memref<320000xi32, #tpu.memory_space<hbm>> -> memref<80xi32, #tpu.memory_space<hbm>>
          tpu.enqueue_dma source(%dma_start3A_1326 : memref<80xi32, #tpu.memory_space<hbm>>) target(%dma_start3A_1325 : memref<80xi32, #tpu.memory_space<vmem>>) target_semaphore(%run_scoped3A_1318 : memref<!tpu.dma_semaphore, #tpu.memory_space<semaphore_mem>>)
          %dma_wait3A_1327 = arith.constant 0 : i32
          %dma_wait3A_1328 = tpu.memref_slice %arg11[%rem3A_1126, %dma_wait3A_1327] : memref<8x80xi32, #tpu.memory_space<vmem>> -> memref<1x80xi32, #tpu.memory_space<vmem>>
          %dma_wait3A_1329 = tpu.memref_squeeze %dma_wait3A_1328 : memref<1x80xi32, #tpu.memory_space<vmem>> -> memref<80xi32, #tpu.memory_space<vmem>>
          %dma_wait3A_1330 = tpu.memref_slice %arg4[%add3A_1183] : memref<320000xi32, #tpu.memory_space<hbm>> -> memref<80xi32, #tpu.memory_space<hbm>>
          %dma_wait3A_1331 = arith.constant 0 : i32
          %dma_wait3A_1332 = tpu.memref_slice %arg11[%rem3A_1126, %dma_wait3A_1331] : memref<8x80xi32, #tpu.memory_space<vmem>> -> memref<1x80xi32, #tpu.memory_space<vmem>>
          %dma_wait3A_1333 = tpu.memref_squeeze %dma_wait3A_1332 : memref<1x80xi32, #tpu.memory_space<vmem>> -> memref<80xi32, #tpu.memory_space<vmem>>
          %dma_wait3A_1334 = tpu.memref_slice %arg4[%add3A_1183] : memref<320000xi32, #tpu.memory_space<hbm>> -> memref<80xi32, #tpu.memory_space<hbm>>
          tpu.wait_dma2 semaphore(%run_scoped3A_1318 : memref<!tpu.dma_semaphore, #tpu.memory_space<semaphore_mem>>) src(%dma_wait3A_1334 : memref<80xi32, #tpu.memory_space<hbm>>) dst(%dma_wait3A_1333 : memref<80xi32, #tpu.memory_space<vmem>>)
          tpu.yield
        }) : () -> ()
        "tpu.region"() ({
          %run_scoped3A_1318 = tpu.sem_alloc : memref<!tpu.dma_semaphore, #tpu.memory_space<semaphore_mem>>
          %dma_start3A_1319 = arith.constant 0 : i32
          %dma_start3A_1320 = tpu.memref_slice %arg10[%rem3A_1126, %dma_start3A_1319] : memref<8x80xi32, #tpu.memory_space<vmem>> -> memref<1x80xi32, #tpu.memory_space<vmem>>
          %dma_start3A_1321 = tpu.memref_squeeze %dma_start3A_1320 : memref<1x80xi32, #tpu.memory_space<vmem>> -> memref<80xi32, #tpu.memory_space<vmem>>
          %dma_start3A_1322 = tpu.memref_slice %arg5[%add3A_1183] : memref<320000xi32, #tpu.memory_space<hbm>> -> memref<80xi32, #tpu.memory_space<hbm>>
          %dma_start3A_1323 = arith.constant 0 : i32
          %dma_start3A_1324 = tpu.memref_slice %arg10[%rem3A_1126, %dma_start3A_1323] : memref<8x80xi32, #tpu.memory_space<vmem>> -> memref<1x80xi32, #tpu.memory_space<vmem>>
          %dma_start3A_1325 = tpu.memref_squeeze %dma_start3A_1324 : memref<1x80xi32, #tpu.memory_space<vmem>> -> memref<80xi32, #tpu.memory_space<vmem>>
          %dma_start3A_1326 = tpu.memref_slice %arg5[%add3A_1183] : memref<320000xi32, #tpu.memory_space<hbm>> -> memref<80xi32, #tpu.memory_space<hbm>>
          tpu.enqueue_dma source(%dma_start3A_1326 : memref<80xi32, #tpu.memory_space<hbm>>) target(%dma_start3A_1325 : memref<80xi32, #tpu.memory_space<vmem>>) target_semaphore(%run_scoped3A_1318 : memref<!tpu.dma_semaphore, #tpu.memory_space<semaphore_mem>>)
          %dma_wait3A_1327 = arith.constant 0 : i32
          %dma_wait3A_1328 = tpu.memref_slice %arg10[%rem3A_1126, %dma_wait3A_1327] : memref<8x80xi32, #tpu.memory_space<vmem>> -> memref<1x80xi32, #tpu.memory_space<vmem>>
          %dma_wait3A_1329 = tpu.memref_squeeze %dma_wait3A_1328 : memref<1x80xi32, #tpu.memory_space<vmem>> -> memref<80xi32, #tpu.memory_space<vmem>>
          %dma_wait3A_1330 = tpu.memref_slice %arg5[%add3A_1183] : memref<320000xi32, #tpu.memory_space<hbm>> -> memref<80xi32, #tpu.memory_space<hbm>>
          %dma_wait3A_1331 = arith.constant 0 : i32
          %dma_wait3A_1332 = tpu.memref_slice %arg10[%rem3A_1126, %dma_wait3A_1331] : memref<8x80xi32, #tpu.memory_space<vmem>> -> memref<1x80xi32, #tpu.memory_space<vmem>>
          %dma_wait3A_1333 = tpu.memref_squeeze %dma_wait3A_1332 : memref<1x80xi32, #tpu.memory_space<vmem>> -> memref<80xi32, #tpu.memory_space<vmem>>
          %dma_wait3A_1334 = tpu.memref_slice %arg5[%add3A_1183] : memref<320000xi32, #tpu.memory_space<hbm>> -> memref<80xi32, #tpu.memory_space<hbm>>
          tpu.wait_dma2 semaphore(%run_scoped3A_1318 : memref<!tpu.dma_semaphore, #tpu.memory_space<semaphore_mem>>) src(%dma_wait3A_1334 : memref<80xi32, #tpu.memory_space<hbm>>) dst(%dma_wait3A_1333 : memref<80xi32, #tpu.memory_space<vmem>>)
          tpu.yield
        }) : () -> ()
        %get3A_1184 = arith.index_cast %rem3A_1126 : i32 to index
        %get3A_1185 = arith.constant 0 : index
        %get3A_1186 = tpu.vector_load %arg11[%get3A_1184, %get3A_1185] {strides = array<i32>} : memref<8x80xi32, #tpu.memory_space<vmem>>, vector<1x16xi32>,
        %get3A_1187 = vector.shape_cast %get3A_1186 : vector<1x16xi32> to vector<16xi32>
        %add3A_1188 = vector.broadcast %mul3A_9 : i32 to vector<16xi32>
        %add3A_1189 = arith.addi %get3A_1187, %add3A_1188 : vector<16xi32>
        %swap3A_1190 = arith.index_cast %rem3A_1126 : i32 to index
        %swap3A_1191 = arith.constant 0 : index
        %swap3A_1192 = tpu.vector_load %arg11[%swap3A_1190, %swap3A_1191] {strides = array<i32>} : memref<8x80xi32, #tpu.memory_space<vmem>>, vector<1x16xi32>,
        %swap3A_1193 = vector.shape_cast %swap3A_1192 : vector<1x16xi32> to vector<16xi32>
        %swap3A_1194 = vector.shape_cast %add3A_1189 : vector<16xi32> to vector<1x16xi32>
        tpu.vector_store %arg11[%swap3A_1190, %swap3A_1191], %swap3A_1194 {strides = array<i32>} : memref<8x80xi32, #tpu.memory_space<vmem>>, vector<1x16xi32>,
        %get3A_1195 = arith.index_cast %rem3A_1126 : i32 to index
        %get3A_1196 = arith.constant 0 : index
        %get3A_1197 = tpu.vector_load %arg10[%get3A_1195, %get3A_1196] {strides = array<i32>} : memref<8x80xi32, #tpu.memory_space<vmem>>, vector<1x16xi32>,
        %get3A_1198 = vector.shape_cast %get3A_1197 : vector<1x16xi32> to vector<16xi32>
        %add3A_1199 = vector.broadcast %mul3A_9 : i32 to vector<16xi32>
        %add3A_1200 = arith.addi %get3A_1198, %add3A_1199 : vector<16xi32>
        %swap3A_1201 = arith.index_cast %rem3A_1126 : i32 to index
        %swap3A_1202 = arith.constant 0 : index
        %swap3A_1203 = tpu.vector_load %arg12[%swap3A_1201, %swap3A_1202] {strides = array<i32>} : memref<8x80xi32, #tpu.memory_space<vmem>>, vector<1x16xi32>,
        %swap3A_1204 = vector.shape_cast %swap3A_1203 : vector<1x16xi32> to vector<16xi32>
        %swap3A_1205 = vector.shape_cast %add3A_1200 : vector<16xi32> to vector<1x16xi32>
        tpu.vector_store %arg12[%swap3A_1201, %swap3A_1202], %swap3A_1205 {strides = array<i32>} : memref<8x80xi32, #tpu.memory_space<vmem>>, vector<1x16xi32>,
        %get3A_1206 = arith.index_cast %rem3A_1126 : i32 to index
        %get3A_1207 = arith.constant 16 : index
        %get3A_1208 = tpu.vector_load %arg11[%get3A_1206, %get3A_1207] {strides = array<i32>} : memref<8x80xi32, #tpu.memory_space<vmem>>, vector<1x16xi32>,
        %get3A_1209 = vector.shape_cast %get3A_1208 : vector<1x16xi32> to vector<16xi32>
        %add3A_1210 = vector.broadcast %mul3A_9 : i32 to vector<16xi32>
        %add3A_1211 = arith.addi %get3A_1209, %add3A_1210 : vector<16xi32>
        %swap3A_1212 = arith.index_cast %rem3A_1126 : i32 to index
        %swap3A_1213 = arith.constant 16 : index
        %swap3A_1214 = tpu.vector_load %arg11[%swap3A_1212, %swap3A_1213] {strides = array<i32>} : memref<8x80xi32, #tpu.memory_space<vmem>>, vector<1x16xi32>,
        %swap3A_1215 = vector.shape_cast %swap3A_1214 : vector<1x16xi32> to vector<16xi32>
        %swap3A_1216 = vector.shape_cast %add3A_1211 : vector<16xi32> to vector<1x16xi32>
        tpu.vector_store %arg11[%swap3A_1212, %swap3A_1213], %swap3A_1216 {strides = array<i32>} : memref<8x80xi32, #tpu.memory_space<vmem>>, vector<1x16xi32>,
        %get3A_1217 = arith.index_cast %rem3A_1126 : i32 to index
        %get3A_1218 = arith.constant 16 : index
        %get3A_1219 = tpu.vector_load %arg10[%get3A_1217, %get3A_1218] {strides = array<i32>} : memref<8x80xi32, #tpu.memory_space<vmem>>, vector<1x16xi32>,
        %get3A_1220 = vector.shape_cast %get3A_1219 : vector<1x16xi32> to vector<16xi32>
        %add3A_1221 = vector.broadcast %mul3A_9 : i32 to vector<16xi32>
        %add3A_1222 = arith.addi %get3A_1220, %add3A_1221 : vector<16xi32>
        %swap3A_1223 = arith.index_cast %rem3A_1126 : i32 to index
        %swap3A_1224 = arith.constant 16 : index
        %swap3A_1225 = tpu.vector_load %arg12[%swap3A_1223, %swap3A_1224] {strides = array<i32>} : memref<8x80xi32, #tpu.memory_space<vmem>>, vector<1x16xi32>,
        %swap3A_1226 = vector.shape_cast %swap3A_1225 : vector<1x16xi32> to vector<16xi32>
        %swap3A_1227 = vector.shape_cast %add3A_1222 : vector<16xi32> to vector<1x16xi32>
        tpu.vector_store %arg12[%swap3A_1223, %swap3A_1224], %swap3A_1227 {strides = array<i32>} : memref<8x80xi32, #tpu.memory_space<vmem>>, vector<1x16xi32>,
        %get3A_1228 = arith.index_cast %rem3A_1126 : i32 to index
        %get3A_1229 = arith.constant 32 : index
        %get3A_1230 = tpu.vector_load %arg11[%get3A_1228, %get3A_1229] {strides = array<i32>} : memref<8x80xi32, #tpu.memory_space<vmem>>, vector<1x16xi32>,
        %get3A_1231 = vector.shape_cast %get3A_1230 : vector<1x16xi32> to vector<16xi32>
        %add3A_1232 = vector.broadcast %mul3A_9 : i32 to vector<16xi32>
        %add3A_1233 = arith.addi %get3A_1231, %add3A_1232 : vector<16xi32>
        %swap3A_1234 = arith.index_cast %rem3A_1126 : i32 to index
        %swap3A_1235 = arith.constant 32 : index
        %swap3A_1236 = tpu.vector_load %arg11[%swap3A_1234, %swap3A_1235] {strides = array<i32>} : memref<8x80xi32, #tpu.memory_space<vmem>>, vector<1x16xi32>,
        %swap3A_1237 = vector.shape_cast %swap3A_1236 : vector<1x16xi32> to vector<16xi32>
        %swap3A_1238 = vector.shape_cast %add3A_1233 : vector<16xi32> to vector<1x16xi32>
        tpu.vector_store %arg11[%swap3A_1234, %swap3A_1235], %swap3A_1238 {strides = array<i32>} : memref<8x80xi32, #tpu.memory_space<vmem>>, vector<1x16xi32>,
        %get3A_1239 = arith.index_cast %rem3A_1126 : i32 to index
        %get3A_1240 = arith.constant 32 : index
        %get3A_1241 = tpu.vector_load %arg10[%get3A_1239, %get3A_1240] {strides = array<i32>} : memref<8x80xi32, #tpu.memory_space<vmem>>, vector<1x16xi32>,
        %get3A_1242 = vector.shape_cast %get3A_1241 : vector<1x16xi32> to vector<16xi32>
        %add3A_1243 = vector.broadcast %mul3A_9 : i32 to vector<16xi32>
        %add3A_1244 = arith.addi %get3A_1242, %add3A_1243 : vector<16xi32>
        %swap3A_1245 = arith.index_cast %rem3A_1126 : i32 to index
        %swap3A_1246 = arith.constant 32 : index
        %swap3A_1247 = tpu.vector_load %arg12[%swap3A_1245, %swap3A_1246] {strides = array<i32>} : memref<8x80xi32, #tpu.memory_space<vmem>>, vector<1x16xi32>,
        %swap3A_1248 = vector.shape_cast %swap3A_1247 : vector<1x16xi32> to vector<16xi32>
        %swap3A_1249 = vector.shape_cast %add3A_1244 : vector<16xi32> to vector<1x16xi32>
        tpu.vector_store %arg12[%swap3A_1245, %swap3A_1246], %swap3A_1249 {strides = array<i32>} : memref<8x80xi32, #tpu.memory_space<vmem>>, vector<1x16xi32>,
        %get3A_1250 = arith.index_cast %rem3A_1126 : i32 to index
        %get3A_1251 = arith.constant 48 : index
        %get3A_1252 = tpu.vector_load %arg11[%get3A_1250, %get3A_1251] {strides = array<i32>} : memref<8x80xi32, #tpu.memory_space<vmem>>, vector<1x16xi32>,
        %get3A_1253 = vector.shape_cast %get3A_1252 : vector<1x16xi32> to vector<16xi32>
        %add3A_1254 = vector.broadcast %mul3A_9 : i32 to vector<16xi32>
        %add3A_1255 = arith.addi %get3A_1253, %add3A_1254 : vector<16xi32>
        %swap3A_1256 = arith.index_cast %rem3A_1126 : i32 to index
        %swap3A_1257 = arith.constant 48 : index
        %swap3A_1258 = tpu.vector_load %arg11[%swap3A_1256, %swap3A_1257] {strides = array<i32>} : memref<8x80xi32, #tpu.memory_space<vmem>>, vector<1x16xi32>,
        %swap3A_1259 = vector.shape_cast %swap3A_1258 : vector<1x16xi32> to vector<16xi32>
        %swap3A_1260 = vector.shape_cast %add3A_1255 : vector<16xi32> to vector<1x16xi32>
        tpu.vector_store %arg11[%swap3A_1256, %swap3A_1257], %swap3A_1260 {strides = array<i32>} : memref<8x80xi32, #tpu.memory_space<vmem>>, vector<1x16xi32>,
        %get3A_1261 = arith.index_cast %rem3A_1126 : i32 to index
        %get3A_1262 = arith.constant 48 : index
        %get3A_1263 = tpu.vector_load %arg10[%get3A_1261, %get3A_1262] {strides = array<i32>} : memref<8x80xi32, #tpu.memory_space<vmem>>, vector<1x16xi32>,
        %get3A_1264 = vector.shape_cast %get3A_1263 : vector<1x16xi32> to vector<16xi32>
        %add3A_1265 = vector.broadcast %mul3A_9 : i32 to vector<16xi32>
        %add3A_1266 = arith.addi %get3A_1264, %add3A_1265 : vector<16xi32>
        %swap3A_1267 = arith.index_cast %rem3A_1126 : i32 to index
        %swap3A_1268 = arith.constant 48 : index
        %swap3A_1269 = tpu.vector_load %arg12[%swap3A_1267, %swap3A_1268] {strides = array<i32>} : memref<8x80xi32, #tpu.memory_space<vmem>>, vector<1x16xi32>,
        %swap3A_1270 = vector.shape_cast %swap3A_1269 : vector<1x16xi32> to vector<16xi32>
        %swap3A_1271 = vector.shape_cast %add3A_1266 : vector<16xi32> to vector<1x16xi32>
        tpu.vector_store %arg12[%swap3A_1267, %swap3A_1268], %swap3A_1271 {strides = array<i32>} : memref<8x80xi32, #tpu.memory_space<vmem>>, vector<1x16xi32>,
        %get3A_1272 = arith.index_cast %rem3A_1126 : i32 to index
        %get3A_1273 = arith.constant 64 : index
        %get3A_1274 = tpu.vector_load %arg11[%get3A_1272, %get3A_1273] {strides = array<i32>} : memref<8x80xi32, #tpu.memory_space<vmem>>, vector<1x16xi32>,
        %get3A_1275 = vector.shape_cast %get3A_1274 : vector<1x16xi32> to vector<16xi32>
        %add3A_1276 = vector.broadcast %mul3A_9 : i32 to vector<16xi32>
        %add3A_1277 = arith.addi %get3A_1275, %add3A_1276 : vector<16xi32>
        %swap3A_1278 = arith.index_cast %rem3A_1126 : i32 to index
        %swap3A_1279 = arith.constant 64 : index
        %swap3A_1280 = tpu.vector_load %arg11[%swap3A_1278, %swap3A_1279] {strides = array<i32>} : memref<8x80xi32, #tpu.memory_space<vmem>>, vector<1x16xi32>,
        %swap3A_1281 = vector.shape_cast %swap3A_1280 : vector<1x16xi32> to vector<16xi32>
        %swap3A_1282 = vector.shape_cast %add3A_1277 : vector<16xi32> to vector<1x16xi32>
        tpu.vector_store %arg11[%swap3A_1278, %swap3A_1279], %swap3A_1282 {strides = array<i32>} : memref<8x80xi32, #tpu.memory_space<vmem>>, vector<1x16xi32>,
        %get3A_1283 = arith.index_cast %rem3A_1126 : i32 to index
        %get3A_1284 = arith.constant 64 : index
        %get3A_1285 = tpu.vector_load %arg10[%get3A_1283, %get3A_1284] {strides = array<i32>} : memref<8x80xi32, #tpu.memory_space<vmem>>, vector<1x16xi32>,
        %get3A_1286 = vector.shape_cast %get3A_1285 : vector<1x16xi32> to vector<16xi32>
        %add3A_1287 = vector.broadcast %mul3A_9 : i32 to vector<16xi32>
        %add3A_1288 = arith.addi %get3A_1286, %add3A_1287 : vector<16xi32>
        %swap3A_1289 = arith.index_cast %rem3A_1126 : i32 to index
        %swap3A_1290 = arith.constant 64 : index
        %swap3A_1291 = tpu.vector_load %arg12[%swap3A_1289, %swap3A_1290] {strides = array<i32>} : memref<8x80xi32, #tpu.memory_space<vmem>>, vector<1x16xi32>,
        %swap3A_1292 = vector.shape_cast %swap3A_1291 : vector<1x16xi32> to vector<16xi32>
        %swap3A_1293 = vector.shape_cast %add3A_1288 : vector<16xi32> to vector<1x16xi32>
        tpu.vector_store %arg12[%swap3A_1289, %swap3A_1290], %swap3A_1293 {strides = array<i32>} : memref<8x80xi32, #tpu.memory_space<vmem>>, vector<1x16xi32>,
        %dma_start3A_1294 = arith.constant 0 : i32
        %dma_start3A_1295 = arith.constant 0 : i32
        %dma_start3A_1296 = tpu.memref_slice %arg13[%rem3A_1126, %dma_start3A_1294, %dma_start3A_1295] : memref<8x80x16xf32, #tpu.memory_space<vmem>> -> memref<1x80x16xf32, #tpu.memory_space<vmem>>
        %dma_start3A_1297 = tpu.memref_squeeze %dma_start3A_1296 : memref<1x80x16xf32, #tpu.memory_space<vmem>> -> memref<80x16xf32, #tpu.memory_space<vmem>>
        %dma_start3A_1298 = arith.constant 0 : i32
        %dma_start3A_1299 = tpu.memref_slice %arg12[%rem3A_1126, %dma_start3A_1298] : memref<8x80xi32, #tpu.memory_space<vmem>> -> memref<1x80xi32, #tpu.memory_space<vmem>>
        %dma_start3A_1300 = tpu.memref_squeeze %dma_start3A_1299 : memref<1x80xi32, #tpu.memory_space<vmem>> -> memref<80xi32, #tpu.memory_space<vmem>>
        %dma_start3A_1301 = arith.constant 0 : i32
        %dma_start3A_1302 = arith.constant 0 : i32
        %dma_start3A_1303 = tpu.memref_slice %arg3[%dma_start3A_1301, %dma_start3A_1302] : memref<20000x16xf32, #tpu.memory_space<hbm>> -> memref<20000x16xf32, #tpu.memory_space<hbm>>
        %dma_start3A_1304 = tpu.memref_slice %arg18[%rem3A_1126] : memref<8x!tpu.dma_semaphore, #tpu.memory_space<semaphore_mem>> -> memref<1x!tpu.dma_semaphore, #tpu.memory_space<semaphore_mem>>
        %dma_start3A_1305 = tpu.memref_squeeze %dma_start3A_1304 : memref<1x!tpu.dma_semaphore, #tpu.memory_space<semaphore_mem>> -> memref<!tpu.dma_semaphore, #tpu.memory_space<semaphore_mem>>
        tpu.enqueue_indirect_dma source(%dma_start3A_1303 : memref<20000x16xf32, #tpu.memory_space<hbm>>) target(%dma_start3A_1297 : memref<80x16xf32, #tpu.memory_space<vmem>>) offsets(%dma_start3A_1300 : memref<80xi32, #tpu.memory_space<vmem>>) semaphore(%dma_start3A_1305 : memref<!tpu.dma_semaphore, #tpu.memory_space<semaphore_mem>>)
        %dma_start3A_1306 = arith.constant 0 : i32
        %dma_start3A_1307 = arith.constant 0 : i32
        %dma_start3A_1308 = tpu.memref_slice %arg14[%rem3A_1126, %dma_start3A_1306, %dma_start3A_1307] : memref<8x80x80xf32, #tpu.memory_space<vmem>> -> memref<1x80x80xf32, #tpu.memory_space<vmem>>
        %dma_start3A_1309 = tpu.memref_squeeze %dma_start3A_1308 : memref<1x80x80xf32, #tpu.memory_space<vmem>> -> memref<80x80xf32, #tpu.memory_space<vmem>>
        %dma_start3A_1310 = arith.constant 0 : i32
        %dma_start3A_1311 = tpu.memref_slice %arg11[%rem3A_1126, %dma_start3A_1310] : memref<8x80xi32, #tpu.memory_space<vmem>> -> memref<1x80xi32, #tpu.memory_space<vmem>>
        %dma_start3A_1312 = tpu.memref_squeeze %dma_start3A_1311 : memref<1x80xi32, #tpu.memory_space<vmem>> -> memref<80xi32, #tpu.memory_space<vmem>>
        %dma_start3A_1313 = arith.constant 0 : i32
        %dma_start3A_1314 = arith.constant 0 : i32
        %dma_start3A_1315 = tpu.memref_slice %arg2[%dma_start3A_1313, %dma_start3A_1314] : memref<20000x80xf32, #tpu.memory_space<hbm>> -> memref<20000x80xf32, #tpu.memory_space<hbm>>
        %dma_start3A_1316 = tpu.memref_slice %arg18[%rem3A_1126] : memref<8x!tpu.dma_semaphore, #tpu.memory_space<semaphore_mem>> -> memref<1x!tpu.dma_semaphore, #tpu.memory_space<semaphore_mem>>
        %dma_start3A_1317 = tpu.memref_squeeze %dma_start3A_1316 : memref<1x!tpu.dma_semaphore, #tpu.memory_space<semaphore_mem>> -> memref<!tpu.dma_semaphore, #tpu.memory_space<semaphore_mem>>
        tpu.enqueue_indirect_dma source(%dma_start3A_1315 : memref<20000x80xf32, #tpu.memory_space<hbm>>) target(%dma_start3A_1309 : memref<80x80xf32, #tpu.memory_space<vmem>>) offsets(%dma_start3A_1312 : memref<80xi32, #tpu.memory_space<vmem>>) semaphore(%dma_start3A_1317 : memref<!tpu.dma_semaphore, #tpu.memory_space<semaphore_mem>>)
      } else {
      }
      %dma_wait3A_1131 = arith.constant 0 : i32
      %dma_wait3A_1132 = arith.constant 0 : i32
      %dma_wait3A_1133 = tpu.memref_slice %arg13[%rem3A_1122, %dma_wait3A_1131, %dma_wait3A_1132] : memref<8x80x16xf32, #tpu.memory_space<vmem>> -> memref<1x80x16xf32, #tpu.memory_space<vmem>>
      %dma_wait3A_1134 = tpu.memref_squeeze %dma_wait3A_1133 : memref<1x80x16xf32, #tpu.memory_space<vmem>> -> memref<80x16xf32, #tpu.memory_space<vmem>>
      %dma_wait3A_1135 = arith.constant 0 : i32
      %dma_wait3A_1136 = tpu.memref_slice %arg12[%rem3A_1122, %dma_wait3A_1135] : memref<8x80xi32, #tpu.memory_space<vmem>> -> memref<1x80xi32, #tpu.memory_space<vmem>>
      %dma_wait3A_1137 = tpu.memref_squeeze %dma_wait3A_1136 : memref<1x80xi32, #tpu.memory_space<vmem>> -> memref<80xi32, #tpu.memory_space<vmem>>
      %dma_wait3A_1138 = arith.constant 0 : i32
      %dma_wait3A_1139 = arith.constant 0 : i32
      %dma_wait3A_1140 = tpu.memref_slice %arg3[%dma_wait3A_1138, %dma_wait3A_1139] : memref<20000x16xf32, #tpu.memory_space<hbm>> -> memref<20000x16xf32, #tpu.memory_space<hbm>>
      %dma_wait3A_1141 = tpu.memref_slice %arg18[%rem3A_1122] : memref<8x!tpu.dma_semaphore, #tpu.memory_space<semaphore_mem>> -> memref<1x!tpu.dma_semaphore, #tpu.memory_space<semaphore_mem>>
      %dma_wait3A_1142 = tpu.memref_squeeze %dma_wait3A_1141 : memref<1x!tpu.dma_semaphore, #tpu.memory_space<semaphore_mem>> -> memref<!tpu.dma_semaphore, #tpu.memory_space<semaphore_mem>>
      tpu.wait_indirect_dma semaphore(%dma_wait3A_1142 : memref<!tpu.dma_semaphore, #tpu.memory_space<semaphore_mem>>) src(%dma_wait3A_1140 : memref<20000x16xf32, #tpu.memory_space<hbm>>) dst(%dma_wait3A_1134 : memref<80x16xf32, #tpu.memory_space<vmem>>)
      %dma_wait3A_1143 = arith.constant 0 : i32
      %dma_wait3A_1144 = arith.constant 0 : i32
      %dma_wait3A_1145 = tpu.memref_slice %arg14[%rem3A_1122, %dma_wait3A_1143, %dma_wait3A_1144] : memref<8x80x80xf32, #tpu.memory_space<vmem>> -> memref<1x80x80xf32, #tpu.memory_space<vmem>>
      %dma_wait3A_1146 = tpu.memref_squeeze %dma_wait3A_1145 : memref<1x80x80xf32, #tpu.memory_space<vmem>> -> memref<80x80xf32, #tpu.memory_space<vmem>>
      %dma_wait3A_1147 = arith.constant 0 : i32
      %dma_wait3A_1148 = tpu.memref_slice %arg11[%rem3A_1122, %dma_wait3A_1147] : memref<8x80xi32, #tpu.memory_space<vmem>> -> memref<1x80xi32, #tpu.memory_space<vmem>>
      %dma_wait3A_1149 = tpu.memref_squeeze %dma_wait3A_1148 : memref<1x80xi32, #tpu.memory_space<vmem>> -> memref<80xi32, #tpu.memory_space<vmem>>
      %dma_wait3A_1150 = arith.constant 0 : i32
      %dma_wait3A_1151 = arith.constant 0 : i32
      %dma_wait3A_1152 = tpu.memref_slice %arg2[%dma_wait3A_1150, %dma_wait3A_1151] : memref<20000x80xf32, #tpu.memory_space<hbm>> -> memref<20000x80xf32, #tpu.memory_space<hbm>>
      %dma_wait3A_1153 = tpu.memref_slice %arg18[%rem3A_1122] : memref<8x!tpu.dma_semaphore, #tpu.memory_space<semaphore_mem>> -> memref<1x!tpu.dma_semaphore, #tpu.memory_space<semaphore_mem>>
      %dma_wait3A_1154 = tpu.memref_squeeze %dma_wait3A_1153 : memref<1x!tpu.dma_semaphore, #tpu.memory_space<semaphore_mem>> -> memref<!tpu.dma_semaphore, #tpu.memory_space<semaphore_mem>>
      tpu.wait_indirect_dma semaphore(%dma_wait3A_1154 : memref<!tpu.dma_semaphore, #tpu.memory_space<semaphore_mem>>) src(%dma_wait3A_1152 : memref<20000x80xf32, #tpu.memory_space<hbm>>) dst(%dma_wait3A_1146 : memref<80x80xf32, #tpu.memory_space<vmem>>)
      %scan3A_1155 = arith.constant 0 : i32
      %scan3A_1156 = arith.constant 0 : i32
      %scan3A_1157 = arith.constant 80 : i32
      %scan3A_1158 = arith.addi %scan3A_1156, %scan3A_1157 : i32
      %scan3A_1159 = arith.constant 8 : i32
      scf.for %scan3A_1173 = %scan3A_1156 to %scan3A_1158 step %scan3A_1159  : i32 {
        %get3A_1174 = arith.index_cast %rem3A_1122 : i32 to index
        %get3A_1175 = arith.index_cast %scan3A_1173 : i32 to index
        %get3A_1176 = arith.constant 0 : index
        %get3A_1177 = tpu.vector_load %arg14[%get3A_1174, %get3A_1175, %get3A_1176] {strides = array<i32>} : memref<8x80x80xf32, #tpu.memory_space<vmem>>, vector<1x1x16xf32>,
        %get3A_1178 = vector.shape_cast %get3A_1177 : vector<1x1x16xf32> to vector<16xf32>
        %get3A_1179 = arith.index_cast %rem3A_1122 : i32 to index
        %get3A_1180 = arith.index_cast %scan3A_1173 : i32 to index
        %get3A_1181 = arith.constant 0 : index
        %get3A_1182 = tpu.vector_load %arg13[%get3A_1179, %get3A_1180, %get3A_1181] {strides = array<i32>} : memref<8x80x16xf32, #tpu.memory_space<vmem>>, vector<1x1x16xf32>,
        %get3A_1183 = vector.shape_cast %get3A_1182 : vector<1x1x16xf32> to vector<16xf32>
        %add3A_1184 = arith.addf %get3A_1178, %get3A_1183 : vector<16xf32>
        %gt3A = arith.constant 0.000000e+00 : f32
        %gt3A_1185 = vector.broadcast %gt3A : f32 to vector<16xf32>
        %gt3A_1186 = arith.cmpf ogt, %add3A_1184, %gt3A_1185 : vector<16xf32>
        %mul3A_1187 = arith.constant 2.000000e-01 : f32
        %mul3A_1188 = vector.broadcast %mul3A_1187 : f32 to vector<16xf32>
        %mul3A_1189 = arith.mulf %mul3A_1188, %add3A_1184 : vector<16xf32>
        %select_n3A = arith.select %gt3A_1186, %add3A_1184, %mul3A_1189 : vector<16xi1>, vector<16xf32>
        %exp3A = math.exp %select_n3A : vector<16xf32>
        %swap3A_1190 = arith.index_cast %rem3A_1122 : i32 to index
        %swap3A_1191 = arith.index_cast %scan3A_1173 : i32 to index
        %swap3A_1192 = arith.constant 0 : index
        %swap3A_1193 = tpu.vector_load %arg14[%swap3A_1190, %swap3A_1191, %swap3A_1192] {strides = array<i32>} : memref<8x80x80xf32, #tpu.memory_space<vmem>>, vector<1x1x16xf32>,
        %swap3A_1194 = vector.shape_cast %swap3A_1193 : vector<1x1x16xf32> to vector<16xf32>
        %swap3A_1195 = vector.shape_cast %exp3A : vector<16xf32> to vector<1x1x16xf32>
        tpu.vector_store %arg14[%swap3A_1190, %swap3A_1191, %swap3A_1192], %swap3A_1195 {strides = array<i32>} : memref<8x80x80xf32, #tpu.memory_space<vmem>>, vector<1x1x16xf32>,
        %get3A_1196 = arith.index_cast %rem3A_1122 : i32 to index
        %get3A_1197 = arith.index_cast %scan3A_1173 : i32 to index
        %get3A_1198 = arith.constant 16 : index
        %get3A_1199 = tpu.vector_load %arg14[%get3A_1196, %get3A_1197, %get3A_1198] {strides = array<i32>} : memref<8x80x80xf32, #tpu.memory_space<vmem>>, vector<1x1x16xf32>,
        %get3A_1200 = vector.shape_cast %get3A_1199 : vector<1x1x16xf32> to vector<16xf32>
        %slice3A = vector.extract_strided_slice %exp3A {offsets = [0], sizes = [1], strides = [1]} : vector<16xf32> to vector<1xf32>
        %squeeze3A = vector.extract %slice3A[0] : f32 from vector<1xf32>
        %mul3A_1201 = vector.broadcast %squeeze3A : f32 to vector<16xf32>
        %mul3A_1202 = arith.mulf %get3A_1200, %mul3A_1201 : vector<16xf32>
        %swap3A_1203 = arith.index_cast %rem3A_1122 : i32 to index
        %swap3A_1204 = arith.index_cast %scan3A_1173 : i32 to index
        %swap3A_1205 = arith.constant 16 : index
        %swap3A_1206 = tpu.vector_load %arg14[%swap3A_1203, %swap3A_1204, %swap3A_1205] {strides = array<i32>} : memref<8x80x80xf32, #tpu.memory_space<vmem>>, vector<1x1x16xf32>,
        %swap3A_1207 = vector.shape_cast %swap3A_1206 : vector<1x1x16xf32> to vector<16xf32>
        %swap3A_1208 = vector.shape_cast %mul3A_1202 : vector<16xf32> to vector<1x1x16xf32>
        tpu.vector_store %arg14[%swap3A_1203, %swap3A_1204, %swap3A_1205], %swap3A_1208 {strides = array<i32>} : memref<8x80x80xf32, #tpu.memory_space<vmem>>, vector<1x1x16xf32>,
        %get3A_1209 = arith.index_cast %rem3A_1122 : i32 to index
        %get3A_1210 = arith.index_cast %scan3A_1173 : i32 to index
        %get3A_1211 = arith.constant 32 : index
        %get3A_1212 = tpu.vector_load %arg14[%get3A_1209, %get3A_1210, %get3A_1211] {strides = array<i32>} : memref<8x80x80xf32, #tpu.memory_space<vmem>>, vector<1x1x16xf32>,
        %get3A_1213 = vector.shape_cast %get3A_1212 : vector<1x1x16xf32> to vector<16xf32>
        %slice3A_1214 = vector.extract_strided_slice %exp3A {offsets = [1], sizes = [1], strides = [1]} : vector<16xf32> to vector<1xf32>
        %squeeze3A_1215 = vector.extract %slice3A_1214[0] : f32 from vector<1xf32>
        %mul3A_1216 = vector.broadcast %squeeze3A_1215 : f32 to vector<16xf32>
        %mul3A_1217 = arith.mulf %get3A_1213, %mul3A_1216 : vector<16xf32>
        %swap3A_1218 = arith.index_cast %rem3A_1122 : i32 to index
        %swap3A_1219 = arith.index_cast %scan3A_1173 : i32 to index
        %swap3A_1220 = arith.constant 32 : index
        %swap3A_1221 = tpu.vector_load %arg14[%swap3A_1218, %swap3A_1219, %swap3A_1220] {strides = array<i32>} : memref<8x80x80xf32, #tpu.memory_space<vmem>>, vector<1x1x16xf32>,
        %swap3A_1222 = vector.shape_cast %swap3A_1221 : vector<1x1x16xf32> to vector<16xf32>
        %swap3A_1223 = vector.shape_cast %mul3A_1217 : vector<16xf32> to vector<1x1x16xf32>
        tpu.vector_store %arg14[%swap3A_1218, %swap3A_1219, %swap3A_1220], %swap3A_1223 {strides = array<i32>} : memref<8x80x80xf32, #tpu.memory_space<vmem>>, vector<1x1x16xf32>,
        %get3A_1224 = arith.index_cast %rem3A_1122 : i32 to index
        %get3A_1225 = arith.index_cast %scan3A_1173 : i32 to index
        %get3A_1226 = arith.constant 48 : index
        %get3A_1227 = tpu.vector_load %arg14[%get3A_1224, %get3A_1225, %get3A_1226] {strides = array<i32>} : memref<8x80x80xf32, #tpu.memory_space<vmem>>, vector<1x1x16xf32>,
        %get3A_1228 = vector.shape_cast %get3A_1227 : vector<1x1x16xf32> to vector<16xf32>
        %slice3A_1229 = vector.extract_strided_slice %exp3A {offsets = [2], sizes = [1], strides = [1]} : vector<16xf32> to vector<1xf32>
        %squeeze3A_1230 = vector.extract %slice3A_1229[0] : f32 from vector<1xf32>
        %mul3A_1231 = vector.broadcast %squeeze3A_1230 : f32 to vector<16xf32>
        %mul3A_1232 = arith.mulf %get3A_1228, %mul3A_1231 : vector<16xf32>
        %swap3A_1233 = arith.index_cast %rem3A_1122 : i32 to index
        %swap3A_1234 = arith.index_cast %scan3A_1173 : i32 to index
        %swap3A_1235 = arith.constant 48 : index
        %swap3A_1236 = tpu.vector_load %arg14[%swap3A_1233, %swap3A_1234, %swap3A_1235] {strides = array<i32>} : memref<8x80x80xf32, #tpu.memory_space<vmem>>, vector<1x1x16xf32>,
        %swap3A_1237 = vector.shape_cast %swap3A_1236 : vector<1x1x16xf32> to vector<16xf32>
        %swap3A_1238 = vector.shape_cast %mul3A_1232 : vector<16xf32> to vector<1x1x16xf32>
        tpu.vector_store %arg14[%swap3A_1233, %swap3A_1234, %swap3A_1235], %swap3A_1238 {strides = array<i32>} : memref<8x80x80xf32, #tpu.memory_space<vmem>>, vector<1x1x16xf32>,
        %get3A_1239 = arith.index_cast %rem3A_1122 : i32 to index
        %get3A_1240 = arith.index_cast %scan3A_1173 : i32 to index
        %get3A_1241 = arith.constant 64 : index
        %get3A_1242 = tpu.vector_load %arg14[%get3A_1239, %get3A_1240, %get3A_1241] {strides = array<i32>} : memref<8x80x80xf32, #tpu.memory_space<vmem>>, vector<1x1x16xf32>,
        %get3A_1243 = vector.shape_cast %get3A_1242 : vector<1x1x16xf32> to vector<16xf32>
        %slice3A_1244 = vector.extract_strided_slice %exp3A {offsets = [3], sizes = [1], strides = [1]} : vector<16xf32> to vector<1xf32>
        %squeeze3A_1245 = vector.extract %slice3A_1244[0] : f32 from vector<1xf32>
        %mul3A_1246 = vector.broadcast %squeeze3A_1245 : f32 to vector<16xf32>
        %mul3A_1247 = arith.mulf %get3A_1243, %mul3A_1246 : vector<16xf32>
        %swap3A_1248 = arith.index_cast %rem3A_1122 : i32 to index
        %swap3A_1249 = arith.index_cast %scan3A_1173 : i32 to index
        %swap3A_1250 = arith.constant 64 : index
        %swap3A_1251 = tpu.vector_load %arg14[%swap3A_1248, %swap3A_1249, %swap3A_1250] {strides = array<i32>} : memref<8x80x80xf32, #tpu.memory_space<vmem>>, vector<1x1x16xf32>,
        %swap3A_1252 = vector.shape_cast %swap3A_1251 : vector<1x1x16xf32> to vector<16xf32>
        %swap3A_1253 = vector.shape_cast %mul3A_1247 : vector<16xf32> to vector<1x1x16xf32>
        tpu.vector_store %arg14[%swap3A_1248, %swap3A_1249, %swap3A_1250], %swap3A_1253 {strides = array<i32>} : memref<8x80x80xf32, #tpu.memory_space<vmem>>, vector<1x1x16xf32>,
        %scan3A_1254 = arith.constant 1 : i32
        %scan3A_1255 = arith.addi %scan3A_1173, %scan3A_1254 : i32
        %get3A_1256 = arith.index_cast %rem3A_1122 : i32 to index
        %get3A_1257 = arith.index_cast %scan3A_1255 : i32 to index
        %get3A_1258 = arith.constant 0 : index
        %get3A_1259 = tpu.vector_load %arg14[%get3A_1256, %get3A_1257, %get3A_1258] {strides = array<i32>} : memref<8x80x80xf32, #tpu.memory_space<vmem>>, vector<1x1x16xf32>,
        %get3A_1260 = vector.shape_cast %get3A_1259 : vector<1x1x16xf32> to vector<16xf32>
        %get3A_1261 = arith.index_cast %rem3A_1122 : i32 to index
        %get3A_1262 = arith.index_cast %scan3A_1255 : i32 to index
        %get3A_1263 = arith.constant 0 : index
        %get3A_1264 = tpu.vector_load %arg13[%get3A_1261, %get3A_1262, %get3A_1263] {strides = array<i32>} : memref<8x80x16xf32, #tpu.memory_space<vmem>>, vector<1x1x16xf32>,
        %get3A_1265 = vector.shape_cast %get3A_1264 : vector<1x1x16xf32> to vector<16xf32>
        %add3A_1266 = arith.addf %get3A_1260, %get3A_1265 : vector<16xf32>
        %gt3A_1267 = arith.constant 0.000000e+00 : f32
        %gt3A_1268 = vector.broadcast %gt3A_1267 : f32 to vector<16xf32>
        %gt3A_1269 = arith.cmpf ogt, %add3A_1266, %gt3A_1268 : vector<16xf32>
        %mul3A_1270 = arith.constant 2.000000e-01 : f32
        %mul3A_1271 = vector.broadcast %mul3A_1270 : f32 to vector<16xf32>
        %mul3A_1272 = arith.mulf %mul3A_1271, %add3A_1266 : vector<16xf32>
        %select_n3A_1273 = arith.select %gt3A_1269, %add3A_1266, %mul3A_1272 : vector<16xi1>, vector<16xf32>
        %exp3A_1274 = math.exp %select_n3A_1273 : vector<16xf32>
        %swap3A_1275 = arith.index_cast %rem3A_1122 : i32 to index
        %swap3A_1276 = arith.index_cast %scan3A_1255 : i32 to index
        %swap3A_1277 = arith.constant 0 : index
        %swap3A_1278 = tpu.vector_load %arg14[%swap3A_1275, %swap3A_1276, %swap3A_1277] {strides = array<i32>} : memref<8x80x80xf32, #tpu.memory_space<vmem>>, vector<1x1x16xf32>,
        %swap3A_1279 = vector.shape_cast %swap3A_1278 : vector<1x1x16xf32> to vector<16xf32>
        %swap3A_1280 = vector.shape_cast %exp3A_1274 : vector<16xf32> to vector<1x1x16xf32>
        tpu.vector_store %arg14[%swap3A_1275, %swap3A_1276, %swap3A_1277], %swap3A_1280 {strides = array<i32>} : memref<8x80x80xf32, #tpu.memory_space<vmem>>, vector<1x1x16xf32>,
        %get3A_1281 = arith.index_cast %rem3A_1122 : i32 to index
        %get3A_1282 = arith.index_cast %scan3A_1255 : i32 to index
        %get3A_1283 = arith.constant 16 : index
        %get3A_1284 = tpu.vector_load %arg14[%get3A_1281, %get3A_1282, %get3A_1283] {strides = array<i32>} : memref<8x80x80xf32, #tpu.memory_space<vmem>>, vector<1x1x16xf32>,
        %get3A_1285 = vector.shape_cast %get3A_1284 : vector<1x1x16xf32> to vector<16xf32>
        %slice3A_1286 = vector.extract_strided_slice %exp3A_1274 {offsets = [0], sizes = [1], strides = [1]} : vector<16xf32> to vector<1xf32>
        %squeeze3A_1287 = vector.extract %slice3A_1286[0] : f32 from vector<1xf32>
        %mul3A_1288 = vector.broadcast %squeeze3A_1287 : f32 to vector<16xf32>
        %mul3A_1289 = arith.mulf %get3A_1285, %mul3A_1288 : vector<16xf32>
        %swap3A_1290 = arith.index_cast %rem3A_1122 : i32 to index
        %swap3A_1291 = arith.index_cast %scan3A_1255 : i32 to index
        %swap3A_1292 = arith.constant 16 : index
        %swap3A_1293 = tpu.vector_load %arg14[%swap3A_1290, %swap3A_1291, %swap3A_1292] {strides = array<i32>} : memref<8x80x80xf32, #tpu.memory_space<vmem>>, vector<1x1x16xf32>,
        %swap3A_1294 = vector.shape_cast %swap3A_1293 : vector<1x1x16xf32> to vector<16xf32>
        %swap3A_1295 = vector.shape_cast %mul3A_1289 : vector<16xf32> to vector<1x1x16xf32>
        tpu.vector_store %arg14[%swap3A_1290, %swap3A_1291, %swap3A_1292], %swap3A_1295 {strides = array<i32>} : memref<8x80x80xf32, #tpu.memory_space<vmem>>, vector<1x1x16xf32>,
        %get3A_1296 = arith.index_cast %rem3A_1122 : i32 to index
        %get3A_1297 = arith.index_cast %scan3A_1255 : i32 to index
        %get3A_1298 = arith.constant 32 : index
        %get3A_1299 = tpu.vector_load %arg14[%get3A_1296, %get3A_1297, %get3A_1298] {strides = array<i32>} : memref<8x80x80xf32, #tpu.memory_space<vmem>>, vector<1x1x16xf32>,
        %get3A_1300 = vector.shape_cast %get3A_1299 : vector<1x1x16xf32> to vector<16xf32>
        %slice3A_1301 = vector.extract_strided_slice %exp3A_1274 {offsets = [1], sizes = [1], strides = [1]} : vector<16xf32> to vector<1xf32>
        %squeeze3A_1302 = vector.extract %slice3A_1301[0] : f32 from vector<1xf32>
        %mul3A_1303 = vector.broadcast %squeeze3A_1302 : f32 to vector<16xf32>
        %mul3A_1304 = arith.mulf %get3A_1300, %mul3A_1303 : vector<16xf32>
        %swap3A_1305 = arith.index_cast %rem3A_1122 : i32 to index
        %swap3A_1306 = arith.index_cast %scan3A_1255 : i32 to index
        %swap3A_1307 = arith.constant 32 : index
        %swap3A_1308 = tpu.vector_load %arg14[%swap3A_1305, %swap3A_1306, %swap3A_1307] {strides = array<i32>} : memref<8x80x80xf32, #tpu.memory_space<vmem>>, vector<1x1x16xf32>,
        %swap3A_1309 = vector.shape_cast %swap3A_1308 : vector<1x1x16xf32> to vector<16xf32>
        %swap3A_1310 = vector.shape_cast %mul3A_1304 : vector<16xf32> to vector<1x1x16xf32>
        tpu.vector_store %arg14[%swap3A_1305, %swap3A_1306, %swap3A_1307], %swap3A_1310 {strides = array<i32>} : memref<8x80x80xf32, #tpu.memory_space<vmem>>, vector<1x1x16xf32>,
        %get3A_1311 = arith.index_cast %rem3A_1122 : i32 to index
        %get3A_1312 = arith.index_cast %scan3A_1255 : i32 to index
        %get3A_1313 = arith.constant 48 : index
        %get3A_1314 = tpu.vector_load %arg14[%get3A_1311, %get3A_1312, %get3A_1313] {strides = array<i32>} : memref<8x80x80xf32, #tpu.memory_space<vmem>>, vector<1x1x16xf32>,
        %get3A_1315 = vector.shape_cast %get3A_1314 : vector<1x1x16xf32> to vector<16xf32>
        %slice3A_1316 = vector.extract_strided_slice %exp3A_1274 {offsets = [2], sizes = [1], strides = [1]} : vector<16xf32> to vector<1xf32>
        %squeeze3A_1317 = vector.extract %slice3A_1316[0] : f32 from vector<1xf32>
        %mul3A_1318 = vector.broadcast %squeeze3A_1317 : f32 to vector<16xf32>
        %mul3A_1319 = arith.mulf %get3A_1315, %mul3A_1318 : vector<16xf32>
        %swap3A_1320 = arith.index_cast %rem3A_1122 : i32 to index
        %swap3A_1321 = arith.index_cast %scan3A_1255 : i32 to index
        %swap3A_1322 = arith.constant 48 : index
        %swap3A_1323 = tpu.vector_load %arg14[%swap3A_1320, %swap3A_1321, %swap3A_1322] {strides = array<i32>} : memref<8x80x80xf32, #tpu.memory_space<vmem>>, vector<1x1x16xf32>,
        %swap3A_1324 = vector.shape_cast %swap3A_1323 : vector<1x1x16xf32> to vector<16xf32>
        %swap3A_1325 = vector.shape_cast %mul3A_1319 : vector<16xf32> to vector<1x1x16xf32>
        tpu.vector_store %arg14[%swap3A_1320, %swap3A_1321, %swap3A_1322], %swap3A_1325 {strides = array<i32>} : memref<8x80x80xf32, #tpu.memory_space<vmem>>, vector<1x1x16xf32>,
        %get3A_1326 = arith.index_cast %rem3A_1122 : i32 to index
        %get3A_1327 = arith.index_cast %scan3A_1255 : i32 to index
        %get3A_1328 = arith.constant 64 : index
        %get3A_1329 = tpu.vector_load %arg14[%get3A_1326, %get3A_1327, %get3A_1328] {strides = array<i32>} : memref<8x80x80xf32, #tpu.memory_space<vmem>>, vector<1x1x16xf32>,
        %get3A_1330 = vector.shape_cast %get3A_1329 : vector<1x1x16xf32> to vector<16xf32>
        %slice3A_1331 = vector.extract_strided_slice %exp3A_1274 {offsets = [3], sizes = [1], strides = [1]} : vector<16xf32> to vector<1xf32>
        %squeeze3A_1332 = vector.extract %slice3A_1331[0] : f32 from vector<1xf32>
        %mul3A_1333 = vector.broadcast %squeeze3A_1332 : f32 to vector<16xf32>
        %mul3A_1334 = arith.mulf %get3A_1330, %mul3A_1333 : vector<16xf32>
        %swap3A_1335 = arith.index_cast %rem3A_1122 : i32 to index
        %swap3A_1336 = arith.index_cast %scan3A_1255 : i32 to index
        %swap3A_1337 = arith.constant 64 : index
        %swap3A_1338 = tpu.vector_load %arg14[%swap3A_1335, %swap3A_1336, %swap3A_1337] {strides = array<i32>} : memref<8x80x80xf32, #tpu.memory_space<vmem>>, vector<1x1x16xf32>,
        %swap3A_1339 = vector.shape_cast %swap3A_1338 : vector<1x1x16xf32> to vector<16xf32>
        %swap3A_1340 = vector.shape_cast %mul3A_1334 : vector<16xf32> to vector<1x1x16xf32>
        tpu.vector_store %arg14[%swap3A_1335, %swap3A_1336, %swap3A_1337], %swap3A_1340 {strides = array<i32>} : memref<8x80x80xf32, #tpu.memory_space<vmem>>, vector<1x1x16xf32>,
        %scan3A_1341 = arith.constant 2 : i32
        %scan3A_1342 = arith.addi %scan3A_1173, %scan3A_1341 : i32
        %get3A_1343 = arith.index_cast %rem3A_1122 : i32 to index
        %get3A_1344 = arith.index_cast %scan3A_1342 : i32 to index
        %get3A_1345 = arith.constant 0 : index
        %get3A_1346 = tpu.vector_load %arg14[%get3A_1343, %get3A_1344, %get3A_1345] {strides = array<i32>} : memref<8x80x80xf32, #tpu.memory_space<vmem>>, vector<1x1x16xf32>,
        %get3A_1347 = vector.shape_cast %get3A_1346 : vector<1x1x16xf32> to vector<16xf32>
        %get3A_1348 = arith.index_cast %rem3A_1122 : i32 to index
        %get3A_1349 = arith.index_cast %scan3A_1342 : i32 to index
        %get3A_1350 = arith.constant 0 : index
        %get3A_1351 = tpu.vector_load %arg13[%get3A_1348, %get3A_1349, %get3A_1350] {strides = array<i32>} : memref<8x80x16xf32, #tpu.memory_space<vmem>>, vector<1x1x16xf32>,
        %get3A_1352 = vector.shape_cast %get3A_1351 : vector<1x1x16xf32> to vector<16xf32>
        %add3A_1353 = arith.addf %get3A_1347, %get3A_1352 : vector<16xf32>
        %gt3A_1354 = arith.constant 0.000000e+00 : f32
        %gt3A_1355 = vector.broadcast %gt3A_1354 : f32 to vector<16xf32>
        %gt3A_1356 = arith.cmpf ogt, %add3A_1353, %gt3A_1355 : vector<16xf32>
        %mul3A_1357 = arith.constant 2.000000e-01 : f32
        %mul3A_1358 = vector.broadcast %mul3A_1357 : f32 to vector<16xf32>
        %mul3A_1359 = arith.mulf %mul3A_1358, %add3A_1353 : vector<16xf32>
        %select_n3A_1360 = arith.select %gt3A_1356, %add3A_1353, %mul3A_1359 : vector<16xi1>, vector<16xf32>
        %exp3A_1361 = math.exp %select_n3A_1360 : vector<16xf32>
        %swap3A_1362 = arith.index_cast %rem3A_1122 : i32 to index
        %swap3A_1363 = arith.index_cast %scan3A_1342 : i32 to index
        %swap3A_1364 = arith.constant 0 : index
        %swap3A_1365 = tpu.vector_load %arg14[%swap3A_1362, %swap3A_1363, %swap3A_1364] {strides = array<i32>} : memref<8x80x80xf32, #tpu.memory_space<vmem>>, vector<1x1x16xf32>,
        %swap3A_1366 = vector.shape_cast %swap3A_1365 : vector<1x1x16xf32> to vector<16xf32>
        %swap3A_1367 = vector.shape_cast %exp3A_1361 : vector<16xf32> to vector<1x1x16xf32>
        tpu.vector_store %arg14[%swap3A_1362, %swap3A_1363, %swap3A_1364], %swap3A_1367 {strides = array<i32>} : memref<8x80x80xf32, #tpu.memory_space<vmem>>, vector<1x1x16xf32>,
        %get3A_1368 = arith.index_cast %rem3A_1122 : i32 to index
        %get3A_1369 = arith.index_cast %scan3A_1342 : i32 to index
        %get3A_1370 = arith.constant 16 : index
        %get3A_1371 = tpu.vector_load %arg14[%get3A_1368, %get3A_1369, %get3A_1370] {strides = array<i32>} : memref<8x80x80xf32, #tpu.memory_space<vmem>>, vector<1x1x16xf32>,
        %get3A_1372 = vector.shape_cast %get3A_1371 : vector<1x1x16xf32> to vector<16xf32>
        %slice3A_1373 = vector.extract_strided_slice %exp3A_1361 {offsets = [0], sizes = [1], strides = [1]} : vector<16xf32> to vector<1xf32>
        %squeeze3A_1374 = vector.extract %slice3A_1373[0] : f32 from vector<1xf32>
        %mul3A_1375 = vector.broadcast %squeeze3A_1374 : f32 to vector<16xf32>
        %mul3A_1376 = arith.mulf %get3A_1372, %mul3A_1375 : vector<16xf32>
        %swap3A_1377 = arith.index_cast %rem3A_1122 : i32 to index
        %swap3A_1378 = arith.index_cast %scan3A_1342 : i32 to index
        %swap3A_1379 = arith.constant 16 : index
        %swap3A_1380 = tpu.vector_load %arg14[%swap3A_1377, %swap3A_1378, %swap3A_1379] {strides = array<i32>} : memref<8x80x80xf32, #tpu.memory_space<vmem>>, vector<1x1x16xf32>,
        %swap3A_1381 = vector.shape_cast %swap3A_1380 : vector<1x1x16xf32> to vector<16xf32>
        %swap3A_1382 = vector.shape_cast %mul3A_1376 : vector<16xf32> to vector<1x1x16xf32>
        tpu.vector_store %arg14[%swap3A_1377, %swap3A_1378, %swap3A_1379], %swap3A_1382 {strides = array<i32>} : memref<8x80x80xf32, #tpu.memory_space<vmem>>, vector<1x1x16xf32>,
        %get3A_1383 = arith.index_cast %rem3A_1122 : i32 to index
        %get3A_1384 = arith.index_cast %scan3A_1342 : i32 to index
        %get3A_1385 = arith.constant 32 : index
        %get3A_1386 = tpu.vector_load %arg14[%get3A_1383, %get3A_1384, %get3A_1385] {strides = array<i32>} : memref<8x80x80xf32, #tpu.memory_space<vmem>>, vector<1x1x16xf32>,
        %get3A_1387 = vector.shape_cast %get3A_1386 : vector<1x1x16xf32> to vector<16xf32>
        %slice3A_1388 = vector.extract_strided_slice %exp3A_1361 {offsets = [1], sizes = [1], strides = [1]} : vector<16xf32> to vector<1xf32>
        %squeeze3A_1389 = vector.extract %slice3A_1388[0] : f32 from vector<1xf32>
        %mul3A_1390 = vector.broadcast %squeeze3A_1389 : f32 to vector<16xf32>
        %mul3A_1391 = arith.mulf %get3A_1387, %mul3A_1390 : vector<16xf32>
        %swap3A_1392 = arith.index_cast %rem3A_1122 : i32 to index
        %swap3A_1393 = arith.index_cast %scan3A_1342 : i32 to index
        %swap3A_1394 = arith.constant 32 : index
        %swap3A_1395 = tpu.vector_load %arg14[%swap3A_1392, %swap3A_1393, %swap3A_1394] {strides = array<i32>} : memref<8x80x80xf32, #tpu.memory_space<vmem>>, vector<1x1x16xf32>,
        %swap3A_1396 = vector.shape_cast %swap3A_1395 : vector<1x1x16xf32> to vector<16xf32>
        %swap3A_1397 = vector.shape_cast %mul3A_1391 : vector<16xf32> to vector<1x1x16xf32>
        tpu.vector_store %arg14[%swap3A_1392, %swap3A_1393, %swap3A_1394], %swap3A_1397 {strides = array<i32>} : memref<8x80x80xf32, #tpu.memory_space<vmem>>, vector<1x1x16xf32>,
        %get3A_1398 = arith.index_cast %rem3A_1122 : i32 to index
        %get3A_1399 = arith.index_cast %scan3A_1342 : i32 to index
        %get3A_1400 = arith.constant 48 : index
        %get3A_1401 = tpu.vector_load %arg14[%get3A_1398, %get3A_1399, %get3A_1400] {strides = array<i32>} : memref<8x80x80xf32, #tpu.memory_space<vmem>>, vector<1x1x16xf32>,
        %get3A_1402 = vector.shape_cast %get3A_1401 : vector<1x1x16xf32> to vector<16xf32>
        %slice3A_1403 = vector.extract_strided_slice %exp3A_1361 {offsets = [2], sizes = [1], strides = [1]} : vector<16xf32> to vector<1xf32>
        %squeeze3A_1404 = vector.extract %slice3A_1403[0] : f32 from vector<1xf32>
        %mul3A_1405 = vector.broadcast %squeeze3A_1404 : f32 to vector<16xf32>
        %mul3A_1406 = arith.mulf %get3A_1402, %mul3A_1405 : vector<16xf32>
        %swap3A_1407 = arith.index_cast %rem3A_1122 : i32 to index
        %swap3A_1408 = arith.index_cast %scan3A_1342 : i32 to index
        %swap3A_1409 = arith.constant 48 : index
        %swap3A_1410 = tpu.vector_load %arg14[%swap3A_1407, %swap3A_1408, %swap3A_1409] {strides = array<i32>} : memref<8x80x80xf32, #tpu.memory_space<vmem>>, vector<1x1x16xf32>,
        %swap3A_1411 = vector.shape_cast %swap3A_1410 : vector<1x1x16xf32> to vector<16xf32>
        %swap3A_1412 = vector.shape_cast %mul3A_1406 : vector<16xf32> to vector<1x1x16xf32>
        tpu.vector_store %arg14[%swap3A_1407, %swap3A_1408, %swap3A_1409], %swap3A_1412 {strides = array<i32>} : memref<8x80x80xf32, #tpu.memory_space<vmem>>, vector<1x1x16xf32>,
        %get3A_1413 = arith.index_cast %rem3A_1122 : i32 to index
        %get3A_1414 = arith.index_cast %scan3A_1342 : i32 to index
        %get3A_1415 = arith.constant 64 : index
        %get3A_1416 = tpu.vector_load %arg14[%get3A_1413, %get3A_1414, %get3A_1415] {strides = array<i32>} : memref<8x80x80xf32, #tpu.memory_space<vmem>>, vector<1x1x16xf32>,
        %get3A_1417 = vector.shape_cast %get3A_1416 : vector<1x1x16xf32> to vector<16xf32>
        %slice3A_1418 = vector.extract_strided_slice %exp3A_1361 {offsets = [3], sizes = [1], strides = [1]} : vector<16xf32> to vector<1xf32>
        %squeeze3A_1419 = vector.extract %slice3A_1418[0] : f32 from vector<1xf32>
        %mul3A_1420 = vector.broadcast %squeeze3A_1419 : f32 to vector<16xf32>
        %mul3A_1421 = arith.mulf %get3A_1417, %mul3A_1420 : vector<16xf32>
        %swap3A_1422 = arith.index_cast %rem3A_1122 : i32 to index
        %swap3A_1423 = arith.index_cast %scan3A_1342 : i32 to index
        %swap3A_1424 = arith.constant 64 : index
        %swap3A_1425 = tpu.vector_load %arg14[%swap3A_1422, %swap3A_1423, %swap3A_1424] {strides = array<i32>} : memref<8x80x80xf32, #tpu.memory_space<vmem>>, vector<1x1x16xf32>,
        %swap3A_1426 = vector.shape_cast %swap3A_1425 : vector<1x1x16xf32> to vector<16xf32>
        %swap3A_1427 = vector.shape_cast %mul3A_1421 : vector<16xf32> to vector<1x1x16xf32>
        tpu.vector_store %arg14[%swap3A_1422, %swap3A_1423, %swap3A_1424], %swap3A_1427 {strides = array<i32>} : memref<8x80x80xf32, #tpu.memory_space<vmem>>, vector<1x1x16xf32>,
        %scan3A_1428 = arith.constant 3 : i32
        %scan3A_1429 = arith.addi %scan3A_1173, %scan3A_1428 : i32
        %get3A_1430 = arith.index_cast %rem3A_1122 : i32 to index
        %get3A_1431 = arith.index_cast %scan3A_1429 : i32 to index
        %get3A_1432 = arith.constant 0 : index
        %get3A_1433 = tpu.vector_load %arg14[%get3A_1430, %get3A_1431, %get3A_1432] {strides = array<i32>} : memref<8x80x80xf32, #tpu.memory_space<vmem>>, vector<1x1x16xf32>,
        %get3A_1434 = vector.shape_cast %get3A_1433 : vector<1x1x16xf32> to vector<16xf32>
        %get3A_1435 = arith.index_cast %rem3A_1122 : i32 to index
        %get3A_1436 = arith.index_cast %scan3A_1429 : i32 to index
        %get3A_1437 = arith.constant 0 : index
        %get3A_1438 = tpu.vector_load %arg13[%get3A_1435, %get3A_1436, %get3A_1437] {strides = array<i32>} : memref<8x80x16xf32, #tpu.memory_space<vmem>>, vector<1x1x16xf32>,
        %get3A_1439 = vector.shape_cast %get3A_1438 : vector<1x1x16xf32> to vector<16xf32>
        %add3A_1440 = arith.addf %get3A_1434, %get3A_1439 : vector<16xf32>
        %gt3A_1441 = arith.constant 0.000000e+00 : f32
        %gt3A_1442 = vector.broadcast %gt3A_1441 : f32 to vector<16xf32>
        %gt3A_1443 = arith.cmpf ogt, %add3A_1440, %gt3A_1442 : vector<16xf32>
        %mul3A_1444 = arith.constant 2.000000e-01 : f32
        %mul3A_1445 = vector.broadcast %mul3A_1444 : f32 to vector<16xf32>
        %mul3A_1446 = arith.mulf %mul3A_1445, %add3A_1440 : vector<16xf32>
        %select_n3A_1447 = arith.select %gt3A_1443, %add3A_1440, %mul3A_1446 : vector<16xi1>, vector<16xf32>
        %exp3A_1448 = math.exp %select_n3A_1447 : vector<16xf32>
        %swap3A_1449 = arith.index_cast %rem3A_1122 : i32 to index
        %swap3A_1450 = arith.index_cast %scan3A_1429 : i32 to index
        %swap3A_1451 = arith.constant 0 : index
        %swap3A_1452 = tpu.vector_load %arg14[%swap3A_1449, %swap3A_1450, %swap3A_1451] {strides = array<i32>} : memref<8x80x80xf32, #tpu.memory_space<vmem>>, vector<1x1x16xf32>,
        %swap3A_1453 = vector.shape_cast %swap3A_1452 : vector<1x1x16xf32> to vector<16xf32>
        %swap3A_1454 = vector.shape_cast %exp3A_1448 : vector<16xf32> to vector<1x1x16xf32>
        tpu.vector_store %arg14[%swap3A_1449, %swap3A_1450, %swap3A_1451], %swap3A_1454 {strides = array<i32>} : memref<8x80x80xf32, #tpu.memory_space<vmem>>, vector<1x1x16xf32>,
        %get3A_1455 = arith.index_cast %rem3A_1122 : i32 to index
        %get3A_1456 = arith.index_cast %scan3A_1429 : i32 to index
        %get3A_1457 = arith.constant 16 : index
        %get3A_1458 = tpu.vector_load %arg14[%get3A_1455, %get3A_1456, %get3A_1457] {strides = array<i32>} : memref<8x80x80xf32, #tpu.memory_space<vmem>>, vector<1x1x16xf32>,
        %get3A_1459 = vector.shape_cast %get3A_1458 : vector<1x1x16xf32> to vector<16xf32>
        %slice3A_1460 = vector.extract_strided_slice %exp3A_1448 {offsets = [0], sizes = [1], strides = [1]} : vector<16xf32> to vector<1xf32>
        %squeeze3A_1461 = vector.extract %slice3A_1460[0] : f32 from vector<1xf32>
        %mul3A_1462 = vector.broadcast %squeeze3A_1461 : f32 to vector<16xf32>
        %mul3A_1463 = arith.mulf %get3A_1459, %mul3A_1462 : vector<16xf32>
        %swap3A_1464 = arith.index_cast %rem3A_1122 : i32 to index
        %swap3A_1465 = arith.index_cast %scan3A_1429 : i32 to index
        %swap3A_1466 = arith.constant 16 : index
        %swap3A_1467 = tpu.vector_load %arg14[%swap3A_1464, %swap3A_1465, %swap3A_1466] {strides = array<i32>} : memref<8x80x80xf32, #tpu.memory_space<vmem>>, vector<1x1x16xf32>,
        %swap3A_1468 = vector.shape_cast %swap3A_1467 : vector<1x1x16xf32> to vector<16xf32>
        %swap3A_1469 = vector.shape_cast %mul3A_1463 : vector<16xf32> to vector<1x1x16xf32>
        tpu.vector_store %arg14[%swap3A_1464, %swap3A_1465, %swap3A_1466], %swap3A_1469 {strides = array<i32>} : memref<8x80x80xf32, #tpu.memory_space<vmem>>, vector<1x1x16xf32>,
        %get3A_1470 = arith.index_cast %rem3A_1122 : i32 to index
        %get3A_1471 = arith.index_cast %scan3A_1429 : i32 to index
        %get3A_1472 = arith.constant 32 : index
        %get3A_1473 = tpu.vector_load %arg14[%get3A_1470, %get3A_1471, %get3A_1472] {strides = array<i32>} : memref<8x80x80xf32, #tpu.memory_space<vmem>>, vector<1x1x16xf32>,
        %get3A_1474 = vector.shape_cast %get3A_1473 : vector<1x1x16xf32> to vector<16xf32>
        %slice3A_1475 = vector.extract_strided_slice %exp3A_1448 {offsets = [1], sizes = [1], strides = [1]} : vector<16xf32> to vector<1xf32>
        %squeeze3A_1476 = vector.extract %slice3A_1475[0] : f32 from vector<1xf32>
        %mul3A_1477 = vector.broadcast %squeeze3A_1476 : f32 to vector<16xf32>
        %mul3A_1478 = arith.mulf %get3A_1474, %mul3A_1477 : vector<16xf32>
        %swap3A_1479 = arith.index_cast %rem3A_1122 : i32 to index
        %swap3A_1480 = arith.index_cast %scan3A_1429 : i32 to index
        %swap3A_1481 = arith.constant 32 : index
        %swap3A_1482 = tpu.vector_load %arg14[%swap3A_1479, %swap3A_1480, %swap3A_1481] {strides = array<i32>} : memref<8x80x80xf32, #tpu.memory_space<vmem>>, vector<1x1x16xf32>,
        %swap3A_1483 = vector.shape_cast %swap3A_1482 : vector<1x1x16xf32> to vector<16xf32>
        %swap3A_1484 = vector.shape_cast %mul3A_1478 : vector<16xf32> to vector<1x1x16xf32>
        tpu.vector_store %arg14[%swap3A_1479, %swap3A_1480, %swap3A_1481], %swap3A_1484 {strides = array<i32>} : memref<8x80x80xf32, #tpu.memory_space<vmem>>, vector<1x1x16xf32>,
        %get3A_1485 = arith.index_cast %rem3A_1122 : i32 to index
        %get3A_1486 = arith.index_cast %scan3A_1429 : i32 to index
        %get3A_1487 = arith.constant 48 : index
        %get3A_1488 = tpu.vector_load %arg14[%get3A_1485, %get3A_1486, %get3A_1487] {strides = array<i32>} : memref<8x80x80xf32, #tpu.memory_space<vmem>>, vector<1x1x16xf32>,
        %get3A_1489 = vector.shape_cast %get3A_1488 : vector<1x1x16xf32> to vector<16xf32>
        %slice3A_1490 = vector.extract_strided_slice %exp3A_1448 {offsets = [2], sizes = [1], strides = [1]} : vector<16xf32> to vector<1xf32>
        %squeeze3A_1491 = vector.extract %slice3A_1490[0] : f32 from vector<1xf32>
        %mul3A_1492 = vector.broadcast %squeeze3A_1491 : f32 to vector<16xf32>
        %mul3A_1493 = arith.mulf %get3A_1489, %mul3A_1492 : vector<16xf32>
        %swap3A_1494 = arith.index_cast %rem3A_1122 : i32 to index
        %swap3A_1495 = arith.index_cast %scan3A_1429 : i32 to index
        %swap3A_1496 = arith.constant 48 : index
        %swap3A_1497 = tpu.vector_load %arg14[%swap3A_1494, %swap3A_1495, %swap3A_1496] {strides = array<i32>} : memref<8x80x80xf32, #tpu.memory_space<vmem>>, vector<1x1x16xf32>,
        %swap3A_1498 = vector.shape_cast %swap3A_1497 : vector<1x1x16xf32> to vector<16xf32>
        %swap3A_1499 = vector.shape_cast %mul3A_1493 : vector<16xf32> to vector<1x1x16xf32>
        tpu.vector_store %arg14[%swap3A_1494, %swap3A_1495, %swap3A_1496], %swap3A_1499 {strides = array<i32>} : memref<8x80x80xf32, #tpu.memory_space<vmem>>, vector<1x1x16xf32>,
        %get3A_1500 = arith.index_cast %rem3A_1122 : i32 to index
        %get3A_1501 = arith.index_cast %scan3A_1429 : i32 to index
        %get3A_1502 = arith.constant 64 : index
        %get3A_1503 = tpu.vector_load %arg14[%get3A_1500, %get3A_1501, %get3A_1502] {strides = array<i32>} : memref<8x80x80xf32, #tpu.memory_space<vmem>>, vector<1x1x16xf32>,
        %get3A_1504 = vector.shape_cast %get3A_1503 : vector<1x1x16xf32> to vector<16xf32>
        %slice3A_1505 = vector.extract_strided_slice %exp3A_1448 {offsets = [3], sizes = [1], strides = [1]} : vector<16xf32> to vector<1xf32>
        %squeeze3A_1506 = vector.extract %slice3A_1505[0] : f32 from vector<1xf32>
        %mul3A_1507 = vector.broadcast %squeeze3A_1506 : f32 to vector<16xf32>
        %mul3A_1508 = arith.mulf %get3A_1504, %mul3A_1507 : vector<16xf32>
        %swap3A_1509 = arith.index_cast %rem3A_1122 : i32 to index
        %swap3A_1510 = arith.index_cast %scan3A_1429 : i32 to index
        %swap3A_1511 = arith.constant 64 : index
        %swap3A_1512 = tpu.vector_load %arg14[%swap3A_1509, %swap3A_1510, %swap3A_1511] {strides = array<i32>} : memref<8x80x80xf32, #tpu.memory_space<vmem>>, vector<1x1x16xf32>,
        %swap3A_1513 = vector.shape_cast %swap3A_1512 : vector<1x1x16xf32> to vector<16xf32>
        %swap3A_1514 = vector.shape_cast %mul3A_1508 : vector<16xf32> to vector<1x1x16xf32>
        tpu.vector_store %arg14[%swap3A_1509, %swap3A_1510, %swap3A_1511], %swap3A_1514 {strides = array<i32>} : memref<8x80x80xf32, #tpu.memory_space<vmem>>, vector<1x1x16xf32>,
        %scan3A_1515 = arith.constant 4 : i32
        %scan3A_1516 = arith.addi %scan3A_1173, %scan3A_1515 : i32
        %get3A_1517 = arith.index_cast %rem3A_1122 : i32 to index
        %get3A_1518 = arith.index_cast %scan3A_1516 : i32 to index
        %get3A_1519 = arith.constant 0 : index
        %get3A_1520 = tpu.vector_load %arg14[%get3A_1517, %get3A_1518, %get3A_1519] {strides = array<i32>} : memref<8x80x80xf32, #tpu.memory_space<vmem>>, vector<1x1x16xf32>,
        %get3A_1521 = vector.shape_cast %get3A_1520 : vector<1x1x16xf32> to vector<16xf32>
        %get3A_1522 = arith.index_cast %rem3A_1122 : i32 to index
        %get3A_1523 = arith.index_cast %scan3A_1516 : i32 to index
        %get3A_1524 = arith.constant 0 : index
        %get3A_1525 = tpu.vector_load %arg13[%get3A_1522, %get3A_1523, %get3A_1524] {strides = array<i32>} : memref<8x80x16xf32, #tpu.memory_space<vmem>>, vector<1x1x16xf32>,
        %get3A_1526 = vector.shape_cast %get3A_1525 : vector<1x1x16xf32> to vector<16xf32>
        %add3A_1527 = arith.addf %get3A_1521, %get3A_1526 : vector<16xf32>
        %gt3A_1528 = arith.constant 0.000000e+00 : f32
        %gt3A_1529 = vector.broadcast %gt3A_1528 : f32 to vector<16xf32>
        %gt3A_1530 = arith.cmpf ogt, %add3A_1527, %gt3A_1529 : vector<16xf32>
        %mul3A_1531 = arith.constant 2.000000e-01 : f32
        %mul3A_1532 = vector.broadcast %mul3A_1531 : f32 to vector<16xf32>
        %mul3A_1533 = arith.mulf %mul3A_1532, %add3A_1527 : vector<16xf32>
        %select_n3A_1534 = arith.select %gt3A_1530, %add3A_1527, %mul3A_1533 : vector<16xi1>, vector<16xf32>
        %exp3A_1535 = math.exp %select_n3A_1534 : vector<16xf32>
        %swap3A_1536 = arith.index_cast %rem3A_1122 : i32 to index
        %swap3A_1537 = arith.index_cast %scan3A_1516 : i32 to index
        %swap3A_1538 = arith.constant 0 : index
        %swap3A_1539 = tpu.vector_load %arg14[%swap3A_1536, %swap3A_1537, %swap3A_1538] {strides = array<i32>} : memref<8x80x80xf32, #tpu.memory_space<vmem>>, vector<1x1x16xf32>,
        %swap3A_1540 = vector.shape_cast %swap3A_1539 : vector<1x1x16xf32> to vector<16xf32>
        %swap3A_1541 = vector.shape_cast %exp3A_1535 : vector<16xf32> to vector<1x1x16xf32>
        tpu.vector_store %arg14[%swap3A_1536, %swap3A_1537, %swap3A_1538], %swap3A_1541 {strides = array<i32>} : memref<8x80x80xf32, #tpu.memory_space<vmem>>, vector<1x1x16xf32>,
        %get3A_1542 = arith.index_cast %rem3A_1122 : i32 to index
        %get3A_1543 = arith.index_cast %scan3A_1516 : i32 to index
        %get3A_1544 = arith.constant 16 : index
        %get3A_1545 = tpu.vector_load %arg14[%get3A_1542, %get3A_1543, %get3A_1544] {strides = array<i32>} : memref<8x80x80xf32, #tpu.memory_space<vmem>>, vector<1x1x16xf32>,
        %get3A_1546 = vector.shape_cast %get3A_1545 : vector<1x1x16xf32> to vector<16xf32>
        %slice3A_1547 = vector.extract_strided_slice %exp3A_1535 {offsets = [0], sizes = [1], strides = [1]} : vector<16xf32> to vector<1xf32>
        %squeeze3A_1548 = vector.extract %slice3A_1547[0] : f32 from vector<1xf32>
        %mul3A_1549 = vector.broadcast %squeeze3A_1548 : f32 to vector<16xf32>
        %mul3A_1550 = arith.mulf %get3A_1546, %mul3A_1549 : vector<16xf32>
        %swap3A_1551 = arith.index_cast %rem3A_1122 : i32 to index
        %swap3A_1552 = arith.index_cast %scan3A_1516 : i32 to index
        %swap3A_1553 = arith.constant 16 : index
        %swap3A_1554 = tpu.vector_load %arg14[%swap3A_1551, %swap3A_1552, %swap3A_1553] {strides = array<i32>} : memref<8x80x80xf32, #tpu.memory_space<vmem>>, vector<1x1x16xf32>,
        %swap3A_1555 = vector.shape_cast %swap3A_1554 : vector<1x1x16xf32> to vector<16xf32>
        %swap3A_1556 = vector.shape_cast %mul3A_1550 : vector<16xf32> to vector<1x1x16xf32>
        tpu.vector_store %arg14[%swap3A_1551, %swap3A_1552, %swap3A_1553], %swap3A_1556 {strides = array<i32>} : memref<8x80x80xf32, #tpu.memory_space<vmem>>, vector<1x1x16xf32>,
        %get3A_1557 = arith.index_cast %rem3A_1122 : i32 to index
        %get3A_1558 = arith.index_cast %scan3A_1516 : i32 to index
        %get3A_1559 = arith.constant 32 : index
        %get3A_1560 = tpu.vector_load %arg14[%get3A_1557, %get3A_1558, %get3A_1559] {strides = array<i32>} : memref<8x80x80xf32, #tpu.memory_space<vmem>>, vector<1x1x16xf32>,
        %get3A_1561 = vector.shape_cast %get3A_1560 : vector<1x1x16xf32> to vector<16xf32>
        %slice3A_1562 = vector.extract_strided_slice %exp3A_1535 {offsets = [1], sizes = [1], strides = [1]} : vector<16xf32> to vector<1xf32>
        %squeeze3A_1563 = vector.extract %slice3A_1562[0] : f32 from vector<1xf32>
        %mul3A_1564 = vector.broadcast %squeeze3A_1563 : f32 to vector<16xf32>
        %mul3A_1565 = arith.mulf %get3A_1561, %mul3A_1564 : vector<16xf32>
        %swap3A_1566 = arith.index_cast %rem3A_1122 : i32 to index
        %swap3A_1567 = arith.index_cast %scan3A_1516 : i32 to index
        %swap3A_1568 = arith.constant 32 : index
        %swap3A_1569 = tpu.vector_load %arg14[%swap3A_1566, %swap3A_1567, %swap3A_1568] {strides = array<i32>} : memref<8x80x80xf32, #tpu.memory_space<vmem>>, vector<1x1x16xf32>,
        %swap3A_1570 = vector.shape_cast %swap3A_1569 : vector<1x1x16xf32> to vector<16xf32>
        %swap3A_1571 = vector.shape_cast %mul3A_1565 : vector<16xf32> to vector<1x1x16xf32>
        tpu.vector_store %arg14[%swap3A_1566, %swap3A_1567, %swap3A_1568], %swap3A_1571 {strides = array<i32>} : memref<8x80x80xf32, #tpu.memory_space<vmem>>, vector<1x1x16xf32>,
        %get3A_1572 = arith.index_cast %rem3A_1122 : i32 to index
        %get3A_1573 = arith.index_cast %scan3A_1516 : i32 to index
        %get3A_1574 = arith.constant 48 : index
        %get3A_1575 = tpu.vector_load %arg14[%get3A_1572, %get3A_1573, %get3A_1574] {strides = array<i32>} : memref<8x80x80xf32, #tpu.memory_space<vmem>>, vector<1x1x16xf32>,
        %get3A_1576 = vector.shape_cast %get3A_1575 : vector<1x1x16xf32> to vector<16xf32>
        %slice3A_1577 = vector.extract_strided_slice %exp3A_1535 {offsets = [2], sizes = [1], strides = [1]} : vector<16xf32> to vector<1xf32>
        %squeeze3A_1578 = vector.extract %slice3A_1577[0] : f32 from vector<1xf32>
        %mul3A_1579 = vector.broadcast %squeeze3A_1578 : f32 to vector<16xf32>
        %mul3A_1580 = arith.mulf %get3A_1576, %mul3A_1579 : vector<16xf32>
        %swap3A_1581 = arith.index_cast %rem3A_1122 : i32 to index
        %swap3A_1582 = arith.index_cast %scan3A_1516 : i32 to index
        %swap3A_1583 = arith.constant 48 : index
        %swap3A_1584 = tpu.vector_load %arg14[%swap3A_1581, %swap3A_1582, %swap3A_1583] {strides = array<i32>} : memref<8x80x80xf32, #tpu.memory_space<vmem>>, vector<1x1x16xf32>,
        %swap3A_1585 = vector.shape_cast %swap3A_1584 : vector<1x1x16xf32> to vector<16xf32>
        %swap3A_1586 = vector.shape_cast %mul3A_1580 : vector<16xf32> to vector<1x1x16xf32>
        tpu.vector_store %arg14[%swap3A_1581, %swap3A_1582, %swap3A_1583], %swap3A_1586 {strides = array<i32>} : memref<8x80x80xf32, #tpu.memory_space<vmem>>, vector<1x1x16xf32>,
        %get3A_1587 = arith.index_cast %rem3A_1122 : i32 to index
        %get3A_1588 = arith.index_cast %scan3A_1516 : i32 to index
        %get3A_1589 = arith.constant 64 : index
        %get3A_1590 = tpu.vector_load %arg14[%get3A_1587, %get3A_1588, %get3A_1589] {strides = array<i32>} : memref<8x80x80xf32, #tpu.memory_space<vmem>>, vector<1x1x16xf32>,
        %get3A_1591 = vector.shape_cast %get3A_1590 : vector<1x1x16xf32> to vector<16xf32>
        %slice3A_1592 = vector.extract_strided_slice %exp3A_1535 {offsets = [3], sizes = [1], strides = [1]} : vector<16xf32> to vector<1xf32>
        %squeeze3A_1593 = vector.extract %slice3A_1592[0] : f32 from vector<1xf32>
        %mul3A_1594 = vector.broadcast %squeeze3A_1593 : f32 to vector<16xf32>
        %mul3A_1595 = arith.mulf %get3A_1591, %mul3A_1594 : vector<16xf32>
        %swap3A_1596 = arith.index_cast %rem3A_1122 : i32 to index
        %swap3A_1597 = arith.index_cast %scan3A_1516 : i32 to index
        %swap3A_1598 = arith.constant 64 : index
        %swap3A_1599 = tpu.vector_load %arg14[%swap3A_1596, %swap3A_1597, %swap3A_1598] {strides = array<i32>} : memref<8x80x80xf32, #tpu.memory_space<vmem>>, vector<1x1x16xf32>,
        %swap3A_1600 = vector.shape_cast %swap3A_1599 : vector<1x1x16xf32> to vector<16xf32>
        %swap3A_1601 = vector.shape_cast %mul3A_1595 : vector<16xf32> to vector<1x1x16xf32>
        tpu.vector_store %arg14[%swap3A_1596, %swap3A_1597, %swap3A_1598], %swap3A_1601 {strides = array<i32>} : memref<8x80x80xf32, #tpu.memory_space<vmem>>, vector<1x1x16xf32>,
        %scan3A_1602 = arith.constant 5 : i32
        %scan3A_1603 = arith.addi %scan3A_1173, %scan3A_1602 : i32
        %get3A_1604 = arith.index_cast %rem3A_1122 : i32 to index
        %get3A_1605 = arith.index_cast %scan3A_1603 : i32 to index
        %get3A_1606 = arith.constant 0 : index
        %get3A_1607 = tpu.vector_load %arg14[%get3A_1604, %get3A_1605, %get3A_1606] {strides = array<i32>} : memref<8x80x80xf32, #tpu.memory_space<vmem>>, vector<1x1x16xf32>,
        %get3A_1608 = vector.shape_cast %get3A_1607 : vector<1x1x16xf32> to vector<16xf32>
        %get3A_1609 = arith.index_cast %rem3A_1122 : i32 to index
        %get3A_1610 = arith.index_cast %scan3A_1603 : i32 to index
        %get3A_1611 = arith.constant 0 : index
        %get3A_1612 = tpu.vector_load %arg13[%get3A_1609, %get3A_1610, %get3A_1611] {strides = array<i32>} : memref<8x80x16xf32, #tpu.memory_space<vmem>>, vector<1x1x16xf32>,
        %get3A_1613 = vector.shape_cast %get3A_1612 : vector<1x1x16xf32> to vector<16xf32>
        %add3A_1614 = arith.addf %get3A_1608, %get3A_1613 : vector<16xf32>
        %gt3A_1615 = arith.constant 0.000000e+00 : f32
        %gt3A_1616 = vector.broadcast %gt3A_1615 : f32 to vector<16xf32>
        %gt3A_1617 = arith.cmpf ogt, %add3A_1614, %gt3A_1616 : vector<16xf32>
        %mul3A_1618 = arith.constant 2.000000e-01 : f32
        %mul3A_1619 = vector.broadcast %mul3A_1618 : f32 to vector<16xf32>
        %mul3A_1620 = arith.mulf %mul3A_1619, %add3A_1614 : vector<16xf32>
        %select_n3A_1621 = arith.select %gt3A_1617, %add3A_1614, %mul3A_1620 : vector<16xi1>, vector<16xf32>
        %exp3A_1622 = math.exp %select_n3A_1621 : vector<16xf32>
        %swap3A_1623 = arith.index_cast %rem3A_1122 : i32 to index
        %swap3A_1624 = arith.index_cast %scan3A_1603 : i32 to index
        %swap3A_1625 = arith.constant 0 : index
        %swap3A_1626 = tpu.vector_load %arg14[%swap3A_1623, %swap3A_1624, %swap3A_1625] {strides = array<i32>} : memref<8x80x80xf32, #tpu.memory_space<vmem>>, vector<1x1x16xf32>,
        %swap3A_1627 = vector.shape_cast %swap3A_1626 : vector<1x1x16xf32> to vector<16xf32>
        %swap3A_1628 = vector.shape_cast %exp3A_1622 : vector<16xf32> to vector<1x1x16xf32>
        tpu.vector_store %arg14[%swap3A_1623, %swap3A_1624, %swap3A_1625], %swap3A_1628 {strides = array<i32>} : memref<8x80x80xf32, #tpu.memory_space<vmem>>, vector<1x1x16xf32>,
        %get3A_1629 = arith.index_cast %rem3A_1122 : i32 to index
        %get3A_1630 = arith.index_cast %scan3A_1603 : i32 to index
        %get3A_1631 = arith.constant 16 : index
        %get3A_1632 = tpu.vector_load %arg14[%get3A_1629, %get3A_1630, %get3A_1631] {strides = array<i32>} : memref<8x80x80xf32, #tpu.memory_space<vmem>>, vector<1x1x16xf32>,
        %get3A_1633 = vector.shape_cast %get3A_1632 : vector<1x1x16xf32> to vector<16xf32>
        %slice3A_1634 = vector.extract_strided_slice %exp3A_1622 {offsets = [0], sizes = [1], strides = [1]} : vector<16xf32> to vector<1xf32>
        %squeeze3A_1635 = vector.extract %slice3A_1634[0] : f32 from vector<1xf32>
        %mul3A_1636 = vector.broadcast %squeeze3A_1635 : f32 to vector<16xf32>
        %mul3A_1637 = arith.mulf %get3A_1633, %mul3A_1636 : vector<16xf32>
        %swap3A_1638 = arith.index_cast %rem3A_1122 : i32 to index
        %swap3A_1639 = arith.index_cast %scan3A_1603 : i32 to index
        %swap3A_1640 = arith.constant 16 : index
        %swap3A_1641 = tpu.vector_load %arg14[%swap3A_1638, %swap3A_1639, %swap3A_1640] {strides = array<i32>} : memref<8x80x80xf32, #tpu.memory_space<vmem>>, vector<1x1x16xf32>,
        %swap3A_1642 = vector.shape_cast %swap3A_1641 : vector<1x1x16xf32> to vector<16xf32>
        %swap3A_1643 = vector.shape_cast %mul3A_1637 : vector<16xf32> to vector<1x1x16xf32>
        tpu.vector_store %arg14[%swap3A_1638, %swap3A_1639, %swap3A_1640], %swap3A_1643 {strides = array<i32>} : memref<8x80x80xf32, #tpu.memory_space<vmem>>, vector<1x1x16xf32>,
        %get3A_1644 = arith.index_cast %rem3A_1122 : i32 to index
        %get3A_1645 = arith.index_cast %scan3A_1603 : i32 to index
        %get3A_1646 = arith.constant 32 : index
        %get3A_1647 = tpu.vector_load %arg14[%get3A_1644, %get3A_1645, %get3A_1646] {strides = array<i32>} : memref<8x80x80xf32, #tpu.memory_space<vmem>>, vector<1x1x16xf32>,
        %get3A_1648 = vector.shape_cast %get3A_1647 : vector<1x1x16xf32> to vector<16xf32>
        %slice3A_1649 = vector.extract_strided_slice %exp3A_1622 {offsets = [1], sizes = [1], strides = [1]} : vector<16xf32> to vector<1xf32>
        %squeeze3A_1650 = vector.extract %slice3A_1649[0] : f32 from vector<1xf32>
        %mul3A_1651 = vector.broadcast %squeeze3A_1650 : f32 to vector<16xf32>
        %mul3A_1652 = arith.mulf %get3A_1648, %mul3A_1651 : vector<16xf32>
        %swap3A_1653 = arith.index_cast %rem3A_1122 : i32 to index
        %swap3A_1654 = arith.index_cast %scan3A_1603 : i32 to index
        %swap3A_1655 = arith.constant 32 : index
        %swap3A_1656 = tpu.vector_load %arg14[%swap3A_1653, %swap3A_1654, %swap3A_1655] {strides = array<i32>} : memref<8x80x80xf32, #tpu.memory_space<vmem>>, vector<1x1x16xf32>,
        %swap3A_1657 = vector.shape_cast %swap3A_1656 : vector<1x1x16xf32> to vector<16xf32>
        %swap3A_1658 = vector.shape_cast %mul3A_1652 : vector<16xf32> to vector<1x1x16xf32>
        tpu.vector_store %arg14[%swap3A_1653, %swap3A_1654, %swap3A_1655], %swap3A_1658 {strides = array<i32>} : memref<8x80x80xf32, #tpu.memory_space<vmem>>, vector<1x1x16xf32>,
        %get3A_1659 = arith.index_cast %rem3A_1122 : i32 to index
        %get3A_1660 = arith.index_cast %scan3A_1603 : i32 to index
        %get3A_1661 = arith.constant 48 : index
        %get3A_1662 = tpu.vector_load %arg14[%get3A_1659, %get3A_1660, %get3A_1661] {strides = array<i32>} : memref<8x80x80xf32, #tpu.memory_space<vmem>>, vector<1x1x16xf32>,
        %get3A_1663 = vector.shape_cast %get3A_1662 : vector<1x1x16xf32> to vector<16xf32>
        %slice3A_1664 = vector.extract_strided_slice %exp3A_1622 {offsets = [2], sizes = [1], strides = [1]} : vector<16xf32> to vector<1xf32>
        %squeeze3A_1665 = vector.extract %slice3A_1664[0] : f32 from vector<1xf32>
        %mul3A_1666 = vector.broadcast %squeeze3A_1665 : f32 to vector<16xf32>
        %mul3A_1667 = arith.mulf %get3A_1663, %mul3A_1666 : vector<16xf32>
        %swap3A_1668 = arith.index_cast %rem3A_1122 : i32 to index
        %swap3A_1669 = arith.index_cast %scan3A_1603 : i32 to index
        %swap3A_1670 = arith.constant 48 : index
        %swap3A_1671 = tpu.vector_load %arg14[%swap3A_1668, %swap3A_1669, %swap3A_1670] {strides = array<i32>} : memref<8x80x80xf32, #tpu.memory_space<vmem>>, vector<1x1x16xf32>,
        %swap3A_1672 = vector.shape_cast %swap3A_1671 : vector<1x1x16xf32> to vector<16xf32>
        %swap3A_1673 = vector.shape_cast %mul3A_1667 : vector<16xf32> to vector<1x1x16xf32>
        tpu.vector_store %arg14[%swap3A_1668, %swap3A_1669, %swap3A_1670], %swap3A_1673 {strides = array<i32>} : memref<8x80x80xf32, #tpu.memory_space<vmem>>, vector<1x1x16xf32>,
        %get3A_1674 = arith.index_cast %rem3A_1122 : i32 to index
        %get3A_1675 = arith.index_cast %scan3A_1603 : i32 to index
        %get3A_1676 = arith.constant 64 : index
        %get3A_1677 = tpu.vector_load %arg14[%get3A_1674, %get3A_1675, %get3A_1676] {strides = array<i32>} : memref<8x80x80xf32, #tpu.memory_space<vmem>>, vector<1x1x16xf32>,
        %get3A_1678 = vector.shape_cast %get3A_1677 : vector<1x1x16xf32> to vector<16xf32>
        %slice3A_1679 = vector.extract_strided_slice %exp3A_1622 {offsets = [3], sizes = [1], strides = [1]} : vector<16xf32> to vector<1xf32>
        %squeeze3A_1680 = vector.extract %slice3A_1679[0] : f32 from vector<1xf32>
        %mul3A_1681 = vector.broadcast %squeeze3A_1680 : f32 to vector<16xf32>
        %mul3A_1682 = arith.mulf %get3A_1678, %mul3A_1681 : vector<16xf32>
        %swap3A_1683 = arith.index_cast %rem3A_1122 : i32 to index
        %swap3A_1684 = arith.index_cast %scan3A_1603 : i32 to index
        %swap3A_1685 = arith.constant 64 : index
        %swap3A_1686 = tpu.vector_load %arg14[%swap3A_1683, %swap3A_1684, %swap3A_1685] {strides = array<i32>} : memref<8x80x80xf32, #tpu.memory_space<vmem>>, vector<1x1x16xf32>,
        %swap3A_1687 = vector.shape_cast %swap3A_1686 : vector<1x1x16xf32> to vector<16xf32>
        %swap3A_1688 = vector.shape_cast %mul3A_1682 : vector<16xf32> to vector<1x1x16xf32>
        tpu.vector_store %arg14[%swap3A_1683, %swap3A_1684, %swap3A_1685], %swap3A_1688 {strides = array<i32>} : memref<8x80x80xf32, #tpu.memory_space<vmem>>, vector<1x1x16xf32>,
        %scan3A_1689 = arith.constant 6 : i32
        %scan3A_1690 = arith.addi %scan3A_1173, %scan3A_1689 : i32
        %get3A_1691 = arith.index_cast %rem3A_1122 : i32 to index
        %get3A_1692 = arith.index_cast %scan3A_1690 : i32 to index
        %get3A_1693 = arith.constant 0 : index
        %get3A_1694 = tpu.vector_load %arg14[%get3A_1691, %get3A_1692, %get3A_1693] {strides = array<i32>} : memref<8x80x80xf32, #tpu.memory_space<vmem>>, vector<1x1x16xf32>,
        %get3A_1695 = vector.shape_cast %get3A_1694 : vector<1x1x16xf32> to vector<16xf32>
        %get3A_1696 = arith.index_cast %rem3A_1122 : i32 to index
        %get3A_1697 = arith.index_cast %scan3A_1690 : i32 to index
        %get3A_1698 = arith.constant 0 : index
        %get3A_1699 = tpu.vector_load %arg13[%get3A_1696, %get3A_1697, %get3A_1698] {strides = array<i32>} : memref<8x80x16xf32, #tpu.memory_space<vmem>>, vector<1x1x16xf32>,
        %get3A_1700 = vector.shape_cast %get3A_1699 : vector<1x1x16xf32> to vector<16xf32>
        %add3A_1701 = arith.addf %get3A_1695, %get3A_1700 : vector<16xf32>
        %gt3A_1702 = arith.constant 0.000000e+00 : f32
        %gt3A_1703 = vector.broadcast %gt3A_1702 : f32 to vector<16xf32>
        %gt3A_1704 = arith.cmpf ogt, %add3A_1701, %gt3A_1703 : vector<16xf32>
        %mul3A_1705 = arith.constant 2.000000e-01 : f32
        %mul3A_1706 = vector.broadcast %mul3A_1705 : f32 to vector<16xf32>
        %mul3A_1707 = arith.mulf %mul3A_1706, %add3A_1701 : vector<16xf32>
        %select_n3A_1708 = arith.select %gt3A_1704, %add3A_1701, %mul3A_1707 : vector<16xi1>, vector<16xf32>
        %exp3A_1709 = math.exp %select_n3A_1708 : vector<16xf32>
        %swap3A_1710 = arith.index_cast %rem3A_1122 : i32 to index
        %swap3A_1711 = arith.index_cast %scan3A_1690 : i32 to index
        %swap3A_1712 = arith.constant 0 : index
        %swap3A_1713 = tpu.vector_load %arg14[%swap3A_1710, %swap3A_1711, %swap3A_1712] {strides = array<i32>} : memref<8x80x80xf32, #tpu.memory_space<vmem>>, vector<1x1x16xf32>,
        %swap3A_1714 = vector.shape_cast %swap3A_1713 : vector<1x1x16xf32> to vector<16xf32>
        %swap3A_1715 = vector.shape_cast %exp3A_1709 : vector<16xf32> to vector<1x1x16xf32>
        tpu.vector_store %arg14[%swap3A_1710, %swap3A_1711, %swap3A_1712], %swap3A_1715 {strides = array<i32>} : memref<8x80x80xf32, #tpu.memory_space<vmem>>, vector<1x1x16xf32>,
        %get3A_1716 = arith.index_cast %rem3A_1122 : i32 to index
        %get3A_1717 = arith.index_cast %scan3A_1690 : i32 to index
        %get3A_1718 = arith.constant 16 : index
        %get3A_1719 = tpu.vector_load %arg14[%get3A_1716, %get3A_1717, %get3A_1718] {strides = array<i32>} : memref<8x80x80xf32, #tpu.memory_space<vmem>>, vector<1x1x16xf32>,
        %get3A_1720 = vector.shape_cast %get3A_1719 : vector<1x1x16xf32> to vector<16xf32>
        %slice3A_1721 = vector.extract_strided_slice %exp3A_1709 {offsets = [0], sizes = [1], strides = [1]} : vector<16xf32> to vector<1xf32>
        %squeeze3A_1722 = vector.extract %slice3A_1721[0] : f32 from vector<1xf32>
        %mul3A_1723 = vector.broadcast %squeeze3A_1722 : f32 to vector<16xf32>
        %mul3A_1724 = arith.mulf %get3A_1720, %mul3A_1723 : vector<16xf32>
        %swap3A_1725 = arith.index_cast %rem3A_1122 : i32 to index
        %swap3A_1726 = arith.index_cast %scan3A_1690 : i32 to index
        %swap3A_1727 = arith.constant 16 : index
        %swap3A_1728 = tpu.vector_load %arg14[%swap3A_1725, %swap3A_1726, %swap3A_1727] {strides = array<i32>} : memref<8x80x80xf32, #tpu.memory_space<vmem>>, vector<1x1x16xf32>,
        %swap3A_1729 = vector.shape_cast %swap3A_1728 : vector<1x1x16xf32> to vector<16xf32>
        %swap3A_1730 = vector.shape_cast %mul3A_1724 : vector<16xf32> to vector<1x1x16xf32>
        tpu.vector_store %arg14[%swap3A_1725, %swap3A_1726, %swap3A_1727], %swap3A_1730 {strides = array<i32>} : memref<8x80x80xf32, #tpu.memory_space<vmem>>, vector<1x1x16xf32>,
        %get3A_1731 = arith.index_cast %rem3A_1122 : i32 to index
        %get3A_1732 = arith.index_cast %scan3A_1690 : i32 to index
        %get3A_1733 = arith.constant 32 : index
        %get3A_1734 = tpu.vector_load %arg14[%get3A_1731, %get3A_1732, %get3A_1733] {strides = array<i32>} : memref<8x80x80xf32, #tpu.memory_space<vmem>>, vector<1x1x16xf32>,
        %get3A_1735 = vector.shape_cast %get3A_1734 : vector<1x1x16xf32> to vector<16xf32>
        %slice3A_1736 = vector.extract_strided_slice %exp3A_1709 {offsets = [1], sizes = [1], strides = [1]} : vector<16xf32> to vector<1xf32>
        %squeeze3A_1737 = vector.extract %slice3A_1736[0] : f32 from vector<1xf32>
        %mul3A_1738 = vector.broadcast %squeeze3A_1737 : f32 to vector<16xf32>
        %mul3A_1739 = arith.mulf %get3A_1735, %mul3A_1738 : vector<16xf32>
        %swap3A_1740 = arith.index_cast %rem3A_1122 : i32 to index
        %swap3A_1741 = arith.index_cast %scan3A_1690 : i32 to index
        %swap3A_1742 = arith.constant 32 : index
        %swap3A_1743 = tpu.vector_load %arg14[%swap3A_1740, %swap3A_1741, %swap3A_1742] {strides = array<i32>} : memref<8x80x80xf32, #tpu.memory_space<vmem>>, vector<1x1x16xf32>,
        %swap3A_1744 = vector.shape_cast %swap3A_1743 : vector<1x1x16xf32> to vector<16xf32>
        %swap3A_1745 = vector.shape_cast %mul3A_1739 : vector<16xf32> to vector<1x1x16xf32>
        tpu.vector_store %arg14[%swap3A_1740, %swap3A_1741, %swap3A_1742], %swap3A_1745 {strides = array<i32>} : memref<8x80x80xf32, #tpu.memory_space<vmem>>, vector<1x1x16xf32>,
        %get3A_1746 = arith.index_cast %rem3A_1122 : i32 to index
        %get3A_1747 = arith.index_cast %scan3A_1690 : i32 to index
        %get3A_1748 = arith.constant 48 : index
        %get3A_1749 = tpu.vector_load %arg14[%get3A_1746, %get3A_1747, %get3A_1748] {strides = array<i32>} : memref<8x80x80xf32, #tpu.memory_space<vmem>>, vector<1x1x16xf32>,
        %get3A_1750 = vector.shape_cast %get3A_1749 : vector<1x1x16xf32> to vector<16xf32>
        %slice3A_1751 = vector.extract_strided_slice %exp3A_1709 {offsets = [2], sizes = [1], strides = [1]} : vector<16xf32> to vector<1xf32>
        %squeeze3A_1752 = vector.extract %slice3A_1751[0] : f32 from vector<1xf32>
        %mul3A_1753 = vector.broadcast %squeeze3A_1752 : f32 to vector<16xf32>
        %mul3A_1754 = arith.mulf %get3A_1750, %mul3A_1753 : vector<16xf32>
        %swap3A_1755 = arith.index_cast %rem3A_1122 : i32 to index
        %swap3A_1756 = arith.index_cast %scan3A_1690 : i32 to index
        %swap3A_1757 = arith.constant 48 : index
        %swap3A_1758 = tpu.vector_load %arg14[%swap3A_1755, %swap3A_1756, %swap3A_1757] {strides = array<i32>} : memref<8x80x80xf32, #tpu.memory_space<vmem>>, vector<1x1x16xf32>,
        %swap3A_1759 = vector.shape_cast %swap3A_1758 : vector<1x1x16xf32> to vector<16xf32>
        %swap3A_1760 = vector.shape_cast %mul3A_1754 : vector<16xf32> to vector<1x1x16xf32>
        tpu.vector_store %arg14[%swap3A_1755, %swap3A_1756, %swap3A_1757], %swap3A_1760 {strides = array<i32>} : memref<8x80x80xf32, #tpu.memory_space<vmem>>, vector<1x1x16xf32>,
        %get3A_1761 = arith.index_cast %rem3A_1122 : i32 to index
        %get3A_1762 = arith.index_cast %scan3A_1690 : i32 to index
        %get3A_1763 = arith.constant 64 : index
        %get3A_1764 = tpu.vector_load %arg14[%get3A_1761, %get3A_1762, %get3A_1763] {strides = array<i32>} : memref<8x80x80xf32, #tpu.memory_space<vmem>>, vector<1x1x16xf32>,
        %get3A_1765 = vector.shape_cast %get3A_1764 : vector<1x1x16xf32> to vector<16xf32>
        %slice3A_1766 = vector.extract_strided_slice %exp3A_1709 {offsets = [3], sizes = [1], strides = [1]} : vector<16xf32> to vector<1xf32>
        %squeeze3A_1767 = vector.extract %slice3A_1766[0] : f32 from vector<1xf32>
        %mul3A_1768 = vector.broadcast %squeeze3A_1767 : f32 to vector<16xf32>
        %mul3A_1769 = arith.mulf %get3A_1765, %mul3A_1768 : vector<16xf32>
        %swap3A_1770 = arith.index_cast %rem3A_1122 : i32 to index
        %swap3A_1771 = arith.index_cast %scan3A_1690 : i32 to index
        %swap3A_1772 = arith.constant 64 : index
        %swap3A_1773 = tpu.vector_load %arg14[%swap3A_1770, %swap3A_1771, %swap3A_1772] {strides = array<i32>} : memref<8x80x80xf32, #tpu.memory_space<vmem>>, vector<1x1x16xf32>,
        %swap3A_1774 = vector.shape_cast %swap3A_1773 : vector<1x1x16xf32> to vector<16xf32>
        %swap3A_1775 = vector.shape_cast %mul3A_1769 : vector<16xf32> to vector<1x1x16xf32>
        tpu.vector_store %arg14[%swap3A_1770, %swap3A_1771, %swap3A_1772], %swap3A_1775 {strides = array<i32>} : memref<8x80x80xf32, #tpu.memory_space<vmem>>, vector<1x1x16xf32>,
        %scan3A_1776 = arith.constant 7 : i32
        %scan3A_1777 = arith.addi %scan3A_1173, %scan3A_1776 : i32
        %get3A_1778 = arith.index_cast %rem3A_1122 : i32 to index
        %get3A_1779 = arith.index_cast %scan3A_1777 : i32 to index
        %get3A_1780 = arith.constant 0 : index
        %get3A_1781 = tpu.vector_load %arg14[%get3A_1778, %get3A_1779, %get3A_1780] {strides = array<i32>} : memref<8x80x80xf32, #tpu.memory_space<vmem>>, vector<1x1x16xf32>,
        %get3A_1782 = vector.shape_cast %get3A_1781 : vector<1x1x16xf32> to vector<16xf32>
        %get3A_1783 = arith.index_cast %rem3A_1122 : i32 to index
        %get3A_1784 = arith.index_cast %scan3A_1777 : i32 to index
        %get3A_1785 = arith.constant 0 : index
        %get3A_1786 = tpu.vector_load %arg13[%get3A_1783, %get3A_1784, %get3A_1785] {strides = array<i32>} : memref<8x80x16xf32, #tpu.memory_space<vmem>>, vector<1x1x16xf32>,
        %get3A_1787 = vector.shape_cast %get3A_1786 : vector<1x1x16xf32> to vector<16xf32>
        %add3A_1788 = arith.addf %get3A_1782, %get3A_1787 : vector<16xf32>
        %gt3A_1789 = arith.constant 0.000000e+00 : f32
        %gt3A_1790 = vector.broadcast %gt3A_1789 : f32 to vector<16xf32>
        %gt3A_1791 = arith.cmpf ogt, %add3A_1788, %gt3A_1790 : vector<16xf32>
        %mul3A_1792 = arith.constant 2.000000e-01 : f32
        %mul3A_1793 = vector.broadcast %mul3A_1792 : f32 to vector<16xf32>
        %mul3A_1794 = arith.mulf %mul3A_1793, %add3A_1788 : vector<16xf32>
        %select_n3A_1795 = arith.select %gt3A_1791, %add3A_1788, %mul3A_1794 : vector<16xi1>, vector<16xf32>
        %exp3A_1796 = math.exp %select_n3A_1795 : vector<16xf32>
        %swap3A_1797 = arith.index_cast %rem3A_1122 : i32 to index
        %swap3A_1798 = arith.index_cast %scan3A_1777 : i32 to index
        %swap3A_1799 = arith.constant 0 : index
        %swap3A_1800 = tpu.vector_load %arg14[%swap3A_1797, %swap3A_1798, %swap3A_1799] {strides = array<i32>} : memref<8x80x80xf32, #tpu.memory_space<vmem>>, vector<1x1x16xf32>,
        %swap3A_1801 = vector.shape_cast %swap3A_1800 : vector<1x1x16xf32> to vector<16xf32>
        %swap3A_1802 = vector.shape_cast %exp3A_1796 : vector<16xf32> to vector<1x1x16xf32>
        tpu.vector_store %arg14[%swap3A_1797, %swap3A_1798, %swap3A_1799], %swap3A_1802 {strides = array<i32>} : memref<8x80x80xf32, #tpu.memory_space<vmem>>, vector<1x1x16xf32>,
        %get3A_1803 = arith.index_cast %rem3A_1122 : i32 to index
        %get3A_1804 = arith.index_cast %scan3A_1777 : i32 to index
        %get3A_1805 = arith.constant 16 : index
        %get3A_1806 = tpu.vector_load %arg14[%get3A_1803, %get3A_1804, %get3A_1805] {strides = array<i32>} : memref<8x80x80xf32, #tpu.memory_space<vmem>>, vector<1x1x16xf32>,
        %get3A_1807 = vector.shape_cast %get3A_1806 : vector<1x1x16xf32> to vector<16xf32>
        %slice3A_1808 = vector.extract_strided_slice %exp3A_1796 {offsets = [0], sizes = [1], strides = [1]} : vector<16xf32> to vector<1xf32>
        %squeeze3A_1809 = vector.extract %slice3A_1808[0] : f32 from vector<1xf32>
        %mul3A_1810 = vector.broadcast %squeeze3A_1809 : f32 to vector<16xf32>
        %mul3A_1811 = arith.mulf %get3A_1807, %mul3A_1810 : vector<16xf32>
        %swap3A_1812 = arith.index_cast %rem3A_1122 : i32 to index
        %swap3A_1813 = arith.index_cast %scan3A_1777 : i32 to index
        %swap3A_1814 = arith.constant 16 : index
        %swap3A_1815 = tpu.vector_load %arg14[%swap3A_1812, %swap3A_1813, %swap3A_1814] {strides = array<i32>} : memref<8x80x80xf32, #tpu.memory_space<vmem>>, vector<1x1x16xf32>,
        %swap3A_1816 = vector.shape_cast %swap3A_1815 : vector<1x1x16xf32> to vector<16xf32>
        %swap3A_1817 = vector.shape_cast %mul3A_1811 : vector<16xf32> to vector<1x1x16xf32>
        tpu.vector_store %arg14[%swap3A_1812, %swap3A_1813, %swap3A_1814], %swap3A_1817 {strides = array<i32>} : memref<8x80x80xf32, #tpu.memory_space<vmem>>, vector<1x1x16xf32>,
        %get3A_1818 = arith.index_cast %rem3A_1122 : i32 to index
        %get3A_1819 = arith.index_cast %scan3A_1777 : i32 to index
        %get3A_1820 = arith.constant 32 : index
        %get3A_1821 = tpu.vector_load %arg14[%get3A_1818, %get3A_1819, %get3A_1820] {strides = array<i32>} : memref<8x80x80xf32, #tpu.memory_space<vmem>>, vector<1x1x16xf32>,
        %get3A_1822 = vector.shape_cast %get3A_1821 : vector<1x1x16xf32> to vector<16xf32>
        %slice3A_1823 = vector.extract_strided_slice %exp3A_1796 {offsets = [1], sizes = [1], strides = [1]} : vector<16xf32> to vector<1xf32>
        %squeeze3A_1824 = vector.extract %slice3A_1823[0] : f32 from vector<1xf32>
        %mul3A_1825 = vector.broadcast %squeeze3A_1824 : f32 to vector<16xf32>
        %mul3A_1826 = arith.mulf %get3A_1822, %mul3A_1825 : vector<16xf32>
        %swap3A_1827 = arith.index_cast %rem3A_1122 : i32 to index
        %swap3A_1828 = arith.index_cast %scan3A_1777 : i32 to index
        %swap3A_1829 = arith.constant 32 : index
        %swap3A_1830 = tpu.vector_load %arg14[%swap3A_1827, %swap3A_1828, %swap3A_1829] {strides = array<i32>} : memref<8x80x80xf32, #tpu.memory_space<vmem>>, vector<1x1x16xf32>,
        %swap3A_1831 = vector.shape_cast %swap3A_1830 : vector<1x1x16xf32> to vector<16xf32>
        %swap3A_1832 = vector.shape_cast %mul3A_1826 : vector<16xf32> to vector<1x1x16xf32>
        tpu.vector_store %arg14[%swap3A_1827, %swap3A_1828, %swap3A_1829], %swap3A_1832 {strides = array<i32>} : memref<8x80x80xf32, #tpu.memory_space<vmem>>, vector<1x1x16xf32>,
        %get3A_1833 = arith.index_cast %rem3A_1122 : i32 to index
        %get3A_1834 = arith.index_cast %scan3A_1777 : i32 to index
        %get3A_1835 = arith.constant 48 : index
        %get3A_1836 = tpu.vector_load %arg14[%get3A_1833, %get3A_1834, %get3A_1835] {strides = array<i32>} : memref<8x80x80xf32, #tpu.memory_space<vmem>>, vector<1x1x16xf32>,
        %get3A_1837 = vector.shape_cast %get3A_1836 : vector<1x1x16xf32> to vector<16xf32>
        %slice3A_1838 = vector.extract_strided_slice %exp3A_1796 {offsets = [2], sizes = [1], strides = [1]} : vector<16xf32> to vector<1xf32>
        %squeeze3A_1839 = vector.extract %slice3A_1838[0] : f32 from vector<1xf32>
        %mul3A_1840 = vector.broadcast %squeeze3A_1839 : f32 to vector<16xf32>
        %mul3A_1841 = arith.mulf %get3A_1837, %mul3A_1840 : vector<16xf32>
        %swap3A_1842 = arith.index_cast %rem3A_1122 : i32 to index
        %swap3A_1843 = arith.index_cast %scan3A_1777 : i32 to index
        %swap3A_1844 = arith.constant 48 : index
        %swap3A_1845 = tpu.vector_load %arg14[%swap3A_1842, %swap3A_1843, %swap3A_1844] {strides = array<i32>} : memref<8x80x80xf32, #tpu.memory_space<vmem>>, vector<1x1x16xf32>,
        %swap3A_1846 = vector.shape_cast %swap3A_1845 : vector<1x1x16xf32> to vector<16xf32>
        %swap3A_1847 = vector.shape_cast %mul3A_1841 : vector<16xf32> to vector<1x1x16xf32>
        tpu.vector_store %arg14[%swap3A_1842, %swap3A_1843, %swap3A_1844], %swap3A_1847 {strides = array<i32>} : memref<8x80x80xf32, #tpu.memory_space<vmem>>, vector<1x1x16xf32>,
        %get3A_1848 = arith.index_cast %rem3A_1122 : i32 to index
        %get3A_1849 = arith.index_cast %scan3A_1777 : i32 to index
        %get3A_1850 = arith.constant 64 : index
        %get3A_1851 = tpu.vector_load %arg14[%get3A_1848, %get3A_1849, %get3A_1850] {strides = array<i32>} : memref<8x80x80xf32, #tpu.memory_space<vmem>>, vector<1x1x16xf32>,
        %get3A_1852 = vector.shape_cast %get3A_1851 : vector<1x1x16xf32> to vector<16xf32>
        %slice3A_1853 = vector.extract_strided_slice %exp3A_1796 {offsets = [3], sizes = [1], strides = [1]} : vector<16xf32> to vector<1xf32>
        %squeeze3A_1854 = vector.extract %slice3A_1853[0] : f32 from vector<1xf32>
        %mul3A_1855 = vector.broadcast %squeeze3A_1854 : f32 to vector<16xf32>
        %mul3A_1856 = arith.mulf %get3A_1852, %mul3A_1855 : vector<16xf32>
        %swap3A_1857 = arith.index_cast %rem3A_1122 : i32 to index
        %swap3A_1858 = arith.index_cast %scan3A_1777 : i32 to index
        %swap3A_1859 = arith.constant 64 : index
        %swap3A_1860 = tpu.vector_load %arg14[%swap3A_1857, %swap3A_1858, %swap3A_1859] {strides = array<i32>} : memref<8x80x80xf32, #tpu.memory_space<vmem>>, vector<1x1x16xf32>,
        %swap3A_1861 = vector.shape_cast %swap3A_1860 : vector<1x1x16xf32> to vector<16xf32>
        %swap3A_1862 = vector.shape_cast %mul3A_1856 : vector<16xf32> to vector<1x1x16xf32>
        tpu.vector_store %arg14[%swap3A_1857, %swap3A_1858, %swap3A_1859], %swap3A_1862 {strides = array<i32>} : memref<8x80x80xf32, #tpu.memory_space<vmem>>, vector<1x1x16xf32>,
      }
      %scan3A_1160 = arith.constant 80 : i32
      %dma_start3A_1161 = arith.constant 0 : i32
      %dma_start3A_1162 = arith.constant 0 : i32
      %dma_start3A_1163 = tpu.memref_slice %arg14[%rem3A_1122, %dma_start3A_1161, %dma_start3A_1162] : memref<8x80x80xf32, #tpu.memory_space<vmem>> -> memref<1x80x80xf32, #tpu.memory_space<vmem>>
      %dma_start3A_1164 = tpu.memref_squeeze %dma_start3A_1163 : memref<1x80x80xf32, #tpu.memory_space<vmem>> -> memref<80x80xf32, #tpu.memory_space<vmem>>
      %dma_start3A_1165 = arith.constant 0 : i32
      %dma_start3A_1166 = tpu.memref_slice %arg10[%rem3A_1122, %dma_start3A_1165] : memref<8x80xi32, #tpu.memory_space<vmem>> -> memref<1x80xi32, #tpu.memory_space<vmem>>
      %dma_start3A_1167 = tpu.memref_squeeze %dma_start3A_1166 : memref<1x80xi32, #tpu.memory_space<vmem>> -> memref<80xi32, #tpu.memory_space<vmem>>
      %dma_start3A_1168 = arith.constant 0 : i32
      %dma_start3A_1169 = arith.constant 0 : i32
      %dma_start3A_1170 = tpu.memref_slice %arg9[%dma_start3A_1168, %dma_start3A_1169] : memref<10000x80xf32, #tpu.memory_space<vmem_shared>> -> memref<10000x80xf32, #tpu.memory_space<vmem_shared>>
      %dma_start3A_1171 = tpu.memref_slice %arg19[%rem3A_1122] : memref<8x!tpu.dma_semaphore, #tpu.memory_space<semaphore_mem>> -> memref<1x!tpu.dma_semaphore, #tpu.memory_space<semaphore_mem>>
      %dma_start3A_1172 = tpu.memref_squeeze %dma_start3A_1171 : memref<1x!tpu.dma_semaphore, #tpu.memory_space<semaphore_mem>> -> memref<!tpu.dma_semaphore, #tpu.memory_space<semaphore_mem>>
      tpu.enqueue_indirect_dma source(%dma_start3A_1164 : memref<80x80xf32, #tpu.memory_space<vmem>>) target(%dma_start3A_1170 : memref<10000x80xf32, #tpu.memory_space<vmem_shared>>) offsets(%dma_start3A_1167 : memref<80xi32, #tpu.memory_space<vmem>>) semaphore(%dma_start3A_1172 : memref<!tpu.dma_semaphore, #tpu.memory_space<semaphore_mem>>) {add = true}
    }
    %scan3A_994 = arith.constant 250 : i32
    %dma_wait3A = arith.constant 1 : i32
    %dma_wait3A_995 = arith.constant 1 : i32
    %dma_wait3A_996 = arith.constant 1 : i32
    %dma_wait3A_997 = arith.constant 0 : i32
    %dma_wait3A_998 = arith.constant 0 : i32
    %dma_wait3A_999 = tpu.memref_slice %arg14[%dma_wait3A, %dma_wait3A_997, %dma_wait3A_998] : memref<8x80x80xf32, #tpu.memory_space<vmem>> -> memref<1x80x80xf32, #tpu.memory_space<vmem>>
    %dma_wait3A_1000 = tpu.memref_squeeze %dma_wait3A_999 : memref<1x80x80xf32, #tpu.memory_space<vmem>> -> memref<80x80xf32, #tpu.memory_space<vmem>>
    %dma_wait3A_1001 = arith.constant 0 : i32
    %dma_wait3A_1002 = tpu.memref_slice %arg10[%dma_wait3A_995, %dma_wait3A_1001] : memref<8x80xi32, #tpu.memory_space<vmem>> -> memref<1x80xi32, #tpu.memory_space<vmem>>
    %dma_wait3A_1003 = tpu.memref_squeeze %dma_wait3A_1002 : memref<1x80xi32, #tpu.memory_space<vmem>> -> memref<80xi32, #tpu.memory_space<vmem>>
    %dma_wait3A_1004 = arith.constant 0 : i32
    %dma_wait3A_1005 = arith.constant 0 : i32
    %dma_wait3A_1006 = tpu.memref_slice %arg9[%dma_wait3A_1004, %dma_wait3A_1005] : memref<10000x80xf32, #tpu.memory_space<vmem_shared>> -> memref<10000x80xf32, #tpu.memory_space<vmem_shared>>
    %dma_wait3A_1007 = tpu.memref_slice %arg19[%dma_wait3A_996] : memref<8x!tpu.dma_semaphore, #tpu.memory_space<semaphore_mem>> -> memref<1x!tpu.dma_semaphore, #tpu.memory_space<semaphore_mem>>
    %dma_wait3A_1008 = tpu.memref_squeeze %dma_wait3A_1007 : memref<1x!tpu.dma_semaphore, #tpu.memory_space<semaphore_mem>> -> memref<!tpu.dma_semaphore, #tpu.memory_space<semaphore_mem>>
    tpu.wait_indirect_dma semaphore(%dma_wait3A_1008 : memref<!tpu.dma_semaphore, #tpu.memory_space<semaphore_mem>>) src(%dma_wait3A_1000 : memref<80x80xf32, #tpu.memory_space<vmem>>) dst(%dma_wait3A_1006 : memref<10000x80xf32, #tpu.memory_space<vmem_shared>>)
    %dma_wait3A_1009 = arith.constant 0 : i32
    %dma_wait3A_1010 = arith.constant 0 : i32
    %dma_wait3A_1011 = arith.constant 0 : i32
    %dma_wait3A_1012 = arith.constant 0 : i32
    %dma_wait3A_1013 = arith.constant 0 : i32
    %dma_wait3A_1014 = tpu.memref_slice %arg14[%dma_wait3A_1009, %dma_wait3A_1012, %dma_wait3A_1013] : memref<8x80x80xf32, #tpu.memory_space<vmem>> -> memref<1x80x80xf32, #tpu.memory_space<vmem>>
    %dma_wait3A_1015 = tpu.memref_squeeze %dma_wait3A_1014 : memref<1x80x80xf32, #tpu.memory_space<vmem>> -> memref<80x80xf32, #tpu.memory_space<vmem>>
    %dma_wait3A_1016 = arith.constant 0 : i32
    %dma_wait3A_1017 = tpu.memref_slice %arg10[%dma_wait3A_1010, %dma_wait3A_1016] : memref<8x80xi32, #tpu.memory_space<vmem>> -> memref<1x80xi32, #tpu.memory_space<vmem>>
    %dma_wait3A_1018 = tpu.memref_squeeze %dma_wait3A_1017 : memref<1x80xi32, #tpu.memory_space<vmem>> -> memref<80xi32, #tpu.memory_space<vmem>>
    %dma_wait3A_1019 = arith.constant 0 : i32
    %dma_wait3A_1020 = arith.constant 0 : i32
    %dma_wait3A_1021 = tpu.memref_slice %arg9[%dma_wait3A_1019, %dma_wait3A_1020] : memref<10000x80xf32, #tpu.memory_space<vmem_shared>> -> memref<10000x80xf32, #tpu.memory_space<vmem_shared>>
    %dma_wait3A_1022 = tpu.memref_slice %arg19[%dma_wait3A_1011] : memref<8x!tpu.dma_semaphore, #tpu.memory_space<semaphore_mem>> -> memref<1x!tpu.dma_semaphore, #tpu.memory_space<semaphore_mem>>
    %dma_wait3A_1023 = tpu.memref_squeeze %dma_wait3A_1022 : memref<1x!tpu.dma_semaphore, #tpu.memory_space<semaphore_mem>> -> memref<!tpu.dma_semaphore, #tpu.memory_space<semaphore_mem>>
    tpu.wait_indirect_dma semaphore(%dma_wait3A_1023 : memref<!tpu.dma_semaphore, #tpu.memory_space<semaphore_mem>>) src(%dma_wait3A_1015 : memref<80x80xf32, #tpu.memory_space<vmem>>) dst(%dma_wait3A_1021 : memref<10000x80xf32, #tpu.memory_space<vmem_shared>>)
    %dma_wait3A_1024 = arith.constant 7 : i32
    %dma_wait3A_1025 = arith.constant 7 : i32
    %dma_wait3A_1026 = arith.constant 7 : i32
    %dma_wait3A_1027 = arith.constant 0 : i32
    %dma_wait3A_1028 = arith.constant 0 : i32
    %dma_wait3A_1029 = tpu.memref_slice %arg14[%dma_wait3A_1024, %dma_wait3A_1027, %dma_wait3A_1028] : memref<8x80x80xf32, #tpu.memory_space<vmem>> -> memref<1x80x80xf32, #tpu.memory_space<vmem>>
    %dma_wait3A_1030 = tpu.memref_squeeze %dma_wait3A_1029 : memref<1x80x80xf32, #tpu.memory_space<vmem>> -> memref<80x80xf32, #tpu.memory_space<vmem>>
    %dma_wait3A_1031 = arith.constant 0 : i32
    %dma_wait3A_1032 = tpu.memref_slice %arg10[%dma_wait3A_1025, %dma_wait3A_1031] : memref<8x80xi32, #tpu.memory_space<vmem>> -> memref<1x80xi32, #tpu.memory_space<vmem>>
    %dma_wait3A_1033 = tpu.memref_squeeze %dma_wait3A_1032 : memref<1x80xi32, #tpu.memory_space<vmem>> -> memref<80xi32, #tpu.memory_space<vmem>>
    %dma_wait3A_1034 = arith.constant 0 : i32
    %dma_wait3A_1035 = arith.constant 0 : i32
    %dma_wait3A_1036 = tpu.memref_slice %arg9[%dma_wait3A_1034, %dma_wait3A_1035] : memref<10000x80xf32, #tpu.memory_space<vmem_shared>> -> memref<10000x80xf32, #tpu.memory_space<vmem_shared>>
    %dma_wait3A_1037 = tpu.memref_slice %arg19[%dma_wait3A_1026] : memref<8x!tpu.dma_semaphore, #tpu.memory_space<semaphore_mem>> -> memref<1x!tpu.dma_semaphore, #tpu.memory_space<semaphore_mem>>
    %dma_wait3A_1038 = tpu.memref_squeeze %dma_wait3A_1037 : memref<1x!tpu.dma_semaphore, #tpu.memory_space<semaphore_mem>> -> memref<!tpu.dma_semaphore, #tpu.memory_space<semaphore_mem>>
    tpu.wait_indirect_dma semaphore(%dma_wait3A_1038 : memref<!tpu.dma_semaphore, #tpu.memory_space<semaphore_mem>>) src(%dma_wait3A_1030 : memref<80x80xf32, #tpu.memory_space<vmem>>) dst(%dma_wait3A_1036 : memref<10000x80xf32, #tpu.memory_space<vmem_shared>>)
    %dma_wait3A_1039 = arith.constant 6 : i32
    %dma_wait3A_1040 = arith.constant 6 : i32
    %dma_wait3A_1041 = arith.constant 6 : i32
    %dma_wait3A_1042 = arith.constant 0 : i32
    %dma_wait3A_1043 = arith.constant 0 : i32
    %dma_wait3A_1044 = tpu.memref_slice %arg14[%dma_wait3A_1039, %dma_wait3A_1042, %dma_wait3A_1043] : memref<8x80x80xf32, #tpu.memory_space<vmem>> -> memref<1x80x80xf32, #tpu.memory_space<vmem>>
    %dma_wait3A_1045 = tpu.memref_squeeze %dma_wait3A_1044 : memref<1x80x80xf32, #tpu.memory_space<vmem>> -> memref<80x80xf32, #tpu.memory_space<vmem>>
    %dma_wait3A_1046 = arith.constant 0 : i32
    %dma_wait3A_1047 = tpu.memref_slice %arg10[%dma_wait3A_1040, %dma_wait3A_1046] : memref<8x80xi32, #tpu.memory_space<vmem>> -> memref<1x80xi32, #tpu.memory_space<vmem>>
    %dma_wait3A_1048 = tpu.memref_squeeze %dma_wait3A_1047 : memref<1x80xi32, #tpu.memory_space<vmem>> -> memref<80xi32, #tpu.memory_space<vmem>>
    %dma_wait3A_1049 = arith.constant 0 : i32
    %dma_wait3A_1050 = arith.constant 0 : i32
    %dma_wait3A_1051 = tpu.memref_slice %arg9[%dma_wait3A_1049, %dma_wait3A_1050] : memref<10000x80xf32, #tpu.memory_space<vmem_shared>> -> memref<10000x80xf32, #tpu.memory_space<vmem_shared>>
    %dma_wait3A_1052 = tpu.memref_slice %arg19[%dma_wait3A_1041] : memref<8x!tpu.dma_semaphore, #tpu.memory_space<semaphore_mem>> -> memref<1x!tpu.dma_semaphore, #tpu.memory_space<semaphore_mem>>
    %dma_wait3A_1053 = tpu.memref_squeeze %dma_wait3A_1052 : memref<1x!tpu.dma_semaphore, #tpu.memory_space<semaphore_mem>> -> memref<!tpu.dma_semaphore, #tpu.memory_space<semaphore_mem>>
    tpu.wait_indirect_dma semaphore(%dma_wait3A_1053 : memref<!tpu.dma_semaphore, #tpu.memory_space<semaphore_mem>>) src(%dma_wait3A_1045 : memref<80x80xf32, #tpu.memory_space<vmem>>) dst(%dma_wait3A_1051 : memref<10000x80xf32, #tpu.memory_space<vmem_shared>>)
    %dma_wait3A_1054 = arith.constant 5 : i32
    %dma_wait3A_1055 = arith.constant 5 : i32
    %dma_wait3A_1056 = arith.constant 5 : i32
    %dma_wait3A_1057 = arith.constant 0 : i32
    %dma_wait3A_1058 = arith.constant 0 : i32
    %dma_wait3A_1059 = tpu.memref_slice %arg14[%dma_wait3A_1054, %dma_wait3A_1057, %dma_wait3A_1058] : memref<8x80x80xf32, #tpu.memory_space<vmem>> -> memref<1x80x80xf32, #tpu.memory_space<vmem>>
    %dma_wait3A_1060 = tpu.memref_squeeze %dma_wait3A_1059 : memref<1x80x80xf32, #tpu.memory_space<vmem>> -> memref<80x80xf32, #tpu.memory_space<vmem>>
    %dma_wait3A_1061 = arith.constant 0 : i32
    %dma_wait3A_1062 = tpu.memref_slice %arg10[%dma_wait3A_1055, %dma_wait3A_1061] : memref<8x80xi32, #tpu.memory_space<vmem>> -> memref<1x80xi32, #tpu.memory_space<vmem>>
    %dma_wait3A_1063 = tpu.memref_squeeze %dma_wait3A_1062 : memref<1x80xi32, #tpu.memory_space<vmem>> -> memref<80xi32, #tpu.memory_space<vmem>>
    %dma_wait3A_1064 = arith.constant 0 : i32
    %dma_wait3A_1065 = arith.constant 0 : i32
    %dma_wait3A_1066 = tpu.memref_slice %arg9[%dma_wait3A_1064, %dma_wait3A_1065] : memref<10000x80xf32, #tpu.memory_space<vmem_shared>> -> memref<10000x80xf32, #tpu.memory_space<vmem_shared>>
    %dma_wait3A_1067 = tpu.memref_slice %arg19[%dma_wait3A_1056] : memref<8x!tpu.dma_semaphore, #tpu.memory_space<semaphore_mem>> -> memref<1x!tpu.dma_semaphore, #tpu.memory_space<semaphore_mem>>
    %dma_wait3A_1068 = tpu.memref_squeeze %dma_wait3A_1067 : memref<1x!tpu.dma_semaphore, #tpu.memory_space<semaphore_mem>> -> memref<!tpu.dma_semaphore, #tpu.memory_space<semaphore_mem>>
    tpu.wait_indirect_dma semaphore(%dma_wait3A_1068 : memref<!tpu.dma_semaphore, #tpu.memory_space<semaphore_mem>>) src(%dma_wait3A_1060 : memref<80x80xf32, #tpu.memory_space<vmem>>) dst(%dma_wait3A_1066 : memref<10000x80xf32, #tpu.memory_space<vmem_shared>>)
    %dma_wait3A_1069 = arith.constant 4 : i32
    %dma_wait3A_1070 = arith.constant 4 : i32
    %dma_wait3A_1071 = arith.constant 4 : i32
    %dma_wait3A_1072 = arith.constant 0 : i32
    %dma_wait3A_1073 = arith.constant 0 : i32
    %dma_wait3A_1074 = tpu.memref_slice %arg14[%dma_wait3A_1069, %dma_wait3A_1072, %dma_wait3A_1073] : memref<8x80x80xf32, #tpu.memory_space<vmem>> -> memref<1x80x80xf32, #tpu.memory_space<vmem>>
    %dma_wait3A_1075 = tpu.memref_squeeze %dma_wait3A_1074 : memref<1x80x80xf32, #tpu.memory_space<vmem>> -> memref<80x80xf32, #tpu.memory_space<vmem>>
    %dma_wait3A_1076 = arith.constant 0 : i32
    %dma_wait3A_1077 = tpu.memref_slice %arg10[%dma_wait3A_1070, %dma_wait3A_1076] : memref<8x80xi32, #tpu.memory_space<vmem>> -> memref<1x80xi32, #tpu.memory_space<vmem>>
    %dma_wait3A_1078 = tpu.memref_squeeze %dma_wait3A_1077 : memref<1x80xi32, #tpu.memory_space<vmem>> -> memref<80xi32, #tpu.memory_space<vmem>>
    %dma_wait3A_1079 = arith.constant 0 : i32
    %dma_wait3A_1080 = arith.constant 0 : i32
    %dma_wait3A_1081 = tpu.memref_slice %arg9[%dma_wait3A_1079, %dma_wait3A_1080] : memref<10000x80xf32, #tpu.memory_space<vmem_shared>> -> memref<10000x80xf32, #tpu.memory_space<vmem_shared>>
    %dma_wait3A_1082 = tpu.memref_slice %arg19[%dma_wait3A_1071] : memref<8x!tpu.dma_semaphore, #tpu.memory_space<semaphore_mem>> -> memref<1x!tpu.dma_semaphore, #tpu.memory_space<semaphore_mem>>
    %dma_wait3A_1083 = tpu.memref_squeeze %dma_wait3A_1082 : memref<1x!tpu.dma_semaphore, #tpu.memory_space<semaphore_mem>> -> memref<!tpu.dma_semaphore, #tpu.memory_space<semaphore_mem>>
    tpu.wait_indirect_dma semaphore(%dma_wait3A_1083 : memref<!tpu.dma_semaphore, #tpu.memory_space<semaphore_mem>>) src(%dma_wait3A_1075 : memref<80x80xf32, #tpu.memory_space<vmem>>) dst(%dma_wait3A_1081 : memref<10000x80xf32, #tpu.memory_space<vmem_shared>>)
    %dma_wait3A_1084 = arith.constant 3 : i32
    %dma_wait3A_1085 = arith.constant 3 : i32
    %dma_wait3A_1086 = arith.constant 3 : i32
    %dma_wait3A_1087 = arith.constant 0 : i32
    %dma_wait3A_1088 = arith.constant 0 : i32
    %dma_wait3A_1089 = tpu.memref_slice %arg14[%dma_wait3A_1084, %dma_wait3A_1087, %dma_wait3A_1088] : memref<8x80x80xf32, #tpu.memory_space<vmem>> -> memref<1x80x80xf32, #tpu.memory_space<vmem>>
    %dma_wait3A_1090 = tpu.memref_squeeze %dma_wait3A_1089 : memref<1x80x80xf32, #tpu.memory_space<vmem>> -> memref<80x80xf32, #tpu.memory_space<vmem>>
    %dma_wait3A_1091 = arith.constant 0 : i32
    %dma_wait3A_1092 = tpu.memref_slice %arg10[%dma_wait3A_1085, %dma_wait3A_1091] : memref<8x80xi32, #tpu.memory_space<vmem>> -> memref<1x80xi32, #tpu.memory_space<vmem>>
    %dma_wait3A_1093 = tpu.memref_squeeze %dma_wait3A_1092 : memref<1x80xi32, #tpu.memory_space<vmem>> -> memref<80xi32, #tpu.memory_space<vmem>>
    %dma_wait3A_1094 = arith.constant 0 : i32
    %dma_wait3A_1095 = arith.constant 0 : i32
    %dma_wait3A_1096 = tpu.memref_slice %arg9[%dma_wait3A_1094, %dma_wait3A_1095] : memref<10000x80xf32, #tpu.memory_space<vmem_shared>> -> memref<10000x80xf32, #tpu.memory_space<vmem_shared>>
    %dma_wait3A_1097 = tpu.memref_slice %arg19[%dma_wait3A_1086] : memref<8x!tpu.dma_semaphore, #tpu.memory_space<semaphore_mem>> -> memref<1x!tpu.dma_semaphore, #tpu.memory_space<semaphore_mem>>
    %dma_wait3A_1098 = tpu.memref_squeeze %dma_wait3A_1097 : memref<1x!tpu.dma_semaphore, #tpu.memory_space<semaphore_mem>> -> memref<!tpu.dma_semaphore, #tpu.memory_space<semaphore_mem>>
    tpu.wait_indirect_dma semaphore(%dma_wait3A_1098 : memref<!tpu.dma_semaphore, #tpu.memory_space<semaphore_mem>>) src(%dma_wait3A_1090 : memref<80x80xf32, #tpu.memory_space<vmem>>) dst(%dma_wait3A_1096 : memref<10000x80xf32, #tpu.memory_space<vmem_shared>>)
    %dma_wait3A_1099 = arith.constant 2 : i32
    %dma_wait3A_1100 = arith.constant 2 : i32
    %dma_wait3A_1101 = arith.constant 2 : i32
    %dma_wait3A_1102 = arith.constant 0 : i32
    %dma_wait3A_1103 = arith.constant 0 : i32
    %dma_wait3A_1104 = tpu.memref_slice %arg14[%dma_wait3A_1099, %dma_wait3A_1102, %dma_wait3A_1103] : memref<8x80x80xf32, #tpu.memory_space<vmem>> -> memref<1x80x80xf32, #tpu.memory_space<vmem>>
    %dma_wait3A_1105 = tpu.memref_squeeze %dma_wait3A_1104 : memref<1x80x80xf32, #tpu.memory_space<vmem>> -> memref<80x80xf32, #tpu.memory_space<vmem>>
    %dma_wait3A_1106 = arith.constant 0 : i32
    %dma_wait3A_1107 = tpu.memref_slice %arg10[%dma_wait3A_1100, %dma_wait3A_1106] : memref<8x80xi32, #tpu.memory_space<vmem>> -> memref<1x80xi32, #tpu.memory_space<vmem>>
    %dma_wait3A_1108 = tpu.memref_squeeze %dma_wait3A_1107 : memref<1x80xi32, #tpu.memory_space<vmem>> -> memref<80xi32, #tpu.memory_space<vmem>>
    %dma_wait3A_1109 = arith.constant 0 : i32
    %dma_wait3A_1110 = arith.constant 0 : i32
    %dma_wait3A_1111 = tpu.memref_slice %arg9[%dma_wait3A_1109, %dma_wait3A_1110] : memref<10000x80xf32, #tpu.memory_space<vmem_shared>> -> memref<10000x80xf32, #tpu.memory_space<vmem_shared>>
    %dma_wait3A_1112 = tpu.memref_slice %arg19[%dma_wait3A_1101] : memref<8x!tpu.dma_semaphore, #tpu.memory_space<semaphore_mem>> -> memref<1x!tpu.dma_semaphore, #tpu.memory_space<semaphore_mem>>
    %dma_wait3A_1113 = tpu.memref_squeeze %dma_wait3A_1112 : memref<1x!tpu.dma_semaphore, #tpu.memory_space<semaphore_mem>> -> memref<!tpu.dma_semaphore, #tpu.memory_space<semaphore_mem>>
    tpu.wait_indirect_dma semaphore(%dma_wait3A_1113 : memref<!tpu.dma_semaphore, #tpu.memory_space<semaphore_mem>>) src(%dma_wait3A_1105 : memref<80x80xf32, #tpu.memory_space<vmem>>) dst(%dma_wait3A_1111 : memref<10000x80xf32, #tpu.memory_space<vmem_shared>>)
    %barrier3A_1114 = arith.constant 0 : index
    tpu.barrier barrier_id(%barrier3A_1114)
    %scan3A_1115 = arith.constant 0 : i32
    %scan3A_1116 = arith.constant 0 : i32
    %scan3A_1117 = arith.constant 8 : i32
    %scan3A_1118 = arith.addi %scan3A_1116, %scan3A_1117 : i32
    %scan3A_1119 = arith.constant 1 : i32
    scf.for %scan3A_1121 = %scan3A_1116 to %scan3A_1118 step %scan3A_1119  : i32 {
      %mul3A_1122 = arith.constant 16 : i32
      %mul3A_1123 = arith.muli %mul3A_1122, %scan3A_1121 : i32
      %add3A_1124 = arith.addi %arg1, %mul3A_1123 : i32
      %lt3A = arith.constant 125 : i32
      %lt3A_1125 = arith.cmpi slt, %add3A_1124, %lt3A : i32
      %convert_element_type3A = arith.extui %lt3A_1125 : i1 to i32
      %cond3A = arith.constant 0 : i32
      %cond3A_1126 = arith.cmpi ne, %convert_element_type3A, %cond3A : i32
      scf.if %cond3A_1126 {
        %mul3A_1127 = arith.constant 80 : i32
        %mul3A_1128 = arith.muli %add3A_1124, %mul3A_1127 : i32
        "tpu.region"() ({
          %run_scoped3A_1136 = tpu.sem_alloc : memref<!tpu.dma_semaphore, #tpu.memory_space<semaphore_mem>>
          %dma_start3A_1137 = arith.constant 0 : i32
          %dma_start3A_1138 = tpu.memref_slice %arg9[%mul3A_1128, %dma_start3A_1137] : memref<10000x80xf32, #tpu.memory_space<vmem_shared>> -> memref<80x80xf32, #tpu.memory_space<vmem_shared>>
          %dma_start3A_1139 = arith.constant 0 : i32
          %dma_start3A_1140 = tpu.memref_slice %arg9[%mul3A_1128, %dma_start3A_1139] : memref<10000x80xf32, #tpu.memory_space<vmem_shared>> -> memref<80x80xf32, #tpu.memory_space<vmem_shared>>
          tpu.enqueue_dma source(%dma_start3A_1140 : memref<80x80xf32, #tpu.memory_space<vmem_shared>>) target(%arg15 : memref<80x80xf32, #tpu.memory_space<vmem>>) target_semaphore(%run_scoped3A_1136 : memref<!tpu.dma_semaphore, #tpu.memory_space<semaphore_mem>>)
          %dma_wait3A_1141 = arith.constant 0 : i32
          %dma_wait3A_1142 = tpu.memref_slice %arg9[%mul3A_1128, %dma_wait3A_1141] : memref<10000x80xf32, #tpu.memory_space<vmem_shared>> -> memref<80x80xf32, #tpu.memory_space<vmem_shared>>
          %dma_wait3A_1143 = arith.constant 0 : i32
          %dma_wait3A_1144 = tpu.memref_slice %arg9[%mul3A_1128, %dma_wait3A_1143] : memref<10000x80xf32, #tpu.memory_space<vmem_shared>> -> memref<80x80xf32, #tpu.memory_space<vmem_shared>>
          tpu.wait_dma2 semaphore(%run_scoped3A_1136 : memref<!tpu.dma_semaphore, #tpu.memory_space<semaphore_mem>>) src(%dma_wait3A_1144 : memref<80x80xf32, #tpu.memory_space<vmem_shared>>) dst(%arg15 : memref<80x80xf32, #tpu.memory_space<vmem>>)
          tpu.yield
        }) : () -> ()
        %scan3A_1129 = arith.constant 0 : i32
        %scan3A_1130 = arith.constant 0 : i32
        %scan3A_1131 = arith.constant 80 : i32
        %scan3A_1132 = arith.addi %scan3A_1130, %scan3A_1131 : i32
        %scan3A_1133 = arith.constant 1 : i32
        scf.for %scan3A_1136 = %scan3A_1130 to %scan3A_1132 step %scan3A_1133  : i32 {
          %get3A_1137 = arith.index_cast %scan3A_1136 : i32 to index
          %get3A_1138 = arith.constant 0 : index
          %get3A_1139 = tpu.vector_load %arg15[%get3A_1137, %get3A_1138] {strides = array<i32>} : memref<80x80xf32, #tpu.memory_space<vmem>>, vector<1x16xf32>,
          %get3A_1140 = vector.shape_cast %get3A_1139 : vector<1x16xf32> to vector<16xf32>
          %slice3A = vector.extract_strided_slice %get3A_1140 {offsets = [0], sizes = [1], strides = [1]} : vector<16xf32> to vector<1xf32>
          %squeeze3A = vector.extract %slice3A[0] : f32 from vector<1xf32>
          %add3A_1141 = arith.constant 1.000000e-16 : f32
          %add3A_1142 = arith.addf %squeeze3A, %add3A_1141 : f32
          %get3A_1143 = arith.index_cast %scan3A_1136 : i32 to index
          %get3A_1144 = arith.constant 16 : index
          %get3A_1145 = tpu.vector_load %arg15[%get3A_1143, %get3A_1144] {strides = array<i32>} : memref<80x80xf32, #tpu.memory_space<vmem>>, vector<1x16xf32>,
          %get3A_1146 = vector.shape_cast %get3A_1145 : vector<1x16xf32> to vector<16xf32>
          %div3A = vector.broadcast %add3A_1142 : f32 to vector<16xf32>
          %div3A_1147 = arith.divf %get3A_1146, %div3A : vector<16xf32>
          %get3A_1148 = arith.constant 0 : index
          %get3A_1149 = tpu.vector_load %arg17[%get3A_1148] {strides = array<i32>} : memref<64xf32, #tpu.memory_space<vmem>>, vector<16xf32>,
          %get3A_1150 = vector.shape_cast %get3A_1149 : vector<16xf32> to vector<16xf32>
          %add3A_1151 = arith.addf %div3A_1147, %get3A_1150 : vector<16xf32>
          %swap3A_1152 = arith.index_cast %scan3A_1136 : i32 to index
          %swap3A_1153 = arith.constant 0 : index
          %swap3A_1154 = tpu.vector_load %arg16[%swap3A_1152, %swap3A_1153] {strides = array<i32>} : memref<80x64xf32, #tpu.memory_space<vmem>>, vector<1x16xf32>,
          %swap3A_1155 = vector.shape_cast %swap3A_1154 : vector<1x16xf32> to vector<16xf32>
          %swap3A_1156 = vector.shape_cast %add3A_1151 : vector<16xf32> to vector<1x16xf32>
          tpu.vector_store %arg16[%swap3A_1152, %swap3A_1153], %swap3A_1156 {strides = array<i32>} : memref<80x64xf32, #tpu.memory_space<vmem>>, vector<1x16xf32>,
          %slice3A_1157 = vector.extract_strided_slice %get3A_1140 {offsets = [1], sizes = [1], strides = [1]} : vector<16xf32> to vector<1xf32>
          %squeeze3A_1158 = vector.extract %slice3A_1157[0] : f32 from vector<1xf32>
          %add3A_1159 = arith.constant 1.000000e-16 : f32
          %add3A_1160 = arith.addf %squeeze3A_1158, %add3A_1159 : f32
          %get3A_1161 = arith.index_cast %scan3A_1136 : i32 to index
          %get3A_1162 = arith.constant 32 : index
          %get3A_1163 = tpu.vector_load %arg15[%get3A_1161, %get3A_1162] {strides = array<i32>} : memref<80x80xf32, #tpu.memory_space<vmem>>, vector<1x16xf32>,
          %get3A_1164 = vector.shape_cast %get3A_1163 : vector<1x16xf32> to vector<16xf32>
          %div3A_1165 = vector.broadcast %add3A_1160 : f32 to vector<16xf32>
          %div3A_1166 = arith.divf %get3A_1164, %div3A_1165 : vector<16xf32>
          %get3A_1167 = arith.constant 16 : index
          %get3A_1168 = tpu.vector_load %arg17[%get3A_1167] {strides = array<i32>} : memref<64xf32, #tpu.memory_space<vmem>>, vector<16xf32>,
          %get3A_1169 = vector.shape_cast %get3A_1168 : vector<16xf32> to vector<16xf32>
          %add3A_1170 = arith.addf %div3A_1166, %get3A_1169 : vector<16xf32>
          %swap3A_1171 = arith.index_cast %scan3A_1136 : i32 to index
          %swap3A_1172 = arith.constant 16 : index
          %swap3A_1173 = tpu.vector_load %arg16[%swap3A_1171, %swap3A_1172] {strides = array<i32>} : memref<80x64xf32, #tpu.memory_space<vmem>>, vector<1x16xf32>,
          %swap3A_1174 = vector.shape_cast %swap3A_1173 : vector<1x16xf32> to vector<16xf32>
          %swap3A_1175 = vector.shape_cast %add3A_1170 : vector<16xf32> to vector<1x16xf32>
          tpu.vector_store %arg16[%swap3A_1171, %swap3A_1172], %swap3A_1175 {strides = array<i32>} : memref<80x64xf32, #tpu.memory_space<vmem>>, vector<1x16xf32>,
          %slice3A_1176 = vector.extract_strided_slice %get3A_1140 {offsets = [2], sizes = [1], strides = [1]} : vector<16xf32> to vector<1xf32>
          %squeeze3A_1177 = vector.extract %slice3A_1176[0] : f32 from vector<1xf32>
          %add3A_1178 = arith.constant 1.000000e-16 : f32
          %add3A_1179 = arith.addf %squeeze3A_1177, %add3A_1178 : f32
          %get3A_1180 = arith.index_cast %scan3A_1136 : i32 to index
          %get3A_1181 = arith.constant 48 : index
          %get3A_1182 = tpu.vector_load %arg15[%get3A_1180, %get3A_1181] {strides = array<i32>} : memref<80x80xf32, #tpu.memory_space<vmem>>, vector<1x16xf32>,
          %get3A_1183 = vector.shape_cast %get3A_1182 : vector<1x16xf32> to vector<16xf32>
          %div3A_1184 = vector.broadcast %add3A_1179 : f32 to vector<16xf32>
          %div3A_1185 = arith.divf %get3A_1183, %div3A_1184 : vector<16xf32>
          %get3A_1186 = arith.constant 32 : index
          %get3A_1187 = tpu.vector_load %arg17[%get3A_1186] {strides = array<i32>} : memref<64xf32, #tpu.memory_space<vmem>>, vector<16xf32>,
          %get3A_1188 = vector.shape_cast %get3A_1187 : vector<16xf32> to vector<16xf32>
          %add3A_1189 = arith.addf %div3A_1185, %get3A_1188 : vector<16xf32>
          %swap3A_1190 = arith.index_cast %scan3A_1136 : i32 to index
          %swap3A_1191 = arith.constant 32 : index
          %swap3A_1192 = tpu.vector_load %arg16[%swap3A_1190, %swap3A_1191] {strides = array<i32>} : memref<80x64xf32, #tpu.memory_space<vmem>>, vector<1x16xf32>,
          %swap3A_1193 = vector.shape_cast %swap3A_1192 : vector<1x16xf32> to vector<16xf32>
          %swap3A_1194 = vector.shape_cast %add3A_1189 : vector<16xf32> to vector<1x16xf32>
          tpu.vector_store %arg16[%swap3A_1190, %swap3A_1191], %swap3A_1194 {strides = array<i32>} : memref<80x64xf32, #tpu.memory_space<vmem>>, vector<1x16xf32>,
          %slice3A_1195 = vector.extract_strided_slice %get3A_1140 {offsets = [3], sizes = [1], strides = [1]} : vector<16xf32> to vector<1xf32>
          %squeeze3A_1196 = vector.extract %slice3A_1195[0] : f32 from vector<1xf32>
          %add3A_1197 = arith.constant 1.000000e-16 : f32
          %add3A_1198 = arith.addf %squeeze3A_1196, %add3A_1197 : f32
          %get3A_1199 = arith.index_cast %scan3A_1136 : i32 to index
          %get3A_1200 = arith.constant 64 : index
          %get3A_1201 = tpu.vector_load %arg15[%get3A_1199, %get3A_1200] {strides = array<i32>} : memref<80x80xf32, #tpu.memory_space<vmem>>, vector<1x16xf32>,
          %get3A_1202 = vector.shape_cast %get3A_1201 : vector<1x16xf32> to vector<16xf32>
          %div3A_1203 = vector.broadcast %add3A_1198 : f32 to vector<16xf32>
          %div3A_1204 = arith.divf %get3A_1202, %div3A_1203 : vector<16xf32>
          %get3A_1205 = arith.constant 48 : index
          %get3A_1206 = tpu.vector_load %arg17[%get3A_1205] {strides = array<i32>} : memref<64xf32, #tpu.memory_space<vmem>>, vector<16xf32>,
          %get3A_1207 = vector.shape_cast %get3A_1206 : vector<16xf32> to vector<16xf32>
          %add3A_1208 = arith.addf %div3A_1204, %get3A_1207 : vector<16xf32>
          %swap3A_1209 = arith.index_cast %scan3A_1136 : i32 to index
          %swap3A_1210 = arith.constant 48 : index
          %swap3A_1211 = tpu.vector_load %arg16[%swap3A_1209, %swap3A_1210] {strides = array<i32>} : memref<80x64xf32, #tpu.memory_space<vmem>>, vector<1x16xf32>,
          %swap3A_1212 = vector.shape_cast %swap3A_1211 : vector<1x16xf32> to vector<16xf32>
          %swap3A_1213 = vector.shape_cast %add3A_1208 : vector<16xf32> to vector<1x16xf32>
          tpu.vector_store %arg16[%swap3A_1209, %swap3A_1210], %swap3A_1213 {strides = array<i32>} : memref<80x64xf32, #tpu.memory_space<vmem>>, vector<1x16xf32>,
        }
        %scan3A_1134 = arith.constant 80 : i32
        %add3A_1135 = arith.addi %mul3A_9, %mul3A_1128 : i32
        "tpu.region"() ({
          %run_scoped3A_1136 = tpu.sem_alloc : memref<!tpu.dma_semaphore, #tpu.memory_space<semaphore_mem>>
          %dma_start3A_1137 = arith.constant 0 : i32
          %dma_start3A_1138 = tpu.memref_slice %arg8[%add3A_1135, %dma_start3A_1137] : memref<20000x64xf32, #tpu.memory_space<hbm>> -> memref<80x64xf32, #tpu.memory_space<hbm>>
          %dma_start3A_1139 = arith.constant 0 : i32
          %dma_start3A_1140 = tpu.memref_slice %arg8[%add3A_1135, %dma_start3A_1139] : memref<20000x64xf32, #tpu.memory_space<hbm>> -> memref<80x64xf32, #tpu.memory_space<hbm>>
          tpu.enqueue_dma source(%arg16 : memref<80x64xf32, #tpu.memory_space<vmem>>) target(%dma_start3A_1140 : memref<80x64xf32, #tpu.memory_space<hbm>>) target_semaphore(%run_scoped3A_1136 : memref<!tpu.dma_semaphore, #tpu.memory_space<semaphore_mem>>)
          %dma_wait3A_1141 = arith.constant 0 : i32
          %dma_wait3A_1142 = tpu.memref_slice %arg8[%add3A_1135, %dma_wait3A_1141] : memref<20000x64xf32, #tpu.memory_space<hbm>> -> memref<80x64xf32, #tpu.memory_space<hbm>>
          %dma_wait3A_1143 = arith.constant 0 : i32
          %dma_wait3A_1144 = tpu.memref_slice %arg8[%add3A_1135, %dma_wait3A_1143] : memref<20000x64xf32, #tpu.memory_space<hbm>> -> memref<80x64xf32, #tpu.memory_space<hbm>>
          tpu.wait_dma2 semaphore(%run_scoped3A_1136 : memref<!tpu.dma_semaphore, #tpu.memory_space<semaphore_mem>>) src(%arg16 : memref<80x64xf32, #tpu.memory_space<vmem>>) dst(%dma_wait3A_1144 : memref<80x64xf32, #tpu.memory_space<hbm>>)
          tpu.yield
        }) : () -> ()
      } else {
      }
    }
    %scan3A_1120 = arith.constant 8 : i32
    return
  }
}

module attributes {stable_mosaic.version = 14 : i64} {
  func.func @body(%arg0: i32, %arg1: memref<1000x128xf32, #tpu.memory_space<vmem>>, %arg2: memref<128x128xf32, #tpu.memory_space<vmem>>, %arg3: memref<128x32xf32, #tpu.memory_space<vmem>>, %arg4: memref<128x32xf32, #tpu.memory_space<vmem>>, %arg5: memref<2x1000x80xf32, #tpu.memory_space<vmem>>, %arg6: memref<2x1000x16xf32, #tpu.memory_space<vmem>>) attributes {dimension_semantics = [#tpu.dimension_semantics<arbitrary>], iteration_bounds = array<i64: 10>, scalar_prefetch = 0 : i64, scratch_operands = 0 : i64, tpu.core_type = #tpu.core_type<tc>, window_params = [{transform_indices = @transform_0, window_bounds = array<i64: 1000, 128>}, {pipeline_mode = #tpu.pipeline_mode<synchronous>, transform_indices = @transform_1, window_bounds = array<i64: 128, 128>}, {pipeline_mode = #tpu.pipeline_mode<synchronous>, transform_indices = @transform_2, window_bounds = array<i64: 128, 32>}, {pipeline_mode = #tpu.pipeline_mode<synchronous>, transform_indices = @transform_3, window_bounds = array<i64: 128, 32>}, {transform_indices = @transform_4, window_bounds = array<i64: 2, 1000, 80>}, {transform_indices = @transform_5, window_bounds = array<i64: 2, 1000, 16>}]} {
    %get3A = arith.constant 0 : index
    %get3A_0 = arith.constant 0 : index
    %get3A_1 = vector.load %arg1[%get3A, %get3A_0] : memref<1000x128xf32, #tpu.memory_space<vmem>>, vector<1000x128xf32>
    %get3A_2 = arith.constant 0 : index
    %get3A_3 = arith.constant 0 : index
    %get3A_4 = vector.load %arg2[%get3A_2, %get3A_3] : memref<128x128xf32, #tpu.memory_space<vmem>>, vector<128x128xf32>
    %dot_general3A = arith.constant dense<0.000000e+00> : vector<1000x128xf32>
    %dot_general3A_5 = tpu.matmul %get3A_1, %get3A_4, %dot_general3A {dimension_numbers = #tpu.dot_dimension_numbers<[1], [0], [0], [1], [0, 0, 1, 1], [], []>, transpose_lhs_hint = false} : vector<1000x128xf32>, vector<128x128xf32>, vector<1000x128xf32> -> vector<1000x128xf32>
    %get3A_6 = arith.constant 0 : index
    %get3A_7 = arith.constant 0 : index
    %get3A_8 = vector.load %arg3[%get3A_6, %get3A_7] : memref<128x32xf32, #tpu.memory_space<vmem>>, vector<128x32xf32>
    %dot_general3A_9 = arith.constant dense<0.000000e+00> : vector<1000x32xf32>
    %dot_general3A_10 = tpu.matmul %dot_general3A_5, %get3A_8, %dot_general3A_9 {dimension_numbers = #tpu.dot_dimension_numbers<[1], [0], [0], [1], [0, 0, 1, 1], [], []>, transpose_lhs_hint = false} : vector<1000x128xf32>, vector<128x32xf32>, vector<1000x32xf32> -> vector<1000x32xf32>
    %get3A_11 = arith.constant 0 : index
    %get3A_12 = arith.constant 0 : index
    %get3A_13 = vector.load %arg4[%get3A_11, %get3A_12] : memref<128x32xf32, #tpu.memory_space<vmem>>, vector<128x32xf32>
    %dot_general3A_14 = arith.constant dense<0.000000e+00> : vector<1000x32xf32>
    %dot_general3A_15 = tpu.matmul %dot_general3A_5, %get3A_13, %dot_general3A_14 {dimension_numbers = #tpu.dot_dimension_numbers<[1], [0], [0], [1], [0, 0, 1, 1], [], []>, transpose_lhs_hint = false} : vector<1000x128xf32>, vector<128x32xf32>, vector<1000x32xf32> -> vector<1000x32xf32>
    %slice3A = vector.extract_strided_slice %dot_general3A_10 {offsets = [0, 0], sizes = [1000, 16], strides = [1, 1]} : vector<1000x32xf32> to vector<1000x16xf32>
    %slice3A_16 = vector.extract_strided_slice %dot_general3A_5 {offsets = [0, 0], sizes = [1000, 64], strides = [1, 1]} : vector<1000x128xf32> to vector<1000x64xf32>
    %concatenate3A = tpu.concatenate %slice3A, %slice3A_16 in 1 : vector<1000x16xf32>, vector<1000x64xf32> -> vector<1000x80xf32>
    %swap3A = arith.constant 0 : index
    %swap3A_17 = arith.constant 0 : index
    %swap3A_18 = arith.constant 0 : index
    %swap3A_19 = vector.load %arg5[%swap3A, %swap3A_17, %swap3A_18] : memref<2x1000x80xf32, #tpu.memory_space<vmem>>, vector<1x1000x80xf32>
    %swap3A_20 = vector.shape_cast %swap3A_19 : vector<1x1000x80xf32> to vector<1000x80xf32>
    %swap3A_21 = vector.shape_cast %concatenate3A : vector<1000x80xf32> to vector<1x1000x80xf32>
    tpu.vector_store %arg5[%swap3A, %swap3A_17, %swap3A_18], %swap3A_21 {strides = array<i32>} : memref<2x1000x80xf32, #tpu.memory_space<vmem>>, vector<1x1000x80xf32>,
    %slice3A_22 = vector.extract_strided_slice %dot_general3A_10 {offsets = [0, 16], sizes = [1000, 16], strides = [1, 1]} : vector<1000x32xf32> to vector<1000x16xf32>
    %slice3A_23 = vector.extract_strided_slice %dot_general3A_5 {offsets = [0, 64], sizes = [1000, 64], strides = [1, 1]} : vector<1000x128xf32> to vector<1000x64xf32>
    %concatenate3A_24 = tpu.concatenate %slice3A_22, %slice3A_23 in 1 : vector<1000x16xf32>, vector<1000x64xf32> -> vector<1000x80xf32>
    %swap3A_25 = arith.constant 1 : index
    %swap3A_26 = arith.constant 0 : index
    %swap3A_27 = arith.constant 0 : index
    %swap3A_28 = vector.load %arg5[%swap3A_25, %swap3A_26, %swap3A_27] : memref<2x1000x80xf32, #tpu.memory_space<vmem>>, vector<1x1000x80xf32>
    %swap3A_29 = vector.shape_cast %swap3A_28 : vector<1x1000x80xf32> to vector<1000x80xf32>
    %swap3A_30 = vector.shape_cast %concatenate3A_24 : vector<1000x80xf32> to vector<1x1000x80xf32>
    tpu.vector_store %arg5[%swap3A_25, %swap3A_26, %swap3A_27], %swap3A_30 {strides = array<i32>} : memref<2x1000x80xf32, #tpu.memory_space<vmem>>, vector<1x1000x80xf32>,
    %slice3A_31 = vector.extract_strided_slice %dot_general3A_15 {offsets = [0, 0], sizes = [1000, 16], strides = [1, 1]} : vector<1000x32xf32> to vector<1000x16xf32>
    %swap3A_32 = arith.constant 0 : index
    %swap3A_33 = arith.constant 0 : index
    %swap3A_34 = arith.constant 0 : index
    %swap3A_35 = vector.load %arg6[%swap3A_32, %swap3A_33, %swap3A_34] : memref<2x1000x16xf32, #tpu.memory_space<vmem>>, vector<1x1000x16xf32>
    %swap3A_36 = vector.shape_cast %swap3A_35 : vector<1x1000x16xf32> to vector<1000x16xf32>
    %swap3A_37 = vector.shape_cast %slice3A_31 : vector<1000x16xf32> to vector<1x1000x16xf32>
    tpu.vector_store %arg6[%swap3A_32, %swap3A_33, %swap3A_34], %swap3A_37 {strides = array<i32>} : memref<2x1000x16xf32, #tpu.memory_space<vmem>>, vector<1x1000x16xf32>,
    %slice3A_38 = vector.extract_strided_slice %dot_general3A_15 {offsets = [0, 16], sizes = [1000, 16], strides = [1, 1]} : vector<1000x32xf32> to vector<1000x16xf32>
    %swap3A_39 = arith.constant 1 : index
    %swap3A_40 = arith.constant 0 : index
    %swap3A_41 = arith.constant 0 : index
    %swap3A_42 = vector.load %arg6[%swap3A_39, %swap3A_40, %swap3A_41] : memref<2x1000x16xf32, #tpu.memory_space<vmem>>, vector<1x1000x16xf32>
    %swap3A_43 = vector.shape_cast %swap3A_42 : vector<1x1000x16xf32> to vector<1000x16xf32>
    %swap3A_44 = vector.shape_cast %slice3A_38 : vector<1000x16xf32> to vector<1x1000x16xf32>
    tpu.vector_store %arg6[%swap3A_39, %swap3A_40, %swap3A_41], %swap3A_44 {strides = array<i32>} : memref<2x1000x16xf32, #tpu.memory_space<vmem>>, vector<1x1000x16xf32>,
    return
  }
  func.func @transform_0(%arg0: i32) -> (i32, i32) {
    %c0_i32 = arith.constant 0 : i32
    %c0_i32_0 = arith.constant 0 : i32
    return %arg0, %c0_i32 : i32, i32
  }
  func.func @transform_1(%arg0: i32) -> (i32, i32) {
    %c0_i32 = arith.constant 0 : i32
    %c0_i32_0 = arith.constant 0 : i32
    %c0_i32_1 = arith.constant 0 : i32
    return %c0_i32, %c0_i32_0 : i32, i32
  }
  func.func @transform_2(%arg0: i32) -> (i32, i32) {
    %c0_i32 = arith.constant 0 : i32
    %c0_i32_0 = arith.constant 0 : i32
    %c0_i32_1 = arith.constant 0 : i32
    return %c0_i32, %c0_i32_0 : i32, i32
  }
  func.func @transform_3(%arg0: i32) -> (i32, i32) {
    %c0_i32 = arith.constant 0 : i32
    %c0_i32_0 = arith.constant 0 : i32
    %c0_i32_1 = arith.constant 0 : i32
    return %c0_i32, %c0_i32_0 : i32, i32
  }
  func.func @transform_4(%arg0: i32) -> (i32, i32, i32) {
    %c0_i32 = arith.constant 0 : i32
    %c0_i32_0 = arith.constant 0 : i32
    %c0_i32_1 = arith.constant 0 : i32
    return %c0_i32, %arg0, %c0_i32_0 : i32, i32, i32
  }
  func.func @transform_5(%arg0: i32) -> (i32, i32, i32) {
    %c0_i32 = arith.constant 0 : i32
    %c0_i32_0 = arith.constant 0 : i32
    %c0_i32_1 = arith.constant 0 : i32
    return %c0_i32, %arg0, %c0_i32_0 : i32, i32, i32
  }
}

</mosaic_0001>

<sc_bundles>
// kernel: kernel.4.cloned.1.call-start
scs
__scs_entry_jumppad:
0x0: {  	(pc) =	sbr.rel $0x88, $3  }
0x1: {  	(tag) =	ssettag $0x0;
	lr =	simm.s32 $0x1  }
0x2: {  	[smem:$0x3F9B] =	sst lr;
	_ =	strace $0xD0000000  }
0x3: {  	_ = 	snop  }
0x4: {  	_ = 	snop  }
0x5: {  	_ = 	snop  }
0x6: {  	_ = 	snop  }
0x7: {  	_ = 	snop  }
__scs_overlays_trampoline_lowered:
0x8: {  	[smem:$0x3FAA] =	sst s0  }
0x9: {  	[smem:$0x3FAB] =	sst s1  }
0xa: {  	[smem:$0x3FAC] =	sst s2  }
0xb: {  	[smem:$0x3FAD] =	sst s3  }
0xc: {  	[smem:$0x3FAE] =	sst s4  }
0xd: {  	[smem:$0x3FAF] =	sst s5  }
0xe: {  	[smem:$0x3FB0] =	sst s6  }
0xf: {  	[smem:$0x3FB1] =	sst s7  }
0x10: {  	[smem:$0x3FB2] =	sst s8  }
0x11: {  	[smem:$0x3FB3] =	sst s9;
	s0 =	simm.s32 @!p0 $0x0  }
0x12: {  	s1 =	sld [smem:$0x3F99];
	s0 =	simm.s32 @p0 $0x1  }
0x13: {  	[smem:$0x3FB4] =	sst s0;
	s0 =	simm.s32 @!p1 $0x0  }
0x14: {  	s2 =	sld [smem:$0x3F98];
	s0 =	simm.s32 @p1 $0x1  }
0x15: {  	[smem:$0x3FB5] =	sst s0;
	s0 =	simm.s32 @!p2 $0x0  }
0x16: {  	s3 =	sld [smem:$0x3FDB];
	s0 =	simm.s32 @p2 $0x1  }
0x17: {  	s4 =	simm.s32 $0x1BF5;
	[smem:$0x3FB7] =	sst s0  }
0x18: {  	s0 =	sld [smem:$0x3F9A];
	_ =	swait.ge [sflag:s4], $0x0  }
0x19: {  	s7 =	sld [smem:$0x3F9B]  }
0x1a: {  	s8 =	sadd.s32 $0xFFFFE003, lr  }
0x1b: {  	s9 =	sadd.s32 $0xFFFFFEF7, lr;
	s5 =	simm.s32 $0xFFFFFFFF;
	p2 =	slt.u32 s8, $0xFFFFF086  }
0x1c: {  	p1 =	slt.u32 s9, $0xF7A;
	s5 =	simm.s32 @!p2 $0x0  }
0x1d: {  	s5 =	simm.s32 @p1 $0x1;
	p0 =	seq.s32 s7, s2  }
0x1e: {  	s7 =	smul.u32 @!p0 $0xF7A, s2;
	p2 =	seq.s32 @!p0 s5, $0x0  }
0x1f: {  	s9 =	smul.u32 $0xF7A, s1;
	s8 =	simm.s32 @!p0 $0x1BF5;
	p2 =	por !p2, p0  }
0x20: {  	[sflag:s8] =	ssyncset.s32 @!p0 $0xFFFFF086;
	s6 =	sadd.s32 @!p0 s3, s7;
	s7 =	simm.s32 @!p0 $0x108  }
0x21: {  	s3 =	sadd.s32 s3, s9;
	s6 =	sadd.s32 @!p0 $0x88, s6;
	s7 =	simm.s32 @p2 $0x1082  }
0x22: {  	[simem:s7], [sflag:s8] =	dma.local @!p0 [hbm:s6], $0xF7A  }
0x23: {  	s9 =	sor.u32 $0xD0000000, s2;
	s6 =	simm.s32 $0x108;
	_ =	swait.ge @!p0 [sflag:s8], $0x0  }
0x24: {  	s3 =	sadd.s32 $0x88, s3;
	s6 =	simm.s32 @!p1 $0x1082;
	[sflag:s4] =	ssyncset.s32 $0xFFFFF086  }
0x25: {  	[simem:s6], [sflag:s4] =	dma.local [hbm:s3], $0xF7A  }
0x26: {  	[smem:$0x3F9B] =	sst s1;
	(tag) =	ssettag s2;
	_ =	strace s9  }
0x27: {  	s1 =	sld [smem:$0x3FAB]  }
0x28: {  	s2 =	sld [smem:$0x3FAC]  }
0x29: {  	s4 =	sld [smem:$0x3FAE]  }
0x2a: {  	p0 =	seq.s32 s5, $0x0;
	s5 =	sld [smem:$0x3FAF]  }
0x2b: {  	s6 =	sld [smem:$0x3FB0]  }
0x2c: {  	s7 =	sld [smem:$0x3FB1]  }
0x2d: {  	s3 =	simm.s32 $0x108;
	s8 =	sld [smem:$0x3FB2]  }
0x2e: {  	s3 =	simm.s32 @!p0 $0x1082;
	s9 =	sld [smem:$0x3FB3]  }
0x2f: {  	lr =	sadd.s32 s0, s3;
	s0 =	sld [smem:$0x3FAA]  }
0x30: {  	s3 =	sld [smem:$0x3FAD]  }
0x31: {  	[smem:$0x3FB6] =	sst s10  }
0x32: {  	s10 =	sld [smem:$0x3FB4];
	_ =	sdelay $0x3  }
0x33: {  	p0 =	seq.s32 s10, $0x1;
	s10 =	sld [smem:$0x3FB6];
	_ =	sdelay $0x3  }
0x34: {  	[smem:$0x3FB6] =	sst s10  }
0x35: {  	s10 =	sld [smem:$0x3FB5];
	_ =	sdelay $0x3  }
0x36: {  	p1 =	seq.s32 s10, $0x1;
	s10 =	sld [smem:$0x3FB6];
	_ =	sdelay $0x3  }
0x37: {  	[smem:$0x3FB6] =	sst s10  }
0x38: {  	s10 =	sld [smem:$0x3FB7]  }
0x39: {  	_ = 	snop;
	(pc) =	sbr.ind lr, $3  }
0x3a: {  	_ = 	snop  }
0x3b: {  	_ = 	snop  }
0x3c: {  	p2 =	seq.s32 s10, $0x1;
	s10 =	sld [smem:$0x3FB6]  }
0x3d: {  	_ =	shalt  }
0x3e: {  	_ =	shalt  }
0x3f: {  	_ =	shalt  }
0x40: {  	_ =	shalt  }
0x41: {  	_ =	shalt  }
0x42: {  	_ =	shalt  }
0x43: {  	_ =	shalt  }
0x44: {  	_ =	shalt  }
0x45: {  	_ =	shalt  }
0x46: {  	_ =	shalt  }
0x47: {  	_ =	shalt  }
0x48: {  	_ =	shalt  }
0x49: {  	_ =	shalt  }
0x4a: {  	_ =	shalt  }
0x4b: {  	_ =	shalt  }
0x4c: {  	_ =	shalt  }
0x4d: {  	_ =	shalt  }
0x4e: {  	_ =	shalt  }
0x4f: {  	_ =	shalt  }
0x50: {  	_ =	shalt  }
0x51: {  	_ =	shalt  }
0x52: {  	_ =	shalt  }
0x53: {  	_ =	shalt  }
0x54: {  	_ =	shalt  }
0x55: {  	_ =	shalt  }
0x56: {  	_ =	shalt  }
0x57: {  	_ =	shalt  }
0x58: {  	_ =	shalt  }
0x59: {  	_ =	shalt  }
0x5a: {  	_ =	shalt  }
0x5b: {  	_ =	shalt  }
0x5c: {  	_ =	shalt  }
0x5d: {  	_ =	shalt  }
0x5e: {  	_ =	shalt  }
0x5f: {  	_ =	shalt  }
0x60: {  	_ =	shalt  }
0x61: {  	_ =	shalt  }
0x62: {  	_ =	shalt  }
0x63: {  	_ =	shalt  }
0x64: {  	_ =	shalt  }
0x65: {  	_ =	shalt  }
0x66: {  	_ =	shalt  }
0x67: {  	_ =	shalt  }
0x68: {  	_ =	shalt  }
0x69: {  	_ =	shalt  }
0x6a: {  	_ =	shalt  }
0x6b: {  	_ =	shalt  }
0x6c: {  	_ =	shalt  }
0x6d: {  	_ =	shalt  }
0x6e: {  	_ =	shalt  }
0x6f: {  	_ =	shalt  }
0x70: {  	_ =	shalt  }
0x71: {  	_ =	shalt  }
0x72: {  	_ =	shalt  }
0x73: {  	_ =	shalt  }
0x74: {  	_ =	shalt  }
0x75: {  	_ =	shalt  }
0x76: {  	_ =	shalt  }
0x77: {  	_ =	shalt  }
0x78: {  	_ =	shalt  }
0x79: {  	_ =	shalt  }
0x7a: {  	_ =	shalt  }
0x7b: {  	_ =	shalt  }
0x7c: {  	_ =	shalt  }
0x7d: {  	_ =	shalt  }
0x7e: {  	_ =	shalt  }
0x7f: {  	_ =	shalt  }
0x80: {  	_ =	shalt  }
0x81: {  	_ =	shalt  }
0x82: {  	_ =	shalt  }
0x83: {  	_ =	shalt  }
0x84: {  	_ =	shalt  }
0x85: {  	_ =	shalt  }
0x86: {  	_ =	shalt  }
0x87: {  	_ =	shalt  }
.Lfunc_end0:
.L_simem_size_0:
called_computation_lowered:
.L_overlay_start_0:
0x88: {  	s2 =	sld [smem:$0x3FD9]  }
0x89: {  	s3 =	sld [smem:$0x3FFE];
	_ =	sdelay $0x1  }
0x8a: {  	s1 =	srdreg.scid  }
0x8b: {  	s0 =	sand.u32 $0x1, s1  }
0x8c: {  	s17 =	sshll.u32 s0, $0xA;
	s2 =	sadd.s32 s3, s2  }
0x8d: {  	s2 =	sadd.s32 s2, s17  }
0x8e: {  	[smem:$0x3FC2] =	sst s2  }
0x8f: {  	_ = 	snop  }
0x90: {  	s2 =	sld [smem:$0x3FC4]  }
0x91: {  	s18 =	sld [smem:$0x3FD0];
	(tm) =	ssettm $0x1  }
0x92: {  	s4 =	sld [smem:$0x3FFB];
	_ =	sdelay $0x3  }
0x93: {  	_ =	strace s4  }
0x94: {  	s4 =	sld [smem:$0x3FFC];
	_ =	sdelay $0x3  }
0x95: {  	_ =	strace s4  }
0x96: {  	s4 =	sld [smem:$0x3FFD];
	_ =	sdelay $0x3  }
0x97: {  	_ =	strace s4  }
0x98: {  	_ =	strace $0x8FFFFFFF  }
0x99: {  	s19 =	sld [smem:$0x3FDB];
	_ =	sdelay $0x1  }
0x9a: {  	s5 =	simm.s32 $_scs_section_size  }
0x9b: {  	s6 =	simm.s32 $_size__tile_overlayer_lowered;
	s7 =	simm.s32 $_tile_overlayer_lowered  }
0x9c: {  	s22 =	simm.s32 $0x1BFF;
	s21 =	sshll.u32 s7, $0x1;
	s4 =	sadd.s32 s5, s19  }
0x9d: {  	s8 =	simm.s32 $0x0;
	s20 =	sshll.u32 s6, $0x1;
	s6 =	sadd.s32 s21, s4  }
0x9e: {  	[timem:s8], [sflag:s22] =	dma.local [hbm:s6], s20  }
0x9f: {  	_ =	swait.ge [sflag:s22], s20  }
0xa0: {  	s5 =	ssub.s32 $0x0, s20;
	[sflag:s22] =	ssyncset.done $0x0  }
0xa1: {  	[sflag:s22] =	ssyncadd.s32 s5;
	_ =	sdelay $0x1  }
0xa2: {  	s23 =	simm.s32 $0x1B8B  }
0xa3: {  	_ =	swait.ge [sflag:s23], $0x1  }
0xa4: {  	[sflag:s23] =	ssyncset.done $0x0  }
0xa5: {  	s25 =	simm.s32 $0x1B8E;
	s24 =	sld [smem:$0x3FFE];
	[sflag:s23] =	ssyncadd.s32 $0xFFFFFFFF  }
0xa6: {  	s26 =	simm.s32 $execute0_lowered;
	[smem:$0x3FD2] =	sst s25  }
0xa7: {  	s6 =	sshll.u32 s26, $0x1;
	_ =	strace $0x80000046;
	[dreg:$0x1] =	wrdreg $0xFFFFFFFF  }
0xa8: {  	s28 =	simm.s32 $_size_execute0_lowered;
	s4 =	sadd.s32 s4, s6;
	[dreg:$0x0] =	wrdreg $0x0  }
0xa9: {  	s6 =	sshll.u32 s28, $0x1;
	[dreg:$0x2] =	wrdreg s4  }
0xaa: {  	[dreg:$0x3] =	wrdreg s6  }
0xab: {  	[dreg:$0x4] =	wrdreg $0xC0  }
0xac: {  	_ =	task [dreg:s8], $0x5FFFF  }
0xad: {  	[dreg:$0x1] =	wrdreg $0xFFFFFFFF  }
0xae: {  	[dreg:$0x0] =	wrdreg $0x60  }
0xaf: {  	[dreg:$0x2] =	wrdreg s24  }
0xb0: {  	[dreg:$0x3] =	wrdreg s2  }
0xb1: {  	[dreg:$0x4] =	wrdreg s18  }
0xb2: {  	[dreg:$0x5] =	wrdreg $0x0  }
0xb3: {  	[dreg:$0x6] =	wrdreg $0x9  }
0xb4: {  	_ =	task.clear_ibuf [dreg:s8], $0x7FFFF;
	_ =	strace $0x90000046  }
0xb5: {  	s29 =	simm.s32 $0x9;
	_ =	strace $0x80000048  }
0xb6: {  	_ =	swait.ge [sflag:s29], $0x1  }
0xb7: {  	[sflag:s29] =	ssyncadd.s32 $0xFFFFFFFF  }
0xb8: {  	_ =	strace $0x90000048  }
0xb9: {  	_ =	sfence  }
0xba: {  	s30 =	sld [smem:$0x0];
	_ =	sdelay $0x2  }
0xbb: {  	s31 =	sshll.u32 s1, $0xD;
	s1 =	sshrl.u32 s1, $0x2  }
0xbc: {  	s3 =	sand.u32 $0x4000, s31;
	s1 =	sadd.s32 s1, s30  }
0xbd: {  	s0 =	sor.u32 s3, s0;
	s1 =	sshll.u32 s1, $0x11  }
0xbe: {  	s0 =	sor.u32 s1, s0  }
0xbf: {  	s0 =	sadd.s32 $0x8F2B, s0  }
0xc0: {  	[sflag:s0] =	ssyncadd.remote.s32 $0x1  }
0xc1: {  	_ =	sfence.sel $0xFFFF  }
0xc2: {  	[dreg:$0x0] =	wrdreg $0xFFFFFFFF;
	(pc) =	sbr.abs _section_cstart, $3  }
0xc3: {  	[dreg:$0x1] =	wrdreg $0xFFFFFFFF  }
0xc4: {  	_ =	task.clear_ibuf [dreg:s8], $0x2FFFF;
	_ =	strace $0x9FFFFFFF  }
0xc5: {  	(tm) =	ssettm $0x7FFFFFFF  }
tec
execute0_lowered:
.L_overlay_start_1:
0x0: {  	(tag) =	ssettag $0x1  }
0x1: {  	s1 =	rddreg [dreg:$0x0]  }
0x2: {  	s0 =	rddreg [dreg:$0x1]  }
0x3: {  	s2 =	rddreg [dreg:$0x2]  }
0x4: {  	s3 =	rddreg [dreg:$0x3];
	s5 =	simm.s32 $0x0;
	s6 =	srdreg.scid  }
0x5: {  	s4 =	stileid.u32;
	s28 =	simm.s32 $0xC;
	s29 =	simm.s32 $0xB  }
0x6: {  	s30 =	simm.s32 $0x12;
	s31 =	simm.s32 $0x1D3D0;
	[smem:$0x7FF] =	sst s5  }
0x7: {  	s9 =	sand.u32 $0x1, s6;
	s6 =	smul.u32 $0x4E20, s4;
	s7 =	sadd.s32 $0x13C00, s1  }
0x8: {  	s8 =	sadd.s32 $0x9E00, s1;
	s22 =	smul.u32 $0x6400, s4;
	s10 =	ssub.s32 $0x2, s9  }
0x9: {  	_ =	strace $0x80000047;
	s24 =	sshll.u32 s9, $0x3;
	s11 =	sshrl.u32 s10, $0x1  }
0xa: {  	s12 =	sshrl.u32 s6, $0x3;
	s0 =	sadd.s32 s0, s24;
	s11 =	ssub.s32 s10, s11  }
0xb: {  	[dreg:$0x5] =	wrdreg s0;
	s10 =	smul.u32 $0x2710, s9;
	s25 =	sadd.s32 s7, s12  }
0xc: {  	s26 =	sadd.s32 s8, s12;
	s9 =	sadd.s32 $0xA, s12;
	[dreg:$0x6] =	wrdreg s25  }
0xd: {  	s23 =	sor.u32 $0x70, s4;
	[dreg:$0x7] =	wrdreg s26;
	s13 =	sadd.s32 s7, s9  }
0xe: {  	s14 =	sadd.s32 $0x14, s12;
	s0 =	sadd.s32 s8, s9;
	[dreg:$0x8] =	wrdreg s13  }
0xf: {  	p0 =	sgt.u32 s23, $0x7C;
	s15 =	sadd.s32 s7, s14;
	[dreg:$0x9] =	wrdreg s0  }
0x10: {  	s17 =	sadd.s32 $0x1E, s12;
	s16 =	sadd.s32 s8, s14;
	[dreg:$0xa] =	wrdreg s15  }
0x11: {  	s18 =	sadd.s32 $0x28, s12;
	s19 =	sadd.s32 s7, s17;
	[dreg:$0xb] =	wrdreg s16  }
0x12: {  	s24 =	smul.u32 $0x6400, s23;
	s20 =	sadd.s32 s7, s18;
	[dreg:$0xc] =	wrdreg s19  }
0x13: {  	s12 =	sadd.s32 $0x32, s12;
	s21 =	sadd.s32 s8, s18;
	[dreg:$0xe] =	wrdreg s20  }
0x14: {  	s25 =	sadd.s32 s7, s12;
	s26 =	sadd.s32 s8, s12;
	[dreg:$0xf] =	wrdreg s21  }
0x15: {  	s12 =	smax.u32 s11, $0x1;
	s14 =	sshll.u32 s4, $0x6;
	[dreg:$0x10] =	wrdreg s25  }
0x16: {  	s11 =	sadd.s32 $0x4E200, s1;
	s0 =	sadd.s32 s8, s17;
	[dreg:$0x11] =	wrdreg s26  }
0x17: {  	[dreg:$0x12] =	wrdreg s12;
	s13 =	sshrl.u32 s24, $0x2;
	s25 =	sor.u32 $0x1C11, s14  }
0x18: {  	s12 =	sadd.s32 $0x1DA00, s1;
	[dreg:$0xd] =	wrdreg s0;
	s0 =	sshrl.u32 s22, $0x2  }
0x19: {  	s15 =	sadd.s32 s0, s3;
	s0 =	sadd.s32 s13, s3;
	s13 =	simm.s32 $0x11  }
0x1a: {  	s16 =	sadd.s32 $0x19000, s15;
	s17 =	sadd.s32 $0x32000, s15;
	s18 =	sadd.s32 $0x4B000, s15  }
0x1b: {  	s21 =	sadd.s32 $0x64000, s15;
	[dreg:$0x13] =	wrdreg s15;
	s0 =	sshrl.u32 @!p0 s0, $0x3  }
0x1c: {  	s22 =	sadd.s32 $0x7D000, s15;
	s9 =	sshrl.u32 s16, $0x3;
	[dreg:$0x1a] =	wrdreg s0  }
0x1d: {  	s23 =	sadd.s32 $0x96000, s15;
	s19 =	sshrl.u32 s17, $0x3;
	[dreg:$0x14] =	wrdreg s9  }
.Ltmp0:
0x1e: {  	s20 =	sshrl.u32 s18, $0x3;
	[dreg:$0x15] =	wrdreg s19;
	(pc) =	sbr.rel .LBB2_1-.Ltmp0, $4  }
0x1f: {  	s15 =	simm.s32 $0x50;
	s24 =	sshrl.u32 s22, $0x3;
	[dreg:$0x16] =	wrdreg s20  }
0x20: {  	s26 =	sshrl.u32 s23, $0x3;
	s16 =	simm.s32 $0xE;
	[dreg:$0x18] =	wrdreg s24  }
0x21: {  	s17 =	simm.s32 $0x1BAD0;
	s9 =	sshrl.u32 s21, $0x3;
	[dreg:$0x19] =	wrdreg s26  }
0x22: {  	v0 =	vmov s10;
	s0 =	simm.s32 $0x0;
	s26 =	simm.s32 $0xD;
	[dreg:$0x17] =	wrdreg s9  }
.LBB2_11:
0x23: {  	s0 =	sadd.s32 $0x1, s0;
	s9 =	rddreg [dreg:$0x12]  }
0x24: {  	p1 =	sne.s32 s0, s9  }
.Ltmp1:
0x25: {  	_ = 	snop;
	(pc) =	sbr.rel @!p1 .LBB2_12-.Ltmp1, $1  }
0x26: {  	_ =	sdelay $0x3  }
.LBB2_1:
0x27: {  	s9 =	rddreg [dreg:$0x13]  }
0x28: {  	s9 =	sshrl.u32 s9, $0x3  }
0x29: {  	[spmem:s9], [sflag:s25] =	dma.local [hbm:s12], $0x320  }
0x2a: {  	_ =	swait.ge [sflag:s13], $0x320  }
0x2b: {  	[sflag:s13] =	ssyncset.done $0x0  }
0x2c: {  	s20 =	rddreg [dreg:$0x14];
	[sflag:s13] =	ssyncadd.s32 $0xFFFFFCE0  }
0x2d: {  	[spmem:s20], [sflag:s25] =	dma.local [hbm:s12], $0x320  }
0x2e: {  	_ =	swait.ge [sflag:s13], $0x320  }
0x2f: {  	[sflag:s13] =	ssyncset.done $0x0  }
0x30: {  	s21 =	rddreg [dreg:$0x15];
	[sflag:s13] =	ssyncadd.s32 $0xFFFFFCE0  }
0x31: {  	[spmem:s21], [sflag:s25] =	dma.local [hbm:s12], $0x320  }
0x32: {  	_ =	swait.ge [sflag:s13], $0x320  }
0x33: {  	[sflag:s13] =	ssyncset.done $0x0  }
0x34: {  	s22 =	rddreg [dreg:$0x16];
	[sflag:s13] =	ssyncadd.s32 $0xFFFFFCE0  }
0x35: {  	[spmem:s22], [sflag:s25] =	dma.local [hbm:s12], $0x320  }
0x36: {  	_ =	swait.ge [sflag:s13], $0x320  }
0x37: {  	[sflag:s13] =	ssyncset.done $0x0  }
0x38: {  	s23 =	rddreg [dreg:$0x17];
	[sflag:s13] =	ssyncadd.s32 $0xFFFFFCE0  }
0x39: {  	[spmem:s23], [sflag:s25] =	dma.local [hbm:s12], $0x320  }
0x3a: {  	_ =	swait.ge [sflag:s13], $0x320  }
0x3b: {  	[sflag:s13] =	ssyncset.done $0x0  }
0x3c: {  	s24 =	rddreg [dreg:$0x18];
	[sflag:s13] =	ssyncadd.s32 $0xFFFFFCE0  }
0x3d: {  	[spmem:s24], [sflag:s25] =	dma.local [hbm:s12], $0x320  }
0x3e: {  	_ =	swait.ge [sflag:s13], $0x320  }
0x3f: {  	[sflag:s13] =	ssyncset.done $0x0  }
0x40: {  	s14 =	rddreg [dreg:$0x19];
	[sflag:s13] =	ssyncadd.s32 $0xFFFFFCE0  }
0x41: {  	[spmem:s14], [sflag:s25] =	dma.local [hbm:s12], $0x320  }
0x42: {  	_ =	swait.ge [sflag:s13], $0x320  }
0x43: {  	[sflag:s13] =	ssyncset.done $0x0  }
0x44: {  	s9 =	rddreg [dreg:$0x1a];
	[sflag:s13] =	ssyncadd.s32 $0xFFFFFCE0  }
0x45: {  	[spmem:s9], [sflag:s25] =	dma.local @!p0 [hbm:s12], $0x320  }
0x46: {  	s9 =	simm.s32 @!p0 $0x11  }
0x47: {  	_ =	swait.ge @!p0 [sflag:s9], $0x320  }
0x48: {  	[sflag:s9] =	ssyncset.done @!p0 $0x0  }
0x49: {  	s14 =	simm.s32 $0x1E7D0;
	s18 =	rddreg [dreg:$0x5];
	[sflag:s9] =	ssyncadd.s32 @!p0 $0xFFFFFCE0  }
0x4a: {  	[tilespmem:s14], [sflag:$0x11] =	stream.linear.gather [hbm4b:s18+s5], $0x40, $0x38;
	[tilespmem:$0x1E810] =	vst v63  }
0x4b: {  	_ =	swait.ge [sflag:s13], $0x40  }
0x4c: {  	[sflag:s13] =	ssyncset.done $0x0  }
0x4d: {  	[sflag:s13] =	ssyncadd.s32 $0xFFFFFFC0  }
0x4e: {  	[bflag:$0x0] =	sbarrier.arrive $0xFFFF  }
0x4f: {  	s20 =	simm.s32 $0xC5D0;
	s19 =	rddreg [dreg:$0x6]  }
0x50: {  	[tilespmem:s20], [sflag:$0x11] =	stream.linear.gather [hbm4b:s19+s5], $0x50, $0x38;
	[tilespmem:$0x1E810] =	vst v63  }
0x51: {  	_ =	swait.ge [sflag:s13], $0x50  }
0x52: {  	[sflag:s13] =	ssyncset.done $0x0  }
0x53: {  	s18 =	simm.s32 $0xC350;
	s21 =	rddreg [dreg:$0x7];
	[sflag:s13] =	ssyncadd.s32 $0xFFFFFFB0  }
0x54: {  	[tilespmem:s18], [sflag:$0x11] =	stream.linear.gather [hbm4b:s21+s5], $0x50, $0x38;
	[tilespmem:$0x1E810] =	vst v63  }
0x55: {  	_ =	swait.ge [sflag:s13], $0x50  }
0x56: {  	[sflag:s13] =	ssyncset.done $0x0  }
0x57: {  	[sflag:s13] =	ssyncadd.s32 $0xFFFFFFB0  }
0x58: {  	v1 =	vld [tilespmem:$0xC5D0]  }
0x59: {  	v2 =	vld [tilespmem:$0xC350]  }
0x5a: {  	v3 =	vld [tilespmem:$0xC5E0]  }
0x5b: {  	v4 =	vld [tilespmem:$0xC360]  }
0x5c: {  	v5 =	vld [tilespmem:$0xC5F0]  }
0x5d: {  	v6 =	vld [tilespmem:$0xC370];
	v1 =	vadd.s32 v0, v1  }
0x5e: {  	[tilespmem:$0xC5D0] =	vst v1;
	v1 =	vadd.s32 v0, v2;
	v2 =	vld [tilespmem:$0xC600]  }
0x5f: {  	[tilespmem:$0xC850] =	vst v1;
	v1 =	vadd.s32 v0, v3;
	v3 =	vld [tilespmem:$0xC380]  }
0x60: {  	v37 =	vld [tilespmem:$0xC610];
	[tilespmem:$0xC5E0] =	vst v1;
	v1 =	vadd.s32 v0, v4  }
0x61: {  	v38 =	vld [tilespmem:$0xC390];
	[tilespmem:$0xC860] =	vst v1;
	v1 =	vadd.s32 v0, v5  }
0x62: {  	[tilespmem:$0xC5F0] =	vst v1;
	v1 =	vadd.s32 v0, v6  }
0x63: {  	[tilespmem:$0xC870] =	vst v1;
	v1 =	vadd.s32 v0, v2  }
0x64: {  	[tilespmem:$0xC600] =	vst v1;
	v1 =	vadd.s32 v0, v3  }
0x65: {  	[tilespmem:$0xC880] =	vst v1;
	v1 =	vadd.s32 v0, v37  }
0x66: {  	[tilespmem:$0xC610] =	vst v1;
	v1 =	vadd.s32 v0, v38  }
0x67: {  	s22 =	simm.s32 $0xC850;
	s23 =	simm.s32 $0xCAD0;
	[tilespmem:$0xC890] =	vst v1  }
0x68: {  	[tilespmem:s23], [sflag:$0x1] =	stream.indirect.gather [hbm4b:s1+s15], $0x10, s22, s15, $0xb8;
	[tilespmem:$0x1E810] =	vst v63  }
0x69: {  	s24 =	simm.s32 $0xF2D0  }
0x6a: {  	[tilespmem:s24], [sflag:$0x1] =	stream.indirect.gather [hbm4b:s11+s15], $0x50, s20, s15, $0xb8;
	[tilespmem:$0x1E810] =	vst v63  }
0x6b: {  	s19 =	simm.s32 $0xC620;
	s18 =	rddreg [dreg:$0x8]  }
0x6c: {  	[tilespmem:s19], [sflag:$0x11] =	stream.linear.gather [hbm4b:s18+s5], $0x50, $0x38;
	[tilespmem:$0x1E810] =	vst v63  }
0x6d: {  	_ =	swait.ge [sflag:s13], $0x50  }
0x6e: {  	[sflag:s13] =	ssyncset.done $0x0  }
0x6f: {  	s21 =	simm.s32 $0xC3A0;
	s20 =	rddreg [dreg:$0x9];
	[sflag:s13] =	ssyncadd.s32 $0xFFFFFFB0  }
0x70: {  	[tilespmem:s21], [sflag:$0x11] =	stream.linear.gather [hbm4b:s20+s5], $0x50, $0x38;
	[tilespmem:$0x1E810] =	vst v63  }
0x71: {  	_ =	swait.ge [sflag:s13], $0x50  }
0x72: {  	[sflag:s13] =	ssyncset.done $0x0  }
0x73: {  	[sflag:s13] =	ssyncadd.s32 $0xFFFFFFB0  }
0x74: {  	v1 =	vld [tilespmem:$0xC620]  }
0x75: {  	v2 =	vld [tilespmem:$0xC3A0]  }
0x76: {  	v3 =	vld [tilespmem:$0xC630]  }
0x77: {  	v39 =	vld [tilespmem:$0xC3B0]  }
0x78: {  	v40 =	vld [tilespmem:$0xC640]  }
0x79: {  	v41 =	vld [tilespmem:$0xC3C0];
	v1 =	vadd.s32 v0, v1  }
0x7a: {  	[tilespmem:$0xC620] =	vst v1;
	v1 =	vadd.s32 v0, v2;
	v2 =	vld [tilespmem:$0xC650]  }
0x7b: {  	[tilespmem:$0xC8A0] =	vst v1;
	v1 =	vadd.s32 v0, v3;
	v3 =	vld [tilespmem:$0xC3D0]  }
0x7c: {  	v42 =	vld [tilespmem:$0xC660];
	[tilespmem:$0xC630] =	vst v1;
	v1 =	vadd.s32 v0, v39  }
0x7d: {  	v43 =	vld [tilespmem:$0xC3E0];
	[tilespmem:$0xC8B0] =	vst v1;
	v1 =	vadd.s32 v0, v40  }
0x7e: {  	[tilespmem:$0xC640] =	vst v1;
	v1 =	vadd.s32 v0, v41  }
0x7f: {  	[tilespmem:$0xC8C0] =	vst v1;
	v1 =	vadd.s32 v0, v2  }
0x80: {  	[tilespmem:$0xC650] =	vst v1;
	v1 =	vadd.s32 v0, v3  }
0x81: {  	[tilespmem:$0xC8D0] =	vst v1;
	v1 =	vadd.s32 v0, v42  }
0x82: {  	[tilespmem:$0xC660] =	vst v1;
	v1 =	vadd.s32 v0, v43  }
0x83: {  	s22 =	simm.s32 $0xC8A0;
	s23 =	simm.s32 $0xCFD0;
	[tilespmem:$0xC8E0] =	vst v1  }
0x84: {  	[tilespmem:s23], [sflag:$0x2] =	stream.indirect.gather [hbm4b:s1+s15], $0x10, s22, s15, $0xb8;
	[tilespmem:$0x1E810] =	vst v63  }
0x85: {  	s24 =	simm.s32 $0x10BD0  }
0x86: {  	[tilespmem:s24], [sflag:$0x2] =	stream.indirect.gather [hbm4b:s11+s15], $0x50, s19, s15, $0xb8;
	[tilespmem:$0x1E810] =	vst v63  }
0x87: {  	s18 =	rddreg [dreg:$0xa];
	s19 =	simm.s32 $0xC670  }
0x88: {  	[tilespmem:s19], [sflag:$0x11] =	stream.linear.gather [hbm4b:s18+s5], $0x50, $0x38;
	[tilespmem:$0x1E810] =	vst v63  }
0x89: {  	_ =	swait.ge [sflag:s13], $0x50  }
0x8a: {  	[sflag:s13] =	ssyncset.done $0x0  }
0x8b: {  	s21 =	simm.s32 $0xC3F0;
	s20 =	rddreg [dreg:$0xb];
	[sflag:s13] =	ssyncadd.s32 $0xFFFFFFB0  }
0x8c: {  	[tilespmem:s21], [sflag:$0x11] =	stream.linear.gather [hbm4b:s20+s5], $0x50, $0x38;
	[tilespmem:$0x1E810] =	vst v63  }
0x8d: {  	_ =	swait.ge [sflag:s13], $0x50  }
0x8e: {  	[sflag:s13] =	ssyncset.done $0x0  }
0x8f: {  	[sflag:s13] =	ssyncadd.s32 $0xFFFFFFB0  }
0x90: {  	v1 =	vld [tilespmem:$0xC670]  }
0x91: {  	v2 =	vld [tilespmem:$0xC3F0]  }
0x92: {  	v3 =	vld [tilespmem:$0xC680]  }
0x93: {  	v44 =	vld [tilespmem:$0xC400]  }
0x94: {  	v45 =	vld [tilespmem:$0xC690]  }
0x95: {  	v46 =	vld [tilespmem:$0xC410];
	v1 =	vadd.s32 v0, v1  }
0x96: {  	[tilespmem:$0xC670] =	vst v1;
	v1 =	vadd.s32 v0, v2;
	v2 =	vld [tilespmem:$0xC6A0]  }
0x97: {  	[tilespmem:$0xC8F0] =	vst v1;
	v1 =	vadd.s32 v0, v3;
	v3 =	vld [tilespmem:$0xC420]  }
0x98: {  	v47 =	vld [tilespmem:$0xC6B0];
	[tilespmem:$0xC680] =	vst v1;
	v1 =	vadd.s32 v0, v44  }
0x99: {  	v48 =	vld [tilespmem:$0xC430];
	[tilespmem:$0xC900] =	vst v1;
	v1 =	vadd.s32 v0, v45  }
0x9a: {  	[tilespmem:$0xC690] =	vst v1;
	v1 =	vadd.s32 v0, v46  }
0x9b: {  	[tilespmem:$0xC910] =	vst v1;
	v1 =	vadd.s32 v0, v2  }
0x9c: {  	[tilespmem:$0xC6A0] =	vst v1;
	v1 =	vadd.s32 v0, v3  }
0x9d: {  	[tilespmem:$0xC920] =	vst v1;
	v1 =	vadd.s32 v0, v47  }
0x9e: {  	[tilespmem:$0xC6B0] =	vst v1;
	v1 =	vadd.s32 v0, v48  }
0x9f: {  	s22 =	simm.s32 $0xC8F0;
	s23 =	simm.s32 $0xD4D0;
	[tilespmem:$0xC930] =	vst v1  }
0xa0: {  	[tilespmem:s23], [sflag:$0x3] =	stream.indirect.gather [hbm4b:s1+s15], $0x10, s22, s15, $0xb8;
	[tilespmem:$0x1E810] =	vst v63  }
0xa1: {  	s24 =	simm.s32 $0x124D0  }
0xa2: {  	[tilespmem:s24], [sflag:$0x3] =	stream.indirect.gather [hbm4b:s11+s15], $0x50, s19, s15, $0xb8;
	[tilespmem:$0x1E810] =	vst v63  }
0xa3: {  	s18 =	rddreg [dreg:$0xc];
	s19 =	simm.s32 $0xC6C0  }
0xa4: {  	[tilespmem:s19], [sflag:$0x11] =	stream.linear.gather [hbm4b:s18+s5], $0x50, $0x38;
	[tilespmem:$0x1E810] =	vst v63  }
0xa5: {  	_ =	swait.ge [sflag:s13], $0x50  }
0xa6: {  	[sflag:s13] =	ssyncset.done $0x0  }
0xa7: {  	s21 =	simm.s32 $0xC440;
	s20 =	rddreg [dreg:$0xd];
	[sflag:s13] =	ssyncadd.s32 $0xFFFFFFB0  }
0xa8: {  	[tilespmem:s21], [sflag:$0x11] =	stream.linear.gather [hbm4b:s20+s5], $0x50, $0x38;
	[tilespmem:$0x1E810] =	vst v63  }
0xa9: {  	_ =	swait.ge [sflag:s13], $0x50  }
0xaa: {  	[sflag:s13] =	ssyncset.done $0x0  }
0xab: {  	[sflag:s13] =	ssyncadd.s32 $0xFFFFFFB0  }
0xac: {  	v1 =	vld [tilespmem:$0xC6C0]  }
0xad: {  	v2 =	vld [tilespmem:$0xC440]  }
0xae: {  	v3 =	vld [tilespmem:$0xC6D0]  }
0xaf: {  	v49 =	vld [tilespmem:$0xC450]  }
0xb0: {  	v50 =	vld [tilespmem:$0xC6E0]  }
0xb1: {  	v51 =	vld [tilespmem:$0xC460];
	v1 =	vadd.s32 v0, v1  }
0xb2: {  	[tilespmem:$0xC6C0] =	vst v1;
	v1 =	vadd.s32 v0, v2;
	v2 =	vld [tilespmem:$0xC6F0]  }
0xb3: {  	[tilespmem:$0xC940] =	vst v1;
	v1 =	vadd.s32 v0, v3;
	v3 =	vld [tilespmem:$0xC470]  }
0xb4: {  	v52 =	vld [tilespmem:$0xC700];
	[tilespmem:$0xC6D0] =	vst v1;
	v1 =	vadd.s32 v0, v49  }
0xb5: {  	v53 =	vld [tilespmem:$0xC480];
	[tilespmem:$0xC950] =	vst v1;
	v1 =	vadd.s32 v0, v50  }
0xb6: {  	[tilespmem:$0xC6E0] =	vst v1;
	v1 =	vadd.s32 v0, v51  }
0xb7: {  	[tilespmem:$0xC960] =	vst v1;
	v1 =	vadd.s32 v0, v2  }
0xb8: {  	[tilespmem:$0xC6F0] =	vst v1;
	v1 =	vadd.s32 v0, v3  }
0xb9: {  	[tilespmem:$0xC970] =	vst v1;
	v1 =	vadd.s32 v0, v52  }
0xba: {  	[tilespmem:$0xC700] =	vst v1;
	v1 =	vadd.s32 v0, v53  }
0xbb: {  	s22 =	simm.s32 $0xC940;
	s23 =	simm.s32 $0xD9D0;
	[tilespmem:$0xC980] =	vst v1  }
0xbc: {  	[tilespmem:s23], [sflag:$0x4] =	stream.indirect.gather [hbm4b:s1+s15], $0x10, s22, s15, $0xb8;
	[tilespmem:$0x1E810] =	vst v63  }
0xbd: {  	s24 =	simm.s32 $0x13DD0  }
0xbe: {  	[tilespmem:s24], [sflag:$0x4] =	stream.indirect.gather [hbm4b:s11+s15], $0x50, s19, s15, $0xb8;
	[tilespmem:$0x1E810] =	vst v63  }
0xbf: {  	s18 =	rddreg [dreg:$0xe];
	s19 =	simm.s32 $0xC710  }
0xc0: {  	[tilespmem:s19], [sflag:$0x11] =	stream.linear.gather [hbm4b:s18+s5], $0x50, $0x38;
	[tilespmem:$0x1E810] =	vst v63  }
0xc1: {  	_ =	swait.ge [sflag:s13], $0x50  }
0xc2: {  	[sflag:s13] =	ssyncset.done $0x0  }
0xc3: {  	s21 =	simm.s32 $0xC490;
	s20 =	rddreg [dreg:$0xf];
	[sflag:s13] =	ssyncadd.s32 $0xFFFFFFB0  }
0xc4: {  	[tilespmem:s21], [sflag:$0x11] =	stream.linear.gather [hbm4b:s20+s5], $0x50, $0x38;
	[tilespmem:$0x1E810] =	vst v63  }
0xc5: {  	_ =	swait.ge [sflag:s13], $0x50  }
0xc6: {  	[sflag:s13] =	ssyncset.done $0x0  }
0xc7: {  	[sflag:s13] =	ssyncadd.s32 $0xFFFFFFB0  }
0xc8: {  	v1 =	vld [tilespmem:$0xC710]  }
0xc9: {  	v2 =	vld [tilespmem:$0xC490]  }
0xca: {  	v3 =	vld [tilespmem:$0xC720]  }
0xcb: {  	v54 =	vld [tilespmem:$0xC4A0]  }
0xcc: {  	v55 =	vld [tilespmem:$0xC730]  }
0xcd: {  	v56 =	vld [tilespmem:$0xC4B0];
	v1 =	vadd.s32 v0, v1  }
0xce: {  	[tilespmem:$0xC710] =	vst v1;
	v1 =	vadd.s32 v0, v2;
	v2 =	vld [tilespmem:$0xC740]  }
0xcf: {  	[tilespmem:$0xC990] =	vst v1;
	v1 =	vadd.s32 v0, v3;
	v3 =	vld [tilespmem:$0xC4C0]  }
0xd0: {  	v57 =	vld [tilespmem:$0xC750];
	[tilespmem:$0xC720] =	vst v1;
	v1 =	vadd.s32 v0, v54  }
0xd1: {  	v58 =	vld [tilespmem:$0xC4D0];
	[tilespmem:$0xC9A0] =	vst v1;
	v1 =	vadd.s32 v0, v55  }
0xd2: {  	[tilespmem:$0xC730] =	vst v1;
	v1 =	vadd.s32 v0, v56  }
0xd3: {  	[tilespmem:$0xC9B0] =	vst v1;
	v1 =	vadd.s32 v0, v2  }
0xd4: {  	[tilespmem:$0xC740] =	vst v1;
	v1 =	vadd.s32 v0, v3  }
0xd5: {  	[tilespmem:$0xC9C0] =	vst v1;
	v1 =	vadd.s32 v0, v57  }
0xd6: {  	[tilespmem:$0xC750] =	vst v1;
	v1 =	vadd.s32 v0, v58  }
0xd7: {  	s22 =	simm.s32 $0xC990;
	s23 =	simm.s32 $0xDED0;
	[tilespmem:$0xC9D0] =	vst v1  }
0xd8: {  	[tilespmem:s23], [sflag:$0x5] =	stream.indirect.gather [hbm4b:s1+s15], $0x10, s22, s15, $0xb8;
	[tilespmem:$0x1E810] =	vst v63  }
0xd9: {  	s24 =	simm.s32 $0x156D0  }
0xda: {  	[tilespmem:s24], [sflag:$0x5] =	stream.indirect.gather [hbm4b:s11+s15], $0x50, s19, s15, $0xb8;
	[tilespmem:$0x1E810] =	vst v63  }
0xdb: {  	s18 =	rddreg [dreg:$0x10];
	s19 =	simm.s32 $0xC760  }
0xdc: {  	[tilespmem:s19], [sflag:$0x11] =	stream.linear.gather [hbm4b:s18+s5], $0x50, $0x38;
	[tilespmem:$0x1E810] =	vst v63  }
0xdd: {  	_ =	swait.ge [sflag:s13], $0x50  }
0xde: {  	[sflag:s13] =	ssyncset.done $0x0  }
0xdf: {  	s21 =	simm.s32 $0xC4E0;
	s20 =	rddreg [dreg:$0x11];
	[sflag:s13] =	ssyncadd.s32 $0xFFFFFFB0  }
0xe0: {  	[tilespmem:s21], [sflag:$0x11] =	stream.linear.gather [hbm4b:s20+s5], $0x50, $0x38;
	[tilespmem:$0x1E810] =	vst v63  }
0xe1: {  	_ =	swait.ge [sflag:s13], $0x50  }
0xe2: {  	[sflag:s13] =	ssyncset.done $0x0  }
0xe3: {  	[sflag:s13] =	ssyncadd.s32 $0xFFFFFFB0  }
0xe4: {  	v1 =	vld [tilespmem:$0xC760]  }
0xe5: {  	v2 =	vld [tilespmem:$0xC4E0]  }
0xe6: {  	v3 =	vld [tilespmem:$0xC770]  }
0xe7: {  	v59 =	vld [tilespmem:$0xC4F0]  }
0xe8: {  	v60 =	vld [tilespmem:$0xC780]  }
0xe9: {  	v61 =	vld [tilespmem:$0xC500];
	v1 =	vadd.s32 v0, v1  }
0xea: {  	[tilespmem:$0xC760] =	vst v1;
	v1 =	vadd.s32 v0, v2;
	v2 =	vld [tilespmem:$0xC790]  }
0xeb: {  	[tilespmem:$0xC9E0] =	vst v1;
	v1 =	vadd.s32 v0, v3;
	v3 =	vld [tilespmem:$0xC510]  }
0xec: {  	v62 =	vld [tilespmem:$0xC7A0];
	[tilespmem:$0xC770] =	vst v1;
	v1 =	vadd.s32 v0, v59  }
0xed: {  	v63 =	vld [tilespmem:$0xC520];
	[tilespmem:$0xC9F0] =	vst v1;
	v1 =	vadd.s32 v0, v60  }
0xee: {  	[tilespmem:$0xC780] =	vst v1;
	v1 =	vadd.s32 v0, v61  }
0xef: {  	[tilespmem:$0xCA00] =	vst v1;
	v1 =	vadd.s32 v0, v2  }
0xf0: {  	[tilespmem:$0xC790] =	vst v1;
	v1 =	vadd.s32 v0, v3  }
0xf1: {  	[tilespmem:$0xCA10] =	vst v1;
	v1 =	vadd.s32 v0, v62  }
0xf2: {  	[tilespmem:$0xC7A0] =	vst v1;
	v1 =	vadd.s32 v0, v63  }
0xf3: {  	s22 =	simm.s32 $0xC9E0;
	s23 =	simm.s32 $0xE3D0;
	[tilespmem:$0xCA20] =	vst v1  }
0xf4: {  	[tilespmem:s23], [sflag:$0x6] =	stream.indirect.gather [hbm4b:s1+s15], $0x10, s22, s15, $0xb8;
	[tilespmem:$0x1E810] =	vst v63  }
0xf5: {  	s9 =	simm.s32 $0x0;
	s24 =	simm.s32 $0x16FD0;
	s18 =	simm.s32 $0x0  }
0xf6: {  	[tilespmem:s24], [sflag:$0x6] =	stream.indirect.gather [hbm4b:s11+s15], $0x50, s19, s15, $0xb8;
	[tilespmem:$0x1E810] =	vst v63  }
.LBB2_2:
0xf7: {  	p1 =	sgt.u32 s18, $0xF3  }
0xf8: {  	s14 =	sadd.s32 $0x6, s18;
	p2 =	slt.u32 @!p1 s18, $0x2  }
0xf9: {  	s19 =	sand.u32 $0x7, s14;
	s14 =	smul.u32 @!p1 $0x50, s14;
	p2 =	por p2, p1  }
0xfa: {  	s20 =	sadd.s32 @!p2 $0x9, s19  }
0xfb: {  	s21 =	smul.u32 @!p1 $0x50, s19;
	s14 =	sadd.s32 @!p1 s6, s14;
	_ =	swait.ge @!p2 [sflag:s20], $0x1900  }
0xfc: {  	s23 =	simm.s32 @!p1 $0x0;
	s14 =	sshrl.u32 @!p1 s14, $0x3;
	[sflag:s20] =	ssyncset.done @!p2 $0x0  }
0xfd: {  	s22 =	sadd.s32 @!p1 s7, s14;
	[sflag:s20] =	ssyncadd.s32 @!p2 $0xFFFFE700;
	s20 =	sadd.s32 @!p1 $0xC5D0, s21  }
0xfe: {  	[tilespmem:s20], [sflag:$0x11] =	stream.linear.gather @!p1 [hbm4b:s22+s23], $0x50, $0x38;
	[tilespmem:$0x1E810] =	vst v63  }
0xff: {  	s22 =	simm.s32 @!p1 $0x11  }
0x100: {  	_ =	swait.ge @!p1 [sflag:s22], $0x50  }
0x101: {  	[sflag:s22] =	ssyncset.done @!p1 $0x0  }
0x102: {  	s24 =	sadd.s32 @!p1 $0xC350, s21;
	s14 =	sadd.s32 @!p1 s8, s14;
	[sflag:s22] =	ssyncadd.s32 @!p1 $0xFFFFFFB0  }
0x103: {  	[tilespmem:s24], [sflag:$0x11] =	stream.linear.gather @!p1 [hbm4b:s14+s23], $0x50, $0x38;
	[tilespmem:$0x1E810] =	vst v63  }
0x104: {  	_ =	swait.ge @!p1 [sflag:s22], $0x50  }
0x105: {  	[sflag:s22] =	ssyncset.done @!p1 $0x0  }
0x106: {  	[sflag:s22] =	ssyncadd.s32 @!p1 $0xFFFFFFB0  }
0x107: {  	v1 =	vld @!p1 [tilespmem:s21+$0xC5D0]  }
0x108: {  	v2 =	vld @!p1 [tilespmem:s21+$0xC350]  }
0x109: {  	v3 =	vld @!p1 [tilespmem:s21+$0xC5E0]  }
0x10a: {  	v4 =	vld @!p1 [tilespmem:s21+$0xC360]  }
0x10b: {  	v5 =	vld @!p1 [tilespmem:s21+$0xC5F0]  }
0x10c: {  	v6 =	vld @!p1 [tilespmem:s21+$0xC370];
	v1 =	vadd.s32 @!p1 v0, v1  }
0x10d: {  	[tilespmem:s21+$0xC5D0] =	vst @!p1 v1;
	v1 =	vadd.s32 @!p1 v0, v2;
	v2 =	vld @!p1 [tilespmem:s21+$0xC600]  }
0x10e: {  	[tilespmem:s21+$0xC850] =	vst @!p1 v1;
	v1 =	vadd.s32 @!p1 v0, v3;
	v3 =	vld @!p1 [tilespmem:s21+$0xC380]  }
0x10f: {  	[tilespmem:s21+$0xC5E0] =	vst @!p1 v1;
	v1 =	vadd.s32 @!p1 v0, v4;
	v4 =	vld @!p1 [tilespmem:s21+$0xC610]  }
0x110: {  	[tilespmem:s21+$0xC860] =	vst @!p1 v1;
	v1 =	vadd.s32 @!p1 v0, v5;
	v5 =	vld @!p1 [tilespmem:s21+$0xC390]  }
0x111: {  	[tilespmem:s21+$0xC5F0] =	vst @!p1 v1;
	v1 =	vadd.s32 @!p1 v0, v6  }
0x112: {  	[tilespmem:s21+$0xC870] =	vst @!p1 v1;
	v1 =	vadd.s32 @!p1 v0, v2  }
0x113: {  	s14 =	smul.u32 @!p1 $0x1400, s19;
	[tilespmem:s21+$0xC600] =	vst @!p1 v1;
	v1 =	vadd.s32 @!p1 v0, v3  }
0x114: {  	[tilespmem:s21+$0xC880] =	vst @!p1 v1;
	v1 =	vadd.s32 @!p1 v0, v4  }
0x115: {  	s23 =	simm.s32 @!p1 $0x50;
	s14 =	sshrl.u32 @!p1 s14, $0x2;
	s22 =	sadd.s32 @!p1 $0xC850, s21;
	[tilespmem:s21+$0xC610] =	vst @!p1 v1;
	v1 =	vadd.s32 @!p1 v0, v5  }
0x116: {  	s14 =	sadd.s32 @!p1 $0xCAD0, s14;
	[tilespmem:s21+$0xC890] =	vst @!p1 v1;
	s21 =	sadd.s32 @!p1 $0x1, s19;
	s19 =	smul.u32 @!p1 $0x6400, s19  }
0x117: {  	[tilespmem:s14], [sflag:s21] =	stream.indirect.gather @!p1 [hbm4b:s1+s23], $0x10, s22, s23, $0xb8;
	[tilespmem:$0x1E810] =	vst v63  }
0x118: {  	s14 =	sshrl.u32 @!p1 s19, $0x2  }
0x119: {  	s19 =	sand.u32 $0x7, s18;
	s14 =	sadd.s32 @!p1 $0xF2D0, s14  }
0x11a: {  	[tilespmem:s14], [sflag:s21] =	stream.indirect.gather @!p1 [hbm4b:s11+s23], $0x50, s20, s23, $0xb8;
	[tilespmem:$0x1E810] =	vst v63  }
0x11b: {  	s14 =	sadd.s32 $0x1, s19  }
0x11c: {  	_ =	swait.ge [sflag:s14], $0x500  }
0x11d: {  	s22 =	sand.u32 $0x7, s9;
	[sflag:s14] =	ssyncset.done $0x0  }
0x11e: {  	s23 =	smul.u32 $0x6400, s22;
	[sflag:s14] =	ssyncadd.s32 $0xFFFFFB00  }
0x11f: {  	s24 =	smul.u32 $0x1400, s22;
	_ =	swait.ge [sflag:s14], $0x1900  }
0x120: {  	s21 =	sshrl.u32 s23, $0x2;
	[sflag:s14] =	ssyncset.done $0x0  }
0x121: {  	s22 =	sshrl.u32 s24, $0x2;
	s20 =	sadd.s32 $0xF410, s21;
	[sflag:s14] =	ssyncadd.s32 $0xFFFFE700  }
0x122: {  	s24 =	sadd.s32 $0xCB10, s22;
	v1 =	vld [tilespmem:s20+$0xFFFFFEC0]  }
0x123: {  	v2 =	vld [tilespmem:s24+$0xFFFFFFC0];
	_ =	sdelay $0x4  }
0x124: {  	v1 =	vadd.f32 v2, v1;
	_ =	sdelay $0x1  }
0x125: {  	v2 =	vmul.f32 $2.000000030e-01, v1  }
0x126: {  	vm0 =	vgt.f32 v1, $0.0e+00  }
0x127: {  	v1 =	vsel vm0, v1, v2  }
0x128: {  	v1 =	vmul.f32 $1.442695020e+00, v1;
	_ =	sdelay $0x1  }
0x129: {  	(erf) = vpow2.f32 v1;
	_ =	sdelay $0x6  }
0x12a: {  	v1 =	vld [tilespmem:s20+$0xFFFFFEE0]  }
0x12b: {  	v2 =	vld [tilespmem:s20+$0xFFFFFED0]  }
0x12c: {  	v3 =	vld [tilespmem:s20+$0xFFFFFF00];
	v4 =	vpop (erf)  }
0x12d: {  	v5 =	vld [tilespmem:s20+$0xFFFFFEF0];
	v6 =	vbroadcast v4, $0x1  }
0x12e: {  	v7 =	vbroadcast v4, $0x0  }
0x12f: {  	v8 =	vbroadcast v4, $0x3;
	v1 =	vmul.f32 v6, v1  }
0x130: {  	[tilespmem:s20+$0xFFFFFEC0] =	vst v4;
	v4 =	vbroadcast v4, $0x2;
	v2 =	vmul.f32 v7, v2  }
0x131: {  	v3 =	vmul.f32 v3, v8;
	[tilespmem:s20+$0xFFFFFEE0] =	vst v1  }
0x132: {  	v1 =	vmul.f32 v4, v5;
	[tilespmem:s20+$0xFFFFFED0] =	vst v2  }
0x133: {  	[tilespmem:s20+$0xFFFFFF00] =	vst v3  }
0x134: {  	[tilespmem:s20+$0xFFFFFEF0] =	vst v1;
	v1 =	vld [tilespmem:s20+$0xFFFFFF10]  }
0x135: {  	v2 =	vld [tilespmem:s24+$0xFFFFFFD0];
	_ =	sdelay $0x4  }
0x136: {  	v1 =	vadd.f32 v2, v1;
	_ =	sdelay $0x1  }
0x137: {  	v2 =	vmul.f32 $2.000000030e-01, v1  }
0x138: {  	vm10 =	vgt.f32 v1, $0.0e+00  }
0x139: {  	v1 =	vsel vm10, v1, v2  }
0x13a: {  	v1 =	vmul.f32 $1.442695020e+00, v1;
	_ =	sdelay $0x1  }
0x13b: {  	(erf) = vpow2.f32 v1;
	_ =	sdelay $0x6  }
0x13c: {  	v1 =	vld [tilespmem:s20+$0xFFFFFF20]  }
0x13d: {  	v2 =	vld [tilespmem:s20+$0xFFFFFF40]  }
0x13e: {  	v3 =	vld [tilespmem:s20+$0xFFFFFF50];
	v4 =	vpop (erf)  }
0x13f: {  	v5 =	vld [tilespmem:s20+$0xFFFFFF30];
	v6 =	vbroadcast v4, $0x0  }
0x140: {  	v7 =	vbroadcast v4, $0x2  }
0x141: {  	v59 =	vbroadcast v4, $0x3;
	v1 =	vmul.f32 v6, v1  }
0x142: {  	[tilespmem:s20+$0xFFFFFF10] =	vst v4;
	v4 =	vbroadcast v4, $0x1;
	v2 =	vmul.f32 v7, v2  }
0x143: {  	v3 =	vmul.f32 v3, v59;
	[tilespmem:s20+$0xFFFFFF20] =	vst v1  }
0x144: {  	v1 =	vmul.f32 v4, v5;
	[tilespmem:s20+$0xFFFFFF40] =	vst v2  }
0x145: {  	[tilespmem:s20+$0xFFFFFF50] =	vst v3  }
0x146: {  	[tilespmem:s20+$0xFFFFFF30] =	vst v1;
	v1 =	vld [tilespmem:s20+$0xFFFFFF60]  }
0x147: {  	v2 =	vld [tilespmem:s24+$0xFFFFFFE0];
	_ =	sdelay $0x4  }
0x148: {  	v1 =	vadd.f32 v2, v1;
	_ =	sdelay $0x1  }
0x149: {  	v2 =	vmul.f32 $2.000000030e-01, v1  }
0x14a: {  	vm11 =	vgt.f32 v1, $0.0e+00  }
0x14b: {  	v1 =	vsel vm11, v1, v2  }
0x14c: {  	v1 =	vmul.f32 $1.442695020e+00, v1;
	_ =	sdelay $0x1  }
0x14d: {  	(erf) = vpow2.f32 v1;
	_ =	sdelay $0x6  }
0x14e: {  	v1 =	vld [tilespmem:s20+$0xFFFFFF70]  }
0x14f: {  	v2 =	vld [tilespmem:s20+$0xFFFFFF80]  }
0x150: {  	v3 =	vld [tilespmem:s20+$0xFFFFFFA0];
	v4 =	vpop (erf)  }
0x151: {  	v5 =	vld [tilespmem:s20+$0xFFFFFF90];
	v6 =	vbroadcast v4, $0x0  }
0x152: {  	v7 =	vbroadcast v4, $0x1  }
0x153: {  	v60 =	vbroadcast v4, $0x3;
	v1 =	vmul.f32 v6, v1  }
0x154: {  	[tilespmem:s20+$0xFFFFFF60] =	vst v4;
	v4 =	vbroadcast v4, $0x2;
	v2 =	vmul.f32 v7, v2  }
0x155: {  	v3 =	vmul.f32 v3, v60;
	[tilespmem:s20+$0xFFFFFF70] =	vst v1  }
0x156: {  	v1 =	vmul.f32 v4, v5;
	[tilespmem:s20+$0xFFFFFF80] =	vst v2  }
0x157: {  	[tilespmem:s20+$0xFFFFFFA0] =	vst v3  }
0x158: {  	[tilespmem:s20+$0xFFFFFF90] =	vst v1;
	v1 =	vld [tilespmem:s20+$0xFFFFFFB0]  }
0x159: {  	v2 =	vld [tilespmem:s24+$0xFFFFFFF0];
	_ =	sdelay $0x4  }
0x15a: {  	v1 =	vadd.f32 v2, v1;
	_ =	sdelay $0x1  }
0x15b: {  	v2 =	vmul.f32 $2.000000030e-01, v1  }
0x15c: {  	vm12 =	vgt.f32 v1, $0.0e+00  }
0x15d: {  	v1 =	vsel vm12, v1, v2  }
0x15e: {  	v1 =	vmul.f32 $1.442695020e+00, v1;
	_ =	sdelay $0x1  }
0x15f: {  	(erf) = vpow2.f32 v1;
	_ =	sdelay $0x6  }
0x160: {  	v1 =	vld [tilespmem:s20+$0xFFFFFFC0]  }
0x161: {  	v2 =	vld [tilespmem:s20+$0xFFFFFFE0]  }
0x162: {  	v3 =	vld [tilespmem:s20+$0xFFFFFFD0];
	v4 =	vpop (erf)  }
0x163: {  	v5 =	vld [tilespmem:s20+$0xFFFFFFF0];
	v6 =	vbroadcast v4, $0x0  }
0x164: {  	v7 =	vbroadcast v4, $0x2  }
0x165: {  	v61 =	vbroadcast v4, $0x1;
	v1 =	vmul.f32 v6, v1  }
0x166: {  	[tilespmem:s20+$0xFFFFFFB0] =	vst v4;
	v4 =	vbroadcast v4, $0x3;
	v2 =	vmul.f32 v7, v2  }
0x167: {  	v3 =	vmul.f32 v61, v3;
	[tilespmem:s20+$0xFFFFFFC0] =	vst v1  }
0x168: {  	v1 =	vmul.f32 v5, v4;
	[tilespmem:s20+$0xFFFFFFE0] =	vst v2  }
0x169: {  	[tilespmem:s20+$0xFFFFFFD0] =	vst v3  }
0x16a: {  	[tilespmem:s20+$0xFFFFFFF0] =	vst v1;
	v1 =	vld [tilespmem:s20+$0x0]  }
0x16b: {  	v2 =	vld [tilespmem:s24+$0x0];
	_ =	sdelay $0x4  }
0x16c: {  	v1 =	vadd.f32 v2, v1;
	_ =	sdelay $0x1  }
0x16d: {  	v2 =	vmul.f32 $2.000000030e-01, v1  }
0x16e: {  	vm13 =	vgt.f32 v1, $0.0e+00  }
0x16f: {  	v1 =	vsel vm13, v1, v2  }
0x170: {  	v1 =	vmul.f32 $1.442695020e+00, v1;
	_ =	sdelay $0x1  }
0x171: {  	(erf) = vpow2.f32 v1;
	_ =	sdelay $0x6  }
0x172: {  	v1 =	vld [tilespmem:s20+$0x10]  }
0x173: {  	v2 =	vld [tilespmem:s20+$0x40]  }
0x174: {  	v3 =	vld [tilespmem:s20+$0x20];
	v4 =	vpop (erf)  }
0x175: {  	v5 =	vld [tilespmem:s20+$0x30];
	v6 =	vbroadcast v4, $0x0  }
0x176: {  	v7 =	vbroadcast v4, $0x3  }
0x177: {  	v62 =	vbroadcast v4, $0x1;
	v1 =	vmul.f32 v6, v1  }
0x178: {  	[tilespmem:s20+$0x0] =	vst v4;
	v4 =	vbroadcast v4, $0x2;
	v2 =	vmul.f32 v2, v7  }
0x179: {  	v3 =	vmul.f32 v62, v3;
	[tilespmem:s20+$0x10] =	vst v1  }
0x17a: {  	v1 =	vmul.f32 v4, v5;
	[tilespmem:s20+$0x40] =	vst v2  }
0x17b: {  	[tilespmem:s20+$0x20] =	vst v3  }
0x17c: {  	[tilespmem:s20+$0x30] =	vst v1;
	v1 =	vld [tilespmem:s20+$0x50]  }
0x17d: {  	v2 =	vld [tilespmem:s24+$0x10];
	_ =	sdelay $0x4  }
0x17e: {  	v1 =	vadd.f32 v2, v1;
	_ =	sdelay $0x1  }
0x17f: {  	v2 =	vmul.f32 $2.000000030e-01, v1  }
0x180: {  	vm14 =	vgt.f32 v1, $0.0e+00  }
0x181: {  	v1 =	vsel vm14, v1, v2  }
0x182: {  	v1 =	vmul.f32 $1.442695020e+00, v1;
	_ =	sdelay $0x1  }
0x183: {  	(erf) = vpow2.f32 v1;
	_ =	sdelay $0x6  }
0x184: {  	v1 =	vld [tilespmem:s20+$0x60]  }
0x185: {  	v2 =	vld [tilespmem:s20+$0x80]  }
0x186: {  	v3 =	vld [tilespmem:s20+$0x70];
	v4 =	vpop (erf)  }
0x187: {  	v5 =	vld [tilespmem:s20+$0x90];
	v6 =	vbroadcast v4, $0x0  }
0x188: {  	v7 =	vbroadcast v4, $0x2  }
0x189: {  	v63 =	vbroadcast v4, $0x1;
	v1 =	vmul.f32 v6, v1  }
0x18a: {  	[tilespmem:s20+$0x50] =	vst v4;
	v4 =	vbroadcast v4, $0x3;
	v2 =	vmul.f32 v7, v2  }
0x18b: {  	v3 =	vmul.f32 v63, v3;
	[tilespmem:s20+$0x60] =	vst v1  }
0x18c: {  	v1 =	vmul.f32 v5, v4;
	[tilespmem:s20+$0x80] =	vst v2  }
0x18d: {  	[tilespmem:s20+$0x70] =	vst v3  }
0x18e: {  	[tilespmem:s20+$0x90] =	vst v1;
	v1 =	vld [tilespmem:s20+$0xA0]  }
0x18f: {  	v2 =	vld [tilespmem:s24+$0x20];
	_ =	sdelay $0x4  }
0x190: {  	v1 =	vadd.f32 v2, v1;
	_ =	sdelay $0x1  }
0x191: {  	v2 =	vmul.f32 $2.000000030e-01, v1  }
0x192: {  	vm15 =	vgt.f32 v1, $0.0e+00  }
0x193: {  	v2 =	vsel vm15, v1, v2  }
0x194: {  	v3 =	vmul.f32 $1.442695020e+00, v2;
	_ =	sdelay $0x1  }
0x195: {  	(erf) = vpow2.f32 v3;
	_ =	sdelay $0x4  }
0x196: {  	s23 =	smul.u32 $0x6400, s19;
	v4 =	vld [tilespmem:s20+$0xB0]  }
0x197: {  	v1 =	vld [tilespmem:s20+$0xD0]  }
0x198: {  	s22 =	smov.u32 s20;
	s14 =	sshrl.u32 s23, $0x2;
	v2 =	vld [tilespmem:s20+$0xC0]  }
0x199: {  	s23 =	smov.u32 s24;
	s21 =	sadd.s32 $0xF2D0, s14;
	s14 =	simm.s32 $0x0;
	v3 =	vld [tilespmem:s20+$0xE0]  }
.LBB2_3:
0x19a: {  	s14 =	sadd.s32 $0x8, s14;
	s20 =	sadd.s32 $0x280, s20;
	s24 =	sadd.s32 $0x80, s24;
	v5 =	vpop (erf)  }
0x19b: {  	p1 =	slt.u32 s14, $0x48;
	[tilespmem:s22+$0xA0] =	vst v5;
	v6 =	vbroadcast v5, $0x0;
	v7 =	vbroadcast v5, $0x1  }
0x19c: {  	v8 =	vbroadcast v5, $0x2;
	v5 =	vbroadcast v5, $0x3  }
0x19d: {  	v4 =	vmul.f32 v6, v4;
	v2 =	vmul.f32 v7, v2  }
0x19e: {  	v1 =	vmul.f32 v8, v1;
	v3 =	vmul.f32 v3, v5  }
0x19f: {  	[tilespmem:s22+$0xB0] =	vst v4  }
0x1a0: {  	[tilespmem:s22+$0xD0] =	vst v1  }
0x1a1: {  	[tilespmem:s22+$0xC0] =	vst v2  }
0x1a2: {  	[tilespmem:s22+$0xE0] =	vst v3;
	v1 =	vld [tilespmem:s22+$0xF0]  }
0x1a3: {  	v2 =	vld [tilespmem:s23+$0x30];
	s23 =	smov.u32 s24;
	_ =	sdelay $0x4  }
0x1a4: {  	v1 =	vadd.f32 v2, v1;
	_ =	sdelay $0x1  }
0x1a5: {  	v2 =	vmul.f32 $2.000000030e-01, v1  }
0x1a6: {  	vm0 =	vgt.f32 v1, $0.0e+00  }
0x1a7: {  	v1 =	vsel vm0, v1, v2  }
0x1a8: {  	v1 =	vmul.f32 $1.442695020e+00, v1;
	_ =	sdelay $0x1  }
0x1a9: {  	(erf) = vpow2.f32 v1;
	_ =	sdelay $0x4  }
0x1aa: {  	v1 =	vld [tilespmem:s22+$0x130]  }
0x1ab: {  	v2 =	vld [tilespmem:s22+$0x100]  }
0x1ac: {  	v3 =	vld [tilespmem:s22+$0x110]  }
0x1ad: {  	v4 =	vld [tilespmem:s22+$0x120]  }
0x1ae: {  	v5 =	vpop (erf)  }
0x1af: {  	[tilespmem:s22+$0xF0] =	vst v5;
	v6 =	vbroadcast v5, $0x0;
	v7 =	vbroadcast v5, $0x1  }
0x1b0: {  	v8 =	vbroadcast v5, $0x2;
	v5 =	vbroadcast v5, $0x3  }
0x1b1: {  	v2 =	vmul.f32 v6, v2;
	v3 =	vmul.f32 v7, v3  }
0x1b2: {  	v1 =	vmul.f32 v1, v5;
	v4 =	vmul.f32 v8, v4  }
0x1b3: {  	[tilespmem:s22+$0x100] =	vst v2  }
0x1b4: {  	[tilespmem:s22+$0x120] =	vst v4  }
0x1b5: {  	[tilespmem:s22+$0x130] =	vst v1  }
0x1b6: {  	v1 =	vld [tilespmem:s20+$0xFFFFFEC0];
	[tilespmem:s22+$0x110] =	vst v3;
	s22 =	smov.u32 s20  }
0x1b7: {  	v2 =	vld [tilespmem:s24+$0xFFFFFFC0];
	_ =	sdelay $0x4  }
0x1b8: {  	v1 =	vadd.f32 v2, v1;
	_ =	sdelay $0x1  }
0x1b9: {  	v2 =	vmul.f32 $2.000000030e-01, v1  }
0x1ba: {  	vm0 =	vgt.f32 v1, $0.0e+00  }
0x1bb: {  	v1 =	vsel vm0, v1, v2  }
0x1bc: {  	v1 =	vmul.f32 $1.442695020e+00, v1;
	_ =	sdelay $0x1  }
0x1bd: {  	(erf) = vpow2.f32 v1;
	_ =	sdelay $0x4  }
0x1be: {  	v1 =	vld [tilespmem:s20+$0xFFFFFF00]  }
0x1bf: {  	v2 =	vld [tilespmem:s20+$0xFFFFFEE0]  }
0x1c0: {  	v3 =	vld [tilespmem:s20+$0xFFFFFED0]  }
0x1c1: {  	v4 =	vld [tilespmem:s20+$0xFFFFFEF0]  }
0x1c2: {  	v5 =	vpop (erf)  }
0x1c3: {  	[tilespmem:s20+$0xFFFFFEC0] =	vst v5;
	v6 =	vbroadcast v5, $0x0;
	v7 =	vbroadcast v5, $0x1  }
0x1c4: {  	v8 =	vbroadcast v5, $0x2;
	v5 =	vbroadcast v5, $0x3  }
0x1c5: {  	v3 =	vmul.f32 v6, v3;
	v2 =	vmul.f32 v7, v2  }
0x1c6: {  	v1 =	vmul.f32 v1, v5;
	v4 =	vmul.f32 v8, v4  }
0x1c7: {  	[tilespmem:s20+$0xFFFFFEE0] =	vst v2  }
0x1c8: {  	[tilespmem:s20+$0xFFFFFED0] =	vst v3  }
0x1c9: {  	[tilespmem:s20+$0xFFFFFF00] =	vst v1  }
0x1ca: {  	[tilespmem:s20+$0xFFFFFEF0] =	vst v4;
	v1 =	vld [tilespmem:s20+$0xFFFFFF10]  }
0x1cb: {  	v2 =	vld [tilespmem:s24+$0xFFFFFFD0];
	_ =	sdelay $0x4  }
0x1cc: {  	v1 =	vadd.f32 v2, v1;
	_ =	sdelay $0x1  }
0x1cd: {  	v2 =	vmul.f32 $2.000000030e-01, v1  }
0x1ce: {  	vm0 =	vgt.f32 v1, $0.0e+00  }
0x1cf: {  	v1 =	vsel vm0, v1, v2  }
0x1d0: {  	v1 =	vmul.f32 $1.442695020e+00, v1;
	_ =	sdelay $0x1  }
0x1d1: {  	(erf) = vpow2.f32 v1;
	_ =	sdelay $0x4  }
0x1d2: {  	v1 =	vld [tilespmem:s20+$0xFFFFFF50]  }
0x1d3: {  	v2 =	vld [tilespmem:s20+$0xFFFFFF30]  }
0x1d4: {  	v3 =	vld [tilespmem:s20+$0xFFFFFF20]  }
0x1d5: {  	v4 =	vld [tilespmem:s20+$0xFFFFFF40]  }
0x1d6: {  	v5 =	vpop (erf)  }
0x1d7: {  	[tilespmem:s20+$0xFFFFFF10] =	vst v5;
	v6 =	vbroadcast v5, $0x0;
	v7 =	vbroadcast v5, $0x1  }
0x1d8: {  	v8 =	vbroadcast v5, $0x2;
	v5 =	vbroadcast v5, $0x3  }
0x1d9: {  	v3 =	vmul.f32 v6, v3;
	v2 =	vmul.f32 v7, v2  }
0x1da: {  	v1 =	vmul.f32 v1, v5;
	v4 =	vmul.f32 v8, v4  }
0x1db: {  	[tilespmem:s20+$0xFFFFFF20] =	vst v3  }
0x1dc: {  	[tilespmem:s20+$0xFFFFFF40] =	vst v4  }
0x1dd: {  	[tilespmem:s20+$0xFFFFFF50] =	vst v1  }
0x1de: {  	[tilespmem:s20+$0xFFFFFF30] =	vst v2;
	v1 =	vld [tilespmem:s20+$0xFFFFFF60]  }
0x1df: {  	v2 =	vld [tilespmem:s24+$0xFFFFFFE0];
	_ =	sdelay $0x4  }
0x1e0: {  	v1 =	vadd.f32 v2, v1;
	_ =	sdelay $0x1  }
0x1e1: {  	v2 =	vmul.f32 $2.000000030e-01, v1  }
0x1e2: {  	vm0 =	vgt.f32 v1, $0.0e+00  }
0x1e3: {  	v1 =	vsel vm0, v1, v2  }
0x1e4: {  	v1 =	vmul.f32 $1.442695020e+00, v1;
	_ =	sdelay $0x1  }
0x1e5: {  	(erf) = vpow2.f32 v1;
	_ =	sdelay $0x4  }
0x1e6: {  	v1 =	vld [tilespmem:s20+$0xFFFFFFA0]  }
0x1e7: {  	v2 =	vld [tilespmem:s20+$0xFFFFFF80]  }
0x1e8: {  	v3 =	vld [tilespmem:s20+$0xFFFFFF70]  }
0x1e9: {  	v4 =	vld [tilespmem:s20+$0xFFFFFF90]  }
0x1ea: {  	v5 =	vpop (erf)  }
0x1eb: {  	[tilespmem:s20+$0xFFFFFF60] =	vst v5;
	v6 =	vbroadcast v5, $0x0;
	v7 =	vbroadcast v5, $0x1  }
0x1ec: {  	v8 =	vbroadcast v5, $0x2;
	v5 =	vbroadcast v5, $0x3  }
0x1ed: {  	v3 =	vmul.f32 v6, v3;
	v2 =	vmul.f32 v7, v2  }
0x1ee: {  	v1 =	vmul.f32 v1, v5;
	v4 =	vmul.f32 v8, v4  }
0x1ef: {  	[tilespmem:s20+$0xFFFFFF70] =	vst v3  }
0x1f0: {  	[tilespmem:s20+$0xFFFFFF80] =	vst v2  }
0x1f1: {  	[tilespmem:s20+$0xFFFFFFA0] =	vst v1  }
0x1f2: {  	[tilespmem:s20+$0xFFFFFF90] =	vst v4;
	v1 =	vld [tilespmem:s20+$0xFFFFFFB0]  }
0x1f3: {  	v2 =	vld [tilespmem:s24+$0xFFFFFFF0];
	_ =	sdelay $0x4  }
0x1f4: {  	v1 =	vadd.f32 v2, v1;
	_ =	sdelay $0x1  }
0x1f5: {  	v2 =	vmul.f32 $2.000000030e-01, v1  }
0x1f6: {  	vm0 =	vgt.f32 v1, $0.0e+00  }
0x1f7: {  	v1 =	vsel vm0, v1, v2  }
0x1f8: {  	v1 =	vmul.f32 $1.442695020e+00, v1;
	_ =	sdelay $0x1  }
0x1f9: {  	(erf) = vpow2.f32 v1;
	_ =	sdelay $0x4  }
0x1fa: {  	v1 =	vld [tilespmem:s20+$0xFFFFFFF0]  }
0x1fb: {  	v2 =	vld [tilespmem:s20+$0xFFFFFFD0]  }
0x1fc: {  	v3 =	vld [tilespmem:s20+$0xFFFFFFC0]  }
0x1fd: {  	v4 =	vld [tilespmem:s20+$0xFFFFFFE0]  }
0x1fe: {  	v5 =	vpop (erf)  }
0x1ff: {  	[tilespmem:s20+$0xFFFFFFB0] =	vst v5;
	v6 =	vbroadcast v5, $0x0;
	v7 =	vbroadcast v5, $0x1  }
0x200: {  	v8 =	vbroadcast v5, $0x2;
	v5 =	vbroadcast v5, $0x3  }
0x201: {  	v3 =	vmul.f32 v6, v3;
	v2 =	vmul.f32 v7, v2  }
0x202: {  	v1 =	vmul.f32 v1, v5;
	v4 =	vmul.f32 v8, v4  }
0x203: {  	[tilespmem:s20+$0xFFFFFFC0] =	vst v3  }
0x204: {  	[tilespmem:s20+$0xFFFFFFE0] =	vst v4  }
0x205: {  	[tilespmem:s20+$0xFFFFFFD0] =	vst v2  }
0x206: {  	[tilespmem:s20+$0xFFFFFFF0] =	vst v1;
	v1 =	vld [tilespmem:s20+$0x0]  }
0x207: {  	v2 =	vld [tilespmem:s24+$0x0];
	_ =	sdelay $0x4  }
0x208: {  	v1 =	vadd.f32 v2, v1;
	_ =	sdelay $0x1  }
0x209: {  	v2 =	vmul.f32 $2.000000030e-01, v1  }
0x20a: {  	vm0 =	vgt.f32 v1, $0.0e+00  }
0x20b: {  	v1 =	vsel vm0, v1, v2  }
0x20c: {  	v1 =	vmul.f32 $1.442695020e+00, v1;
	_ =	sdelay $0x1  }
0x20d: {  	(erf) = vpow2.f32 v1;
	_ =	sdelay $0x4  }
0x20e: {  	v1 =	vld [tilespmem:s20+$0x40]  }
0x20f: {  	v2 =	vld [tilespmem:s20+$0x20]  }
0x210: {  	v3 =	vld [tilespmem:s20+$0x10]  }
0x211: {  	v4 =	vld [tilespmem:s20+$0x30]  }
0x212: {  	v5 =	vpop (erf)  }
0x213: {  	[tilespmem:s20+$0x0] =	vst v5;
	v6 =	vbroadcast v5, $0x0;
	v7 =	vbroadcast v5, $0x1  }
0x214: {  	v8 =	vbroadcast v5, $0x2;
	v5 =	vbroadcast v5, $0x3  }
0x215: {  	v3 =	vmul.f32 v6, v3;
	v2 =	vmul.f32 v7, v2  }
0x216: {  	v1 =	vmul.f32 v1, v5;
	v4 =	vmul.f32 v8, v4  }
0x217: {  	[tilespmem:s20+$0x10] =	vst v3  }
0x218: {  	[tilespmem:s20+$0x40] =	vst v1  }
0x219: {  	[tilespmem:s20+$0x20] =	vst v2  }
0x21a: {  	[tilespmem:s20+$0x30] =	vst v4;
	v1 =	vld [tilespmem:s20+$0x50]  }
0x21b: {  	v2 =	vld [tilespmem:s24+$0x10];
	_ =	sdelay $0x4  }
0x21c: {  	v1 =	vadd.f32 v2, v1;
	_ =	sdelay $0x1  }
0x21d: {  	v2 =	vmul.f32 $2.000000030e-01, v1  }
0x21e: {  	vm0 =	vgt.f32 v1, $0.0e+00  }
0x21f: {  	v1 =	vsel vm0, v1, v2  }
0x220: {  	v1 =	vmul.f32 $1.442695020e+00, v1;
	_ =	sdelay $0x1  }
0x221: {  	(erf) = vpow2.f32 v1;
	_ =	sdelay $0x4  }
0x222: {  	v1 =	vld [tilespmem:s20+$0x90]  }
0x223: {  	v2 =	vld [tilespmem:s20+$0x70]  }
0x224: {  	v3 =	vld [tilespmem:s20+$0x60]  }
0x225: {  	v4 =	vld [tilespmem:s20+$0x80]  }
0x226: {  	v5 =	vpop (erf)  }
0x227: {  	[tilespmem:s20+$0x50] =	vst v5;
	v6 =	vbroadcast v5, $0x0;
	v7 =	vbroadcast v5, $0x1  }
0x228: {  	v8 =	vbroadcast v5, $0x2;
	v5 =	vbroadcast v5, $0x3  }
0x229: {  	v3 =	vmul.f32 v6, v3;
	v2 =	vmul.f32 v7, v2  }
0x22a: {  	v1 =	vmul.f32 v1, v5;
	v4 =	vmul.f32 v8, v4  }
0x22b: {  	[tilespmem:s20+$0x60] =	vst v3  }
0x22c: {  	[tilespmem:s20+$0x80] =	vst v4  }
0x22d: {  	[tilespmem:s20+$0x70] =	vst v2  }
0x22e: {  	[tilespmem:s20+$0x90] =	vst v1;
	v1 =	vld [tilespmem:s20+$0xA0]  }
0x22f: {  	v2 =	vld [tilespmem:s24+$0x20];
	_ =	sdelay $0x4  }
0x230: {  	v1 =	vadd.f32 v2, v1;
	_ =	sdelay $0x1  }
0x231: {  	v2 =	vmul.f32 $2.000000030e-01, v1  }
0x232: {  	vm0 =	vgt.f32 v1, $0.0e+00  }
0x233: {  	v1 =	vsel vm0, v1, v2  }
0x234: {  	v1 =	vmul.f32 $1.442695020e+00, v1;
	_ =	sdelay $0x1  }
0x235: {  	(erf) = vpow2.f32 v1;
	_ =	sdelay $0x3  }
.Ltmp2:
0x236: {  	(pc) =	sbr.rel @p1 .LBB2_3-.Ltmp2, $4  }
0x237: {  	v1 =	vld [tilespmem:s20+$0xD0]  }
0x238: {  	v2 =	vld [tilespmem:s20+$0xC0]  }
0x239: {  	v4 =	vld [tilespmem:s20+$0xB0]  }
0x23a: {  	v3 =	vld [tilespmem:s20+$0xE0]  }
0x23b: {  	v5 =	vpop (erf)  }
0x23c: {  	v6 =	vbroadcast v5, $0x0  }
0x23d: {  	v7 =	vbroadcast v5, $0x2  }
0x23e: {  	v8 =	vbroadcast v5, $0x1;
	v4 =	vmul.f32 v6, v4  }
0x23f: {  	[tilespmem:s22+$0xA0] =	vst v5;
	v5 =	vbroadcast v5, $0x3;
	v1 =	vmul.f32 v7, v1  }
0x240: {  	v2 =	vmul.f32 v8, v2;
	[tilespmem:s22+$0xB0] =	vst v4  }
0x241: {  	v3 =	vmul.f32 v3, v5;
	[tilespmem:s22+$0xD0] =	vst v1  }
0x242: {  	[tilespmem:s22+$0xC0] =	vst v2  }
0x243: {  	v1 =	vld [tilespmem:s22+$0xF0];
	[tilespmem:s22+$0xE0] =	vst v3  }
0x244: {  	v2 =	vld [tilespmem:s23+$0x30];
	_ =	sdelay $0x4  }
0x245: {  	v1 =	vadd.f32 v2, v1;
	_ =	sdelay $0x1  }
0x246: {  	v2 =	vmul.f32 $2.000000030e-01, v1  }
0x247: {  	vm0 =	vgt.f32 v1, $0.0e+00  }
0x248: {  	v1 =	vsel vm0, v1, v2  }
0x249: {  	v1 =	vmul.f32 $1.442695020e+00, v1;
	_ =	sdelay $0x1  }
0x24a: {  	(erf) = vpow2.f32 v1;
	_ =	sdelay $0x6  }
0x24b: {  	v1 =	vld [tilespmem:s22+$0x100]  }
0x24c: {  	v2 =	vld [tilespmem:s22+$0x120]  }
0x24d: {  	v3 =	vld [tilespmem:s22+$0x130];
	v59 =	vpop (erf)  }
0x24e: {  	v60 =	vld [tilespmem:s22+$0x110];
	v61 =	vbroadcast v59, $0x0  }
0x24f: {  	v62 =	vbroadcast v59, $0x2  }
0x250: {  	s18 =	sadd.s32 $0x1, s18;
	v63 =	vbroadcast v59, $0x3;
	v1 =	vmul.f32 v61, v1  }
0x251: {  	s14 =	smul.u32 $0x140, s19;
	p1 =	sne.s32 s18, $0xFA;
	[tilespmem:s22+$0xF0] =	vst v59;
	v4 =	vbroadcast v59, $0x1;
	v2 =	vmul.f32 v62, v2  }
.Ltmp3:
0x252: {  	v3 =	vmul.f32 v3, v63;
	[tilespmem:s22+$0x100] =	vst v1;
	(pc) =	sbr.rel @p1 .LBB2_2-.Ltmp3, $4  }
0x253: {  	v1 =	vmul.f32 v4, v60;
	[tilespmem:s22+$0x120] =	vst v2  }
0x254: {  	s14 =	sshrl.u32 s14, $0x2;
	[tilespmem:s22+$0x130] =	vst v3  }
0x255: {  	s24 =	sadd.s32 $0x9, s19;
	s9 =	sadd.s32 $0x1, s9;
	s14 =	sadd.s32 $0xC350, s14;
	[tilespmem:s22+$0x110] =	vst v1  }
0x256: {  	[spmem:s3] =	stream.indirect.scatter.add.f32 [tilespmem:s21], [sflag:s24], $0x50, s14, s15, $0xb8;
	[tilespmem:$0x1E810] =	vst v63  }
0x257: {  	s9 =	simm.s32 $0xA  }
0x258: {  	_ =	swait.ge [sflag:s9], $0x1900  }
0x259: {  	[sflag:s9] =	ssyncset.done $0x0  }
0x25a: {  	s22 =	simm.s32 $0x9;
	[sflag:s9] =	ssyncadd.s32 $0xFFFFE700  }
0x25b: {  	_ =	swait.ge [sflag:s22], $0x1900  }
0x25c: {  	[sflag:s22] =	ssyncset.done $0x0  }
0x25d: {  	s23 =	simm.s32 $0x10;
	[sflag:s22] =	ssyncadd.s32 $0xFFFFE700  }
0x25e: {  	_ =	swait.ge [sflag:s23], $0x1900  }
0x25f: {  	[sflag:s23] =	ssyncset.done $0x0  }
0x260: {  	s24 =	simm.s32 $0xF;
	[sflag:s23] =	ssyncadd.s32 $0xFFFFE700  }
0x261: {  	_ =	swait.ge [sflag:s24], $0x1900  }
0x262: {  	[sflag:s24] =	ssyncset.done $0x0  }
0x263: {  	[sflag:s24] =	ssyncadd.s32 $0xFFFFE700  }
0x264: {  	_ =	swait.ge [sflag:s16], $0x1900  }
0x265: {  	[sflag:s16] =	ssyncset.done $0x0  }
0x266: {  	[sflag:s16] =	ssyncadd.s32 $0xFFFFE700  }
0x267: {  	_ =	swait.ge [sflag:s26], $0x1900  }
0x268: {  	[sflag:s26] =	ssyncset.done $0x0  }
0x269: {  	[sflag:s26] =	ssyncadd.s32 $0xFFFFE700  }
0x26a: {  	_ =	swait.ge [sflag:s28], $0x1900  }
0x26b: {  	[sflag:s28] =	ssyncset.done $0x0  }
0x26c: {  	[sflag:s28] =	ssyncadd.s32 $0xFFFFE700  }
.Ltmp4:
0x26d: {  	_ =	swait.ge [sflag:s29], $0x1900;
	(pc) =	sbr.rel .LBB2_6-.Ltmp4, $4  }
0x26e: {  	[sflag:s29] =	ssyncset.done $0x0  }
0x26f: {  	[sflag:s29] =	ssyncadd.s32 $0xFFFFE700  }
0x270: {  	[bflag:$0x0] =	sbarrier.arrive $0xFFFF  }
0x271: {  	s9 =	simm.s32 $0x0  }
.LBB2_10:
0x272: {  	s9 =	sadd.s32 $0x1, s9  }
0x273: {  	p1 =	sne.s32 s9, $0x8  }
.Ltmp5:
0x274: {  	_ = 	snop;
	(pc) =	sbr.rel @!p1 .LBB2_11-.Ltmp5, $1  }
0x275: {  	_ =	sdelay $0x3  }
.LBB2_6:
0x276: {  	s14 =	sshll.u32 s9, $0x4  }
0x277: {  	s14 =	sor.u32 s4, s14  }
0x278: {  	p1 =	sgt.u32 s14, $0x7C  }
.Ltmp6:
0x279: {  	_ = 	snop;
	(pc) =	sbr.rel @p1 .LBB2_10-.Ltmp6, $1  }
0x27a: {  	_ =	sdelay $0x3  }
0x27b: {  	s18 =	smul.u32 $0x6400, s14;
	_ =	sdelay $0x1  }
0x27c: {  	s18 =	sshra.s32 s18, $0x2  }
0x27d: {  	s18 =	sadd.s32 s18, s3  }
0x27e: {  	[tilespmem:s17], [sflag:$0x12] =	stream.linear.gather [spmem:s18], $0x1900, $0x38;
	[tilespmem:$0x1E810] =	vst v63  }
0x27f: {  	_ =	swait.ge [sflag:s30], $0x1900  }
0x280: {  	[sflag:s30] =	ssyncset.done $0x0  }
0x281: {  	s18 =	simm.s32 $0x1BAF0;
	[sflag:s30] =	ssyncadd.s32 $0xFFFFE700  }
0x282: {  	v1 =	vld [tilespmem:s18+$0xFFFFFFE0];
	_ =	sdelay $0x4  }
0x283: {  	(v2sf) =	vpush v1, $0x0;
	_ =	sdelay $0x9  }
0x284: {  	(v2sf) =	vpush v1, $0x1;
	_ =	sdelay $0x4  }
0x285: {  	s19 =	spop (v2sf)  }
0x286: {  	s19 =	sadd.f32 $1.000000020e-16, s19;
	_ =	sdelay $0x1  }
0x287: {  	v2 =	vmov s19  }
0x288: {  	(erf) = vrcp.f32 v2  }
0x289: {  	(v2sf) =	vpush v1, $0x2;
	_ =	sdelay $0x3  }
0x28a: {  	v2 =	vld [tilespmem:s18+$0xFFFFFFF0]  }
0x28b: {  	s22 =	spop (v2sf)  }
0x28c: {  	v3 =	vld [tilespmem:$0x1E7D0];
	s19 =	sadd.f32 $1.000000020e-16, s22;
	_ =	sdelay $0x1  }
0x28d: {  	v4 =	vmov s19;
	v5 =	vpop (erf)  }
0x28e: {  	(erf) = vrcp.f32 v4;
	v2 =	vmul.f32 v5, v2  }
0x28f: {  	(v2sf) =	vpush v1, $0x3  }
0x290: {  	v1 =	vadd.f32 v2, v3  }
0x291: {  	s20 =	simm.s32 $0x0  }
0x292: {  	[tilespmem:s20+$0x1D3D0] =	vst v1  }
0x293: {  	v1 =	vld [tilespmem:s18+$0x0]  }
0x294: {  	s23 =	spop (v2sf)  }
0x295: {  	s19 =	sadd.f32 $1.000000020e-16, s23;
	v2 =	vld [tilespmem:$0x1E7E0];
	_ =	sdelay $0x1  }
0x296: {  	v3 =	vmov s19;
	v4 =	vpop (erf)  }
0x297: {  	(erf) = vrcp.f32 v3;
	v1 =	vmul.f32 v4, v1;
	_ =	sdelay $0x1  }
0x298: {  	v1 =	vadd.f32 v1, v2;
	_ =	sdelay $0x1  }
0x299: {  	[tilespmem:s20+$0x1D3E0] =	vst v1  }
0x29a: {  	v1 =	vld [tilespmem:s18+$0x10]  }
0x29b: {  	s24 =	spop (v2sf)  }
0x29c: {  	s19 =	sadd.f32 $1.000000020e-16, s24;
	v2 =	vld [tilespmem:$0x1E7F0];
	_ =	sdelay $0x1  }
0x29d: {  	v3 =	vmov s19;
	v63 =	vpop (erf)  }
0x29e: {  	(erf) = vrcp.f32 v3;
	v1 =	vmul.f32 v1, v63;
	_ =	sdelay $0x1  }
0x29f: {  	v1 =	vadd.f32 v2, v1;
	_ =	sdelay $0x1  }
0x2a0: {  	[tilespmem:s20+$0x1D3F0] =	vst v1  }
0x2a1: {  	v1 =	vld [tilespmem:s18+$0x20];
	_ =	sdelay $0x1  }
0x2a2: {  	v2 =	vld [tilespmem:$0x1E800];
	_ =	sdelay $0x1  }
0x2a3: {  	v3 =	vpop (erf)  }
0x2a4: {  	v1 =	vmul.f32 v1, v3;
	_ =	sdelay $0x1  }
0x2a5: {  	s19 =	simm.s32 $0x100;
	v1 =	vadd.f32 v2, v1  }
.LBB2_8:
0x2a6: {  	p1 =	sne.s32 s19, $0x4F00  }
0x2a7: {  	s18 =	sadd.s32 $0x50, s18;
	[tilespmem:s20+$0x1D400] =	vst v1;
	s20 =	smov.u32 s19;
	s19 =	sadd.s32 $0x100, s19  }
0x2a8: {  	v1 =	vld [tilespmem:s18+$0xFFFFFFE0];
	_ =	sdelay $0x4  }
0x2a9: {  	(v2sf) =	vpush v1, $0x0  }
0x2aa: {  	(v2sf) =	vpush v1, $0x1  }
0x2ab: {  	(v2sf) =	vpush v1, $0x2  }
0x2ac: {  	(v2sf) =	vpush v1, $0x3;
	_ =	sdelay $0xb  }
0x2ad: {  	s21 =	spop (v2sf)  }
0x2ae: {  	s21 =	sadd.f32 $1.000000020e-16, s21;
	s22 =	spop (v2sf)  }
0x2af: {  	s22 =	sadd.f32 $1.000000020e-16, s22;
	s23 =	spop (v2sf)  }
0x2b0: {  	v1 =	vmov s21;
	s21 =	sadd.f32 $1.000000020e-16, s23;
	s23 =	spop (v2sf)  }
0x2b1: {  	v2 =	vmov s22;
	s22 =	sadd.f32 $1.000000020e-16, s23;
	(erf) = vrcp.f32 v1  }
0x2b2: {  	v1 =	vmov s21  }
0x2b3: {  	v3 =	vmov s22;
	_ =	sdelay $0x2  }
0x2b4: {  	v4 =	vld [tilespmem:s18+$0xFFFFFFF0];
	_ =	sdelay $0x1  }
0x2b5: {  	v5 =	vld [tilespmem:$0x1E7D0];
	_ =	sdelay $0x1  }
0x2b6: {  	v6 =	vpop (erf)  }
0x2b7: {  	v4 =	vmul.f32 v6, v4;
	(erf) = vrcp.f32 v2;
	_ =	sdelay $0x1  }
0x2b8: {  	v2 =	vadd.f32 v4, v5  }
0x2b9: {  	s20 =	sshra.s32 s20, $0x2  }
0x2ba: {  	[tilespmem:s20+$0x1D3D0] =	vst v2  }
0x2bb: {  	v2 =	vld [tilespmem:s18+$0x0];
	_ =	sdelay $0x1  }
0x2bc: {  	v4 =	vld [tilespmem:$0x1E7E0];
	_ =	sdelay $0x1  }
0x2bd: {  	v5 =	vpop (erf)  }
0x2be: {  	v2 =	vmul.f32 v5, v2;
	(erf) = vrcp.f32 v1;
	_ =	sdelay $0x1  }
0x2bf: {  	v1 =	vadd.f32 v2, v4;
	_ =	sdelay $0x1  }
0x2c0: {  	[tilespmem:s20+$0x1D3E0] =	vst v1  }
0x2c1: {  	v1 =	vld [tilespmem:s18+$0x10];
	_ =	sdelay $0x1  }
0x2c2: {  	v2 =	vld [tilespmem:$0x1E7F0];
	_ =	sdelay $0x1  }
0x2c3: {  	v4 =	vpop (erf)  }
0x2c4: {  	v1 =	vmul.f32 v1, v4;
	(erf) = vrcp.f32 v3;
	_ =	sdelay $0x1  }
0x2c5: {  	v1 =	vadd.f32 v2, v1;
	_ =	sdelay $0x1  }
0x2c6: {  	[tilespmem:s20+$0x1D3F0] =	vst v1  }
0x2c7: {  	v1 =	vld [tilespmem:s18+$0x20]  }
0x2c8: {  	v2 =	vld [tilespmem:$0x1E800];
	_ =	sdelay $0x1  }
.Ltmp7:
0x2c9: {  	(pc) =	sbr.rel @p1 .LBB2_8-.Ltmp7, $3  }
0x2ca: {  	v3 =	vpop (erf)  }
0x2cb: {  	v1 =	vmul.f32 v1, v3;
	_ =	sdelay $0x1  }
0x2cc: {  	v1 =	vadd.f32 v2, v1  }
0x2cd: {  	s14 =	smul.u32 $0x50, s14;
	_ =	sdelay $0x1  }
0x2ce: {  	s14 =	sadd.s32 s10, s14  }
0x2cf: {  	s14 =	sshll.u32 s14, $0x3  }
.Ltmp8:
0x2d0: {  	[tilespmem:s20+$0x1D400] =	vst v1;
	s14 =	sadd.s32 s2, s14;
	(pc) =	sbr.rel .LBB2_10-.Ltmp8, $4  }
0x2d1: {  	[hbm4b:s14+s5] =	stream.linear.scatter [tilespmem:s31], [sflag:$0x11], $0x1400, $0x38;
	[tilespmem:$0x1E810] =	vst v63  }
0x2d2: {  	_ =	swait.ge [sflag:s13], $0x1400  }
0x2d3: {  	[sflag:s13] =	ssyncset.done $0x0  }
0x2d4: {  	[sflag:s13] =	ssyncadd.s32 $0xFFFFEC00  }
.LBB2_12:
0x2d5: {  	_ =	sfence.sel $0x180000  }
0x2d6: {  	[bflag:$0x0] =	sbarrier.arrive $0xFFFF  }
0x2d7: {  	_ =	strace $0x90000047  }
0x2d8: {  	[bflag:$0x2] =	sbarrier.arrive $0xFFFF  }
0x2d9: {  	p0 =	sne.s32 s4, $0x0;
	s0 =	rddreg [dreg:$0x4]  }
0x2da: {  	s0 =	sadd.s32 @!p0 $0x100000, s0  }
0x2db: {  	[sflag:s0] =	ssyncadd.tile.s32 @!p0 $0x1;
	_ =	shalt  }
.Lfunc_end2:
_tile_overlayer_lowered:
.L_overlay_start_2:
0x2dc: {  	(tag) =	ssettag $0x2  }
0x2dd: {  	s0 =	rddreg [dreg:$0x0];
	s2 =	stileid.u32  }
0x2de: {  	s1 =	rddreg [dreg:$0x1];
	p0 =	sne.s32 s2, $0x0  }
0x2df: {  	s3 =	rddreg [dreg:$0x2];
	[bflag:$0x3] =	sbarrier.arrive $0xFFFF;
	s2 =	simm.s32 @!p0 $0x1C11  }
0x2e0: {  	[timem:s3], [sflag:s2] =	dma.local @!p0 [hbm:s0], s1  }
0x2e1: {  	s0 =	simm.s32 @!p0 $0x11  }
0x2e2: {  	_ =	swait.ge @!p0 [sflag:s0], s1  }
0x2e3: {  	s1 =	ssub.s32 @!p0 $0x0, s1;
	[sflag:s0] =	ssyncset.done @!p0 $0x0  }
0x2e4: {  	[sflag:s0] =	ssyncadd.s32 @!p0 s1  }
0x2e5: {  	[bflag:$0x3] =	sbarrier.arrive $0xFFFF  }
0x2e6: {  	_ =	shalt  }

</sc_bundles>
